<compile_context>
chip_gen: v7x
topology: tpu7x:2x2x1
jax: 0.10.2.dev20260603
libtpu: 0.0.44.dev20260713+nightly
codegen_flags: <defaults>
</compile_context>

<pallas_src>
import functools

import jax
import jax.numpy as jnp
from jax import lax
from jax.experimental import pallas as pl
from jax.experimental.pallas import tpu as pltpu
from jax.experimental.pallas import tpu_sc as plsc

NC = 2
NS = 16
NW = NC * NS
B = 128
BP = 128


def _cdiv(a, b):
    return (a + b - 1) // b


def _chunks(total, step):
    out = []
    off = 0
    while off < total:
        out.append((off, min(step, total - off)))
        off += step
    return out



@functools.lru_cache(maxsize=None)
def _make_degree_kernel(n, kd, nacc, rpt):
    mesh = plsc.VectorSubcoreMesh(core_axis_name="c", subcore_axis_name="s")

    @functools.partial(
        pl.kernel,
        out_type=jax.ShapeDtypeStruct((NC * n,), jnp.float32),
        mesh=mesh,
        scratch_types=[
            pltpu.VMEM((kd, B), jnp.int32),
            pltpu.VMEM((kd, B), jnp.float32),
            pltpu.VMEM((rpt,), jnp.float32),
            pltpu.VMEM_SHARED((nacc,), jnp.float32),
        ],
    )
    def deg_kernel(src_hbm, dst_hbm, vals_hbm, zz_hbm, out_hbm, idx_v, val_v,
                   zbuf_v, acc):
        cid = lax.axis_index("c")
        sid = lax.axis_index("s")
        pltpu.sync_copy(zz_hbm, zbuf_v)
        pltpu.sync_copy(zbuf_v, acc.at[pl.ds(sid * rpt, rpt)])

        @pl.when(cid == 0)
        def _():
            pltpu.sync_copy(src_hbm.at[pl.ds(sid * kd, kd)], idx_v)

        @pl.when(cid == 1)
        def _():
            pltpu.sync_copy(dst_hbm.at[pl.ds(sid * kd, kd)], idx_v)

        pltpu.sync_copy(vals_hbm.at[pl.ds(sid * kd, kd)], val_v)
        plsc.subcore_barrier()

        def body(j, c):
            pltpu.sync_copy(val_v.at[j], acc.at[idx_v.at[j]], add=True)
            return c

        lax.fori_loop(0, kd, body, 0)
        plsc.subcore_barrier()

        full_tiles = n // rpt
        rem = n - full_tiles * rpt

        @pl.when(sid < full_tiles)
        def _():
            pltpu.sync_copy(acc.at[pl.ds(sid * rpt, rpt)], zbuf_v)
            pltpu.sync_copy(zbuf_v, out_hbm.at[pl.ds(cid * n + sid * rpt, rpt)])

        if rem:
            @pl.when(sid == full_tiles)
            def _():
                pltpu.sync_copy(acc.at[pl.ds(sid * rpt, rem)],
                                zbuf_v.at[pl.ds(0, rem)])
                pltpu.sync_copy(zbuf_v.at[pl.ds(0, rem)],
                                out_hbm.at[pl.ds(cid * n + sid * rpt, rem)])

    return deg_kernel


@functools.lru_cache(maxsize=None)
def _make_prop_kernel(n, d, k1, nacc, rpt, ncores=NC):
    mesh = plsc.VectorSubcoreMesh(core_axis_name="c", subcore_axis_name="s",
                                  num_cores=ncores)
    grp = 40
    while k1 % grp or grp % 2:
        grp -= 8
    npairs = grp // 2
    ngrp = k1 // grp

    @functools.partial(
        pl.kernel,
        out_type=jax.ShapeDtypeStruct((ncores, n, d), jnp.float32),
        mesh=mesh,
        scratch_types=[
            pltpu.VMEM((grp, BP), jnp.int32),
            pltpu.VMEM((grp, BP), jnp.int32),
            [pltpu.VMEM((BP, d), jnp.float32)] * 2,
            [pltpu.SemaphoreType.DMA] * 2,
            [pltpu.SemaphoreType.DMA] * 2,
            pltpu.VMEM_SHARED((nacc, d), jnp.float32),
        ],
        compiler_params=pltpu.CompilerParams(use_tc_tiling_on_sc=False),
    )
    def prop_kernel(x_hbm, src_hbm, dst_hbm, zz_hbm, out_hbm,
                    sidx_v, didx_v, rows, sg, ss, acc):
        cid = lax.axis_index("c")
        sid = lax.axis_index("s")
        wid = cid * NS + sid
        pltpu.sync_copy(zz_hbm, rows[0])
        for off, sz in _chunks(rpt, BP):
            pltpu.sync_copy(rows[0].at[pl.ds(0, sz), :],
                            acc.at[pl.ds(sid * rpt + off, sz), :])
        plsc.subcore_barrier()
        base = wid * k1

        def gst(b, j):
            pltpu.async_copy(x_hbm.at[sidx_v.at[j]], rows[b], sg[b])

        def gwt(b, j):
            pltpu.make_async_copy(x_hbm.at[sidx_v.at[j]], rows[b],
                                  sg[b]).wait()

        def sst(b, j):
            pltpu.async_copy(rows[b], acc.at[didx_v.at[j]], ss[b], add=True)

        def swt(b, j):
            pltpu.make_async_copy(rows[b], acc.at[didx_v.at[j]], ss[b]).wait()

        for g in range(ngrp):
            pltpu.sync_copy(src_hbm.at[pl.ds(base + g * grp, grp)], sidx_v)
            pltpu.sync_copy(dst_hbm.at[pl.ds(base + g * grp, grp)], didx_v)
            gst(0, 0)

            def body(i, c):
                @pl.when(i > 0)
                def _():
                    swt(1, 2 * i - 1)

                gst(1, 2 * i + 1)
                gwt(0, 2 * i)
                sst(0, 2 * i)
                swt(0, 2 * i)

                @pl.when(i < npairs - 1)
                def _():
                    gst(0, 2 * i + 2)

                gwt(1, 2 * i + 1)
                sst(1, 2 * i + 1)
                return c

            lax.fori_loop(0, npairs, body, 0)
            swt(1, grp - 1)
        plsc.subcore_barrier()

        full_tiles = n // rpt
        rem = n - full_tiles * rpt

        @pl.when(sid < full_tiles)
        def _():
            for off, sz in _chunks(rpt, BP):
                pltpu.sync_copy(acc.at[pl.ds(sid * rpt + off, sz), :],
                                rows[0].at[pl.ds(0, sz), :])
                pltpu.sync_copy(rows[0].at[pl.ds(0, sz), :],
                                out_hbm.at[cid, pl.ds(sid * rpt + off, sz), :])

        if rem:
            @pl.when(sid == full_tiles)
            def _():
                for off, sz in _chunks(rem, BP):
                    pltpu.sync_copy(acc.at[pl.ds(sid * rpt + off, sz), :],
                                    rows[0].at[pl.ds(0, sz), :])
                    pltpu.sync_copy(rows[0].at[pl.ds(0, sz), :],
                                    out_hbm.at[cid, pl.ds(sid * rpt + off, sz), :])

    return prop_kernel



def _mm1_body(x_ref, dego_ref, w_ref, o_ref):
    no = lax.rsqrt(jnp.maximum(dego_ref[...], 1.0))
    o_ref[...] = jnp.dot(x_ref[...] * no, w_ref[...],
                         preferred_element_type=jnp.float32)


def _mm2_body(p0_ref, p1_ref, degi_ref, dego_ref, b1_ref, w_ref, o_ref):
    ni = lax.rsqrt(jnp.maximum(degi_ref[...], 1.0))
    no = lax.rsqrt(jnp.maximum(dego_ref[...], 1.0))
    h = jax.nn.relu((p0_ref[...] + p1_ref[...]) * ni + b1_ref[...])
    o_ref[...] = jnp.dot(h * no, w_ref[...],
                         preferred_element_type=jnp.float32)


def _fin_body(q0_ref, q1_ref, degi_ref, b2_ref, o_ref):
    ni = lax.rsqrt(jnp.maximum(degi_ref[...], 1.0))
    o_ref[...] = (q0_ref[...] + q1_ref[...]) * ni + b2_ref[...]


def _row_block(bn, bd):
    return pl.BlockSpec((bn, bd), lambda i: (i, 0))


def _full_block(shape):
    return pl.BlockSpec(shape, lambda i: tuple(0 for _ in shape))



def kernel(in_feat, edge_index, W1, b1, W2, b2):
    n, d_in = in_feat.shape
    d_h = W1.shape[1]
    n_cls = W2.shape[1]
    e = edge_index.shape[1]

    pcores = 2
    k1 = ((_cdiv(e, pcores * NS * BP) + 7) // 8) * 8
    e_pad = pcores * NS * BP * k1
    assert e_pad % (NS * B) == 0
    kd = e_pad // (NS * B)
    rpt = ((_cdiv(n + 1, NS) + 7) // 8) * 8
    nacc = NS * rpt
    assert n % 1000 == 0

    pad = e_pad - e
    src = edge_index[0]
    dst = edge_index[1]
    src_p = jnp.concatenate([src, jnp.zeros((pad,), jnp.int32)])
    dummy = n + (jnp.arange(pad, dtype=jnp.int32) % 96)
    dst_p = jnp.concatenate([dst, dummy])
    src2d = src_p.reshape(-1, BP)
    dst2d = dst_p.reshape(-1, BP)
    ev2d = jnp.concatenate([jnp.ones((e,), jnp.float32),
                            jnp.zeros((pad,), jnp.float32)]).reshape(-1, B)
    zd = jnp.zeros((rpt,), jnp.float32)
    zp1 = jnp.zeros((BP, d_h), jnp.float32)
    zp2 = jnp.zeros((BP, n_cls), jnp.float32)

    deg = _make_degree_kernel(n, kd, nacc, rpt)(
        src_p.reshape(-1, B), dst_p.reshape(-1, B), ev2d, zd)
    dego = deg[:n].reshape(n, 1)
    degi = deg[n:].reshape(n, 1)

    bn = 1000
    grid = (n // bn,)

    x1 = pl.pallas_call(
        _mm1_body,
        grid=grid,
        in_specs=[_row_block(bn, d_in), _row_block(bn, 1),
                  _full_block((d_in, d_h))],
        out_specs=_row_block(bn, d_h),
        out_shape=jax.ShapeDtypeStruct((n, d_h), jnp.float32),
    )(in_feat, dego, W1)

    parts1 = _make_prop_kernel(n, d_h, k1, nacc, rpt, pcores)(
        x1, src2d, dst2d, zp1)

    x2 = pl.pallas_call(
        _mm2_body,
        grid=grid,
        in_specs=[_row_block(bn, d_h), _row_block(bn, d_h),
                  _row_block(bn, 1), _row_block(bn, 1),
                  _full_block((1, d_h)), _full_block((d_h, n_cls))],
        out_specs=_row_block(bn, n_cls),
        out_shape=jax.ShapeDtypeStruct((n, n_cls), jnp.float32),
    )(parts1[0], parts1[1], degi, dego, b1.reshape(1, d_h), W2)

    parts2 = _make_prop_kernel(n, n_cls, k1, nacc, rpt, pcores)(
        x2, src2d, dst2d, zp2)

    out = pl.pallas_call(
        _fin_body,
        grid=grid,
        in_specs=[_row_block(bn, n_cls), _row_block(bn, n_cls),
                  _row_block(bn, 1), _full_block((1, n_cls))],
        out_specs=_row_block(bn, n_cls),
        out_shape=jax.ShapeDtypeStruct((n, n_cls), jnp.float32),
    )(parts2[0], parts2[1], degi, b2.reshape(1, n_cls))

    return out

# --- scband reference (transcript-rebuilt; emitter-appended) ---
"""Pipeline reference for scband-gcn-7799660609597 (READ-ONLY COPY).

The authoritative reference and input builder live on the scoring server;
editing this copy changes nothing except your own understanding.
"""

import jax, jax.numpy as jnp
import numpy as np

N = 10000
E = 320000
D_IN = 128
D_H = 128
N_CLS = 64


def setup_inputs(seed: int = 0) -> dict:
    key = jax.random.key(seed)
    k1, k2, k3, k4, k5, k6 = jax.random.split(key, 6)
    in_feat = jax.random.normal(k1, (N, D_IN), dtype=jnp.float32)
    edge_index = jax.random.randint(k2, (2, E), 0, N, dtype=jnp.int32)
    W1 = jax.random.normal(k3, (D_IN, D_H), dtype=jnp.float32) * (1.0 / np.sqrt(D_IN))
    b1 = jnp.zeros((D_H,), dtype=jnp.float32)
    W2 = jax.random.normal(k4, (D_H, N_CLS), dtype=jnp.float32) * (1.0 / np.sqrt(D_H))
    b2 = jnp.zeros((N_CLS,), dtype=jnp.float32)
    return {"in_feat": in_feat, "edge_index": edge_index, "W1": W1, "b1": b1, "W2": W2, "b2": b2}


def _graph_conv(x, src, dst, W, b):
    # DGL GraphConv with norm='both': D_out^{-1/2} applied to src feats,
    # sum aggregation over edges, D_in^{-1/2} applied to dst, then linear + bias.
    deg_out = jnp.bincount(src, length=N).astype(jnp.float32)
    deg_in = jnp.bincount(dst, length=N).astype(jnp.float32)
    norm_out = jnp.power(jnp.maximum(deg_out, 1.0), -0.5)
    norm_in = jnp.power(jnp.maximum(deg_in, 1.0), -0.5)
    h = x * norm_out[:, None]
    msg = jnp.take(h, src, axis=0)            # gather (SparseCore-friendly)
    agg = jax.ops.segment_sum(msg, dst, num_segments=N)  # scatter-add
    agg = agg * norm_in[:, None]
    return agg @ W + b


def reference(in_feat, edge_index, W1, b1, W2, b2):
    src = edge_index[0]
    dst = edge_index[1]
    h = _graph_conv(in_feat, src, dst, W1, b1)
    h = jax.nn.relu(h)
    out = _graph_conv(h, src, dst, W2, b2)
    return out

if __name__ == "__main__":
    import jax
    _d = setup_inputs()
    print(jax.jit(kernel)(*tuple(_d.values())))

</pallas_src>

<mosaic_0001>
#map = affine_map<(d0, d1) -> (0, 0)>
#map1 = affine_map<(d0, d1) -> (0)>
module attributes {stable_mosaic.version = 14 : i64} {
  func.func @deg_kernel(%arg0: i32, %arg1: i32, %arg2: memref<2560x128xi32, #tpu.memory_space<hbm>>, %arg3: memref<2560x128xi32, #tpu.memory_space<hbm>>, %arg4: memref<2560x128xf32, #tpu.memory_space<hbm>>, %arg5: memref<632xf32, #tpu.memory_space<hbm>>, %arg6: memref<20000xf32, #tpu.memory_space<hbm>>, %arg7: memref<160x128xi32, #tpu.memory_space<vmem>>, %arg8: memref<160x128xf32, #tpu.memory_space<vmem>>, %arg9: memref<632xf32, #tpu.memory_space<vmem>>, %arg10: memref<10112xf32, #tpu.memory_space<vmem_shared>>) attributes {dimension_semantics = [#tpu.dimension_semantics<core_parallel>, #tpu.dimension_semantics<subcore_parallel>], iteration_bounds = array<i64: 2, 16>, scalar_prefetch = 0 : i64, scratch_operands = 4 : i64, tpu.core_type = #tpu.core_type<sc_vector_subcore>, window_params = [{transform_indices = #map}, {transform_indices = #map}, {transform_indices = #map}, {transform_indices = #map1}, {transform_indices = #map1}]} {
    "tpu.region"() ({
      %run_scoped3A = tpu.sem_alloc : memref<!tpu.dma_semaphore, #tpu.memory_space<semaphore_mem>>
      tpu.enqueue_dma source(%arg5 : memref<632xf32, #tpu.memory_space<hbm>>) target(%arg9 : memref<632xf32, #tpu.memory_space<vmem>>) target_semaphore(%run_scoped3A : memref<!tpu.dma_semaphore, #tpu.memory_space<semaphore_mem>>)
      tpu.wait_dma2 semaphore(%run_scoped3A : memref<!tpu.dma_semaphore, #tpu.memory_space<semaphore_mem>>) src(%arg5 : memref<632xf32, #tpu.memory_space<hbm>>) dst(%arg9 : memref<632xf32, #tpu.memory_space<vmem>>)
      tpu.yield
    }) : () -> ()
    %mul3A = arith.constant 632 : i32
    %mul3A_0 = arith.muli %arg1, %mul3A : i32
    "tpu.region"() ({
      %run_scoped3A = tpu.sem_alloc : memref<!tpu.dma_semaphore, #tpu.memory_space<semaphore_mem>>
      %dma_start3A = tpu.memref_slice %arg10[%mul3A_0] : memref<10112xf32, #tpu.memory_space<vmem_shared>> -> memref<632xf32, #tpu.memory_space<vmem_shared>>
      %dma_start3A_25 = tpu.memref_slice %arg10[%mul3A_0] : memref<10112xf32, #tpu.memory_space<vmem_shared>> -> memref<632xf32, #tpu.memory_space<vmem_shared>>
      tpu.enqueue_dma source(%arg9 : memref<632xf32, #tpu.memory_space<vmem>>) target(%dma_start3A_25 : memref<632xf32, #tpu.memory_space<vmem_shared>>) target_semaphore(%run_scoped3A : memref<!tpu.dma_semaphore, #tpu.memory_space<semaphore_mem>>)
      %dma_wait3A = tpu.memref_slice %arg10[%mul3A_0] : memref<10112xf32, #tpu.memory_space<vmem_shared>> -> memref<632xf32, #tpu.memory_space<vmem_shared>>
      %dma_wait3A_26 = tpu.memref_slice %arg10[%mul3A_0] : memref<10112xf32, #tpu.memory_space<vmem_shared>> -> memref<632xf32, #tpu.memory_space<vmem_shared>>
      tpu.wait_dma2 semaphore(%run_scoped3A : memref<!tpu.dma_semaphore, #tpu.memory_space<semaphore_mem>>) src(%arg9 : memref<632xf32, #tpu.memory_space<vmem>>) dst(%dma_wait3A_26 : memref<632xf32, #tpu.memory_space<vmem_shared>>)
      tpu.yield
    }) : () -> ()
    %eq3A = arith.constant 0 : i32
    %eq3A_1 = arith.cmpi eq, %arg0, %eq3A : i32
    %convert_element_type3A = arith.extui %eq3A_1 : i1 to i32
    %cond3A = arith.constant 0 : i32
    %cond3A_2 = arith.cmpi ne, %convert_element_type3A, %cond3A : i32
    scf.if %cond3A_2 {
      %mul3A_25 = arith.constant 160 : i32
      %mul3A_26 = arith.muli %arg1, %mul3A_25 : i32
      "tpu.region"() ({
        %run_scoped3A = tpu.sem_alloc : memref<!tpu.dma_semaphore, #tpu.memory_space<semaphore_mem>>
        %dma_start3A = arith.constant 0 : i32
        %dma_start3A_27 = tpu.memref_slice %arg2[%mul3A_26, %dma_start3A] : memref<2560x128xi32, #tpu.memory_space<hbm>> -> memref<160x128xi32, #tpu.memory_space<hbm>>
        %dma_start3A_28 = arith.constant 0 : i32
        %dma_start3A_29 = tpu.memref_slice %arg2[%mul3A_26, %dma_start3A_28] : memref<2560x128xi32, #tpu.memory_space<hbm>> -> memref<160x128xi32, #tpu.memory_space<hbm>>
        tpu.enqueue_dma source(%dma_start3A_29 : memref<160x128xi32, #tpu.memory_space<hbm>>) target(%arg7 : memref<160x128xi32, #tpu.memory_space<vmem>>) target_semaphore(%run_scoped3A : memref<!tpu.dma_semaphore, #tpu.memory_space<semaphore_mem>>)
        %dma_wait3A = arith.constant 0 : i32
        %dma_wait3A_30 = tpu.memref_slice %arg2[%mul3A_26, %dma_wait3A] : memref<2560x128xi32, #tpu.memory_space<hbm>> -> memref<160x128xi32, #tpu.memory_space<hbm>>
        %dma_wait3A_31 = arith.constant 0 : i32
        %dma_wait3A_32 = tpu.memref_slice %arg2[%mul3A_26, %dma_wait3A_31] : memref<2560x128xi32, #tpu.memory_space<hbm>> -> memref<160x128xi32, #tpu.memory_space<hbm>>
        tpu.wait_dma2 semaphore(%run_scoped3A : memref<!tpu.dma_semaphore, #tpu.memory_space<semaphore_mem>>) src(%dma_wait3A_32 : memref<160x128xi32, #tpu.memory_space<hbm>>) dst(%arg7 : memref<160x128xi32, #tpu.memory_space<vmem>>)
        tpu.yield
      }) : () -> ()
    } else {
    }
    %eq3A_3 = arith.constant 1 : i32
    %eq3A_4 = arith.cmpi eq, %arg0, %eq3A_3 : i32
    %convert_element_type3A_5 = arith.extui %eq3A_4 : i1 to i32
    %cond3A_6 = arith.constant 0 : i32
    %cond3A_7 = arith.cmpi ne, %convert_element_type3A_5, %cond3A_6 : i32
    scf.if %cond3A_7 {
      %mul3A_25 = arith.constant 160 : i32
      %mul3A_26 = arith.muli %arg1, %mul3A_25 : i32
      "tpu.region"() ({
        %run_scoped3A = tpu.sem_alloc : memref<!tpu.dma_semaphore, #tpu.memory_space<semaphore_mem>>
        %dma_start3A = arith.constant 0 : i32
        %dma_start3A_27 = tpu.memref_slice %arg3[%mul3A_26, %dma_start3A] : memref<2560x128xi32, #tpu.memory_space<hbm>> -> memref<160x128xi32, #tpu.memory_space<hbm>>
        %dma_start3A_28 = arith.constant 0 : i32
        %dma_start3A_29 = tpu.memref_slice %arg3[%mul3A_26, %dma_start3A_28] : memref<2560x128xi32, #tpu.memory_space<hbm>> -> memref<160x128xi32, #tpu.memory_space<hbm>>
        tpu.enqueue_dma source(%dma_start3A_29 : memref<160x128xi32, #tpu.memory_space<hbm>>) target(%arg7 : memref<160x128xi32, #tpu.memory_space<vmem>>) target_semaphore(%run_scoped3A : memref<!tpu.dma_semaphore, #tpu.memory_space<semaphore_mem>>)
        %dma_wait3A = arith.constant 0 : i32
        %dma_wait3A_30 = tpu.memref_slice %arg3[%mul3A_26, %dma_wait3A] : memref<2560x128xi32, #tpu.memory_space<hbm>> -> memref<160x128xi32, #tpu.memory_space<hbm>>
        %dma_wait3A_31 = arith.constant 0 : i32
        %dma_wait3A_32 = tpu.memref_slice %arg3[%mul3A_26, %dma_wait3A_31] : memref<2560x128xi32, #tpu.memory_space<hbm>> -> memref<160x128xi32, #tpu.memory_space<hbm>>
        tpu.wait_dma2 semaphore(%run_scoped3A : memref<!tpu.dma_semaphore, #tpu.memory_space<semaphore_mem>>) src(%dma_wait3A_32 : memref<160x128xi32, #tpu.memory_space<hbm>>) dst(%arg7 : memref<160x128xi32, #tpu.memory_space<vmem>>)
        tpu.yield
      }) : () -> ()
    } else {
    }
    %mul3A_8 = arith.constant 160 : i32
    %mul3A_9 = arith.muli %arg1, %mul3A_8 : i32
    "tpu.region"() ({
      %run_scoped3A = tpu.sem_alloc : memref<!tpu.dma_semaphore, #tpu.memory_space<semaphore_mem>>
      %dma_start3A = arith.constant 0 : i32
      %dma_start3A_25 = tpu.memref_slice %arg4[%mul3A_9, %dma_start3A] : memref<2560x128xf32, #tpu.memory_space<hbm>> -> memref<160x128xf32, #tpu.memory_space<hbm>>
      %dma_start3A_26 = arith.constant 0 : i32
      %dma_start3A_27 = tpu.memref_slice %arg4[%mul3A_9, %dma_start3A_26] : memref<2560x128xf32, #tpu.memory_space<hbm>> -> memref<160x128xf32, #tpu.memory_space<hbm>>
      tpu.enqueue_dma source(%dma_start3A_27 : memref<160x128xf32, #tpu.memory_space<hbm>>) target(%arg8 : memref<160x128xf32, #tpu.memory_space<vmem>>) target_semaphore(%run_scoped3A : memref<!tpu.dma_semaphore, #tpu.memory_space<semaphore_mem>>)
      %dma_wait3A = arith.constant 0 : i32
      %dma_wait3A_28 = tpu.memref_slice %arg4[%mul3A_9, %dma_wait3A] : memref<2560x128xf32, #tpu.memory_space<hbm>> -> memref<160x128xf32, #tpu.memory_space<hbm>>
      %dma_wait3A_29 = arith.constant 0 : i32
      %dma_wait3A_30 = tpu.memref_slice %arg4[%mul3A_9, %dma_wait3A_29] : memref<2560x128xf32, #tpu.memory_space<hbm>> -> memref<160x128xf32, #tpu.memory_space<hbm>>
      tpu.wait_dma2 semaphore(%run_scoped3A : memref<!tpu.dma_semaphore, #tpu.memory_space<semaphore_mem>>) src(%dma_wait3A_30 : memref<160x128xf32, #tpu.memory_space<hbm>>) dst(%arg8 : memref<160x128xf32, #tpu.memory_space<vmem>>)
      tpu.yield
    }) : () -> ()
    %barrier3A = arith.constant 0 : index
    tpu.barrier barrier_id(%barrier3A)
    %scan3A = arith.constant 0 : i32
    %scan3A_10 = arith.constant 0 : i32
    %scan3A_11 = arith.constant 160 : i32
    %scan3A_12 = arith.addi %scan3A_10, %scan3A_11 : i32
    %scan3A_13 = arith.constant 1 : i32
    scf.for %scan3A_25 = %scan3A_10 to %scan3A_12 step %scan3A_13  : i32 {
      "tpu.region"() ({
        %run_scoped3A = tpu.sem_alloc : memref<!tpu.dma_semaphore, #tpu.memory_space<semaphore_mem>>
        %dma_start3A = arith.constant 0 : i32
        %dma_start3A_26 = tpu.memref_slice %arg8[%scan3A_25, %dma_start3A] : memref<160x128xf32, #tpu.memory_space<vmem>> -> memref<1x128xf32, #tpu.memory_space<vmem>>
        %dma_start3A_27 = tpu.memref_squeeze %dma_start3A_26 : memref<1x128xf32, #tpu.memory_space<vmem>> -> memref<128xf32, #tpu.memory_space<vmem>>
        %dma_start3A_28 = arith.constant 0 : i32
        %dma_start3A_29 = tpu.memref_slice %arg7[%scan3A_25, %dma_start3A_28] : memref<160x128xi32, #tpu.memory_space<vmem>> -> memref<1x128xi32, #tpu.memory_space<vmem>>
        %dma_start3A_30 = tpu.memref_squeeze %dma_start3A_29 : memref<1x128xi32, #tpu.memory_space<vmem>> -> memref<128xi32, #tpu.memory_space<vmem>>
        %dma_start3A_31 = arith.constant 0 : i32
        %dma_start3A_32 = tpu.memref_slice %arg10[%dma_start3A_31] : memref<10112xf32, #tpu.memory_space<vmem_shared>> -> memref<10112xf32, #tpu.memory_space<vmem_shared>>
        tpu.enqueue_indirect_dma source(%dma_start3A_27 : memref<128xf32, #tpu.memory_space<vmem>>) target(%dma_start3A_32 : memref<10112xf32, #tpu.memory_space<vmem_shared>>) offsets(%dma_start3A_30 : memref<128xi32, #tpu.memory_space<vmem>>) semaphore(%run_scoped3A : memref<!tpu.dma_semaphore, #tpu.memory_space<semaphore_mem>>) {add = true}
        %dma_wait3A = arith.constant 0 : i32
        %dma_wait3A_33 = tpu.memref_slice %arg8[%scan3A_25, %dma_wait3A] : memref<160x128xf32, #tpu.memory_space<vmem>> -> memref<1x128xf32, #tpu.memory_space<vmem>>
        %dma_wait3A_34 = tpu.memref_squeeze %dma_wait3A_33 : memref<1x128xf32, #tpu.memory_space<vmem>> -> memref<128xf32, #tpu.memory_space<vmem>>
        %dma_wait3A_35 = arith.constant 0 : i32
        %dma_wait3A_36 = tpu.memref_slice %arg7[%scan3A_25, %dma_wait3A_35] : memref<160x128xi32, #tpu.memory_space<vmem>> -> memref<1x128xi32, #tpu.memory_space<vmem>>
        %dma_wait3A_37 = tpu.memref_squeeze %dma_wait3A_36 : memref<1x128xi32, #tpu.memory_space<vmem>> -> memref<128xi32, #tpu.memory_space<vmem>>
        %dma_wait3A_38 = arith.constant 0 : i32
        %dma_wait3A_39 = tpu.memref_slice %arg10[%dma_wait3A_38] : memref<10112xf32, #tpu.memory_space<vmem_shared>> -> memref<10112xf32, #tpu.memory_space<vmem_shared>>
        tpu.wait_indirect_dma semaphore(%run_scoped3A : memref<!tpu.dma_semaphore, #tpu.memory_space<semaphore_mem>>) src(%dma_wait3A_34 : memref<128xf32, #tpu.memory_space<vmem>>) dst(%dma_wait3A_39 : memref<10112xf32, #tpu.memory_space<vmem_shared>>)
        tpu.yield
      }) : () -> ()
    }
    %scan3A_14 = arith.constant 160 : i32
    %barrier3A_15 = arith.constant 0 : index
    tpu.barrier barrier_id(%barrier3A_15)
    %lt3A = arith.constant 15 : i32
    %lt3A_16 = arith.cmpi slt, %arg1, %lt3A : i32
    %convert_element_type3A_17 = arith.extui %lt3A_16 : i1 to i32
    %cond3A_18 = arith.constant 0 : i32
    %cond3A_19 = arith.cmpi ne, %convert_element_type3A_17, %cond3A_18 : i32
    scf.if %cond3A_19 {
      %mul3A_25 = arith.constant 632 : i32
      %mul3A_26 = arith.muli %arg1, %mul3A_25 : i32
      "tpu.region"() ({
        %run_scoped3A = tpu.sem_alloc : memref<!tpu.dma_semaphore, #tpu.memory_space<semaphore_mem>>
        %dma_start3A = tpu.memref_slice %arg10[%mul3A_26] : memref<10112xf32, #tpu.memory_space<vmem_shared>> -> memref<632xf32, #tpu.memory_space<vmem_shared>>
        %dma_start3A_31 = tpu.memref_slice %arg10[%mul3A_26] : memref<10112xf32, #tpu.memory_space<vmem_shared>> -> memref<632xf32, #tpu.memory_space<vmem_shared>>
        tpu.enqueue_dma source(%dma_start3A_31 : memref<632xf32, #tpu.memory_space<vmem_shared>>) target(%arg9 : memref<632xf32, #tpu.memory_space<vmem>>) target_semaphore(%run_scoped3A : memref<!tpu.dma_semaphore, #tpu.memory_space<semaphore_mem>>)
        %dma_wait3A = tpu.memref_slice %arg10[%mul3A_26] : memref<10112xf32, #tpu.memory_space<vmem_shared>> -> memref<632xf32, #tpu.memory_space<vmem_shared>>
        %dma_wait3A_32 = tpu.memref_slice %arg10[%mul3A_26] : memref<10112xf32, #tpu.memory_space<vmem_shared>> -> memref<632xf32, #tpu.memory_space<vmem_shared>>
        tpu.wait_dma2 semaphore(%run_scoped3A : memref<!tpu.dma_semaphore, #tpu.memory_space<semaphore_mem>>) src(%dma_wait3A_32 : memref<632xf32, #tpu.memory_space<vmem_shared>>) dst(%arg9 : memref<632xf32, #tpu.memory_space<vmem>>)
        tpu.yield
      }) : () -> ()
      %mul3A_27 = arith.constant 10000 : i32
      %mul3A_28 = arith.muli %arg0, %mul3A_27 : i32
      %mul3A_29 = arith.constant 632 : i32
      %mul3A_30 = arith.muli %arg1, %mul3A_29 : i32
      %add3A = arith.addi %mul3A_28, %mul3A_30 : i32
      "tpu.region"() ({
        %run_scoped3A = tpu.sem_alloc : memref<!tpu.dma_semaphore, #tpu.memory_space<semaphore_mem>>
        %dma_start3A = tpu.memref_slice %arg6[%add3A] : memref<20000xf32, #tpu.memory_space<hbm>> -> memref<632xf32, #tpu.memory_space<hbm>>
        %dma_start3A_31 = tpu.memref_slice %arg6[%add3A] : memref<20000xf32, #tpu.memory_space<hbm>> -> memref<632xf32, #tpu.memory_space<hbm>>
        tpu.enqueue_dma source(%arg9 : memref<632xf32, #tpu.memory_space<vmem>>) target(%dma_start3A_31 : memref<632xf32, #tpu.memory_space<hbm>>) target_semaphore(%run_scoped3A : memref<!tpu.dma_semaphore, #tpu.memory_space<semaphore_mem>>)
        %dma_wait3A = tpu.memref_slice %arg6[%add3A] : memref<20000xf32, #tpu.memory_space<hbm>> -> memref<632xf32, #tpu.memory_space<hbm>>
        %dma_wait3A_32 = tpu.memref_slice %arg6[%add3A] : memref<20000xf32, #tpu.memory_space<hbm>> -> memref<632xf32, #tpu.memory_space<hbm>>
        tpu.wait_dma2 semaphore(%run_scoped3A : memref<!tpu.dma_semaphore, #tpu.memory_space<semaphore_mem>>) src(%arg9 : memref<632xf32, #tpu.memory_space<vmem>>) dst(%dma_wait3A_32 : memref<632xf32, #tpu.memory_space<hbm>>)
        tpu.yield
      }) : () -> ()
    } else {
    }
    %eq3A_20 = arith.constant 15 : i32
    %eq3A_21 = arith.cmpi eq, %arg1, %eq3A_20 : i32
    %convert_element_type3A_22 = arith.extui %eq3A_21 : i1 to i32
    %cond3A_23 = arith.constant 0 : i32
    %cond3A_24 = arith.cmpi ne, %convert_element_type3A_22, %cond3A_23 : i32
    scf.if %cond3A_24 {
      %mul3A_25 = arith.constant 632 : i32
      %mul3A_26 = arith.muli %arg1, %mul3A_25 : i32
      "tpu.region"() ({
        %run_scoped3A = tpu.sem_alloc : memref<!tpu.dma_semaphore, #tpu.memory_space<semaphore_mem>>
        %dma_start3A = arith.constant 0 : i32
        %dma_start3A_31 = tpu.memref_slice %arg9[%dma_start3A] : memref<632xf32, #tpu.memory_space<vmem>> -> memref<520xf32, #tpu.memory_space<vmem>>
        %dma_start3A_32 = tpu.memref_slice %arg10[%mul3A_26] : memref<10112xf32, #tpu.memory_space<vmem_shared>> -> memref<520xf32, #tpu.memory_space<vmem_shared>>
        %dma_start3A_33 = arith.constant 0 : i32
        %dma_start3A_34 = tpu.memref_slice %arg9[%dma_start3A_33] : memref<632xf32, #tpu.memory_space<vmem>> -> memref<520xf32, #tpu.memory_space<vmem>>
        %dma_start3A_35 = tpu.memref_slice %arg10[%mul3A_26] : memref<10112xf32, #tpu.memory_space<vmem_shared>> -> memref<520xf32, #tpu.memory_space<vmem_shared>>
        tpu.enqueue_dma source(%dma_start3A_35 : memref<520xf32, #tpu.memory_space<vmem_shared>>) target(%dma_start3A_34 : memref<520xf32, #tpu.memory_space<vmem>>) target_semaphore(%run_scoped3A : memref<!tpu.dma_semaphore, #tpu.memory_space<semaphore_mem>>)
        %dma_wait3A = arith.constant 0 : i32
        %dma_wait3A_36 = tpu.memref_slice %arg9[%dma_wait3A] : memref<632xf32, #tpu.memory_space<vmem>> -> memref<520xf32, #tpu.memory_space<vmem>>
        %dma_wait3A_37 = tpu.memref_slice %arg10[%mul3A_26] : memref<10112xf32, #tpu.memory_space<vmem_shared>> -> memref<520xf32, #tpu.memory_space<vmem_shared>>
        %dma_wait3A_38 = arith.constant 0 : i32
        %dma_wait3A_39 = tpu.memref_slice %arg9[%dma_wait3A_38] : memref<632xf32, #tpu.memory_space<vmem>> -> memref<520xf32, #tpu.memory_space<vmem>>
        %dma_wait3A_40 = tpu.memref_slice %arg10[%mul3A_26] : memref<10112xf32, #tpu.memory_space<vmem_shared>> -> memref<520xf32, #tpu.memory_space<vmem_shared>>
        tpu.wait_dma2 semaphore(%run_scoped3A : memref<!tpu.dma_semaphore, #tpu.memory_space<semaphore_mem>>) src(%dma_wait3A_40 : memref<520xf32, #tpu.memory_space<vmem_shared>>) dst(%dma_wait3A_39 : memref<520xf32, #tpu.memory_space<vmem>>)
        tpu.yield
      }) : () -> ()
      %mul3A_27 = arith.constant 10000 : i32
      %mul3A_28 = arith.muli %arg0, %mul3A_27 : i32
      %mul3A_29 = arith.constant 632 : i32
      %mul3A_30 = arith.muli %arg1, %mul3A_29 : i32
      %add3A = arith.addi %mul3A_28, %mul3A_30 : i32
      "tpu.region"() ({
        %run_scoped3A = tpu.sem_alloc : memref<!tpu.dma_semaphore, #tpu.memory_space<semaphore_mem>>
        %dma_start3A = arith.constant 0 : i32
        %dma_start3A_31 = tpu.memref_slice %arg9[%dma_start3A] : memref<632xf32, #tpu.memory_space<vmem>> -> memref<520xf32, #tpu.memory_space<vmem>>
        %dma_start3A_32 = tpu.memref_slice %arg6[%add3A] : memref<20000xf32, #tpu.memory_space<hbm>> -> memref<520xf32, #tpu.memory_space<hbm>>
        %dma_start3A_33 = tpu.memref_slice %arg6[%add3A] : memref<20000xf32, #tpu.memory_space<hbm>> -> memref<520xf32, #tpu.memory_space<hbm>>
        %dma_start3A_34 = arith.constant 0 : i32
        %dma_start3A_35 = tpu.memref_slice %arg9[%dma_start3A_34] : memref<632xf32, #tpu.memory_space<vmem>> -> memref<520xf32, #tpu.memory_space<vmem>>
        tpu.enqueue_dma source(%dma_start3A_35 : memref<520xf32, #tpu.memory_space<vmem>>) target(%dma_start3A_33 : memref<520xf32, #tpu.memory_space<hbm>>) target_semaphore(%run_scoped3A : memref<!tpu.dma_semaphore, #tpu.memory_space<semaphore_mem>>)
        %dma_wait3A = arith.constant 0 : i32
        %dma_wait3A_36 = tpu.memref_slice %arg9[%dma_wait3A] : memref<632xf32, #tpu.memory_space<vmem>> -> memref<520xf32, #tpu.memory_space<vmem>>
        %dma_wait3A_37 = tpu.memref_slice %arg6[%add3A] : memref<20000xf32, #tpu.memory_space<hbm>> -> memref<520xf32, #tpu.memory_space<hbm>>
        %dma_wait3A_38 = tpu.memref_slice %arg6[%add3A] : memref<20000xf32, #tpu.memory_space<hbm>> -> memref<520xf32, #tpu.memory_space<hbm>>
        %dma_wait3A_39 = arith.constant 0 : i32
        %dma_wait3A_40 = tpu.memref_slice %arg9[%dma_wait3A_39] : memref<632xf32, #tpu.memory_space<vmem>> -> memref<520xf32, #tpu.memory_space<vmem>>
        tpu.wait_dma2 semaphore(%run_scoped3A : memref<!tpu.dma_semaphore, #tpu.memory_space<semaphore_mem>>) src(%dma_wait3A_40 : memref<520xf32, #tpu.memory_space<vmem>>) dst(%dma_wait3A_38 : memref<520xf32, #tpu.memory_space<hbm>>)
        tpu.yield
      }) : () -> ()
    } else {
    }
    return
  }
}

#map = affine_map<(d0, d1) -> (0, 0)>
#map1 = affine_map<(d0, d1) -> (0, 0, 0)>
module attributes {stable_mosaic.version = 14 : i64} {
  func.func @prop_kernel(%arg0: i32, %arg1: i32, %arg2: memref<10000x64xf32, #tpu.memory_space<hbm>>, %arg3: memref<2560x128xi32, #tpu.memory_space<hbm>>, %arg4: memref<2560x128xi32, #tpu.memory_space<hbm>>, %arg5: memref<128x64xf32, #tpu.memory_space<hbm>>, %arg6: memref<2x10000x64xf32, #tpu.memory_space<hbm>>, %arg7: memref<40x128xi32, #tpu.memory_space<vmem>>, %arg8: memref<40x128xi32, #tpu.memory_space<vmem>>, %arg9: memref<128x64xf32, #tpu.memory_space<vmem>>, %arg10: memref<128x64xf32, #tpu.memory_space<vmem>>, %arg11: memref<!tpu.dma_semaphore, #tpu.memory_space<semaphore_mem>>, %arg12: memref<!tpu.dma_semaphore, #tpu.memory_space<semaphore_mem>>, %arg13: memref<!tpu.dma_semaphore, #tpu.memory_space<semaphore_mem>>, %arg14: memref<!tpu.dma_semaphore, #tpu.memory_space<semaphore_mem>>, %arg15: memref<10112x64xf32, #tpu.memory_space<vmem_shared>>) attributes {dimension_semantics = [#tpu.dimension_semantics<core_parallel>, #tpu.dimension_semantics<subcore_parallel>], iteration_bounds = array<i64: 2, 16>, scalar_prefetch = 0 : i64, scratch_operands = 9 : i64, tpu.core_type = #tpu.core_type<sc_vector_subcore>, window_params = [{transform_indices = #map}, {transform_indices = #map}, {transform_indices = #map}, {transform_indices = #map}, {transform_indices = #map1}]} {
    %mul3A = arith.constant 16 : i32
    %mul3A_0 = arith.muli %arg0, %mul3A : i32
    %add3A = arith.addi %mul3A_0, %arg1 : i32
    "tpu.region"() ({
      %run_scoped3A = tpu.sem_alloc : memref<!tpu.dma_semaphore, #tpu.memory_space<semaphore_mem>>
      tpu.enqueue_dma source(%arg5 : memref<128x64xf32, #tpu.memory_space<hbm>>) target(%arg9 : memref<128x64xf32, #tpu.memory_space<vmem>>) target_semaphore(%run_scoped3A : memref<!tpu.dma_semaphore, #tpu.memory_space<semaphore_mem>>)
      tpu.wait_dma2 semaphore(%run_scoped3A : memref<!tpu.dma_semaphore, #tpu.memory_space<semaphore_mem>>) src(%arg5 : memref<128x64xf32, #tpu.memory_space<hbm>>) dst(%arg9 : memref<128x64xf32, #tpu.memory_space<vmem>>)
      tpu.yield
    }) : () -> ()
    %mul3A_1 = arith.constant 632 : i32
    %mul3A_2 = arith.muli %arg1, %mul3A_1 : i32
    %add3A_3 = arith.constant 0 : i32
    %add3A_4 = arith.addi %mul3A_2, %add3A_3 : i32
    "tpu.region"() ({
      %run_scoped3A = tpu.sem_alloc : memref<!tpu.dma_semaphore, #tpu.memory_space<semaphore_mem>>
      %dma_start3A_75 = arith.constant 0 : i32
      %dma_start3A_76 = arith.constant 0 : i32
      %dma_start3A_77 = tpu.memref_slice %arg9[%dma_start3A_75, %dma_start3A_76] : memref<128x64xf32, #tpu.memory_space<vmem>> -> memref<128x64xf32, #tpu.memory_space<vmem>>
      %dma_start3A_78 = arith.constant 0 : i32
      %dma_start3A_79 = tpu.memref_slice %arg15[%add3A_4, %dma_start3A_78] : memref<10112x64xf32, #tpu.memory_space<vmem_shared>> -> memref<128x64xf32, #tpu.memory_space<vmem_shared>>
      %dma_start3A_80 = arith.constant 0 : i32
      %dma_start3A_81 = tpu.memref_slice %arg15[%add3A_4, %dma_start3A_80] : memref<10112x64xf32, #tpu.memory_space<vmem_shared>> -> memref<128x64xf32, #tpu.memory_space<vmem_shared>>
      %dma_start3A_82 = arith.constant 0 : i32
      %dma_start3A_83 = arith.constant 0 : i32
      %dma_start3A_84 = tpu.memref_slice %arg9[%dma_start3A_82, %dma_start3A_83] : memref<128x64xf32, #tpu.memory_space<vmem>> -> memref<128x64xf32, #tpu.memory_space<vmem>>
      tpu.enqueue_dma source(%dma_start3A_84 : memref<128x64xf32, #tpu.memory_space<vmem>>) target(%dma_start3A_81 : memref<128x64xf32, #tpu.memory_space<vmem_shared>>) target_semaphore(%run_scoped3A : memref<!tpu.dma_semaphore, #tpu.memory_space<semaphore_mem>>)
      %dma_wait3A_85 = arith.constant 0 : i32
      %dma_wait3A_86 = arith.constant 0 : i32
      %dma_wait3A_87 = tpu.memref_slice %arg9[%dma_wait3A_85, %dma_wait3A_86] : memref<128x64xf32, #tpu.memory_space<vmem>> -> memref<128x64xf32, #tpu.memory_space<vmem>>
      %dma_wait3A_88 = arith.constant 0 : i32
      %dma_wait3A_89 = tpu.memref_slice %arg15[%add3A_4, %dma_wait3A_88] : memref<10112x64xf32, #tpu.memory_space<vmem_shared>> -> memref<128x64xf32, #tpu.memory_space<vmem_shared>>
      %dma_wait3A_90 = arith.constant 0 : i32
      %dma_wait3A_91 = tpu.memref_slice %arg15[%add3A_4, %dma_wait3A_90] : memref<10112x64xf32, #tpu.memory_space<vmem_shared>> -> memref<128x64xf32, #tpu.memory_space<vmem_shared>>
      %dma_wait3A_92 = arith.constant 0 : i32
      %dma_wait3A_93 = arith.constant 0 : i32
      %dma_wait3A_94 = tpu.memref_slice %arg9[%dma_wait3A_92, %dma_wait3A_93] : memref<128x64xf32, #tpu.memory_space<vmem>> -> memref<128x64xf32, #tpu.memory_space<vmem>>
      tpu.wait_dma2 semaphore(%run_scoped3A : memref<!tpu.dma_semaphore, #tpu.memory_space<semaphore_mem>>) src(%dma_wait3A_94 : memref<128x64xf32, #tpu.memory_space<vmem>>) dst(%dma_wait3A_91 : memref<128x64xf32, #tpu.memory_space<vmem_shared>>)
      tpu.yield
    }) : () -> ()
    %mul3A_5 = arith.constant 632 : i32
    %mul3A_6 = arith.muli %arg1, %mul3A_5 : i32
    %add3A_7 = arith.constant 128 : i32
    %add3A_8 = arith.addi %mul3A_6, %add3A_7 : i32
    "tpu.region"() ({
      %run_scoped3A = tpu.sem_alloc : memref<!tpu.dma_semaphore, #tpu.memory_space<semaphore_mem>>
      %dma_start3A_75 = arith.constant 0 : i32
      %dma_start3A_76 = arith.constant 0 : i32
      %dma_start3A_77 = tpu.memref_slice %arg9[%dma_start3A_75, %dma_start3A_76] : memref<128x64xf32, #tpu.memory_space<vmem>> -> memref<128x64xf32, #tpu.memory_space<vmem>>
      %dma_start3A_78 = arith.constant 0 : i32
      %dma_start3A_79 = tpu.memref_slice %arg15[%add3A_8, %dma_start3A_78] : memref<10112x64xf32, #tpu.memory_space<vmem_shared>> -> memref<128x64xf32, #tpu.memory_space<vmem_shared>>
      %dma_start3A_80 = arith.constant 0 : i32
      %dma_start3A_81 = tpu.memref_slice %arg15[%add3A_8, %dma_start3A_80] : memref<10112x64xf32, #tpu.memory_space<vmem_shared>> -> memref<128x64xf32, #tpu.memory_space<vmem_shared>>
      %dma_start3A_82 = arith.constant 0 : i32
      %dma_start3A_83 = arith.constant 0 : i32
      %dma_start3A_84 = tpu.memref_slice %arg9[%dma_start3A_82, %dma_start3A_83] : memref<128x64xf32, #tpu.memory_space<vmem>> -> memref<128x64xf32, #tpu.memory_space<vmem>>
      tpu.enqueue_dma source(%dma_start3A_84 : memref<128x64xf32, #tpu.memory_space<vmem>>) target(%dma_start3A_81 : memref<128x64xf32, #tpu.memory_space<vmem_shared>>) target_semaphore(%run_scoped3A : memref<!tpu.dma_semaphore, #tpu.memory_space<semaphore_mem>>)
      %dma_wait3A_85 = arith.constant 0 : i32
      %dma_wait3A_86 = arith.constant 0 : i32
      %dma_wait3A_87 = tpu.memref_slice %arg9[%dma_wait3A_85, %dma_wait3A_86] : memref<128x64xf32, #tpu.memory_space<vmem>> -> memref<128x64xf32, #tpu.memory_space<vmem>>
      %dma_wait3A_88 = arith.constant 0 : i32
      %dma_wait3A_89 = tpu.memref_slice %arg15[%add3A_8, %dma_wait3A_88] : memref<10112x64xf32, #tpu.memory_space<vmem_shared>> -> memref<128x64xf32, #tpu.memory_space<vmem_shared>>
      %dma_wait3A_90 = arith.constant 0 : i32
      %dma_wait3A_91 = tpu.memref_slice %arg15[%add3A_8, %dma_wait3A_90] : memref<10112x64xf32, #tpu.memory_space<vmem_shared>> -> memref<128x64xf32, #tpu.memory_space<vmem_shared>>
      %dma_wait3A_92 = arith.constant 0 : i32
      %dma_wait3A_93 = arith.constant 0 : i32
      %dma_wait3A_94 = tpu.memref_slice %arg9[%dma_wait3A_92, %dma_wait3A_93] : memref<128x64xf32, #tpu.memory_space<vmem>> -> memref<128x64xf32, #tpu.memory_space<vmem>>
      tpu.wait_dma2 semaphore(%run_scoped3A : memref<!tpu.dma_semaphore, #tpu.memory_space<semaphore_mem>>) src(%dma_wait3A_94 : memref<128x64xf32, #tpu.memory_space<vmem>>) dst(%dma_wait3A_91 : memref<128x64xf32, #tpu.memory_space<vmem_shared>>)
      tpu.yield
    }) : () -> ()
    %mul3A_9 = arith.constant 632 : i32
    %mul3A_10 = arith.muli %arg1, %mul3A_9 : i32
    %add3A_11 = arith.constant 256 : i32
    %add3A_12 = arith.addi %mul3A_10, %add3A_11 : i32
    "tpu.region"() ({
      %run_scoped3A = tpu.sem_alloc : memref<!tpu.dma_semaphore, #tpu.memory_space<semaphore_mem>>
      %dma_start3A_75 = arith.constant 0 : i32
      %dma_start3A_76 = arith.constant 0 : i32
      %dma_start3A_77 = tpu.memref_slice %arg9[%dma_start3A_75, %dma_start3A_76] : memref<128x64xf32, #tpu.memory_space<vmem>> -> memref<128x64xf32, #tpu.memory_space<vmem>>
      %dma_start3A_78 = arith.constant 0 : i32
      %dma_start3A_79 = tpu.memref_slice %arg15[%add3A_12, %dma_start3A_78] : memref<10112x64xf32, #tpu.memory_space<vmem_shared>> -> memref<128x64xf32, #tpu.memory_space<vmem_shared>>
      %dma_start3A_80 = arith.constant 0 : i32
      %dma_start3A_81 = tpu.memref_slice %arg15[%add3A_12, %dma_start3A_80] : memref<10112x64xf32, #tpu.memory_space<vmem_shared>> -> memref<128x64xf32, #tpu.memory_space<vmem_shared>>
      %dma_start3A_82 = arith.constant 0 : i32
      %dma_start3A_83 = arith.constant 0 : i32
      %dma_start3A_84 = tpu.memref_slice %arg9[%dma_start3A_82, %dma_start3A_83] : memref<128x64xf32, #tpu.memory_space<vmem>> -> memref<128x64xf32, #tpu.memory_space<vmem>>
      tpu.enqueue_dma source(%dma_start3A_84 : memref<128x64xf32, #tpu.memory_space<vmem>>) target(%dma_start3A_81 : memref<128x64xf32, #tpu.memory_space<vmem_shared>>) target_semaphore(%run_scoped3A : memref<!tpu.dma_semaphore, #tpu.memory_space<semaphore_mem>>)
      %dma_wait3A_85 = arith.constant 0 : i32
      %dma_wait3A_86 = arith.constant 0 : i32
      %dma_wait3A_87 = tpu.memref_slice %arg9[%dma_wait3A_85, %dma_wait3A_86] : memref<128x64xf32, #tpu.memory_space<vmem>> -> memref<128x64xf32, #tpu.memory_space<vmem>>
      %dma_wait3A_88 = arith.constant 0 : i32
      %dma_wait3A_89 = tpu.memref_slice %arg15[%add3A_12, %dma_wait3A_88] : memref<10112x64xf32, #tpu.memory_space<vmem_shared>> -> memref<128x64xf32, #tpu.memory_space<vmem_shared>>
      %dma_wait3A_90 = arith.constant 0 : i32
      %dma_wait3A_91 = tpu.memref_slice %arg15[%add3A_12, %dma_wait3A_90] : memref<10112x64xf32, #tpu.memory_space<vmem_shared>> -> memref<128x64xf32, #tpu.memory_space<vmem_shared>>
      %dma_wait3A_92 = arith.constant 0 : i32
      %dma_wait3A_93 = arith.constant 0 : i32
      %dma_wait3A_94 = tpu.memref_slice %arg9[%dma_wait3A_92, %dma_wait3A_93] : memref<128x64xf32, #tpu.memory_space<vmem>> -> memref<128x64xf32, #tpu.memory_space<vmem>>
      tpu.wait_dma2 semaphore(%run_scoped3A : memref<!tpu.dma_semaphore, #tpu.memory_space<semaphore_mem>>) src(%dma_wait3A_94 : memref<128x64xf32, #tpu.memory_space<vmem>>) dst(%dma_wait3A_91 : memref<128x64xf32, #tpu.memory_space<vmem_shared>>)
      tpu.yield
    }) : () -> ()
    %mul3A_13 = arith.constant 632 : i32
    %mul3A_14 = arith.muli %arg1, %mul3A_13 : i32
    %add3A_15 = arith.constant 384 : i32
    %add3A_16 = arith.addi %mul3A_14, %add3A_15 : i32
    "tpu.region"() ({
      %run_scoped3A = tpu.sem_alloc : memref<!tpu.dma_semaphore, #tpu.memory_space<semaphore_mem>>
      %dma_start3A_75 = arith.constant 0 : i32
      %dma_start3A_76 = arith.constant 0 : i32
      %dma_start3A_77 = tpu.memref_slice %arg9[%dma_start3A_75, %dma_start3A_76] : memref<128x64xf32, #tpu.memory_space<vmem>> -> memref<128x64xf32, #tpu.memory_space<vmem>>
      %dma_start3A_78 = arith.constant 0 : i32
      %dma_start3A_79 = tpu.memref_slice %arg15[%add3A_16, %dma_start3A_78] : memref<10112x64xf32, #tpu.memory_space<vmem_shared>> -> memref<128x64xf32, #tpu.memory_space<vmem_shared>>
      %dma_start3A_80 = arith.constant 0 : i32
      %dma_start3A_81 = tpu.memref_slice %arg15[%add3A_16, %dma_start3A_80] : memref<10112x64xf32, #tpu.memory_space<vmem_shared>> -> memref<128x64xf32, #tpu.memory_space<vmem_shared>>
      %dma_start3A_82 = arith.constant 0 : i32
      %dma_start3A_83 = arith.constant 0 : i32
      %dma_start3A_84 = tpu.memref_slice %arg9[%dma_start3A_82, %dma_start3A_83] : memref<128x64xf32, #tpu.memory_space<vmem>> -> memref<128x64xf32, #tpu.memory_space<vmem>>
      tpu.enqueue_dma source(%dma_start3A_84 : memref<128x64xf32, #tpu.memory_space<vmem>>) target(%dma_start3A_81 : memref<128x64xf32, #tpu.memory_space<vmem_shared>>) target_semaphore(%run_scoped3A : memref<!tpu.dma_semaphore, #tpu.memory_space<semaphore_mem>>)
      %dma_wait3A_85 = arith.constant 0 : i32
      %dma_wait3A_86 = arith.constant 0 : i32
      %dma_wait3A_87 = tpu.memref_slice %arg9[%dma_wait3A_85, %dma_wait3A_86] : memref<128x64xf32, #tpu.memory_space<vmem>> -> memref<128x64xf32, #tpu.memory_space<vmem>>
      %dma_wait3A_88 = arith.constant 0 : i32
      %dma_wait3A_89 = tpu.memref_slice %arg15[%add3A_16, %dma_wait3A_88] : memref<10112x64xf32, #tpu.memory_space<vmem_shared>> -> memref<128x64xf32, #tpu.memory_space<vmem_shared>>
      %dma_wait3A_90 = arith.constant 0 : i32
      %dma_wait3A_91 = tpu.memref_slice %arg15[%add3A_16, %dma_wait3A_90] : memref<10112x64xf32, #tpu.memory_space<vmem_shared>> -> memref<128x64xf32, #tpu.memory_space<vmem_shared>>
      %dma_wait3A_92 = arith.constant 0 : i32
      %dma_wait3A_93 = arith.constant 0 : i32
      %dma_wait3A_94 = tpu.memref_slice %arg9[%dma_wait3A_92, %dma_wait3A_93] : memref<128x64xf32, #tpu.memory_space<vmem>> -> memref<128x64xf32, #tpu.memory_space<vmem>>
      tpu.wait_dma2 semaphore(%run_scoped3A : memref<!tpu.dma_semaphore, #tpu.memory_space<semaphore_mem>>) src(%dma_wait3A_94 : memref<128x64xf32, #tpu.memory_space<vmem>>) dst(%dma_wait3A_91 : memref<128x64xf32, #tpu.memory_space<vmem_shared>>)
      tpu.yield
    }) : () -> ()
    %mul3A_17 = arith.constant 632 : i32
    %mul3A_18 = arith.muli %arg1, %mul3A_17 : i32
    %add3A_19 = arith.constant 512 : i32
    %add3A_20 = arith.addi %mul3A_18, %add3A_19 : i32
    "tpu.region"() ({
      %run_scoped3A = tpu.sem_alloc : memref<!tpu.dma_semaphore, #tpu.memory_space<semaphore_mem>>
      %dma_start3A_75 = arith.constant 0 : i32
      %dma_start3A_76 = arith.constant 0 : i32
      %dma_start3A_77 = tpu.memref_slice %arg9[%dma_start3A_75, %dma_start3A_76] : memref<128x64xf32, #tpu.memory_space<vmem>> -> memref<120x64xf32, #tpu.memory_space<vmem>>
      %dma_start3A_78 = arith.constant 0 : i32
      %dma_start3A_79 = tpu.memref_slice %arg15[%add3A_20, %dma_start3A_78] : memref<10112x64xf32, #tpu.memory_space<vmem_shared>> -> memref<120x64xf32, #tpu.memory_space<vmem_shared>>
      %dma_start3A_80 = arith.constant 0 : i32
      %dma_start3A_81 = tpu.memref_slice %arg15[%add3A_20, %dma_start3A_80] : memref<10112x64xf32, #tpu.memory_space<vmem_shared>> -> memref<120x64xf32, #tpu.memory_space<vmem_shared>>
      %dma_start3A_82 = arith.constant 0 : i32
      %dma_start3A_83 = arith.constant 0 : i32
      %dma_start3A_84 = tpu.memref_slice %arg9[%dma_start3A_82, %dma_start3A_83] : memref<128x64xf32, #tpu.memory_space<vmem>> -> memref<120x64xf32, #tpu.memory_space<vmem>>
      tpu.enqueue_dma source(%dma_start3A_84 : memref<120x64xf32, #tpu.memory_space<vmem>>) target(%dma_start3A_81 : memref<120x64xf32, #tpu.memory_space<vmem_shared>>) target_semaphore(%run_scoped3A : memref<!tpu.dma_semaphore, #tpu.memory_space<semaphore_mem>>)
      %dma_wait3A_85 = arith.constant 0 : i32
      %dma_wait3A_86 = arith.constant 0 : i32
      %dma_wait3A_87 = tpu.memref_slice %arg9[%dma_wait3A_85, %dma_wait3A_86] : memref<128x64xf32, #tpu.memory_space<vmem>> -> memref<120x64xf32, #tpu.memory_space<vmem>>
      %dma_wait3A_88 = arith.constant 0 : i32
      %dma_wait3A_89 = tpu.memref_slice %arg15[%add3A_20, %dma_wait3A_88] : memref<10112x64xf32, #tpu.memory_space<vmem_shared>> -> memref<120x64xf32, #tpu.memory_space<vmem_shared>>
      %dma_wait3A_90 = arith.constant 0 : i32
      %dma_wait3A_91 = tpu.memref_slice %arg15[%add3A_20, %dma_wait3A_90] : memref<10112x64xf32, #tpu.memory_space<vmem_shared>> -> memref<120x64xf32, #tpu.memory_space<vmem_shared>>
      %dma_wait3A_92 = arith.constant 0 : i32
      %dma_wait3A_93 = arith.constant 0 : i32
      %dma_wait3A_94 = tpu.memref_slice %arg9[%dma_wait3A_92, %dma_wait3A_93] : memref<128x64xf32, #tpu.memory_space<vmem>> -> memref<120x64xf32, #tpu.memory_space<vmem>>
      tpu.wait_dma2 semaphore(%run_scoped3A : memref<!tpu.dma_semaphore, #tpu.memory_space<semaphore_mem>>) src(%dma_wait3A_94 : memref<120x64xf32, #tpu.memory_space<vmem>>) dst(%dma_wait3A_91 : memref<120x64xf32, #tpu.memory_space<vmem_shared>>)
      tpu.yield
    }) : () -> ()
    %barrier3A = arith.constant 0 : index
    tpu.barrier barrier_id(%barrier3A)
    %mul3A_21 = arith.constant 80 : i32
    %mul3A_22 = arith.muli %add3A, %mul3A_21 : i32
    %add3A_23 = arith.constant 0 : i32
    %add3A_24 = arith.addi %mul3A_22, %add3A_23 : i32
    "tpu.region"() ({
      %run_scoped3A = tpu.sem_alloc : memref<!tpu.dma_semaphore, #tpu.memory_space<semaphore_mem>>
      %dma_start3A_75 = arith.constant 0 : i32
      %dma_start3A_76 = tpu.memref_slice %arg3[%add3A_24, %dma_start3A_75] : memref<2560x128xi32, #tpu.memory_space<hbm>> -> memref<40x128xi32, #tpu.memory_space<hbm>>
      %dma_start3A_77 = arith.constant 0 : i32
      %dma_start3A_78 = tpu.memref_slice %arg3[%add3A_24, %dma_start3A_77] : memref<2560x128xi32, #tpu.memory_space<hbm>> -> memref<40x128xi32, #tpu.memory_space<hbm>>
      tpu.enqueue_dma source(%dma_start3A_78 : memref<40x128xi32, #tpu.memory_space<hbm>>) target(%arg7 : memref<40x128xi32, #tpu.memory_space<vmem>>) target_semaphore(%run_scoped3A : memref<!tpu.dma_semaphore, #tpu.memory_space<semaphore_mem>>)
      %dma_wait3A_79 = arith.constant 0 : i32
      %dma_wait3A_80 = tpu.memref_slice %arg3[%add3A_24, %dma_wait3A_79] : memref<2560x128xi32, #tpu.memory_space<hbm>> -> memref<40x128xi32, #tpu.memory_space<hbm>>
      %dma_wait3A_81 = arith.constant 0 : i32
      %dma_wait3A_82 = tpu.memref_slice %arg3[%add3A_24, %dma_wait3A_81] : memref<2560x128xi32, #tpu.memory_space<hbm>> -> memref<40x128xi32, #tpu.memory_space<hbm>>
      tpu.wait_dma2 semaphore(%run_scoped3A : memref<!tpu.dma_semaphore, #tpu.memory_space<semaphore_mem>>) src(%dma_wait3A_82 : memref<40x128xi32, #tpu.memory_space<hbm>>) dst(%arg7 : memref<40x128xi32, #tpu.memory_space<vmem>>)
      tpu.yield
    }) : () -> ()
    %add3A_25 = arith.constant 0 : i32
    %add3A_26 = arith.addi %mul3A_22, %add3A_25 : i32
    "tpu.region"() ({
      %run_scoped3A = tpu.sem_alloc : memref<!tpu.dma_semaphore, #tpu.memory_space<semaphore_mem>>
      %dma_start3A_75 = arith.constant 0 : i32
      %dma_start3A_76 = tpu.memref_slice %arg4[%add3A_26, %dma_start3A_75] : memref<2560x128xi32, #tpu.memory_space<hbm>> -> memref<40x128xi32, #tpu.memory_space<hbm>>
      %dma_start3A_77 = arith.constant 0 : i32
      %dma_start3A_78 = tpu.memref_slice %arg4[%add3A_26, %dma_start3A_77] : memref<2560x128xi32, #tpu.memory_space<hbm>> -> memref<40x128xi32, #tpu.memory_space<hbm>>
      tpu.enqueue_dma source(%dma_start3A_78 : memref<40x128xi32, #tpu.memory_space<hbm>>) target(%arg8 : memref<40x128xi32, #tpu.memory_space<vmem>>) target_semaphore(%run_scoped3A : memref<!tpu.dma_semaphore, #tpu.memory_space<semaphore_mem>>)
      %dma_wait3A_79 = arith.constant 0 : i32
      %dma_wait3A_80 = tpu.memref_slice %arg4[%add3A_26, %dma_wait3A_79] : memref<2560x128xi32, #tpu.memory_space<hbm>> -> memref<40x128xi32, #tpu.memory_space<hbm>>
      %dma_wait3A_81 = arith.constant 0 : i32
      %dma_wait3A_82 = tpu.memref_slice %arg4[%add3A_26, %dma_wait3A_81] : memref<2560x128xi32, #tpu.memory_space<hbm>> -> memref<40x128xi32, #tpu.memory_space<hbm>>
      tpu.wait_dma2 semaphore(%run_scoped3A : memref<!tpu.dma_semaphore, #tpu.memory_space<semaphore_mem>>) src(%dma_wait3A_82 : memref<40x128xi32, #tpu.memory_space<hbm>>) dst(%arg8 : memref<40x128xi32, #tpu.memory_space<vmem>>)
      tpu.yield
    }) : () -> ()
    %dma_start3A = arith.constant 0 : i32
    %dma_start3A_27 = arith.constant 0 : i32
    %dma_start3A_28 = tpu.memref_slice %arg7[%dma_start3A, %dma_start3A_27] : memref<40x128xi32, #tpu.memory_space<vmem>> -> memref<1x128xi32, #tpu.memory_space<vmem>>
    %dma_start3A_29 = tpu.memref_squeeze %dma_start3A_28 : memref<1x128xi32, #tpu.memory_space<vmem>> -> memref<128xi32, #tpu.memory_space<vmem>>
    %dma_start3A_30 = arith.constant 0 : i32
    %dma_start3A_31 = arith.constant 0 : i32
    %dma_start3A_32 = tpu.memref_slice %arg2[%dma_start3A_30, %dma_start3A_31] : memref<10000x64xf32, #tpu.memory_space<hbm>> -> memref<10000x64xf32, #tpu.memory_space<hbm>>
    tpu.enqueue_indirect_dma source(%dma_start3A_32 : memref<10000x64xf32, #tpu.memory_space<hbm>>) target(%arg9 : memref<128x64xf32, #tpu.memory_space<vmem>>) offsets(%dma_start3A_29 : memref<128xi32, #tpu.memory_space<vmem>>) semaphore(%arg11 : memref<!tpu.dma_semaphore, #tpu.memory_space<semaphore_mem>>)
    %scan3A = arith.constant 0 : i32
    %scan3A_33 = arith.constant 0 : i32
    %scan3A_34 = arith.constant 20 : i32
    %scan3A_35 = arith.addi %scan3A_33, %scan3A_34 : i32
    %scan3A_36 = arith.constant 1 : i32
    scf.for %scan3A_75 = %scan3A_33 to %scan3A_35 step %scan3A_36  : i32 {
      %gt3A = arith.constant 0 : i32
      %gt3A_76 = arith.cmpi sgt, %scan3A_75, %gt3A : i32
      %convert_element_type3A_77 = arith.extui %gt3A_76 : i1 to i32
      %cond3A_78 = arith.constant 0 : i32
      %cond3A_79 = arith.cmpi ne, %convert_element_type3A_77, %cond3A_78 : i32
      scf.if %cond3A_79 {
        %mul3A_139 = arith.constant 2 : i32
        %mul3A_140 = arith.muli %mul3A_139, %scan3A_75 : i32
        %sub3A = arith.constant 1 : i32
        %sub3A_141 = arith.subi %mul3A_140, %sub3A : i32
        %dma_wait3A_142 = arith.constant 0 : i32
        %dma_wait3A_143 = tpu.memref_slice %arg8[%sub3A_141, %dma_wait3A_142] : memref<40x128xi32, #tpu.memory_space<vmem>> -> memref<1x128xi32, #tpu.memory_space<vmem>>
        %dma_wait3A_144 = tpu.memref_squeeze %dma_wait3A_143 : memref<1x128xi32, #tpu.memory_space<vmem>> -> memref<128xi32, #tpu.memory_space<vmem>>
        %dma_wait3A_145 = arith.constant 0 : i32
        %dma_wait3A_146 = arith.constant 0 : i32
        %dma_wait3A_147 = tpu.memref_slice %arg15[%dma_wait3A_145, %dma_wait3A_146] : memref<10112x64xf32, #tpu.memory_space<vmem_shared>> -> memref<10112x64xf32, #tpu.memory_space<vmem_shared>>
        tpu.wait_indirect_dma semaphore(%arg14 : memref<!tpu.dma_semaphore, #tpu.memory_space<semaphore_mem>>) src(%arg10 : memref<128x64xf32, #tpu.memory_space<vmem>>) dst(%dma_wait3A_147 : memref<10112x64xf32, #tpu.memory_space<vmem_shared>>)
      } else {
      }
      %mul3A_80 = arith.constant 2 : i32
      %mul3A_81 = arith.muli %mul3A_80, %scan3A_75 : i32
      %add3A_82 = arith.constant 1 : i32
      %add3A_83 = arith.addi %mul3A_81, %add3A_82 : i32
      %dma_start3A_84 = arith.constant 0 : i32
      %dma_start3A_85 = tpu.memref_slice %arg7[%add3A_83, %dma_start3A_84] : memref<40x128xi32, #tpu.memory_space<vmem>> -> memref<1x128xi32, #tpu.memory_space<vmem>>
      %dma_start3A_86 = tpu.memref_squeeze %dma_start3A_85 : memref<1x128xi32, #tpu.memory_space<vmem>> -> memref<128xi32, #tpu.memory_space<vmem>>
      %dma_start3A_87 = arith.constant 0 : i32
      %dma_start3A_88 = arith.constant 0 : i32
      %dma_start3A_89 = tpu.memref_slice %arg2[%dma_start3A_87, %dma_start3A_88] : memref<10000x64xf32, #tpu.memory_space<hbm>> -> memref<10000x64xf32, #tpu.memory_space<hbm>>
      tpu.enqueue_indirect_dma source(%dma_start3A_89 : memref<10000x64xf32, #tpu.memory_space<hbm>>) target(%arg10 : memref<128x64xf32, #tpu.memory_space<vmem>>) offsets(%dma_start3A_86 : memref<128xi32, #tpu.memory_space<vmem>>) semaphore(%arg12 : memref<!tpu.dma_semaphore, #tpu.memory_space<semaphore_mem>>)
      %mul3A_90 = arith.constant 2 : i32
      %mul3A_91 = arith.muli %mul3A_90, %scan3A_75 : i32
      %dma_wait3A_92 = arith.constant 0 : i32
      %dma_wait3A_93 = tpu.memref_slice %arg7[%mul3A_91, %dma_wait3A_92] : memref<40x128xi32, #tpu.memory_space<vmem>> -> memref<1x128xi32, #tpu.memory_space<vmem>>
      %dma_wait3A_94 = tpu.memref_squeeze %dma_wait3A_93 : memref<1x128xi32, #tpu.memory_space<vmem>> -> memref<128xi32, #tpu.memory_space<vmem>>
      %dma_wait3A_95 = arith.constant 0 : i32
      %dma_wait3A_96 = arith.constant 0 : i32
      %dma_wait3A_97 = tpu.memref_slice %arg2[%dma_wait3A_95, %dma_wait3A_96] : memref<10000x64xf32, #tpu.memory_space<hbm>> -> memref<10000x64xf32, #tpu.memory_space<hbm>>
      tpu.wait_indirect_dma semaphore(%arg11 : memref<!tpu.dma_semaphore, #tpu.memory_space<semaphore_mem>>) src(%dma_wait3A_97 : memref<10000x64xf32, #tpu.memory_space<hbm>>) dst(%arg9 : memref<128x64xf32, #tpu.memory_space<vmem>>)
      %mul3A_98 = arith.constant 2 : i32
      %mul3A_99 = arith.muli %mul3A_98, %scan3A_75 : i32
      %dma_start3A_100 = arith.constant 0 : i32
      %dma_start3A_101 = tpu.memref_slice %arg8[%mul3A_99, %dma_start3A_100] : memref<40x128xi32, #tpu.memory_space<vmem>> -> memref<1x128xi32, #tpu.memory_space<vmem>>
      %dma_start3A_102 = tpu.memref_squeeze %dma_start3A_101 : memref<1x128xi32, #tpu.memory_space<vmem>> -> memref<128xi32, #tpu.memory_space<vmem>>
      %dma_start3A_103 = arith.constant 0 : i32
      %dma_start3A_104 = arith.constant 0 : i32
      %dma_start3A_105 = tpu.memref_slice %arg15[%dma_start3A_103, %dma_start3A_104] : memref<10112x64xf32, #tpu.memory_space<vmem_shared>> -> memref<10112x64xf32, #tpu.memory_space<vmem_shared>>
      tpu.enqueue_indirect_dma source(%arg9 : memref<128x64xf32, #tpu.memory_space<vmem>>) target(%dma_start3A_105 : memref<10112x64xf32, #tpu.memory_space<vmem_shared>>) offsets(%dma_start3A_102 : memref<128xi32, #tpu.memory_space<vmem>>) semaphore(%arg13 : memref<!tpu.dma_semaphore, #tpu.memory_space<semaphore_mem>>) {add = true}
      %mul3A_106 = arith.constant 2 : i32
      %mul3A_107 = arith.muli %mul3A_106, %scan3A_75 : i32
      %dma_wait3A_108 = arith.constant 0 : i32
      %dma_wait3A_109 = tpu.memref_slice %arg8[%mul3A_107, %dma_wait3A_108] : memref<40x128xi32, #tpu.memory_space<vmem>> -> memref<1x128xi32, #tpu.memory_space<vmem>>
      %dma_wait3A_110 = tpu.memref_squeeze %dma_wait3A_109 : memref<1x128xi32, #tpu.memory_space<vmem>> -> memref<128xi32, #tpu.memory_space<vmem>>
      %dma_wait3A_111 = arith.constant 0 : i32
      %dma_wait3A_112 = arith.constant 0 : i32
      %dma_wait3A_113 = tpu.memref_slice %arg15[%dma_wait3A_111, %dma_wait3A_112] : memref<10112x64xf32, #tpu.memory_space<vmem_shared>> -> memref<10112x64xf32, #tpu.memory_space<vmem_shared>>
      tpu.wait_indirect_dma semaphore(%arg13 : memref<!tpu.dma_semaphore, #tpu.memory_space<semaphore_mem>>) src(%arg9 : memref<128x64xf32, #tpu.memory_space<vmem>>) dst(%dma_wait3A_113 : memref<10112x64xf32, #tpu.memory_space<vmem_shared>>)
      %lt3A_114 = arith.constant 19 : i32
      %lt3A_115 = arith.cmpi slt, %scan3A_75, %lt3A_114 : i32
      %convert_element_type3A_116 = arith.extui %lt3A_115 : i1 to i32
      %cond3A_117 = arith.constant 0 : i32
      %cond3A_118 = arith.cmpi ne, %convert_element_type3A_116, %cond3A_117 : i32
      scf.if %cond3A_118 {
        %mul3A_139 = arith.constant 2 : i32
        %mul3A_140 = arith.muli %mul3A_139, %scan3A_75 : i32
        %add3A_141 = arith.constant 2 : i32
        %add3A_142 = arith.addi %mul3A_140, %add3A_141 : i32
        %dma_start3A_143 = arith.constant 0 : i32
        %dma_start3A_144 = tpu.memref_slice %arg7[%add3A_142, %dma_start3A_143] : memref<40x128xi32, #tpu.memory_space<vmem>> -> memref<1x128xi32, #tpu.memory_space<vmem>>
        %dma_start3A_145 = tpu.memref_squeeze %dma_start3A_144 : memref<1x128xi32, #tpu.memory_space<vmem>> -> memref<128xi32, #tpu.memory_space<vmem>>
        %dma_start3A_146 = arith.constant 0 : i32
        %dma_start3A_147 = arith.constant 0 : i32
        %dma_start3A_148 = tpu.memref_slice %arg2[%dma_start3A_146, %dma_start3A_147] : memref<10000x64xf32, #tpu.memory_space<hbm>> -> memref<10000x64xf32, #tpu.memory_space<hbm>>
        tpu.enqueue_indirect_dma source(%dma_start3A_148 : memref<10000x64xf32, #tpu.memory_space<hbm>>) target(%arg9 : memref<128x64xf32, #tpu.memory_space<vmem>>) offsets(%dma_start3A_145 : memref<128xi32, #tpu.memory_space<vmem>>) semaphore(%arg11 : memref<!tpu.dma_semaphore, #tpu.memory_space<semaphore_mem>>)
      } else {
      }
      %mul3A_119 = arith.constant 2 : i32
      %mul3A_120 = arith.muli %mul3A_119, %scan3A_75 : i32
      %add3A_121 = arith.constant 1 : i32
      %add3A_122 = arith.addi %mul3A_120, %add3A_121 : i32
      %dma_wait3A_123 = arith.constant 0 : i32
      %dma_wait3A_124 = tpu.memref_slice %arg7[%add3A_122, %dma_wait3A_123] : memref<40x128xi32, #tpu.memory_space<vmem>> -> memref<1x128xi32, #tpu.memory_space<vmem>>
      %dma_wait3A_125 = tpu.memref_squeeze %dma_wait3A_124 : memref<1x128xi32, #tpu.memory_space<vmem>> -> memref<128xi32, #tpu.memory_space<vmem>>
      %dma_wait3A_126 = arith.constant 0 : i32
      %dma_wait3A_127 = arith.constant 0 : i32
      %dma_wait3A_128 = tpu.memref_slice %arg2[%dma_wait3A_126, %dma_wait3A_127] : memref<10000x64xf32, #tpu.memory_space<hbm>> -> memref<10000x64xf32, #tpu.memory_space<hbm>>
      tpu.wait_indirect_dma semaphore(%arg12 : memref<!tpu.dma_semaphore, #tpu.memory_space<semaphore_mem>>) src(%dma_wait3A_128 : memref<10000x64xf32, #tpu.memory_space<hbm>>) dst(%arg10 : memref<128x64xf32, #tpu.memory_space<vmem>>)
      %mul3A_129 = arith.constant 2 : i32
      %mul3A_130 = arith.muli %mul3A_129, %scan3A_75 : i32
      %add3A_131 = arith.constant 1 : i32
      %add3A_132 = arith.addi %mul3A_130, %add3A_131 : i32
      %dma_start3A_133 = arith.constant 0 : i32
      %dma_start3A_134 = tpu.memref_slice %arg8[%add3A_132, %dma_start3A_133] : memref<40x128xi32, #tpu.memory_space<vmem>> -> memref<1x128xi32, #tpu.memory_space<vmem>>
      %dma_start3A_135 = tpu.memref_squeeze %dma_start3A_134 : memref<1x128xi32, #tpu.memory_space<vmem>> -> memref<128xi32, #tpu.memory_space<vmem>>
      %dma_start3A_136 = arith.constant 0 : i32
      %dma_start3A_137 = arith.constant 0 : i32
      %dma_start3A_138 = tpu.memref_slice %arg15[%dma_start3A_136, %dma_start3A_137] : memref<10112x64xf32, #tpu.memory_space<vmem_shared>> -> memref<10112x64xf32, #tpu.memory_space<vmem_shared>>
      tpu.enqueue_indirect_dma source(%arg10 : memref<128x64xf32, #tpu.memory_space<vmem>>) target(%dma_start3A_138 : memref<10112x64xf32, #tpu.memory_space<vmem_shared>>) offsets(%dma_start3A_135 : memref<128xi32, #tpu.memory_space<vmem>>) semaphore(%arg14 : memref<!tpu.dma_semaphore, #tpu.memory_space<semaphore_mem>>) {add = true}
    }
    %scan3A_37 = arith.constant 20 : i32
    %dma_wait3A = arith.constant 39 : i32
    %dma_wait3A_38 = arith.constant 0 : i32
    %dma_wait3A_39 = tpu.memref_slice %arg8[%dma_wait3A, %dma_wait3A_38] : memref<40x128xi32, #tpu.memory_space<vmem>> -> memref<1x128xi32, #tpu.memory_space<vmem>>
    %dma_wait3A_40 = tpu.memref_squeeze %dma_wait3A_39 : memref<1x128xi32, #tpu.memory_space<vmem>> -> memref<128xi32, #tpu.memory_space<vmem>>
    %dma_wait3A_41 = arith.constant 0 : i32
    %dma_wait3A_42 = arith.constant 0 : i32
    %dma_wait3A_43 = tpu.memref_slice %arg15[%dma_wait3A_41, %dma_wait3A_42] : memref<10112x64xf32, #tpu.memory_space<vmem_shared>> -> memref<10112x64xf32, #tpu.memory_space<vmem_shared>>
    tpu.wait_indirect_dma semaphore(%arg14 : memref<!tpu.dma_semaphore, #tpu.memory_space<semaphore_mem>>) src(%arg10 : memref<128x64xf32, #tpu.memory_space<vmem>>) dst(%dma_wait3A_43 : memref<10112x64xf32, #tpu.memory_space<vmem_shared>>)
    %add3A_44 = arith.constant 40 : i32
    %add3A_45 = arith.addi %mul3A_22, %add3A_44 : i32
    "tpu.region"() ({
      %run_scoped3A = tpu.sem_alloc : memref<!tpu.dma_semaphore, #tpu.memory_space<semaphore_mem>>
      %dma_start3A_75 = arith.constant 0 : i32
      %dma_start3A_76 = tpu.memref_slice %arg3[%add3A_45, %dma_start3A_75] : memref<2560x128xi32, #tpu.memory_space<hbm>> -> memref<40x128xi32, #tpu.memory_space<hbm>>
      %dma_start3A_77 = arith.constant 0 : i32
      %dma_start3A_78 = tpu.memref_slice %arg3[%add3A_45, %dma_start3A_77] : memref<2560x128xi32, #tpu.memory_space<hbm>> -> memref<40x128xi32, #tpu.memory_space<hbm>>
      tpu.enqueue_dma source(%dma_start3A_78 : memref<40x128xi32, #tpu.memory_space<hbm>>) target(%arg7 : memref<40x128xi32, #tpu.memory_space<vmem>>) target_semaphore(%run_scoped3A : memref<!tpu.dma_semaphore, #tpu.memory_space<semaphore_mem>>)
      %dma_wait3A_79 = arith.constant 0 : i32
      %dma_wait3A_80 = tpu.memref_slice %arg3[%add3A_45, %dma_wait3A_79] : memref<2560x128xi32, #tpu.memory_space<hbm>> -> memref<40x128xi32, #tpu.memory_space<hbm>>
      %dma_wait3A_81 = arith.constant 0 : i32
      %dma_wait3A_82 = tpu.memref_slice %arg3[%add3A_45, %dma_wait3A_81] : memref<2560x128xi32, #tpu.memory_space<hbm>> -> memref<40x128xi32, #tpu.memory_space<hbm>>
      tpu.wait_dma2 semaphore(%run_scoped3A : memref<!tpu.dma_semaphore, #tpu.memory_space<semaphore_mem>>) src(%dma_wait3A_82 : memref<40x128xi32, #tpu.memory_space<hbm>>) dst(%arg7 : memref<40x128xi32, #tpu.memory_space<vmem>>)
      tpu.yield
    }) : () -> ()
    %add3A_46 = arith.constant 40 : i32
    %add3A_47 = arith.addi %mul3A_22, %add3A_46 : i32
    "tpu.region"() ({
      %run_scoped3A = tpu.sem_alloc : memref<!tpu.dma_semaphore, #tpu.memory_space<semaphore_mem>>
      %dma_start3A_75 = arith.constant 0 : i32
      %dma_start3A_76 = tpu.memref_slice %arg4[%add3A_47, %dma_start3A_75] : memref<2560x128xi32, #tpu.memory_space<hbm>> -> memref<40x128xi32, #tpu.memory_space<hbm>>
      %dma_start3A_77 = arith.constant 0 : i32
      %dma_start3A_78 = tpu.memref_slice %arg4[%add3A_47, %dma_start3A_77] : memref<2560x128xi32, #tpu.memory_space<hbm>> -> memref<40x128xi32, #tpu.memory_space<hbm>>
      tpu.enqueue_dma source(%dma_start3A_78 : memref<40x128xi32, #tpu.memory_space<hbm>>) target(%arg8 : memref<40x128xi32, #tpu.memory_space<vmem>>) target_semaphore(%run_scoped3A : memref<!tpu.dma_semaphore, #tpu.memory_space<semaphore_mem>>)
      %dma_wait3A_79 = arith.constant 0 : i32
      %dma_wait3A_80 = tpu.memref_slice %arg4[%add3A_47, %dma_wait3A_79] : memref<2560x128xi32, #tpu.memory_space<hbm>> -> memref<40x128xi32, #tpu.memory_space<hbm>>
      %dma_wait3A_81 = arith.constant 0 : i32
      %dma_wait3A_82 = tpu.memref_slice %arg4[%add3A_47, %dma_wait3A_81] : memref<2560x128xi32, #tpu.memory_space<hbm>> -> memref<40x128xi32, #tpu.memory_space<hbm>>
      tpu.wait_dma2 semaphore(%run_scoped3A : memref<!tpu.dma_semaphore, #tpu.memory_space<semaphore_mem>>) src(%dma_wait3A_82 : memref<40x128xi32, #tpu.memory_space<hbm>>) dst(%arg8 : memref<40x128xi32, #tpu.memory_space<vmem>>)
      tpu.yield
    }) : () -> ()
    %dma_start3A_48 = arith.constant 0 : i32
    %dma_start3A_49 = arith.constant 0 : i32
    %dma_start3A_50 = tpu.memref_slice %arg7[%dma_start3A_48, %dma_start3A_49] : memref<40x128xi32, #tpu.memory_space<vmem>> -> memref<1x128xi32, #tpu.memory_space<vmem>>
    %dma_start3A_51 = tpu.memref_squeeze %dma_start3A_50 : memref<1x128xi32, #tpu.memory_space<vmem>> -> memref<128xi32, #tpu.memory_space<vmem>>
    %dma_start3A_52 = arith.constant 0 : i32
    %dma_start3A_53 = arith.constant 0 : i32
    %dma_start3A_54 = tpu.memref_slice %arg2[%dma_start3A_52, %dma_start3A_53] : memref<10000x64xf32, #tpu.memory_space<hbm>> -> memref<10000x64xf32, #tpu.memory_space<hbm>>
    tpu.enqueue_indirect_dma source(%dma_start3A_54 : memref<10000x64xf32, #tpu.memory_space<hbm>>) target(%arg9 : memref<128x64xf32, #tpu.memory_space<vmem>>) offsets(%dma_start3A_51 : memref<128xi32, #tpu.memory_space<vmem>>) semaphore(%arg11 : memref<!tpu.dma_semaphore, #tpu.memory_space<semaphore_mem>>)
    %scan3A_55 = arith.constant 0 : i32
    %scan3A_56 = arith.constant 0 : i32
    %scan3A_57 = arith.constant 20 : i32
    %scan3A_58 = arith.addi %scan3A_56, %scan3A_57 : i32
    %scan3A_59 = arith.constant 1 : i32
    scf.for %scan3A_75 = %scan3A_56 to %scan3A_58 step %scan3A_59  : i32 {
      %gt3A = arith.constant 0 : i32
      %gt3A_76 = arith.cmpi sgt, %scan3A_75, %gt3A : i32
      %convert_element_type3A_77 = arith.extui %gt3A_76 : i1 to i32
      %cond3A_78 = arith.constant 0 : i32
      %cond3A_79 = arith.cmpi ne, %convert_element_type3A_77, %cond3A_78 : i32
      scf.if %cond3A_79 {
        %mul3A_139 = arith.constant 2 : i32
        %mul3A_140 = arith.muli %mul3A_139, %scan3A_75 : i32
        %sub3A = arith.constant 1 : i32
        %sub3A_141 = arith.subi %mul3A_140, %sub3A : i32
        %dma_wait3A_142 = arith.constant 0 : i32
        %dma_wait3A_143 = tpu.memref_slice %arg8[%sub3A_141, %dma_wait3A_142] : memref<40x128xi32, #tpu.memory_space<vmem>> -> memref<1x128xi32, #tpu.memory_space<vmem>>
        %dma_wait3A_144 = tpu.memref_squeeze %dma_wait3A_143 : memref<1x128xi32, #tpu.memory_space<vmem>> -> memref<128xi32, #tpu.memory_space<vmem>>
        %dma_wait3A_145 = arith.constant 0 : i32
        %dma_wait3A_146 = arith.constant 0 : i32
        %dma_wait3A_147 = tpu.memref_slice %arg15[%dma_wait3A_145, %dma_wait3A_146] : memref<10112x64xf32, #tpu.memory_space<vmem_shared>> -> memref<10112x64xf32, #tpu.memory_space<vmem_shared>>
        tpu.wait_indirect_dma semaphore(%arg14 : memref<!tpu.dma_semaphore, #tpu.memory_space<semaphore_mem>>) src(%arg10 : memref<128x64xf32, #tpu.memory_space<vmem>>) dst(%dma_wait3A_147 : memref<10112x64xf32, #tpu.memory_space<vmem_shared>>)
      } else {
      }
      %mul3A_80 = arith.constant 2 : i32
      %mul3A_81 = arith.muli %mul3A_80, %scan3A_75 : i32
      %add3A_82 = arith.constant 1 : i32
      %add3A_83 = arith.addi %mul3A_81, %add3A_82 : i32
      %dma_start3A_84 = arith.constant 0 : i32
      %dma_start3A_85 = tpu.memref_slice %arg7[%add3A_83, %dma_start3A_84] : memref<40x128xi32, #tpu.memory_space<vmem>> -> memref<1x128xi32, #tpu.memory_space<vmem>>
      %dma_start3A_86 = tpu.memref_squeeze %dma_start3A_85 : memref<1x128xi32, #tpu.memory_space<vmem>> -> memref<128xi32, #tpu.memory_space<vmem>>
      %dma_start3A_87 = arith.constant 0 : i32
      %dma_start3A_88 = arith.constant 0 : i32
      %dma_start3A_89 = tpu.memref_slice %arg2[%dma_start3A_87, %dma_start3A_88] : memref<10000x64xf32, #tpu.memory_space<hbm>> -> memref<10000x64xf32, #tpu.memory_space<hbm>>
      tpu.enqueue_indirect_dma source(%dma_start3A_89 : memref<10000x64xf32, #tpu.memory_space<hbm>>) target(%arg10 : memref<128x64xf32, #tpu.memory_space<vmem>>) offsets(%dma_start3A_86 : memref<128xi32, #tpu.memory_space<vmem>>) semaphore(%arg12 : memref<!tpu.dma_semaphore, #tpu.memory_space<semaphore_mem>>)
      %mul3A_90 = arith.constant 2 : i32
      %mul3A_91 = arith.muli %mul3A_90, %scan3A_75 : i32
      %dma_wait3A_92 = arith.constant 0 : i32
      %dma_wait3A_93 = tpu.memref_slice %arg7[%mul3A_91, %dma_wait3A_92] : memref<40x128xi32, #tpu.memory_space<vmem>> -> memref<1x128xi32, #tpu.memory_space<vmem>>
      %dma_wait3A_94 = tpu.memref_squeeze %dma_wait3A_93 : memref<1x128xi32, #tpu.memory_space<vmem>> -> memref<128xi32, #tpu.memory_space<vmem>>
      %dma_wait3A_95 = arith.constant 0 : i32
      %dma_wait3A_96 = arith.constant 0 : i32
      %dma_wait3A_97 = tpu.memref_slice %arg2[%dma_wait3A_95, %dma_wait3A_96] : memref<10000x64xf32, #tpu.memory_space<hbm>> -> memref<10000x64xf32, #tpu.memory_space<hbm>>
      tpu.wait_indirect_dma semaphore(%arg11 : memref<!tpu.dma_semaphore, #tpu.memory_space<semaphore_mem>>) src(%dma_wait3A_97 : memref<10000x64xf32, #tpu.memory_space<hbm>>) dst(%arg9 : memref<128x64xf32, #tpu.memory_space<vmem>>)
      %mul3A_98 = arith.constant 2 : i32
      %mul3A_99 = arith.muli %mul3A_98, %scan3A_75 : i32
      %dma_start3A_100 = arith.constant 0 : i32
      %dma_start3A_101 = tpu.memref_slice %arg8[%mul3A_99, %dma_start3A_100] : memref<40x128xi32, #tpu.memory_space<vmem>> -> memref<1x128xi32, #tpu.memory_space<vmem>>
      %dma_start3A_102 = tpu.memref_squeeze %dma_start3A_101 : memref<1x128xi32, #tpu.memory_space<vmem>> -> memref<128xi32, #tpu.memory_space<vmem>>
      %dma_start3A_103 = arith.constant 0 : i32
      %dma_start3A_104 = arith.constant 0 : i32
      %dma_start3A_105 = tpu.memref_slice %arg15[%dma_start3A_103, %dma_start3A_104] : memref<10112x64xf32, #tpu.memory_space<vmem_shared>> -> memref<10112x64xf32, #tpu.memory_space<vmem_shared>>
      tpu.enqueue_indirect_dma source(%arg9 : memref<128x64xf32, #tpu.memory_space<vmem>>) target(%dma_start3A_105 : memref<10112x64xf32, #tpu.memory_space<vmem_shared>>) offsets(%dma_start3A_102 : memref<128xi32, #tpu.memory_space<vmem>>) semaphore(%arg13 : memref<!tpu.dma_semaphore, #tpu.memory_space<semaphore_mem>>) {add = true}
      %mul3A_106 = arith.constant 2 : i32
      %mul3A_107 = arith.muli %mul3A_106, %scan3A_75 : i32
      %dma_wait3A_108 = arith.constant 0 : i32
      %dma_wait3A_109 = tpu.memref_slice %arg8[%mul3A_107, %dma_wait3A_108] : memref<40x128xi32, #tpu.memory_space<vmem>> -> memref<1x128xi32, #tpu.memory_space<vmem>>
      %dma_wait3A_110 = tpu.memref_squeeze %dma_wait3A_109 : memref<1x128xi32, #tpu.memory_space<vmem>> -> memref<128xi32, #tpu.memory_space<vmem>>
      %dma_wait3A_111 = arith.constant 0 : i32
      %dma_wait3A_112 = arith.constant 0 : i32
      %dma_wait3A_113 = tpu.memref_slice %arg15[%dma_wait3A_111, %dma_wait3A_112] : memref<10112x64xf32, #tpu.memory_space<vmem_shared>> -> memref<10112x64xf32, #tpu.memory_space<vmem_shared>>
      tpu.wait_indirect_dma semaphore(%arg13 : memref<!tpu.dma_semaphore, #tpu.memory_space<semaphore_mem>>) src(%arg9 : memref<128x64xf32, #tpu.memory_space<vmem>>) dst(%dma_wait3A_113 : memref<10112x64xf32, #tpu.memory_space<vmem_shared>>)
      %lt3A_114 = arith.constant 19 : i32
      %lt3A_115 = arith.cmpi slt, %scan3A_75, %lt3A_114 : i32
      %convert_element_type3A_116 = arith.extui %lt3A_115 : i1 to i32
      %cond3A_117 = arith.constant 0 : i32
      %cond3A_118 = arith.cmpi ne, %convert_element_type3A_116, %cond3A_117 : i32
      scf.if %cond3A_118 {
        %mul3A_139 = arith.constant 2 : i32
        %mul3A_140 = arith.muli %mul3A_139, %scan3A_75 : i32
        %add3A_141 = arith.constant 2 : i32
        %add3A_142 = arith.addi %mul3A_140, %add3A_141 : i32
        %dma_start3A_143 = arith.constant 0 : i32
        %dma_start3A_144 = tpu.memref_slice %arg7[%add3A_142, %dma_start3A_143] : memref<40x128xi32, #tpu.memory_space<vmem>> -> memref<1x128xi32, #tpu.memory_space<vmem>>
        %dma_start3A_145 = tpu.memref_squeeze %dma_start3A_144 : memref<1x128xi32, #tpu.memory_space<vmem>> -> memref<128xi32, #tpu.memory_space<vmem>>
        %dma_start3A_146 = arith.constant 0 : i32
        %dma_start3A_147 = arith.constant 0 : i32
        %dma_start3A_148 = tpu.memref_slice %arg2[%dma_start3A_146, %dma_start3A_147] : memref<10000x64xf32, #tpu.memory_space<hbm>> -> memref<10000x64xf32, #tpu.memory_space<hbm>>
        tpu.enqueue_indirect_dma source(%dma_start3A_148 : memref<10000x64xf32, #tpu.memory_space<hbm>>) target(%arg9 : memref<128x64xf32, #tpu.memory_space<vmem>>) offsets(%dma_start3A_145 : memref<128xi32, #tpu.memory_space<vmem>>) semaphore(%arg11 : memref<!tpu.dma_semaphore, #tpu.memory_space<semaphore_mem>>)
      } else {
      }
      %mul3A_119 = arith.constant 2 : i32
      %mul3A_120 = arith.muli %mul3A_119, %scan3A_75 : i32
      %add3A_121 = arith.constant 1 : i32
      %add3A_122 = arith.addi %mul3A_120, %add3A_121 : i32
      %dma_wait3A_123 = arith.constant 0 : i32
      %dma_wait3A_124 = tpu.memref_slice %arg7[%add3A_122, %dma_wait3A_123] : memref<40x128xi32, #tpu.memory_space<vmem>> -> memref<1x128xi32, #tpu.memory_space<vmem>>
      %dma_wait3A_125 = tpu.memref_squeeze %dma_wait3A_124 : memref<1x128xi32, #tpu.memory_space<vmem>> -> memref<128xi32, #tpu.memory_space<vmem>>
      %dma_wait3A_126 = arith.constant 0 : i32
      %dma_wait3A_127 = arith.constant 0 : i32
      %dma_wait3A_128 = tpu.memref_slice %arg2[%dma_wait3A_126, %dma_wait3A_127] : memref<10000x64xf32, #tpu.memory_space<hbm>> -> memref<10000x64xf32, #tpu.memory_space<hbm>>
      tpu.wait_indirect_dma semaphore(%arg12 : memref<!tpu.dma_semaphore, #tpu.memory_space<semaphore_mem>>) src(%dma_wait3A_128 : memref<10000x64xf32, #tpu.memory_space<hbm>>) dst(%arg10 : memref<128x64xf32, #tpu.memory_space<vmem>>)
      %mul3A_129 = arith.constant 2 : i32
      %mul3A_130 = arith.muli %mul3A_129, %scan3A_75 : i32
      %add3A_131 = arith.constant 1 : i32
      %add3A_132 = arith.addi %mul3A_130, %add3A_131 : i32
      %dma_start3A_133 = arith.constant 0 : i32
      %dma_start3A_134 = tpu.memref_slice %arg8[%add3A_132, %dma_start3A_133] : memref<40x128xi32, #tpu.memory_space<vmem>> -> memref<1x128xi32, #tpu.memory_space<vmem>>
      %dma_start3A_135 = tpu.memref_squeeze %dma_start3A_134 : memref<1x128xi32, #tpu.memory_space<vmem>> -> memref<128xi32, #tpu.memory_space<vmem>>
      %dma_start3A_136 = arith.constant 0 : i32
      %dma_start3A_137 = arith.constant 0 : i32
      %dma_start3A_138 = tpu.memref_slice %arg15[%dma_start3A_136, %dma_start3A_137] : memref<10112x64xf32, #tpu.memory_space<vmem_shared>> -> memref<10112x64xf32, #tpu.memory_space<vmem_shared>>
      tpu.enqueue_indirect_dma source(%arg10 : memref<128x64xf32, #tpu.memory_space<vmem>>) target(%dma_start3A_138 : memref<10112x64xf32, #tpu.memory_space<vmem_shared>>) offsets(%dma_start3A_135 : memref<128xi32, #tpu.memory_space<vmem>>) semaphore(%arg14 : memref<!tpu.dma_semaphore, #tpu.memory_space<semaphore_mem>>) {add = true}
    }
    %scan3A_60 = arith.constant 20 : i32
    %dma_wait3A_61 = arith.constant 39 : i32
    %dma_wait3A_62 = arith.constant 0 : i32
    %dma_wait3A_63 = tpu.memref_slice %arg8[%dma_wait3A_61, %dma_wait3A_62] : memref<40x128xi32, #tpu.memory_space<vmem>> -> memref<1x128xi32, #tpu.memory_space<vmem>>
    %dma_wait3A_64 = tpu.memref_squeeze %dma_wait3A_63 : memref<1x128xi32, #tpu.memory_space<vmem>> -> memref<128xi32, #tpu.memory_space<vmem>>
    %dma_wait3A_65 = arith.constant 0 : i32
    %dma_wait3A_66 = arith.constant 0 : i32
    %dma_wait3A_67 = tpu.memref_slice %arg15[%dma_wait3A_65, %dma_wait3A_66] : memref<10112x64xf32, #tpu.memory_space<vmem_shared>> -> memref<10112x64xf32, #tpu.memory_space<vmem_shared>>
    tpu.wait_indirect_dma semaphore(%arg14 : memref<!tpu.dma_semaphore, #tpu.memory_space<semaphore_mem>>) src(%arg10 : memref<128x64xf32, #tpu.memory_space<vmem>>) dst(%dma_wait3A_67 : memref<10112x64xf32, #tpu.memory_space<vmem_shared>>)
    %barrier3A_68 = arith.constant 0 : index
    tpu.barrier barrier_id(%barrier3A_68)
    %lt3A = arith.constant 15 : i32
    %lt3A_69 = arith.cmpi slt, %arg1, %lt3A : i32
    %convert_element_type3A = arith.extui %lt3A_69 : i1 to i32
    %cond3A = arith.constant 0 : i32
    %cond3A_70 = arith.cmpi ne, %convert_element_type3A, %cond3A : i32
    scf.if %cond3A_70 {
      %mul3A_75 = arith.constant 632 : i32
      %mul3A_76 = arith.muli %arg1, %mul3A_75 : i32
      %add3A_77 = arith.constant 0 : i32
      %add3A_78 = arith.addi %mul3A_76, %add3A_77 : i32
      "tpu.region"() ({
        %run_scoped3A = tpu.sem_alloc : memref<!tpu.dma_semaphore, #tpu.memory_space<semaphore_mem>>
        %dma_start3A_115 = arith.constant 0 : i32
        %dma_start3A_116 = arith.constant 0 : i32
        %dma_start3A_117 = tpu.memref_slice %arg9[%dma_start3A_115, %dma_start3A_116] : memref<128x64xf32, #tpu.memory_space<vmem>> -> memref<128x64xf32, #tpu.memory_space<vmem>>
        %dma_start3A_118 = arith.constant 0 : i32
        %dma_start3A_119 = tpu.memref_slice %arg15[%add3A_78, %dma_start3A_118] : memref<10112x64xf32, #tpu.memory_space<vmem_shared>> -> memref<128x64xf32, #tpu.memory_space<vmem_shared>>
        %dma_start3A_120 = arith.constant 0 : i32
        %dma_start3A_121 = arith.constant 0 : i32
        %dma_start3A_122 = tpu.memref_slice %arg9[%dma_start3A_120, %dma_start3A_121] : memref<128x64xf32, #tpu.memory_space<vmem>> -> memref<128x64xf32, #tpu.memory_space<vmem>>
        %dma_start3A_123 = arith.constant 0 : i32
        %dma_start3A_124 = tpu.memref_slice %arg15[%add3A_78, %dma_start3A_123] : memref<10112x64xf32, #tpu.memory_space<vmem_shared>> -> memref<128x64xf32, #tpu.memory_space<vmem_shared>>
        tpu.enqueue_dma source(%dma_start3A_124 : memref<128x64xf32, #tpu.memory_space<vmem_shared>>) target(%dma_start3A_122 : memref<128x64xf32, #tpu.memory_space<vmem>>) target_semaphore(%run_scoped3A : memref<!tpu.dma_semaphore, #tpu.memory_space<semaphore_mem>>)
        %dma_wait3A_125 = arith.constant 0 : i32
        %dma_wait3A_126 = arith.constant 0 : i32
        %dma_wait3A_127 = tpu.memref_slice %arg9[%dma_wait3A_125, %dma_wait3A_126] : memref<128x64xf32, #tpu.memory_space<vmem>> -> memref<128x64xf32, #tpu.memory_space<vmem>>
        %dma_wait3A_128 = arith.constant 0 : i32
        %dma_wait3A_129 = tpu.memref_slice %arg15[%add3A_78, %dma_wait3A_128] : memref<10112x64xf32, #tpu.memory_space<vmem_shared>> -> memref<128x64xf32, #tpu.memory_space<vmem_shared>>
        %dma_wait3A_130 = arith.constant 0 : i32
        %dma_wait3A_131 = arith.constant 0 : i32
        %dma_wait3A_132 = tpu.memref_slice %arg9[%dma_wait3A_130, %dma_wait3A_131] : memref<128x64xf32, #tpu.memory_space<vmem>> -> memref<128x64xf32, #tpu.memory_space<vmem>>
        %dma_wait3A_133 = arith.constant 0 : i32
        %dma_wait3A_134 = tpu.memref_slice %arg15[%add3A_78, %dma_wait3A_133] : memref<10112x64xf32, #tpu.memory_space<vmem_shared>> -> memref<128x64xf32, #tpu.memory_space<vmem_shared>>
        tpu.wait_dma2 semaphore(%run_scoped3A : memref<!tpu.dma_semaphore, #tpu.memory_space<semaphore_mem>>) src(%dma_wait3A_134 : memref<128x64xf32, #tpu.memory_space<vmem_shared>>) dst(%dma_wait3A_132 : memref<128x64xf32, #tpu.memory_space<vmem>>)
        tpu.yield
      }) : () -> ()
      %mul3A_79 = arith.constant 632 : i32
      %mul3A_80 = arith.muli %arg1, %mul3A_79 : i32
      %add3A_81 = arith.constant 0 : i32
      %add3A_82 = arith.addi %mul3A_80, %add3A_81 : i32
      "tpu.region"() ({
        %run_scoped3A = tpu.sem_alloc : memref<!tpu.dma_semaphore, #tpu.memory_space<semaphore_mem>>
        %dma_start3A_115 = arith.constant 0 : i32
        %dma_start3A_116 = arith.constant 0 : i32
        %dma_start3A_117 = tpu.memref_slice %arg9[%dma_start3A_115, %dma_start3A_116] : memref<128x64xf32, #tpu.memory_space<vmem>> -> memref<128x64xf32, #tpu.memory_space<vmem>>
        %dma_start3A_118 = arith.constant 0 : i32
        %dma_start3A_119 = tpu.memref_slice %arg6[%arg0, %add3A_82, %dma_start3A_118] : memref<2x10000x64xf32, #tpu.memory_space<hbm>> -> memref<1x128x64xf32, #tpu.memory_space<hbm>>
        %dma_start3A_120 = tpu.memref_squeeze %dma_start3A_119 : memref<1x128x64xf32, #tpu.memory_space<hbm>> -> memref<128x64xf32, #tpu.memory_space<hbm>>
        %dma_start3A_121 = arith.constant 0 : i32
        %dma_start3A_122 = tpu.memref_slice %arg6[%arg0, %add3A_82, %dma_start3A_121] : memref<2x10000x64xf32, #tpu.memory_space<hbm>> -> memref<1x128x64xf32, #tpu.memory_space<hbm>>
        %dma_start3A_123 = tpu.memref_squeeze %dma_start3A_122 : memref<1x128x64xf32, #tpu.memory_space<hbm>> -> memref<128x64xf32, #tpu.memory_space<hbm>>
        %dma_start3A_124 = arith.constant 0 : i32
        %dma_start3A_125 = arith.constant 0 : i32
        %dma_start3A_126 = tpu.memref_slice %arg9[%dma_start3A_124, %dma_start3A_125] : memref<128x64xf32, #tpu.memory_space<vmem>> -> memref<128x64xf32, #tpu.memory_space<vmem>>
        tpu.enqueue_dma source(%dma_start3A_126 : memref<128x64xf32, #tpu.memory_space<vmem>>) target(%dma_start3A_123 : memref<128x64xf32, #tpu.memory_space<hbm>>) target_semaphore(%run_scoped3A : memref<!tpu.dma_semaphore, #tpu.memory_space<semaphore_mem>>)
        %dma_wait3A_127 = arith.constant 0 : i32
        %dma_wait3A_128 = arith.constant 0 : i32
        %dma_wait3A_129 = tpu.memref_slice %arg9[%dma_wait3A_127, %dma_wait3A_128] : memref<128x64xf32, #tpu.memory_space<vmem>> -> memref<128x64xf32, #tpu.memory_space<vmem>>
        %dma_wait3A_130 = arith.constant 0 : i32
        %dma_wait3A_131 = tpu.memref_slice %arg6[%arg0, %add3A_82, %dma_wait3A_130] : memref<2x10000x64xf32, #tpu.memory_space<hbm>> -> memref<1x128x64xf32, #tpu.memory_space<hbm>>
        %dma_wait3A_132 = tpu.memref_squeeze %dma_wait3A_131 : memref<1x128x64xf32, #tpu.memory_space<hbm>> -> memref<128x64xf32, #tpu.memory_space<hbm>>
        %dma_wait3A_133 = arith.constant 0 : i32
        %dma_wait3A_134 = tpu.memref_slice %arg6[%arg0, %add3A_82, %dma_wait3A_133] : memref<2x10000x64xf32, #tpu.memory_space<hbm>> -> memref<1x128x64xf32, #tpu.memory_space<hbm>>
        %dma_wait3A_135 = tpu.memref_squeeze %dma_wait3A_134 : memref<1x128x64xf32, #tpu.memory_space<hbm>> -> memref<128x64xf32, #tpu.memory_space<hbm>>
        %dma_wait3A_136 = arith.constant 0 : i32
        %dma_wait3A_137 = arith.constant 0 : i32
        %dma_wait3A_138 = tpu.memref_slice %arg9[%dma_wait3A_136, %dma_wait3A_137] : memref<128x64xf32, #tpu.memory_space<vmem>> -> memref<128x64xf32, #tpu.memory_space<vmem>>
        tpu.wait_dma2 semaphore(%run_scoped3A : memref<!tpu.dma_semaphore, #tpu.memory_space<semaphore_mem>>) src(%dma_wait3A_138 : memref<128x64xf32, #tpu.memory_space<vmem>>) dst(%dma_wait3A_135 : memref<128x64xf32, #tpu.memory_space<hbm>>)
        tpu.yield
      }) : () -> ()
      %mul3A_83 = arith.constant 632 : i32
      %mul3A_84 = arith.muli %arg1, %mul3A_83 : i32
      %add3A_85 = arith.constant 128 : i32
      %add3A_86 = arith.addi %mul3A_84, %add3A_85 : i32
      "tpu.region"() ({
        %run_scoped3A = tpu.sem_alloc : memref<!tpu.dma_semaphore, #tpu.memory_space<semaphore_mem>>
        %dma_start3A_115 = arith.constant 0 : i32
        %dma_start3A_116 = arith.constant 0 : i32
        %dma_start3A_117 = tpu.memref_slice %arg9[%dma_start3A_115, %dma_start3A_116] : memref<128x64xf32, #tpu.memory_space<vmem>> -> memref<128x64xf32, #tpu.memory_space<vmem>>
        %dma_start3A_118 = arith.constant 0 : i32
        %dma_start3A_119 = tpu.memref_slice %arg15[%add3A_86, %dma_start3A_118] : memref<10112x64xf32, #tpu.memory_space<vmem_shared>> -> memref<128x64xf32, #tpu.memory_space<vmem_shared>>
        %dma_start3A_120 = arith.constant 0 : i32
        %dma_start3A_121 = arith.constant 0 : i32
        %dma_start3A_122 = tpu.memref_slice %arg9[%dma_start3A_120, %dma_start3A_121] : memref<128x64xf32, #tpu.memory_space<vmem>> -> memref<128x64xf32, #tpu.memory_space<vmem>>
        %dma_start3A_123 = arith.constant 0 : i32
        %dma_start3A_124 = tpu.memref_slice %arg15[%add3A_86, %dma_start3A_123] : memref<10112x64xf32, #tpu.memory_space<vmem_shared>> -> memref<128x64xf32, #tpu.memory_space<vmem_shared>>
        tpu.enqueue_dma source(%dma_start3A_124 : memref<128x64xf32, #tpu.memory_space<vmem_shared>>) target(%dma_start3A_122 : memref<128x64xf32, #tpu.memory_space<vmem>>) target_semaphore(%run_scoped3A : memref<!tpu.dma_semaphore, #tpu.memory_space<semaphore_mem>>)
        %dma_wait3A_125 = arith.constant 0 : i32
        %dma_wait3A_126 = arith.constant 0 : i32
        %dma_wait3A_127 = tpu.memref_slice %arg9[%dma_wait3A_125, %dma_wait3A_126] : memref<128x64xf32, #tpu.memory_space<vmem>> -> memref<128x64xf32, #tpu.memory_space<vmem>>
        %dma_wait3A_128 = arith.constant 0 : i32
        %dma_wait3A_129 = tpu.memref_slice %arg15[%add3A_86, %dma_wait3A_128] : memref<10112x64xf32, #tpu.memory_space<vmem_shared>> -> memref<128x64xf32, #tpu.memory_space<vmem_shared>>
        %dma_wait3A_130 = arith.constant 0 : i32
        %dma_wait3A_131 = arith.constant 0 : i32
        %dma_wait3A_132 = tpu.memref_slice %arg9[%dma_wait3A_130, %dma_wait3A_131] : memref<128x64xf32, #tpu.memory_space<vmem>> -> memref<128x64xf32, #tpu.memory_space<vmem>>
        %dma_wait3A_133 = arith.constant 0 : i32
        %dma_wait3A_134 = tpu.memref_slice %arg15[%add3A_86, %dma_wait3A_133] : memref<10112x64xf32, #tpu.memory_space<vmem_shared>> -> memref<128x64xf32, #tpu.memory_space<vmem_shared>>
        tpu.wait_dma2 semaphore(%run_scoped3A : memref<!tpu.dma_semaphore, #tpu.memory_space<semaphore_mem>>) src(%dma_wait3A_134 : memref<128x64xf32, #tpu.memory_space<vmem_shared>>) dst(%dma_wait3A_132 : memref<128x64xf32, #tpu.memory_space<vmem>>)
        tpu.yield
      }) : () -> ()
      %mul3A_87 = arith.constant 632 : i32
      %mul3A_88 = arith.muli %arg1, %mul3A_87 : i32
      %add3A_89 = arith.constant 128 : i32
      %add3A_90 = arith.addi %mul3A_88, %add3A_89 : i32
      "tpu.region"() ({
        %run_scoped3A = tpu.sem_alloc : memref<!tpu.dma_semaphore, #tpu.memory_space<semaphore_mem>>
        %dma_start3A_115 = arith.constant 0 : i32
        %dma_start3A_116 = arith.constant 0 : i32
        %dma_start3A_117 = tpu.memref_slice %arg9[%dma_start3A_115, %dma_start3A_116] : memref<128x64xf32, #tpu.memory_space<vmem>> -> memref<128x64xf32, #tpu.memory_space<vmem>>
        %dma_start3A_118 = arith.constant 0 : i32
        %dma_start3A_119 = tpu.memref_slice %arg6[%arg0, %add3A_90, %dma_start3A_118] : memref<2x10000x64xf32, #tpu.memory_space<hbm>> -> memref<1x128x64xf32, #tpu.memory_space<hbm>>
        %dma_start3A_120 = tpu.memref_squeeze %dma_start3A_119 : memref<1x128x64xf32, #tpu.memory_space<hbm>> -> memref<128x64xf32, #tpu.memory_space<hbm>>
        %dma_start3A_121 = arith.constant 0 : i32
        %dma_start3A_122 = tpu.memref_slice %arg6[%arg0, %add3A_90, %dma_start3A_121] : memref<2x10000x64xf32, #tpu.memory_space<hbm>> -> memref<1x128x64xf32, #tpu.memory_space<hbm>>
        %dma_start3A_123 = tpu.memref_squeeze %dma_start3A_122 : memref<1x128x64xf32, #tpu.memory_space<hbm>> -> memref<128x64xf32, #tpu.memory_space<hbm>>
        %dma_start3A_124 = arith.constant 0 : i32
        %dma_start3A_125 = arith.constant 0 : i32
        %dma_start3A_126 = tpu.memref_slice %arg9[%dma_start3A_124, %dma_start3A_125] : memref<128x64xf32, #tpu.memory_space<vmem>> -> memref<128x64xf32, #tpu.memory_space<vmem>>
        tpu.enqueue_dma source(%dma_start3A_126 : memref<128x64xf32, #tpu.memory_space<vmem>>) target(%dma_start3A_123 : memref<128x64xf32, #tpu.memory_space<hbm>>) target_semaphore(%run_scoped3A : memref<!tpu.dma_semaphore, #tpu.memory_space<semaphore_mem>>)
        %dma_wait3A_127 = arith.constant 0 : i32
        %dma_wait3A_128 = arith.constant 0 : i32
        %dma_wait3A_129 = tpu.memref_slice %arg9[%dma_wait3A_127, %dma_wait3A_128] : memref<128x64xf32, #tpu.memory_space<vmem>> -> memref<128x64xf32, #tpu.memory_space<vmem>>
        %dma_wait3A_130 = arith.constant 0 : i32
        %dma_wait3A_131 = tpu.memref_slice %arg6[%arg0, %add3A_90, %dma_wait3A_130] : memref<2x10000x64xf32, #tpu.memory_space<hbm>> -> memref<1x128x64xf32, #tpu.memory_space<hbm>>
        %dma_wait3A_132 = tpu.memref_squeeze %dma_wait3A_131 : memref<1x128x64xf32, #tpu.memory_space<hbm>> -> memref<128x64xf32, #tpu.memory_space<hbm>>
        %dma_wait3A_133 = arith.constant 0 : i32
        %dma_wait3A_134 = tpu.memref_slice %arg6[%arg0, %add3A_90, %dma_wait3A_133] : memref<2x10000x64xf32, #tpu.memory_space<hbm>> -> memref<1x128x64xf32, #tpu.memory_space<hbm>>
        %dma_wait3A_135 = tpu.memref_squeeze %dma_wait3A_134 : memref<1x128x64xf32, #tpu.memory_space<hbm>> -> memref<128x64xf32, #tpu.memory_space<hbm>>
        %dma_wait3A_136 = arith.constant 0 : i32
        %dma_wait3A_137 = arith.constant 0 : i32
        %dma_wait3A_138 = tpu.memref_slice %arg9[%dma_wait3A_136, %dma_wait3A_137] : memref<128x64xf32, #tpu.memory_space<vmem>> -> memref<128x64xf32, #tpu.memory_space<vmem>>
        tpu.wait_dma2 semaphore(%run_scoped3A : memref<!tpu.dma_semaphore, #tpu.memory_space<semaphore_mem>>) src(%dma_wait3A_138 : memref<128x64xf32, #tpu.memory_space<vmem>>) dst(%dma_wait3A_135 : memref<128x64xf32, #tpu.memory_space<hbm>>)
        tpu.yield
      }) : () -> ()
      %mul3A_91 = arith.constant 632 : i32
      %mul3A_92 = arith.muli %arg1, %mul3A_91 : i32
      %add3A_93 = arith.constant 256 : i32
      %add3A_94 = arith.addi %mul3A_92, %add3A_93 : i32
      "tpu.region"() ({
        %run_scoped3A = tpu.sem_alloc : memref<!tpu.dma_semaphore, #tpu.memory_space<semaphore_mem>>
        %dma_start3A_115 = arith.constant 0 : i32
        %dma_start3A_116 = arith.constant 0 : i32
        %dma_start3A_117 = tpu.memref_slice %arg9[%dma_start3A_115, %dma_start3A_116] : memref<128x64xf32, #tpu.memory_space<vmem>> -> memref<128x64xf32, #tpu.memory_space<vmem>>
        %dma_start3A_118 = arith.constant 0 : i32
        %dma_start3A_119 = tpu.memref_slice %arg15[%add3A_94, %dma_start3A_118] : memref<10112x64xf32, #tpu.memory_space<vmem_shared>> -> memref<128x64xf32, #tpu.memory_space<vmem_shared>>
        %dma_start3A_120 = arith.constant 0 : i32
        %dma_start3A_121 = arith.constant 0 : i32
        %dma_start3A_122 = tpu.memref_slice %arg9[%dma_start3A_120, %dma_start3A_121] : memref<128x64xf32, #tpu.memory_space<vmem>> -> memref<128x64xf32, #tpu.memory_space<vmem>>
        %dma_start3A_123 = arith.constant 0 : i32
        %dma_start3A_124 = tpu.memref_slice %arg15[%add3A_94, %dma_start3A_123] : memref<10112x64xf32, #tpu.memory_space<vmem_shared>> -> memref<128x64xf32, #tpu.memory_space<vmem_shared>>
        tpu.enqueue_dma source(%dma_start3A_124 : memref<128x64xf32, #tpu.memory_space<vmem_shared>>) target(%dma_start3A_122 : memref<128x64xf32, #tpu.memory_space<vmem>>) target_semaphore(%run_scoped3A : memref<!tpu.dma_semaphore, #tpu.memory_space<semaphore_mem>>)
        %dma_wait3A_125 = arith.constant 0 : i32
        %dma_wait3A_126 = arith.constant 0 : i32
        %dma_wait3A_127 = tpu.memref_slice %arg9[%dma_wait3A_125, %dma_wait3A_126] : memref<128x64xf32, #tpu.memory_space<vmem>> -> memref<128x64xf32, #tpu.memory_space<vmem>>
        %dma_wait3A_128 = arith.constant 0 : i32
        %dma_wait3A_129 = tpu.memref_slice %arg15[%add3A_94, %dma_wait3A_128] : memref<10112x64xf32, #tpu.memory_space<vmem_shared>> -> memref<128x64xf32, #tpu.memory_space<vmem_shared>>
        %dma_wait3A_130 = arith.constant 0 : i32
        %dma_wait3A_131 = arith.constant 0 : i32
        %dma_wait3A_132 = tpu.memref_slice %arg9[%dma_wait3A_130, %dma_wait3A_131] : memref<128x64xf32, #tpu.memory_space<vmem>> -> memref<128x64xf32, #tpu.memory_space<vmem>>
        %dma_wait3A_133 = arith.constant 0 : i32
        %dma_wait3A_134 = tpu.memref_slice %arg15[%add3A_94, %dma_wait3A_133] : memref<10112x64xf32, #tpu.memory_space<vmem_shared>> -> memref<128x64xf32, #tpu.memory_space<vmem_shared>>
        tpu.wait_dma2 semaphore(%run_scoped3A : memref<!tpu.dma_semaphore, #tpu.memory_space<semaphore_mem>>) src(%dma_wait3A_134 : memref<128x64xf32, #tpu.memory_space<vmem_shared>>) dst(%dma_wait3A_132 : memref<128x64xf32, #tpu.memory_space<vmem>>)
        tpu.yield
      }) : () -> ()
      %mul3A_95 = arith.constant 632 : i32
      %mul3A_96 = arith.muli %arg1, %mul3A_95 : i32
      %add3A_97 = arith.constant 256 : i32
      %add3A_98 = arith.addi %mul3A_96, %add3A_97 : i32
      "tpu.region"() ({
        %run_scoped3A = tpu.sem_alloc : memref<!tpu.dma_semaphore, #tpu.memory_space<semaphore_mem>>
        %dma_start3A_115 = arith.constant 0 : i32
        %dma_start3A_116 = arith.constant 0 : i32
        %dma_start3A_117 = tpu.memref_slice %arg9[%dma_start3A_115, %dma_start3A_116] : memref<128x64xf32, #tpu.memory_space<vmem>> -> memref<128x64xf32, #tpu.memory_space<vmem>>
        %dma_start3A_118 = arith.constant 0 : i32
        %dma_start3A_119 = tpu.memref_slice %arg6[%arg0, %add3A_98, %dma_start3A_118] : memref<2x10000x64xf32, #tpu.memory_space<hbm>> -> memref<1x128x64xf32, #tpu.memory_space<hbm>>
        %dma_start3A_120 = tpu.memref_squeeze %dma_start3A_119 : memref<1x128x64xf32, #tpu.memory_space<hbm>> -> memref<128x64xf32, #tpu.memory_space<hbm>>
        %dma_start3A_121 = arith.constant 0 : i32
        %dma_start3A_122 = tpu.memref_slice %arg6[%arg0, %add3A_98, %dma_start3A_121] : memref<2x10000x64xf32, #tpu.memory_space<hbm>> -> memref<1x128x64xf32, #tpu.memory_space<hbm>>
        %dma_start3A_123 = tpu.memref_squeeze %dma_start3A_122 : memref<1x128x64xf32, #tpu.memory_space<hbm>> -> memref<128x64xf32, #tpu.memory_space<hbm>>
        %dma_start3A_124 = arith.constant 0 : i32
        %dma_start3A_125 = arith.constant 0 : i32
        %dma_start3A_126 = tpu.memref_slice %arg9[%dma_start3A_124, %dma_start3A_125] : memref<128x64xf32, #tpu.memory_space<vmem>> -> memref<128x64xf32, #tpu.memory_space<vmem>>
        tpu.enqueue_dma source(%dma_start3A_126 : memref<128x64xf32, #tpu.memory_space<vmem>>) target(%dma_start3A_123 : memref<128x64xf32, #tpu.memory_space<hbm>>) target_semaphore(%run_scoped3A : memref<!tpu.dma_semaphore, #tpu.memory_space<semaphore_mem>>)
        %dma_wait3A_127 = arith.constant 0 : i32
        %dma_wait3A_128 = arith.constant 0 : i32
        %dma_wait3A_129 = tpu.memref_slice %arg9[%dma_wait3A_127, %dma_wait3A_128] : memref<128x64xf32, #tpu.memory_space<vmem>> -> memref<128x64xf32, #tpu.memory_space<vmem>>
        %dma_wait3A_130 = arith.constant 0 : i32
        %dma_wait3A_131 = tpu.memref_slice %arg6[%arg0, %add3A_98, %dma_wait3A_130] : memref<2x10000x64xf32, #tpu.memory_space<hbm>> -> memref<1x128x64xf32, #tpu.memory_space<hbm>>
        %dma_wait3A_132 = tpu.memref_squeeze %dma_wait3A_131 : memref<1x128x64xf32, #tpu.memory_space<hbm>> -> memref<128x64xf32, #tpu.memory_space<hbm>>
        %dma_wait3A_133 = arith.constant 0 : i32
        %dma_wait3A_134 = tpu.memref_slice %arg6[%arg0, %add3A_98, %dma_wait3A_133] : memref<2x10000x64xf32, #tpu.memory_space<hbm>> -> memref<1x128x64xf32, #tpu.memory_space<hbm>>
        %dma_wait3A_135 = tpu.memref_squeeze %dma_wait3A_134 : memref<1x128x64xf32, #tpu.memory_space<hbm>> -> memref<128x64xf32, #tpu.memory_space<hbm>>
        %dma_wait3A_136 = arith.constant 0 : i32
        %dma_wait3A_137 = arith.constant 0 : i32
        %dma_wait3A_138 = tpu.memref_slice %arg9[%dma_wait3A_136, %dma_wait3A_137] : memref<128x64xf32, #tpu.memory_space<vmem>> -> memref<128x64xf32, #tpu.memory_space<vmem>>
        tpu.wait_dma2 semaphore(%run_scoped3A : memref<!tpu.dma_semaphore, #tpu.memory_space<semaphore_mem>>) src(%dma_wait3A_138 : memref<128x64xf32, #tpu.memory_space<vmem>>) dst(%dma_wait3A_135 : memref<128x64xf32, #tpu.memory_space<hbm>>)
        tpu.yield
      }) : () -> ()
      %mul3A_99 = arith.constant 632 : i32
      %mul3A_100 = arith.muli %arg1, %mul3A_99 : i32
      %add3A_101 = arith.constant 384 : i32
      %add3A_102 = arith.addi %mul3A_100, %add3A_101 : i32
      "tpu.region"() ({
        %run_scoped3A = tpu.sem_alloc : memref<!tpu.dma_semaphore, #tpu.memory_space<semaphore_mem>>
        %dma_start3A_115 = arith.constant 0 : i32
        %dma_start3A_116 = arith.constant 0 : i32
        %dma_start3A_117 = tpu.memref_slice %arg9[%dma_start3A_115, %dma_start3A_116] : memref<128x64xf32, #tpu.memory_space<vmem>> -> memref<128x64xf32, #tpu.memory_space<vmem>>
        %dma_start3A_118 = arith.constant 0 : i32
        %dma_start3A_119 = tpu.memref_slice %arg15[%add3A_102, %dma_start3A_118] : memref<10112x64xf32, #tpu.memory_space<vmem_shared>> -> memref<128x64xf32, #tpu.memory_space<vmem_shared>>
        %dma_start3A_120 = arith.constant 0 : i32
        %dma_start3A_121 = arith.constant 0 : i32
        %dma_start3A_122 = tpu.memref_slice %arg9[%dma_start3A_120, %dma_start3A_121] : memref<128x64xf32, #tpu.memory_space<vmem>> -> memref<128x64xf32, #tpu.memory_space<vmem>>
        %dma_start3A_123 = arith.constant 0 : i32
        %dma_start3A_124 = tpu.memref_slice %arg15[%add3A_102, %dma_start3A_123] : memref<10112x64xf32, #tpu.memory_space<vmem_shared>> -> memref<128x64xf32, #tpu.memory_space<vmem_shared>>
        tpu.enqueue_dma source(%dma_start3A_124 : memref<128x64xf32, #tpu.memory_space<vmem_shared>>) target(%dma_start3A_122 : memref<128x64xf32, #tpu.memory_space<vmem>>) target_semaphore(%run_scoped3A : memref<!tpu.dma_semaphore, #tpu.memory_space<semaphore_mem>>)
        %dma_wait3A_125 = arith.constant 0 : i32
        %dma_wait3A_126 = arith.constant 0 : i32
        %dma_wait3A_127 = tpu.memref_slice %arg9[%dma_wait3A_125, %dma_wait3A_126] : memref<128x64xf32, #tpu.memory_space<vmem>> -> memref<128x64xf32, #tpu.memory_space<vmem>>
        %dma_wait3A_128 = arith.constant 0 : i32
        %dma_wait3A_129 = tpu.memref_slice %arg15[%add3A_102, %dma_wait3A_128] : memref<10112x64xf32, #tpu.memory_space<vmem_shared>> -> memref<128x64xf32, #tpu.memory_space<vmem_shared>>
        %dma_wait3A_130 = arith.constant 0 : i32
        %dma_wait3A_131 = arith.constant 0 : i32
        %dma_wait3A_132 = tpu.memref_slice %arg9[%dma_wait3A_130, %dma_wait3A_131] : memref<128x64xf32, #tpu.memory_space<vmem>> -> memref<128x64xf32, #tpu.memory_space<vmem>>
        %dma_wait3A_133 = arith.constant 0 : i32
        %dma_wait3A_134 = tpu.memref_slice %arg15[%add3A_102, %dma_wait3A_133] : memref<10112x64xf32, #tpu.memory_space<vmem_shared>> -> memref<128x64xf32, #tpu.memory_space<vmem_shared>>
        tpu.wait_dma2 semaphore(%run_scoped3A : memref<!tpu.dma_semaphore, #tpu.memory_space<semaphore_mem>>) src(%dma_wait3A_134 : memref<128x64xf32, #tpu.memory_space<vmem_shared>>) dst(%dma_wait3A_132 : memref<128x64xf32, #tpu.memory_space<vmem>>)
        tpu.yield
      }) : () -> ()
      %mul3A_103 = arith.constant 632 : i32
      %mul3A_104 = arith.muli %arg1, %mul3A_103 : i32
      %add3A_105 = arith.constant 384 : i32
      %add3A_106 = arith.addi %mul3A_104, %add3A_105 : i32
      "tpu.region"() ({
        %run_scoped3A = tpu.sem_alloc : memref<!tpu.dma_semaphore, #tpu.memory_space<semaphore_mem>>
        %dma_start3A_115 = arith.constant 0 : i32
        %dma_start3A_116 = arith.constant 0 : i32
        %dma_start3A_117 = tpu.memref_slice %arg9[%dma_start3A_115, %dma_start3A_116] : memref<128x64xf32, #tpu.memory_space<vmem>> -> memref<128x64xf32, #tpu.memory_space<vmem>>
        %dma_start3A_118 = arith.constant 0 : i32
        %dma_start3A_119 = tpu.memref_slice %arg6[%arg0, %add3A_106, %dma_start3A_118] : memref<2x10000x64xf32, #tpu.memory_space<hbm>> -> memref<1x128x64xf32, #tpu.memory_space<hbm>>
        %dma_start3A_120 = tpu.memref_squeeze %dma_start3A_119 : memref<1x128x64xf32, #tpu.memory_space<hbm>> -> memref<128x64xf32, #tpu.memory_space<hbm>>
        %dma_start3A_121 = arith.constant 0 : i32
        %dma_start3A_122 = tpu.memref_slice %arg6[%arg0, %add3A_106, %dma_start3A_121] : memref<2x10000x64xf32, #tpu.memory_space<hbm>> -> memref<1x128x64xf32, #tpu.memory_space<hbm>>
        %dma_start3A_123 = tpu.memref_squeeze %dma_start3A_122 : memref<1x128x64xf32, #tpu.memory_space<hbm>> -> memref<128x64xf32, #tpu.memory_space<hbm>>
        %dma_start3A_124 = arith.constant 0 : i32
        %dma_start3A_125 = arith.constant 0 : i32
        %dma_start3A_126 = tpu.memref_slice %arg9[%dma_start3A_124, %dma_start3A_125] : memref<128x64xf32, #tpu.memory_space<vmem>> -> memref<128x64xf32, #tpu.memory_space<vmem>>
        tpu.enqueue_dma source(%dma_start3A_126 : memref<128x64xf32, #tpu.memory_space<vmem>>) target(%dma_start3A_123 : memref<128x64xf32, #tpu.memory_space<hbm>>) target_semaphore(%run_scoped3A : memref<!tpu.dma_semaphore, #tpu.memory_space<semaphore_mem>>)
        %dma_wait3A_127 = arith.constant 0 : i32
        %dma_wait3A_128 = arith.constant 0 : i32
        %dma_wait3A_129 = tpu.memref_slice %arg9[%dma_wait3A_127, %dma_wait3A_128] : memref<128x64xf32, #tpu.memory_space<vmem>> -> memref<128x64xf32, #tpu.memory_space<vmem>>
        %dma_wait3A_130 = arith.constant 0 : i32
        %dma_wait3A_131 = tpu.memref_slice %arg6[%arg0, %add3A_106, %dma_wait3A_130] : memref<2x10000x64xf32, #tpu.memory_space<hbm>> -> memref<1x128x64xf32, #tpu.memory_space<hbm>>
        %dma_wait3A_132 = tpu.memref_squeeze %dma_wait3A_131 : memref<1x128x64xf32, #tpu.memory_space<hbm>> -> memref<128x64xf32, #tpu.memory_space<hbm>>
        %dma_wait3A_133 = arith.constant 0 : i32
        %dma_wait3A_134 = tpu.memref_slice %arg6[%arg0, %add3A_106, %dma_wait3A_133] : memref<2x10000x64xf32, #tpu.memory_space<hbm>> -> memref<1x128x64xf32, #tpu.memory_space<hbm>>
        %dma_wait3A_135 = tpu.memref_squeeze %dma_wait3A_134 : memref<1x128x64xf32, #tpu.memory_space<hbm>> -> memref<128x64xf32, #tpu.memory_space<hbm>>
        %dma_wait3A_136 = arith.constant 0 : i32
        %dma_wait3A_137 = arith.constant 0 : i32
        %dma_wait3A_138 = tpu.memref_slice %arg9[%dma_wait3A_136, %dma_wait3A_137] : memref<128x64xf32, #tpu.memory_space<vmem>> -> memref<128x64xf32, #tpu.memory_space<vmem>>
        tpu.wait_dma2 semaphore(%run_scoped3A : memref<!tpu.dma_semaphore, #tpu.memory_space<semaphore_mem>>) src(%dma_wait3A_138 : memref<128x64xf32, #tpu.memory_space<vmem>>) dst(%dma_wait3A_135 : memref<128x64xf32, #tpu.memory_space<hbm>>)
        tpu.yield
      }) : () -> ()
      %mul3A_107 = arith.constant 632 : i32
      %mul3A_108 = arith.muli %arg1, %mul3A_107 : i32
      %add3A_109 = arith.constant 512 : i32
      %add3A_110 = arith.addi %mul3A_108, %add3A_109 : i32
      "tpu.region"() ({
        %run_scoped3A = tpu.sem_alloc : memref<!tpu.dma_semaphore, #tpu.memory_space<semaphore_mem>>
        %dma_start3A_115 = arith.constant 0 : i32
        %dma_start3A_116 = arith.constant 0 : i32
        %dma_start3A_117 = tpu.memref_slice %arg9[%dma_start3A_115, %dma_start3A_116] : memref<128x64xf32, #tpu.memory_space<vmem>> -> memref<120x64xf32, #tpu.memory_space<vmem>>
        %dma_start3A_118 = arith.constant 0 : i32
        %dma_start3A_119 = tpu.memref_slice %arg15[%add3A_110, %dma_start3A_118] : memref<10112x64xf32, #tpu.memory_space<vmem_shared>> -> memref<120x64xf32, #tpu.memory_space<vmem_shared>>
        %dma_start3A_120 = arith.constant 0 : i32
        %dma_start3A_121 = arith.constant 0 : i32
        %dma_start3A_122 = tpu.memref_slice %arg9[%dma_start3A_120, %dma_start3A_121] : memref<128x64xf32, #tpu.memory_space<vmem>> -> memref<120x64xf32, #tpu.memory_space<vmem>>
        %dma_start3A_123 = arith.constant 0 : i32
        %dma_start3A_124 = tpu.memref_slice %arg15[%add3A_110, %dma_start3A_123] : memref<10112x64xf32, #tpu.memory_space<vmem_shared>> -> memref<120x64xf32, #tpu.memory_space<vmem_shared>>
        tpu.enqueue_dma source(%dma_start3A_124 : memref<120x64xf32, #tpu.memory_space<vmem_shared>>) target(%dma_start3A_122 : memref<120x64xf32, #tpu.memory_space<vmem>>) target_semaphore(%run_scoped3A : memref<!tpu.dma_semaphore, #tpu.memory_space<semaphore_mem>>)
        %dma_wait3A_125 = arith.constant 0 : i32
        %dma_wait3A_126 = arith.constant 0 : i32
        %dma_wait3A_127 = tpu.memref_slice %arg9[%dma_wait3A_125, %dma_wait3A_126] : memref<128x64xf32, #tpu.memory_space<vmem>> -> memref<120x64xf32, #tpu.memory_space<vmem>>
        %dma_wait3A_128 = arith.constant 0 : i32
        %dma_wait3A_129 = tpu.memref_slice %arg15[%add3A_110, %dma_wait3A_128] : memref<10112x64xf32, #tpu.memory_space<vmem_shared>> -> memref<120x64xf32, #tpu.memory_space<vmem_shared>>
        %dma_wait3A_130 = arith.constant 0 : i32
        %dma_wait3A_131 = arith.constant 0 : i32
        %dma_wait3A_132 = tpu.memref_slice %arg9[%dma_wait3A_130, %dma_wait3A_131] : memref<128x64xf32, #tpu.memory_space<vmem>> -> memref<120x64xf32, #tpu.memory_space<vmem>>
        %dma_wait3A_133 = arith.constant 0 : i32
        %dma_wait3A_134 = tpu.memref_slice %arg15[%add3A_110, %dma_wait3A_133] : memref<10112x64xf32, #tpu.memory_space<vmem_shared>> -> memref<120x64xf32, #tpu.memory_space<vmem_shared>>
        tpu.wait_dma2 semaphore(%run_scoped3A : memref<!tpu.dma_semaphore, #tpu.memory_space<semaphore_mem>>) src(%dma_wait3A_134 : memref<120x64xf32, #tpu.memory_space<vmem_shared>>) dst(%dma_wait3A_132 : memref<120x64xf32, #tpu.memory_space<vmem>>)
        tpu.yield
      }) : () -> ()
      %mul3A_111 = arith.constant 632 : i32
      %mul3A_112 = arith.muli %arg1, %mul3A_111 : i32
      %add3A_113 = arith.constant 512 : i32
      %add3A_114 = arith.addi %mul3A_112, %add3A_113 : i32
      "tpu.region"() ({
        %run_scoped3A = tpu.sem_alloc : memref<!tpu.dma_semaphore, #tpu.memory_space<semaphore_mem>>
        %dma_start3A_115 = arith.constant 0 : i32
        %dma_start3A_116 = arith.constant 0 : i32
        %dma_start3A_117 = tpu.memref_slice %arg9[%dma_start3A_115, %dma_start3A_116] : memref<128x64xf32, #tpu.memory_space<vmem>> -> memref<120x64xf32, #tpu.memory_space<vmem>>
        %dma_start3A_118 = arith.constant 0 : i32
        %dma_start3A_119 = tpu.memref_slice %arg6[%arg0, %add3A_114, %dma_start3A_118] : memref<2x10000x64xf32, #tpu.memory_space<hbm>> -> memref<1x120x64xf32, #tpu.memory_space<hbm>>
        %dma_start3A_120 = tpu.memref_squeeze %dma_start3A_119 : memref<1x120x64xf32, #tpu.memory_space<hbm>> -> memref<120x64xf32, #tpu.memory_space<hbm>>
        %dma_start3A_121 = arith.constant 0 : i32
        %dma_start3A_122 = tpu.memref_slice %arg6[%arg0, %add3A_114, %dma_start3A_121] : memref<2x10000x64xf32, #tpu.memory_space<hbm>> -> memref<1x120x64xf32, #tpu.memory_space<hbm>>
        %dma_start3A_123 = tpu.memref_squeeze %dma_start3A_122 : memref<1x120x64xf32, #tpu.memory_space<hbm>> -> memref<120x64xf32, #tpu.memory_space<hbm>>
        %dma_start3A_124 = arith.constant 0 : i32
        %dma_start3A_125 = arith.constant 0 : i32
        %dma_start3A_126 = tpu.memref_slice %arg9[%dma_start3A_124, %dma_start3A_125] : memref<128x64xf32, #tpu.memory_space<vmem>> -> memref<120x64xf32, #tpu.memory_space<vmem>>
        tpu.enqueue_dma source(%dma_start3A_126 : memref<120x64xf32, #tpu.memory_space<vmem>>) target(%dma_start3A_123 : memref<120x64xf32, #tpu.memory_space<hbm>>) target_semaphore(%run_scoped3A : memref<!tpu.dma_semaphore, #tpu.memory_space<semaphore_mem>>)
        %dma_wait3A_127 = arith.constant 0 : i32
        %dma_wait3A_128 = arith.constant 0 : i32
        %dma_wait3A_129 = tpu.memref_slice %arg9[%dma_wait3A_127, %dma_wait3A_128] : memref<128x64xf32, #tpu.memory_space<vmem>> -> memref<120x64xf32, #tpu.memory_space<vmem>>
        %dma_wait3A_130 = arith.constant 0 : i32
        %dma_wait3A_131 = tpu.memref_slice %arg6[%arg0, %add3A_114, %dma_wait3A_130] : memref<2x10000x64xf32, #tpu.memory_space<hbm>> -> memref<1x120x64xf32, #tpu.memory_space<hbm>>
        %dma_wait3A_132 = tpu.memref_squeeze %dma_wait3A_131 : memref<1x120x64xf32, #tpu.memory_space<hbm>> -> memref<120x64xf32, #tpu.memory_space<hbm>>
        %dma_wait3A_133 = arith.constant 0 : i32
        %dma_wait3A_134 = tpu.memref_slice %arg6[%arg0, %add3A_114, %dma_wait3A_133] : memref<2x10000x64xf32, #tpu.memory_space<hbm>> -> memref<1x120x64xf32, #tpu.memory_space<hbm>>
        %dma_wait3A_135 = tpu.memref_squeeze %dma_wait3A_134 : memref<1x120x64xf32, #tpu.memory_space<hbm>> -> memref<120x64xf32, #tpu.memory_space<hbm>>
        %dma_wait3A_136 = arith.constant 0 : i32
        %dma_wait3A_137 = arith.constant 0 : i32
        %dma_wait3A_138 = tpu.memref_slice %arg9[%dma_wait3A_136, %dma_wait3A_137] : memref<128x64xf32, #tpu.memory_space<vmem>> -> memref<120x64xf32, #tpu.memory_space<vmem>>
        tpu.wait_dma2 semaphore(%run_scoped3A : memref<!tpu.dma_semaphore, #tpu.memory_space<semaphore_mem>>) src(%dma_wait3A_138 : memref<120x64xf32, #tpu.memory_space<vmem>>) dst(%dma_wait3A_135 : memref<120x64xf32, #tpu.memory_space<hbm>>)
        tpu.yield
      }) : () -> ()
    } else {
    }
    %eq3A = arith.constant 15 : i32
    %eq3A_71 = arith.cmpi eq, %arg1, %eq3A : i32
    %convert_element_type3A_72 = arith.extui %eq3A_71 : i1 to i32
    %cond3A_73 = arith.constant 0 : i32
    %cond3A_74 = arith.cmpi ne, %convert_element_type3A_72, %cond3A_73 : i32
    scf.if %cond3A_74 {
      %mul3A_75 = arith.constant 632 : i32
      %mul3A_76 = arith.muli %arg1, %mul3A_75 : i32
      %add3A_77 = arith.constant 0 : i32
      %add3A_78 = arith.addi %mul3A_76, %add3A_77 : i32
      "tpu.region"() ({
        %run_scoped3A = tpu.sem_alloc : memref<!tpu.dma_semaphore, #tpu.memory_space<semaphore_mem>>
        %dma_start3A_115 = arith.constant 0 : i32
        %dma_start3A_116 = arith.constant 0 : i32
        %dma_start3A_117 = tpu.memref_slice %arg9[%dma_start3A_115, %dma_start3A_116] : memref<128x64xf32, #tpu.memory_space<vmem>> -> memref<128x64xf32, #tpu.memory_space<vmem>>
        %dma_start3A_118 = arith.constant 0 : i32
        %dma_start3A_119 = tpu.memref_slice %arg15[%add3A_78, %dma_start3A_118] : memref<10112x64xf32, #tpu.memory_space<vmem_shared>> -> memref<128x64xf32, #tpu.memory_space<vmem_shared>>
        %dma_start3A_120 = arith.constant 0 : i32
        %dma_start3A_121 = arith.constant 0 : i32
        %dma_start3A_122 = tpu.memref_slice %arg9[%dma_start3A_120, %dma_start3A_121] : memref<128x64xf32, #tpu.memory_space<vmem>> -> memref<128x64xf32, #tpu.memory_space<vmem>>
        %dma_start3A_123 = arith.constant 0 : i32
        %dma_start3A_124 = tpu.memref_slice %arg15[%add3A_78, %dma_start3A_123] : memref<10112x64xf32, #tpu.memory_space<vmem_shared>> -> memref<128x64xf32, #tpu.memory_space<vmem_shared>>
        tpu.enqueue_dma source(%dma_start3A_124 : memref<128x64xf32, #tpu.memory_space<vmem_shared>>) target(%dma_start3A_122 : memref<128x64xf32, #tpu.memory_space<vmem>>) target_semaphore(%run_scoped3A : memref<!tpu.dma_semaphore, #tpu.memory_space<semaphore_mem>>)
        %dma_wait3A_125 = arith.constant 0 : i32
        %dma_wait3A_126 = arith.constant 0 : i32
        %dma_wait3A_127 = tpu.memref_slice %arg9[%dma_wait3A_125, %dma_wait3A_126] : memref<128x64xf32, #tpu.memory_space<vmem>> -> memref<128x64xf32, #tpu.memory_space<vmem>>
        %dma_wait3A_128 = arith.constant 0 : i32
        %dma_wait3A_129 = tpu.memref_slice %arg15[%add3A_78, %dma_wait3A_128] : memref<10112x64xf32, #tpu.memory_space<vmem_shared>> -> memref<128x64xf32, #tpu.memory_space<vmem_shared>>
        %dma_wait3A_130 = arith.constant 0 : i32
        %dma_wait3A_131 = arith.constant 0 : i32
        %dma_wait3A_132 = tpu.memref_slice %arg9[%dma_wait3A_130, %dma_wait3A_131] : memref<128x64xf32, #tpu.memory_space<vmem>> -> memref<128x64xf32, #tpu.memory_space<vmem>>
        %dma_wait3A_133 = arith.constant 0 : i32
        %dma_wait3A_134 = tpu.memref_slice %arg15[%add3A_78, %dma_wait3A_133] : memref<10112x64xf32, #tpu.memory_space<vmem_shared>> -> memref<128x64xf32, #tpu.memory_space<vmem_shared>>
        tpu.wait_dma2 semaphore(%run_scoped3A : memref<!tpu.dma_semaphore, #tpu.memory_space<semaphore_mem>>) src(%dma_wait3A_134 : memref<128x64xf32, #tpu.memory_space<vmem_shared>>) dst(%dma_wait3A_132 : memref<128x64xf32, #tpu.memory_space<vmem>>)
        tpu.yield
      }) : () -> ()
      %mul3A_79 = arith.constant 632 : i32
      %mul3A_80 = arith.muli %arg1, %mul3A_79 : i32
      %add3A_81 = arith.constant 0 : i32
      %add3A_82 = arith.addi %mul3A_80, %add3A_81 : i32
      "tpu.region"() ({
        %run_scoped3A = tpu.sem_alloc : memref<!tpu.dma_semaphore, #tpu.memory_space<semaphore_mem>>
        %dma_start3A_115 = arith.constant 0 : i32
        %dma_start3A_116 = arith.constant 0 : i32
        %dma_start3A_117 = tpu.memref_slice %arg9[%dma_start3A_115, %dma_start3A_116] : memref<128x64xf32, #tpu.memory_space<vmem>> -> memref<128x64xf32, #tpu.memory_space<vmem>>
        %dma_start3A_118 = arith.constant 0 : i32
        %dma_start3A_119 = tpu.memref_slice %arg6[%arg0, %add3A_82, %dma_start3A_118] : memref<2x10000x64xf32, #tpu.memory_space<hbm>> -> memref<1x128x64xf32, #tpu.memory_space<hbm>>
        %dma_start3A_120 = tpu.memref_squeeze %dma_start3A_119 : memref<1x128x64xf32, #tpu.memory_space<hbm>> -> memref<128x64xf32, #tpu.memory_space<hbm>>
        %dma_start3A_121 = arith.constant 0 : i32
        %dma_start3A_122 = tpu.memref_slice %arg6[%arg0, %add3A_82, %dma_start3A_121] : memref<2x10000x64xf32, #tpu.memory_space<hbm>> -> memref<1x128x64xf32, #tpu.memory_space<hbm>>
        %dma_start3A_123 = tpu.memref_squeeze %dma_start3A_122 : memref<1x128x64xf32, #tpu.memory_space<hbm>> -> memref<128x64xf32, #tpu.memory_space<hbm>>
        %dma_start3A_124 = arith.constant 0 : i32
        %dma_start3A_125 = arith.constant 0 : i32
        %dma_start3A_126 = tpu.memref_slice %arg9[%dma_start3A_124, %dma_start3A_125] : memref<128x64xf32, #tpu.memory_space<vmem>> -> memref<128x64xf32, #tpu.memory_space<vmem>>
        tpu.enqueue_dma source(%dma_start3A_126 : memref<128x64xf32, #tpu.memory_space<vmem>>) target(%dma_start3A_123 : memref<128x64xf32, #tpu.memory_space<hbm>>) target_semaphore(%run_scoped3A : memref<!tpu.dma_semaphore, #tpu.memory_space<semaphore_mem>>)
        %dma_wait3A_127 = arith.constant 0 : i32
        %dma_wait3A_128 = arith.constant 0 : i32
        %dma_wait3A_129 = tpu.memref_slice %arg9[%dma_wait3A_127, %dma_wait3A_128] : memref<128x64xf32, #tpu.memory_space<vmem>> -> memref<128x64xf32, #tpu.memory_space<vmem>>
        %dma_wait3A_130 = arith.constant 0 : i32
        %dma_wait3A_131 = tpu.memref_slice %arg6[%arg0, %add3A_82, %dma_wait3A_130] : memref<2x10000x64xf32, #tpu.memory_space<hbm>> -> memref<1x128x64xf32, #tpu.memory_space<hbm>>
        %dma_wait3A_132 = tpu.memref_squeeze %dma_wait3A_131 : memref<1x128x64xf32, #tpu.memory_space<hbm>> -> memref<128x64xf32, #tpu.memory_space<hbm>>
        %dma_wait3A_133 = arith.constant 0 : i32
        %dma_wait3A_134 = tpu.memref_slice %arg6[%arg0, %add3A_82, %dma_wait3A_133] : memref<2x10000x64xf32, #tpu.memory_space<hbm>> -> memref<1x128x64xf32, #tpu.memory_space<hbm>>
        %dma_wait3A_135 = tpu.memref_squeeze %dma_wait3A_134 : memref<1x128x64xf32, #tpu.memory_space<hbm>> -> memref<128x64xf32, #tpu.memory_space<hbm>>
        %dma_wait3A_136 = arith.constant 0 : i32
        %dma_wait3A_137 = arith.constant 0 : i32
        %dma_wait3A_138 = tpu.memref_slice %arg9[%dma_wait3A_136, %dma_wait3A_137] : memref<128x64xf32, #tpu.memory_space<vmem>> -> memref<128x64xf32, #tpu.memory_space<vmem>>
        tpu.wait_dma2 semaphore(%run_scoped3A : memref<!tpu.dma_semaphore, #tpu.memory_space<semaphore_mem>>) src(%dma_wait3A_138 : memref<128x64xf32, #tpu.memory_space<vmem>>) dst(%dma_wait3A_135 : memref<128x64xf32, #tpu.memory_space<hbm>>)
        tpu.yield
      }) : () -> ()
      %mul3A_83 = arith.constant 632 : i32
      %mul3A_84 = arith.muli %arg1, %mul3A_83 : i32
      %add3A_85 = arith.constant 128 : i32
      %add3A_86 = arith.addi %mul3A_84, %add3A_85 : i32
      "tpu.region"() ({
        %run_scoped3A = tpu.sem_alloc : memref<!tpu.dma_semaphore, #tpu.memory_space<semaphore_mem>>
        %dma_start3A_115 = arith.constant 0 : i32
        %dma_start3A_116 = arith.constant 0 : i32
        %dma_start3A_117 = tpu.memref_slice %arg9[%dma_start3A_115, %dma_start3A_116] : memref<128x64xf32, #tpu.memory_space<vmem>> -> memref<128x64xf32, #tpu.memory_space<vmem>>
        %dma_start3A_118 = arith.constant 0 : i32
        %dma_start3A_119 = tpu.memref_slice %arg15[%add3A_86, %dma_start3A_118] : memref<10112x64xf32, #tpu.memory_space<vmem_shared>> -> memref<128x64xf32, #tpu.memory_space<vmem_shared>>
        %dma_start3A_120 = arith.constant 0 : i32
        %dma_start3A_121 = arith.constant 0 : i32
        %dma_start3A_122 = tpu.memref_slice %arg9[%dma_start3A_120, %dma_start3A_121] : memref<128x64xf32, #tpu.memory_space<vmem>> -> memref<128x64xf32, #tpu.memory_space<vmem>>
        %dma_start3A_123 = arith.constant 0 : i32
        %dma_start3A_124 = tpu.memref_slice %arg15[%add3A_86, %dma_start3A_123] : memref<10112x64xf32, #tpu.memory_space<vmem_shared>> -> memref<128x64xf32, #tpu.memory_space<vmem_shared>>
        tpu.enqueue_dma source(%dma_start3A_124 : memref<128x64xf32, #tpu.memory_space<vmem_shared>>) target(%dma_start3A_122 : memref<128x64xf32, #tpu.memory_space<vmem>>) target_semaphore(%run_scoped3A : memref<!tpu.dma_semaphore, #tpu.memory_space<semaphore_mem>>)
        %dma_wait3A_125 = arith.constant 0 : i32
        %dma_wait3A_126 = arith.constant 0 : i32
        %dma_wait3A_127 = tpu.memref_slice %arg9[%dma_wait3A_125, %dma_wait3A_126] : memref<128x64xf32, #tpu.memory_space<vmem>> -> memref<128x64xf32, #tpu.memory_space<vmem>>
        %dma_wait3A_128 = arith.constant 0 : i32
        %dma_wait3A_129 = tpu.memref_slice %arg15[%add3A_86, %dma_wait3A_128] : memref<10112x64xf32, #tpu.memory_space<vmem_shared>> -> memref<128x64xf32, #tpu.memory_space<vmem_shared>>
        %dma_wait3A_130 = arith.constant 0 : i32
        %dma_wait3A_131 = arith.constant 0 : i32
        %dma_wait3A_132 = tpu.memref_slice %arg9[%dma_wait3A_130, %dma_wait3A_131] : memref<128x64xf32, #tpu.memory_space<vmem>> -> memref<128x64xf32, #tpu.memory_space<vmem>>
        %dma_wait3A_133 = arith.constant 0 : i32
        %dma_wait3A_134 = tpu.memref_slice %arg15[%add3A_86, %dma_wait3A_133] : memref<10112x64xf32, #tpu.memory_space<vmem_shared>> -> memref<128x64xf32, #tpu.memory_space<vmem_shared>>
        tpu.wait_dma2 semaphore(%run_scoped3A : memref<!tpu.dma_semaphore, #tpu.memory_space<semaphore_mem>>) src(%dma_wait3A_134 : memref<128x64xf32, #tpu.memory_space<vmem_shared>>) dst(%dma_wait3A_132 : memref<128x64xf32, #tpu.memory_space<vmem>>)
        tpu.yield
      }) : () -> ()
      %mul3A_87 = arith.constant 632 : i32
      %mul3A_88 = arith.muli %arg1, %mul3A_87 : i32
      %add3A_89 = arith.constant 128 : i32
      %add3A_90 = arith.addi %mul3A_88, %add3A_89 : i32
      "tpu.region"() ({
        %run_scoped3A = tpu.sem_alloc : memref<!tpu.dma_semaphore, #tpu.memory_space<semaphore_mem>>
        %dma_start3A_115 = arith.constant 0 : i32
        %dma_start3A_116 = arith.constant 0 : i32
        %dma_start3A_117 = tpu.memref_slice %arg9[%dma_start3A_115, %dma_start3A_116] : memref<128x64xf32, #tpu.memory_space<vmem>> -> memref<128x64xf32, #tpu.memory_space<vmem>>
        %dma_start3A_118 = arith.constant 0 : i32
        %dma_start3A_119 = tpu.memref_slice %arg6[%arg0, %add3A_90, %dma_start3A_118] : memref<2x10000x64xf32, #tpu.memory_space<hbm>> -> memref<1x128x64xf32, #tpu.memory_space<hbm>>
        %dma_start3A_120 = tpu.memref_squeeze %dma_start3A_119 : memref<1x128x64xf32, #tpu.memory_space<hbm>> -> memref<128x64xf32, #tpu.memory_space<hbm>>
        %dma_start3A_121 = arith.constant 0 : i32
        %dma_start3A_122 = tpu.memref_slice %arg6[%arg0, %add3A_90, %dma_start3A_121] : memref<2x10000x64xf32, #tpu.memory_space<hbm>> -> memref<1x128x64xf32, #tpu.memory_space<hbm>>
        %dma_start3A_123 = tpu.memref_squeeze %dma_start3A_122 : memref<1x128x64xf32, #tpu.memory_space<hbm>> -> memref<128x64xf32, #tpu.memory_space<hbm>>
        %dma_start3A_124 = arith.constant 0 : i32
        %dma_start3A_125 = arith.constant 0 : i32
        %dma_start3A_126 = tpu.memref_slice %arg9[%dma_start3A_124, %dma_start3A_125] : memref<128x64xf32, #tpu.memory_space<vmem>> -> memref<128x64xf32, #tpu.memory_space<vmem>>
        tpu.enqueue_dma source(%dma_start3A_126 : memref<128x64xf32, #tpu.memory_space<vmem>>) target(%dma_start3A_123 : memref<128x64xf32, #tpu.memory_space<hbm>>) target_semaphore(%run_scoped3A : memref<!tpu.dma_semaphore, #tpu.memory_space<semaphore_mem>>)
        %dma_wait3A_127 = arith.constant 0 : i32
        %dma_wait3A_128 = arith.constant 0 : i32
        %dma_wait3A_129 = tpu.memref_slice %arg9[%dma_wait3A_127, %dma_wait3A_128] : memref<128x64xf32, #tpu.memory_space<vmem>> -> memref<128x64xf32, #tpu.memory_space<vmem>>
        %dma_wait3A_130 = arith.constant 0 : i32
        %dma_wait3A_131 = tpu.memref_slice %arg6[%arg0, %add3A_90, %dma_wait3A_130] : memref<2x10000x64xf32, #tpu.memory_space<hbm>> -> memref<1x128x64xf32, #tpu.memory_space<hbm>>
        %dma_wait3A_132 = tpu.memref_squeeze %dma_wait3A_131 : memref<1x128x64xf32, #tpu.memory_space<hbm>> -> memref<128x64xf32, #tpu.memory_space<hbm>>
        %dma_wait3A_133 = arith.constant 0 : i32
        %dma_wait3A_134 = tpu.memref_slice %arg6[%arg0, %add3A_90, %dma_wait3A_133] : memref<2x10000x64xf32, #tpu.memory_space<hbm>> -> memref<1x128x64xf32, #tpu.memory_space<hbm>>
        %dma_wait3A_135 = tpu.memref_squeeze %dma_wait3A_134 : memref<1x128x64xf32, #tpu.memory_space<hbm>> -> memref<128x64xf32, #tpu.memory_space<hbm>>
        %dma_wait3A_136 = arith.constant 0 : i32
        %dma_wait3A_137 = arith.constant 0 : i32
        %dma_wait3A_138 = tpu.memref_slice %arg9[%dma_wait3A_136, %dma_wait3A_137] : memref<128x64xf32, #tpu.memory_space<vmem>> -> memref<128x64xf32, #tpu.memory_space<vmem>>
        tpu.wait_dma2 semaphore(%run_scoped3A : memref<!tpu.dma_semaphore, #tpu.memory_space<semaphore_mem>>) src(%dma_wait3A_138 : memref<128x64xf32, #tpu.memory_space<vmem>>) dst(%dma_wait3A_135 : memref<128x64xf32, #tpu.memory_space<hbm>>)
        tpu.yield
      }) : () -> ()
      %mul3A_91 = arith.constant 632 : i32
      %mul3A_92 = arith.muli %arg1, %mul3A_91 : i32
      %add3A_93 = arith.constant 256 : i32
      %add3A_94 = arith.addi %mul3A_92, %add3A_93 : i32
      "tpu.region"() ({
        %run_scoped3A = tpu.sem_alloc : memref<!tpu.dma_semaphore, #tpu.memory_space<semaphore_mem>>
        %dma_start3A_115 = arith.constant 0 : i32
        %dma_start3A_116 = arith.constant 0 : i32
        %dma_start3A_117 = tpu.memref_slice %arg9[%dma_start3A_115, %dma_start3A_116] : memref<128x64xf32, #tpu.memory_space<vmem>> -> memref<128x64xf32, #tpu.memory_space<vmem>>
        %dma_start3A_118 = arith.constant 0 : i32
        %dma_start3A_119 = tpu.memref_slice %arg15[%add3A_94, %dma_start3A_118] : memref<10112x64xf32, #tpu.memory_space<vmem_shared>> -> memref<128x64xf32, #tpu.memory_space<vmem_shared>>
        %dma_start3A_120 = arith.constant 0 : i32
        %dma_start3A_121 = arith.constant 0 : i32
        %dma_start3A_122 = tpu.memref_slice %arg9[%dma_start3A_120, %dma_start3A_121] : memref<128x64xf32, #tpu.memory_space<vmem>> -> memref<128x64xf32, #tpu.memory_space<vmem>>
        %dma_start3A_123 = arith.constant 0 : i32
        %dma_start3A_124 = tpu.memref_slice %arg15[%add3A_94, %dma_start3A_123] : memref<10112x64xf32, #tpu.memory_space<vmem_shared>> -> memref<128x64xf32, #tpu.memory_space<vmem_shared>>
        tpu.enqueue_dma source(%dma_start3A_124 : memref<128x64xf32, #tpu.memory_space<vmem_shared>>) target(%dma_start3A_122 : memref<128x64xf32, #tpu.memory_space<vmem>>) target_semaphore(%run_scoped3A : memref<!tpu.dma_semaphore, #tpu.memory_space<semaphore_mem>>)
        %dma_wait3A_125 = arith.constant 0 : i32
        %dma_wait3A_126 = arith.constant 0 : i32
        %dma_wait3A_127 = tpu.memref_slice %arg9[%dma_wait3A_125, %dma_wait3A_126] : memref<128x64xf32, #tpu.memory_space<vmem>> -> memref<128x64xf32, #tpu.memory_space<vmem>>
        %dma_wait3A_128 = arith.constant 0 : i32
        %dma_wait3A_129 = tpu.memref_slice %arg15[%add3A_94, %dma_wait3A_128] : memref<10112x64xf32, #tpu.memory_space<vmem_shared>> -> memref<128x64xf32, #tpu.memory_space<vmem_shared>>
        %dma_wait3A_130 = arith.constant 0 : i32
        %dma_wait3A_131 = arith.constant 0 : i32
        %dma_wait3A_132 = tpu.memref_slice %arg9[%dma_wait3A_130, %dma_wait3A_131] : memref<128x64xf32, #tpu.memory_space<vmem>> -> memref<128x64xf32, #tpu.memory_space<vmem>>
        %dma_wait3A_133 = arith.constant 0 : i32
        %dma_wait3A_134 = tpu.memref_slice %arg15[%add3A_94, %dma_wait3A_133] : memref<10112x64xf32, #tpu.memory_space<vmem_shared>> -> memref<128x64xf32, #tpu.memory_space<vmem_shared>>
        tpu.wait_dma2 semaphore(%run_scoped3A : memref<!tpu.dma_semaphore, #tpu.memory_space<semaphore_mem>>) src(%dma_wait3A_134 : memref<128x64xf32, #tpu.memory_space<vmem_shared>>) dst(%dma_wait3A_132 : memref<128x64xf32, #tpu.memory_space<vmem>>)
        tpu.yield
      }) : () -> ()
      %mul3A_95 = arith.constant 632 : i32
      %mul3A_96 = arith.muli %arg1, %mul3A_95 : i32
      %add3A_97 = arith.constant 256 : i32
      %add3A_98 = arith.addi %mul3A_96, %add3A_97 : i32
      "tpu.region"() ({
        %run_scoped3A = tpu.sem_alloc : memref<!tpu.dma_semaphore, #tpu.memory_space<semaphore_mem>>
        %dma_start3A_115 = arith.constant 0 : i32
        %dma_start3A_116 = arith.constant 0 : i32
        %dma_start3A_117 = tpu.memref_slice %arg9[%dma_start3A_115, %dma_start3A_116] : memref<128x64xf32, #tpu.memory_space<vmem>> -> memref<128x64xf32, #tpu.memory_space<vmem>>
        %dma_start3A_118 = arith.constant 0 : i32
        %dma_start3A_119 = tpu.memref_slice %arg6[%arg0, %add3A_98, %dma_start3A_118] : memref<2x10000x64xf32, #tpu.memory_space<hbm>> -> memref<1x128x64xf32, #tpu.memory_space<hbm>>
        %dma_start3A_120 = tpu.memref_squeeze %dma_start3A_119 : memref<1x128x64xf32, #tpu.memory_space<hbm>> -> memref<128x64xf32, #tpu.memory_space<hbm>>
        %dma_start3A_121 = arith.constant 0 : i32
        %dma_start3A_122 = tpu.memref_slice %arg6[%arg0, %add3A_98, %dma_start3A_121] : memref<2x10000x64xf32, #tpu.memory_space<hbm>> -> memref<1x128x64xf32, #tpu.memory_space<hbm>>
        %dma_start3A_123 = tpu.memref_squeeze %dma_start3A_122 : memref<1x128x64xf32, #tpu.memory_space<hbm>> -> memref<128x64xf32, #tpu.memory_space<hbm>>
        %dma_start3A_124 = arith.constant 0 : i32
        %dma_start3A_125 = arith.constant 0 : i32
        %dma_start3A_126 = tpu.memref_slice %arg9[%dma_start3A_124, %dma_start3A_125] : memref<128x64xf32, #tpu.memory_space<vmem>> -> memref<128x64xf32, #tpu.memory_space<vmem>>
        tpu.enqueue_dma source(%dma_start3A_126 : memref<128x64xf32, #tpu.memory_space<vmem>>) target(%dma_start3A_123 : memref<128x64xf32, #tpu.memory_space<hbm>>) target_semaphore(%run_scoped3A : memref<!tpu.dma_semaphore, #tpu.memory_space<semaphore_mem>>)
        %dma_wait3A_127 = arith.constant 0 : i32
        %dma_wait3A_128 = arith.constant 0 : i32
        %dma_wait3A_129 = tpu.memref_slice %arg9[%dma_wait3A_127, %dma_wait3A_128] : memref<128x64xf32, #tpu.memory_space<vmem>> -> memref<128x64xf32, #tpu.memory_space<vmem>>
        %dma_wait3A_130 = arith.constant 0 : i32
        %dma_wait3A_131 = tpu.memref_slice %arg6[%arg0, %add3A_98, %dma_wait3A_130] : memref<2x10000x64xf32, #tpu.memory_space<hbm>> -> memref<1x128x64xf32, #tpu.memory_space<hbm>>
        %dma_wait3A_132 = tpu.memref_squeeze %dma_wait3A_131 : memref<1x128x64xf32, #tpu.memory_space<hbm>> -> memref<128x64xf32, #tpu.memory_space<hbm>>
        %dma_wait3A_133 = arith.constant 0 : i32
        %dma_wait3A_134 = tpu.memref_slice %arg6[%arg0, %add3A_98, %dma_wait3A_133] : memref<2x10000x64xf32, #tpu.memory_space<hbm>> -> memref<1x128x64xf32, #tpu.memory_space<hbm>>
        %dma_wait3A_135 = tpu.memref_squeeze %dma_wait3A_134 : memref<1x128x64xf32, #tpu.memory_space<hbm>> -> memref<128x64xf32, #tpu.memory_space<hbm>>
        %dma_wait3A_136 = arith.constant 0 : i32
        %dma_wait3A_137 = arith.constant 0 : i32
        %dma_wait3A_138 = tpu.memref_slice %arg9[%dma_wait3A_136, %dma_wait3A_137] : memref<128x64xf32, #tpu.memory_space<vmem>> -> memref<128x64xf32, #tpu.memory_space<vmem>>
        tpu.wait_dma2 semaphore(%run_scoped3A : memref<!tpu.dma_semaphore, #tpu.memory_space<semaphore_mem>>) src(%dma_wait3A_138 : memref<128x64xf32, #tpu.memory_space<vmem>>) dst(%dma_wait3A_135 : memref<128x64xf32, #tpu.memory_space<hbm>>)
        tpu.yield
      }) : () -> ()
      %mul3A_99 = arith.constant 632 : i32
      %mul3A_100 = arith.muli %arg1, %mul3A_99 : i32
      %add3A_101 = arith.constant 384 : i32
      %add3A_102 = arith.addi %mul3A_100, %add3A_101 : i32
      "tpu.region"() ({
        %run_scoped3A = tpu.sem_alloc : memref<!tpu.dma_semaphore, #tpu.memory_space<semaphore_mem>>
        %dma_start3A_115 = arith.constant 0 : i32
        %dma_start3A_116 = arith.constant 0 : i32
        %dma_start3A_117 = tpu.memref_slice %arg9[%dma_start3A_115, %dma_start3A_116] : memref<128x64xf32, #tpu.memory_space<vmem>> -> memref<128x64xf32, #tpu.memory_space<vmem>>
        %dma_start3A_118 = arith.constant 0 : i32
        %dma_start3A_119 = tpu.memref_slice %arg15[%add3A_102, %dma_start3A_118] : memref<10112x64xf32, #tpu.memory_space<vmem_shared>> -> memref<128x64xf32, #tpu.memory_space<vmem_shared>>
        %dma_start3A_120 = arith.constant 0 : i32
        %dma_start3A_121 = arith.constant 0 : i32
        %dma_start3A_122 = tpu.memref_slice %arg9[%dma_start3A_120, %dma_start3A_121] : memref<128x64xf32, #tpu.memory_space<vmem>> -> memref<128x64xf32, #tpu.memory_space<vmem>>
        %dma_start3A_123 = arith.constant 0 : i32
        %dma_start3A_124 = tpu.memref_slice %arg15[%add3A_102, %dma_start3A_123] : memref<10112x64xf32, #tpu.memory_space<vmem_shared>> -> memref<128x64xf32, #tpu.memory_space<vmem_shared>>
        tpu.enqueue_dma source(%dma_start3A_124 : memref<128x64xf32, #tpu.memory_space<vmem_shared>>) target(%dma_start3A_122 : memref<128x64xf32, #tpu.memory_space<vmem>>) target_semaphore(%run_scoped3A : memref<!tpu.dma_semaphore, #tpu.memory_space<semaphore_mem>>)
        %dma_wait3A_125 = arith.constant 0 : i32
        %dma_wait3A_126 = arith.constant 0 : i32
        %dma_wait3A_127 = tpu.memref_slice %arg9[%dma_wait3A_125, %dma_wait3A_126] : memref<128x64xf32, #tpu.memory_space<vmem>> -> memref<128x64xf32, #tpu.memory_space<vmem>>
        %dma_wait3A_128 = arith.constant 0 : i32
        %dma_wait3A_129 = tpu.memref_slice %arg15[%add3A_102, %dma_wait3A_128] : memref<10112x64xf32, #tpu.memory_space<vmem_shared>> -> memref<128x64xf32, #tpu.memory_space<vmem_shared>>
        %dma_wait3A_130 = arith.constant 0 : i32
        %dma_wait3A_131 = arith.constant 0 : i32
        %dma_wait3A_132 = tpu.memref_slice %arg9[%dma_wait3A_130, %dma_wait3A_131] : memref<128x64xf32, #tpu.memory_space<vmem>> -> memref<128x64xf32, #tpu.memory_space<vmem>>
        %dma_wait3A_133 = arith.constant 0 : i32
        %dma_wait3A_134 = tpu.memref_slice %arg15[%add3A_102, %dma_wait3A_133] : memref<10112x64xf32, #tpu.memory_space<vmem_shared>> -> memref<128x64xf32, #tpu.memory_space<vmem_shared>>
        tpu.wait_dma2 semaphore(%run_scoped3A : memref<!tpu.dma_semaphore, #tpu.memory_space<semaphore_mem>>) src(%dma_wait3A_134 : memref<128x64xf32, #tpu.memory_space<vmem_shared>>) dst(%dma_wait3A_132 : memref<128x64xf32, #tpu.memory_space<vmem>>)
        tpu.yield
      }) : () -> ()
      %mul3A_103 = arith.constant 632 : i32
      %mul3A_104 = arith.muli %arg1, %mul3A_103 : i32
      %add3A_105 = arith.constant 384 : i32
      %add3A_106 = arith.addi %mul3A_104, %add3A_105 : i32
      "tpu.region"() ({
        %run_scoped3A = tpu.sem_alloc : memref<!tpu.dma_semaphore, #tpu.memory_space<semaphore_mem>>
        %dma_start3A_115 = arith.constant 0 : i32
        %dma_start3A_116 = arith.constant 0 : i32
        %dma_start3A_117 = tpu.memref_slice %arg9[%dma_start3A_115, %dma_start3A_116] : memref<128x64xf32, #tpu.memory_space<vmem>> -> memref<128x64xf32, #tpu.memory_space<vmem>>
        %dma_start3A_118 = arith.constant 0 : i32
        %dma_start3A_119 = tpu.memref_slice %arg6[%arg0, %add3A_106, %dma_start3A_118] : memref<2x10000x64xf32, #tpu.memory_space<hbm>> -> memref<1x128x64xf32, #tpu.memory_space<hbm>>
        %dma_start3A_120 = tpu.memref_squeeze %dma_start3A_119 : memref<1x128x64xf32, #tpu.memory_space<hbm>> -> memref<128x64xf32, #tpu.memory_space<hbm>>
        %dma_start3A_121 = arith.constant 0 : i32
        %dma_start3A_122 = tpu.memref_slice %arg6[%arg0, %add3A_106, %dma_start3A_121] : memref<2x10000x64xf32, #tpu.memory_space<hbm>> -> memref<1x128x64xf32, #tpu.memory_space<hbm>>
        %dma_start3A_123 = tpu.memref_squeeze %dma_start3A_122 : memref<1x128x64xf32, #tpu.memory_space<hbm>> -> memref<128x64xf32, #tpu.memory_space<hbm>>
        %dma_start3A_124 = arith.constant 0 : i32
        %dma_start3A_125 = arith.constant 0 : i32
        %dma_start3A_126 = tpu.memref_slice %arg9[%dma_start3A_124, %dma_start3A_125] : memref<128x64xf32, #tpu.memory_space<vmem>> -> memref<128x64xf32, #tpu.memory_space<vmem>>
        tpu.enqueue_dma source(%dma_start3A_126 : memref<128x64xf32, #tpu.memory_space<vmem>>) target(%dma_start3A_123 : memref<128x64xf32, #tpu.memory_space<hbm>>) target_semaphore(%run_scoped3A : memref<!tpu.dma_semaphore, #tpu.memory_space<semaphore_mem>>)
        %dma_wait3A_127 = arith.constant 0 : i32
        %dma_wait3A_128 = arith.constant 0 : i32
        %dma_wait3A_129 = tpu.memref_slice %arg9[%dma_wait3A_127, %dma_wait3A_128] : memref<128x64xf32, #tpu.memory_space<vmem>> -> memref<128x64xf32, #tpu.memory_space<vmem>>
        %dma_wait3A_130 = arith.constant 0 : i32
        %dma_wait3A_131 = tpu.memref_slice %arg6[%arg0, %add3A_106, %dma_wait3A_130] : memref<2x10000x64xf32, #tpu.memory_space<hbm>> -> memref<1x128x64xf32, #tpu.memory_space<hbm>>
        %dma_wait3A_132 = tpu.memref_squeeze %dma_wait3A_131 : memref<1x128x64xf32, #tpu.memory_space<hbm>> -> memref<128x64xf32, #tpu.memory_space<hbm>>
        %dma_wait3A_133 = arith.constant 0 : i32
        %dma_wait3A_134 = tpu.memref_slice %arg6[%arg0, %add3A_106, %dma_wait3A_133] : memref<2x10000x64xf32, #tpu.memory_space<hbm>> -> memref<1x128x64xf32, #tpu.memory_space<hbm>>
        %dma_wait3A_135 = tpu.memref_squeeze %dma_wait3A_134 : memref<1x128x64xf32, #tpu.memory_space<hbm>> -> memref<128x64xf32, #tpu.memory_space<hbm>>
        %dma_wait3A_136 = arith.constant 0 : i32
        %dma_wait3A_137 = arith.constant 0 : i32
        %dma_wait3A_138 = tpu.memref_slice %arg9[%dma_wait3A_136, %dma_wait3A_137] : memref<128x64xf32, #tpu.memory_space<vmem>> -> memref<128x64xf32, #tpu.memory_space<vmem>>
        tpu.wait_dma2 semaphore(%run_scoped3A : memref<!tpu.dma_semaphore, #tpu.memory_space<semaphore_mem>>) src(%dma_wait3A_138 : memref<128x64xf32, #tpu.memory_space<vmem>>) dst(%dma_wait3A_135 : memref<128x64xf32, #tpu.memory_space<hbm>>)
        tpu.yield
      }) : () -> ()
      %mul3A_107 = arith.constant 632 : i32
      %mul3A_108 = arith.muli %arg1, %mul3A_107 : i32
      %add3A_109 = arith.constant 512 : i32
      %add3A_110 = arith.addi %mul3A_108, %add3A_109 : i32
      "tpu.region"() ({
        %run_scoped3A = tpu.sem_alloc : memref<!tpu.dma_semaphore, #tpu.memory_space<semaphore_mem>>
        %dma_start3A_115 = arith.constant 0 : i32
        %dma_start3A_116 = arith.constant 0 : i32
        %dma_start3A_117 = tpu.memref_slice %arg9[%dma_start3A_115, %dma_start3A_116] : memref<128x64xf32, #tpu.memory_space<vmem>> -> memref<8x64xf32, #tpu.memory_space<vmem>>
        %dma_start3A_118 = arith.constant 0 : i32
        %dma_start3A_119 = tpu.memref_slice %arg15[%add3A_110, %dma_start3A_118] : memref<10112x64xf32, #tpu.memory_space<vmem_shared>> -> memref<8x64xf32, #tpu.memory_space<vmem_shared>>
        %dma_start3A_120 = arith.constant 0 : i32
        %dma_start3A_121 = arith.constant 0 : i32
        %dma_start3A_122 = tpu.memref_slice %arg9[%dma_start3A_120, %dma_start3A_121] : memref<128x64xf32, #tpu.memory_space<vmem>> -> memref<8x64xf32, #tpu.memory_space<vmem>>
        %dma_start3A_123 = arith.constant 0 : i32
        %dma_start3A_124 = tpu.memref_slice %arg15[%add3A_110, %dma_start3A_123] : memref<10112x64xf32, #tpu.memory_space<vmem_shared>> -> memref<8x64xf32, #tpu.memory_space<vmem_shared>>
        tpu.enqueue_dma source(%dma_start3A_124 : memref<8x64xf32, #tpu.memory_space<vmem_shared>>) target(%dma_start3A_122 : memref<8x64xf32, #tpu.memory_space<vmem>>) target_semaphore(%run_scoped3A : memref<!tpu.dma_semaphore, #tpu.memory_space<semaphore_mem>>)
        %dma_wait3A_125 = arith.constant 0 : i32
        %dma_wait3A_126 = arith.constant 0 : i32
        %dma_wait3A_127 = tpu.memref_slice %arg9[%dma_wait3A_125, %dma_wait3A_126] : memref<128x64xf32, #tpu.memory_space<vmem>> -> memref<8x64xf32, #tpu.memory_space<vmem>>
        %dma_wait3A_128 = arith.constant 0 : i32
        %dma_wait3A_129 = tpu.memref_slice %arg15[%add3A_110, %dma_wait3A_128] : memref<10112x64xf32, #tpu.memory_space<vmem_shared>> -> memref<8x64xf32, #tpu.memory_space<vmem_shared>>
        %dma_wait3A_130 = arith.constant 0 : i32
        %dma_wait3A_131 = arith.constant 0 : i32
        %dma_wait3A_132 = tpu.memref_slice %arg9[%dma_wait3A_130, %dma_wait3A_131] : memref<128x64xf32, #tpu.memory_space<vmem>> -> memref<8x64xf32, #tpu.memory_space<vmem>>
        %dma_wait3A_133 = arith.constant 0 : i32
        %dma_wait3A_134 = tpu.memref_slice %arg15[%add3A_110, %dma_wait3A_133] : memref<10112x64xf32, #tpu.memory_space<vmem_shared>> -> memref<8x64xf32, #tpu.memory_space<vmem_shared>>
        tpu.wait_dma2 semaphore(%run_scoped3A : memref<!tpu.dma_semaphore, #tpu.memory_space<semaphore_mem>>) src(%dma_wait3A_134 : memref<8x64xf32, #tpu.memory_space<vmem_shared>>) dst(%dma_wait3A_132 : memref<8x64xf32, #tpu.memory_space<vmem>>)
        tpu.yield
      }) : () -> ()
      %mul3A_111 = arith.constant 632 : i32
      %mul3A_112 = arith.muli %arg1, %mul3A_111 : i32
      %add3A_113 = arith.constant 512 : i32
      %add3A_114 = arith.addi %mul3A_112, %add3A_113 : i32
      "tpu.region"() ({
        %run_scoped3A = tpu.sem_alloc : memref<!tpu.dma_semaphore, #tpu.memory_space<semaphore_mem>>
        %dma_start3A_115 = arith.constant 0 : i32
        %dma_start3A_116 = arith.constant 0 : i32
        %dma_start3A_117 = tpu.memref_slice %arg9[%dma_start3A_115, %dma_start3A_116] : memref<128x64xf32, #tpu.memory_space<vmem>> -> memref<8x64xf32, #tpu.memory_space<vmem>>
        %dma_start3A_118 = arith.constant 0 : i32
        %dma_start3A_119 = tpu.memref_slice %arg6[%arg0, %add3A_114, %dma_start3A_118] : memref<2x10000x64xf32, #tpu.memory_space<hbm>> -> memref<1x8x64xf32, #tpu.memory_space<hbm>>
        %dma_start3A_120 = tpu.memref_squeeze %dma_start3A_119 : memref<1x8x64xf32, #tpu.memory_space<hbm>> -> memref<8x64xf32, #tpu.memory_space<hbm>>
        %dma_start3A_121 = arith.constant 0 : i32
        %dma_start3A_122 = tpu.memref_slice %arg6[%arg0, %add3A_114, %dma_start3A_121] : memref<2x10000x64xf32, #tpu.memory_space<hbm>> -> memref<1x8x64xf32, #tpu.memory_space<hbm>>
        %dma_start3A_123 = tpu.memref_squeeze %dma_start3A_122 : memref<1x8x64xf32, #tpu.memory_space<hbm>> -> memref<8x64xf32, #tpu.memory_space<hbm>>
        %dma_start3A_124 = arith.constant 0 : i32
        %dma_start3A_125 = arith.constant 0 : i32
        %dma_start3A_126 = tpu.memref_slice %arg9[%dma_start3A_124, %dma_start3A_125] : memref<128x64xf32, #tpu.memory_space<vmem>> -> memref<8x64xf32, #tpu.memory_space<vmem>>
        tpu.enqueue_dma source(%dma_start3A_126 : memref<8x64xf32, #tpu.memory_space<vmem>>) target(%dma_start3A_123 : memref<8x64xf32, #tpu.memory_space<hbm>>) target_semaphore(%run_scoped3A : memref<!tpu.dma_semaphore, #tpu.memory_space<semaphore_mem>>)
        %dma_wait3A_127 = arith.constant 0 : i32
        %dma_wait3A_128 = arith.constant 0 : i32
        %dma_wait3A_129 = tpu.memref_slice %arg9[%dma_wait3A_127, %dma_wait3A_128] : memref<128x64xf32, #tpu.memory_space<vmem>> -> memref<8x64xf32, #tpu.memory_space<vmem>>
        %dma_wait3A_130 = arith.constant 0 : i32
        %dma_wait3A_131 = tpu.memref_slice %arg6[%arg0, %add3A_114, %dma_wait3A_130] : memref<2x10000x64xf32, #tpu.memory_space<hbm>> -> memref<1x8x64xf32, #tpu.memory_space<hbm>>
        %dma_wait3A_132 = tpu.memref_squeeze %dma_wait3A_131 : memref<1x8x64xf32, #tpu.memory_space<hbm>> -> memref<8x64xf32, #tpu.memory_space<hbm>>
        %dma_wait3A_133 = arith.constant 0 : i32
        %dma_wait3A_134 = tpu.memref_slice %arg6[%arg0, %add3A_114, %dma_wait3A_133] : memref<2x10000x64xf32, #tpu.memory_space<hbm>> -> memref<1x8x64xf32, #tpu.memory_space<hbm>>
        %dma_wait3A_135 = tpu.memref_squeeze %dma_wait3A_134 : memref<1x8x64xf32, #tpu.memory_space<hbm>> -> memref<8x64xf32, #tpu.memory_space<hbm>>
        %dma_wait3A_136 = arith.constant 0 : i32
        %dma_wait3A_137 = arith.constant 0 : i32
        %dma_wait3A_138 = tpu.memref_slice %arg9[%dma_wait3A_136, %dma_wait3A_137] : memref<128x64xf32, #tpu.memory_space<vmem>> -> memref<8x64xf32, #tpu.memory_space<vmem>>
        tpu.wait_dma2 semaphore(%run_scoped3A : memref<!tpu.dma_semaphore, #tpu.memory_space<semaphore_mem>>) src(%dma_wait3A_138 : memref<8x64xf32, #tpu.memory_space<vmem>>) dst(%dma_wait3A_135 : memref<8x64xf32, #tpu.memory_space<hbm>>)
        tpu.yield
      }) : () -> ()
    } else {
    }
    return
  }
}

#map = affine_map<(d0, d1) -> (0, 0)>
#map1 = affine_map<(d0, d1) -> (0, 0, 0)>
module attributes {stable_mosaic.version = 14 : i64} {
  func.func @prop_kernel(%arg0: i32, %arg1: i32, %arg2: memref<10000x128xf32, #tpu.memory_space<hbm>>, %arg3: memref<2560x128xi32, #tpu.memory_space<hbm>>, %arg4: memref<2560x128xi32, #tpu.memory_space<hbm>>, %arg5: memref<128x128xf32, #tpu.memory_space<hbm>>, %arg6: memref<2x10000x128xf32, #tpu.memory_space<hbm>>, %arg7: memref<40x128xi32, #tpu.memory_space<vmem>>, %arg8: memref<40x128xi32, #tpu.memory_space<vmem>>, %arg9: memref<128x128xf32, #tpu.memory_space<vmem>>, %arg10: memref<128x128xf32, #tpu.memory_space<vmem>>, %arg11: memref<!tpu.dma_semaphore, #tpu.memory_space<semaphore_mem>>, %arg12: memref<!tpu.dma_semaphore, #tpu.memory_space<semaphore_mem>>, %arg13: memref<!tpu.dma_semaphore, #tpu.memory_space<semaphore_mem>>, %arg14: memref<!tpu.dma_semaphore, #tpu.memory_space<semaphore_mem>>, %arg15: memref<10112x128xf32, #tpu.memory_space<vmem_shared>>) attributes {dimension_semantics = [#tpu.dimension_semantics<core_parallel>, #tpu.dimension_semantics<subcore_parallel>], iteration_bounds = array<i64: 2, 16>, scalar_prefetch = 0 : i64, scratch_operands = 9 : i64, tpu.core_type = #tpu.core_type<sc_vector_subcore>, window_params = [{transform_indices = #map}, {transform_indices = #map}, {transform_indices = #map}, {transform_indices = #map}, {transform_indices = #map1}]} {
    %mul3A = arith.constant 16 : i32
    %mul3A_0 = arith.muli %arg0, %mul3A : i32
    %add3A = arith.addi %mul3A_0, %arg1 : i32
    "tpu.region"() ({
      %run_scoped3A = tpu.sem_alloc : memref<!tpu.dma_semaphore, #tpu.memory_space<semaphore_mem>>
      tpu.enqueue_dma source(%arg5 : memref<128x128xf32, #tpu.memory_space<hbm>>) target(%arg9 : memref<128x128xf32, #tpu.memory_space<vmem>>) target_semaphore(%run_scoped3A : memref<!tpu.dma_semaphore, #tpu.memory_space<semaphore_mem>>)
      tpu.wait_dma2 semaphore(%run_scoped3A : memref<!tpu.dma_semaphore, #tpu.memory_space<semaphore_mem>>) src(%arg5 : memref<128x128xf32, #tpu.memory_space<hbm>>) dst(%arg9 : memref<128x128xf32, #tpu.memory_space<vmem>>)
      tpu.yield
    }) : () -> ()
    %mul3A_1 = arith.constant 632 : i32
    %mul3A_2 = arith.muli %arg1, %mul3A_1 : i32
    %add3A_3 = arith.constant 0 : i32
    %add3A_4 = arith.addi %mul3A_2, %add3A_3 : i32
    "tpu.region"() ({
      %run_scoped3A = tpu.sem_alloc : memref<!tpu.dma_semaphore, #tpu.memory_space<semaphore_mem>>
      %dma_start3A_75 = arith.constant 0 : i32
      %dma_start3A_76 = arith.constant 0 : i32
      %dma_start3A_77 = tpu.memref_slice %arg9[%dma_start3A_75, %dma_start3A_76] : memref<128x128xf32, #tpu.memory_space<vmem>> -> memref<128x128xf32, #tpu.memory_space<vmem>>
      %dma_start3A_78 = arith.constant 0 : i32
      %dma_start3A_79 = tpu.memref_slice %arg15[%add3A_4, %dma_start3A_78] : memref<10112x128xf32, #tpu.memory_space<vmem_shared>> -> memref<128x128xf32, #tpu.memory_space<vmem_shared>>
      %dma_start3A_80 = arith.constant 0 : i32
      %dma_start3A_81 = tpu.memref_slice %arg15[%add3A_4, %dma_start3A_80] : memref<10112x128xf32, #tpu.memory_space<vmem_shared>> -> memref<128x128xf32, #tpu.memory_space<vmem_shared>>
      %dma_start3A_82 = arith.constant 0 : i32
      %dma_start3A_83 = arith.constant 0 : i32
      %dma_start3A_84 = tpu.memref_slice %arg9[%dma_start3A_82, %dma_start3A_83] : memref<128x128xf32, #tpu.memory_space<vmem>> -> memref<128x128xf32, #tpu.memory_space<vmem>>
      tpu.enqueue_dma source(%dma_start3A_84 : memref<128x128xf32, #tpu.memory_space<vmem>>) target(%dma_start3A_81 : memref<128x128xf32, #tpu.memory_space<vmem_shared>>) target_semaphore(%run_scoped3A : memref<!tpu.dma_semaphore, #tpu.memory_space<semaphore_mem>>)
      %dma_wait3A_85 = arith.constant 0 : i32
      %dma_wait3A_86 = arith.constant 0 : i32
      %dma_wait3A_87 = tpu.memref_slice %arg9[%dma_wait3A_85, %dma_wait3A_86] : memref<128x128xf32, #tpu.memory_space<vmem>> -> memref<128x128xf32, #tpu.memory_space<vmem>>
      %dma_wait3A_88 = arith.constant 0 : i32
      %dma_wait3A_89 = tpu.memref_slice %arg15[%add3A_4, %dma_wait3A_88] : memref<10112x128xf32, #tpu.memory_space<vmem_shared>> -> memref<128x128xf32, #tpu.memory_space<vmem_shared>>
      %dma_wait3A_90 = arith.constant 0 : i32
      %dma_wait3A_91 = tpu.memref_slice %arg15[%add3A_4, %dma_wait3A_90] : memref<10112x128xf32, #tpu.memory_space<vmem_shared>> -> memref<128x128xf32, #tpu.memory_space<vmem_shared>>
      %dma_wait3A_92 = arith.constant 0 : i32
      %dma_wait3A_93 = arith.constant 0 : i32
      %dma_wait3A_94 = tpu.memref_slice %arg9[%dma_wait3A_92, %dma_wait3A_93] : memref<128x128xf32, #tpu.memory_space<vmem>> -> memref<128x128xf32, #tpu.memory_space<vmem>>
      tpu.wait_dma2 semaphore(%run_scoped3A : memref<!tpu.dma_semaphore, #tpu.memory_space<semaphore_mem>>) src(%dma_wait3A_94 : memref<128x128xf32, #tpu.memory_space<vmem>>) dst(%dma_wait3A_91 : memref<128x128xf32, #tpu.memory_space<vmem_shared>>)
      tpu.yield
    }) : () -> ()
    %mul3A_5 = arith.constant 632 : i32
    %mul3A_6 = arith.muli %arg1, %mul3A_5 : i32
    %add3A_7 = arith.constant 128 : i32
    %add3A_8 = arith.addi %mul3A_6, %add3A_7 : i32
    "tpu.region"() ({
      %run_scoped3A = tpu.sem_alloc : memref<!tpu.dma_semaphore, #tpu.memory_space<semaphore_mem>>
      %dma_start3A_75 = arith.constant 0 : i32
      %dma_start3A_76 = arith.constant 0 : i32
      %dma_start3A_77 = tpu.memref_slice %arg9[%dma_start3A_75, %dma_start3A_76] : memref<128x128xf32, #tpu.memory_space<vmem>> -> memref<128x128xf32, #tpu.memory_space<vmem>>
      %dma_start3A_78 = arith.constant 0 : i32
      %dma_start3A_79 = tpu.memref_slice %arg15[%add3A_8, %dma_start3A_78] : memref<10112x128xf32, #tpu.memory_space<vmem_shared>> -> memref<128x128xf32, #tpu.memory_space<vmem_shared>>
      %dma_start3A_80 = arith.constant 0 : i32
      %dma_start3A_81 = tpu.memref_slice %arg15[%add3A_8, %dma_start3A_80] : memref<10112x128xf32, #tpu.memory_space<vmem_shared>> -> memref<128x128xf32, #tpu.memory_space<vmem_shared>>
      %dma_start3A_82 = arith.constant 0 : i32
      %dma_start3A_83 = arith.constant 0 : i32
      %dma_start3A_84 = tpu.memref_slice %arg9[%dma_start3A_82, %dma_start3A_83] : memref<128x128xf32, #tpu.memory_space<vmem>> -> memref<128x128xf32, #tpu.memory_space<vmem>>
      tpu.enqueue_dma source(%dma_start3A_84 : memref<128x128xf32, #tpu.memory_space<vmem>>) target(%dma_start3A_81 : memref<128x128xf32, #tpu.memory_space<vmem_shared>>) target_semaphore(%run_scoped3A : memref<!tpu.dma_semaphore, #tpu.memory_space<semaphore_mem>>)
      %dma_wait3A_85 = arith.constant 0 : i32
      %dma_wait3A_86 = arith.constant 0 : i32
      %dma_wait3A_87 = tpu.memref_slice %arg9[%dma_wait3A_85, %dma_wait3A_86] : memref<128x128xf32, #tpu.memory_space<vmem>> -> memref<128x128xf32, #tpu.memory_space<vmem>>
      %dma_wait3A_88 = arith.constant 0 : i32
      %dma_wait3A_89 = tpu.memref_slice %arg15[%add3A_8, %dma_wait3A_88] : memref<10112x128xf32, #tpu.memory_space<vmem_shared>> -> memref<128x128xf32, #tpu.memory_space<vmem_shared>>
      %dma_wait3A_90 = arith.constant 0 : i32
      %dma_wait3A_91 = tpu.memref_slice %arg15[%add3A_8, %dma_wait3A_90] : memref<10112x128xf32, #tpu.memory_space<vmem_shared>> -> memref<128x128xf32, #tpu.memory_space<vmem_shared>>
      %dma_wait3A_92 = arith.constant 0 : i32
      %dma_wait3A_93 = arith.constant 0 : i32
      %dma_wait3A_94 = tpu.memref_slice %arg9[%dma_wait3A_92, %dma_wait3A_93] : memref<128x128xf32, #tpu.memory_space<vmem>> -> memref<128x128xf32, #tpu.memory_space<vmem>>
      tpu.wait_dma2 semaphore(%run_scoped3A : memref<!tpu.dma_semaphore, #tpu.memory_space<semaphore_mem>>) src(%dma_wait3A_94 : memref<128x128xf32, #tpu.memory_space<vmem>>) dst(%dma_wait3A_91 : memref<128x128xf32, #tpu.memory_space<vmem_shared>>)
      tpu.yield
    }) : () -> ()
    %mul3A_9 = arith.constant 632 : i32
    %mul3A_10 = arith.muli %arg1, %mul3A_9 : i32
    %add3A_11 = arith.constant 256 : i32
    %add3A_12 = arith.addi %mul3A_10, %add3A_11 : i32
    "tpu.region"() ({
      %run_scoped3A = tpu.sem_alloc : memref<!tpu.dma_semaphore, #tpu.memory_space<semaphore_mem>>
      %dma_start3A_75 = arith.constant 0 : i32
      %dma_start3A_76 = arith.constant 0 : i32
      %dma_start3A_77 = tpu.memref_slice %arg9[%dma_start3A_75, %dma_start3A_76] : memref<128x128xf32, #tpu.memory_space<vmem>> -> memref<128x128xf32, #tpu.memory_space<vmem>>
      %dma_start3A_78 = arith.constant 0 : i32
      %dma_start3A_79 = tpu.memref_slice %arg15[%add3A_12, %dma_start3A_78] : memref<10112x128xf32, #tpu.memory_space<vmem_shared>> -> memref<128x128xf32, #tpu.memory_space<vmem_shared>>
      %dma_start3A_80 = arith.constant 0 : i32
      %dma_start3A_81 = tpu.memref_slice %arg15[%add3A_12, %dma_start3A_80] : memref<10112x128xf32, #tpu.memory_space<vmem_shared>> -> memref<128x128xf32, #tpu.memory_space<vmem_shared>>
      %dma_start3A_82 = arith.constant 0 : i32
      %dma_start3A_83 = arith.constant 0 : i32
      %dma_start3A_84 = tpu.memref_slice %arg9[%dma_start3A_82, %dma_start3A_83] : memref<128x128xf32, #tpu.memory_space<vmem>> -> memref<128x128xf32, #tpu.memory_space<vmem>>
      tpu.enqueue_dma source(%dma_start3A_84 : memref<128x128xf32, #tpu.memory_space<vmem>>) target(%dma_start3A_81 : memref<128x128xf32, #tpu.memory_space<vmem_shared>>) target_semaphore(%run_scoped3A : memref<!tpu.dma_semaphore, #tpu.memory_space<semaphore_mem>>)
      %dma_wait3A_85 = arith.constant 0 : i32
      %dma_wait3A_86 = arith.constant 0 : i32
      %dma_wait3A_87 = tpu.memref_slice %arg9[%dma_wait3A_85, %dma_wait3A_86] : memref<128x128xf32, #tpu.memory_space<vmem>> -> memref<128x128xf32, #tpu.memory_space<vmem>>
      %dma_wait3A_88 = arith.constant 0 : i32
      %dma_wait3A_89 = tpu.memref_slice %arg15[%add3A_12, %dma_wait3A_88] : memref<10112x128xf32, #tpu.memory_space<vmem_shared>> -> memref<128x128xf32, #tpu.memory_space<vmem_shared>>
      %dma_wait3A_90 = arith.constant 0 : i32
      %dma_wait3A_91 = tpu.memref_slice %arg15[%add3A_12, %dma_wait3A_90] : memref<10112x128xf32, #tpu.memory_space<vmem_shared>> -> memref<128x128xf32, #tpu.memory_space<vmem_shared>>
      %dma_wait3A_92 = arith.constant 0 : i32
      %dma_wait3A_93 = arith.constant 0 : i32
      %dma_wait3A_94 = tpu.memref_slice %arg9[%dma_wait3A_92, %dma_wait3A_93] : memref<128x128xf32, #tpu.memory_space<vmem>> -> memref<128x128xf32, #tpu.memory_space<vmem>>
      tpu.wait_dma2 semaphore(%run_scoped3A : memref<!tpu.dma_semaphore, #tpu.memory_space<semaphore_mem>>) src(%dma_wait3A_94 : memref<128x128xf32, #tpu.memory_space<vmem>>) dst(%dma_wait3A_91 : memref<128x128xf32, #tpu.memory_space<vmem_shared>>)
      tpu.yield
    }) : () -> ()
    %mul3A_13 = arith.constant 632 : i32
    %mul3A_14 = arith.muli %arg1, %mul3A_13 : i32
    %add3A_15 = arith.constant 384 : i32
    %add3A_16 = arith.addi %mul3A_14, %add3A_15 : i32
    "tpu.region"() ({
      %run_scoped3A = tpu.sem_alloc : memref<!tpu.dma_semaphore, #tpu.memory_space<semaphore_mem>>
      %dma_start3A_75 = arith.constant 0 : i32
      %dma_start3A_76 = arith.constant 0 : i32
      %dma_start3A_77 = tpu.memref_slice %arg9[%dma_start3A_75, %dma_start3A_76] : memref<128x128xf32, #tpu.memory_space<vmem>> -> memref<128x128xf32, #tpu.memory_space<vmem>>
      %dma_start3A_78 = arith.constant 0 : i32
      %dma_start3A_79 = tpu.memref_slice %arg15[%add3A_16, %dma_start3A_78] : memref<10112x128xf32, #tpu.memory_space<vmem_shared>> -> memref<128x128xf32, #tpu.memory_space<vmem_shared>>
      %dma_start3A_80 = arith.constant 0 : i32
      %dma_start3A_81 = tpu.memref_slice %arg15[%add3A_16, %dma_start3A_80] : memref<10112x128xf32, #tpu.memory_space<vmem_shared>> -> memref<128x128xf32, #tpu.memory_space<vmem_shared>>
      %dma_start3A_82 = arith.constant 0 : i32
      %dma_start3A_83 = arith.constant 0 : i32
      %dma_start3A_84 = tpu.memref_slice %arg9[%dma_start3A_82, %dma_start3A_83] : memref<128x128xf32, #tpu.memory_space<vmem>> -> memref<128x128xf32, #tpu.memory_space<vmem>>
      tpu.enqueue_dma source(%dma_start3A_84 : memref<128x128xf32, #tpu.memory_space<vmem>>) target(%dma_start3A_81 : memref<128x128xf32, #tpu.memory_space<vmem_shared>>) target_semaphore(%run_scoped3A : memref<!tpu.dma_semaphore, #tpu.memory_space<semaphore_mem>>)
      %dma_wait3A_85 = arith.constant 0 : i32
      %dma_wait3A_86 = arith.constant 0 : i32
      %dma_wait3A_87 = tpu.memref_slice %arg9[%dma_wait3A_85, %dma_wait3A_86] : memref<128x128xf32, #tpu.memory_space<vmem>> -> memref<128x128xf32, #tpu.memory_space<vmem>>
      %dma_wait3A_88 = arith.constant 0 : i32
      %dma_wait3A_89 = tpu.memref_slice %arg15[%add3A_16, %dma_wait3A_88] : memref<10112x128xf32, #tpu.memory_space<vmem_shared>> -> memref<128x128xf32, #tpu.memory_space<vmem_shared>>
      %dma_wait3A_90 = arith.constant 0 : i32
      %dma_wait3A_91 = tpu.memref_slice %arg15[%add3A_16, %dma_wait3A_90] : memref<10112x128xf32, #tpu.memory_space<vmem_shared>> -> memref<128x128xf32, #tpu.memory_space<vmem_shared>>
      %dma_wait3A_92 = arith.constant 0 : i32
      %dma_wait3A_93 = arith.constant 0 : i32
      %dma_wait3A_94 = tpu.memref_slice %arg9[%dma_wait3A_92, %dma_wait3A_93] : memref<128x128xf32, #tpu.memory_space<vmem>> -> memref<128x128xf32, #tpu.memory_space<vmem>>
      tpu.wait_dma2 semaphore(%run_scoped3A : memref<!tpu.dma_semaphore, #tpu.memory_space<semaphore_mem>>) src(%dma_wait3A_94 : memref<128x128xf32, #tpu.memory_space<vmem>>) dst(%dma_wait3A_91 : memref<128x128xf32, #tpu.memory_space<vmem_shared>>)
      tpu.yield
    }) : () -> ()
    %mul3A_17 = arith.constant 632 : i32
    %mul3A_18 = arith.muli %arg1, %mul3A_17 : i32
    %add3A_19 = arith.constant 512 : i32
    %add3A_20 = arith.addi %mul3A_18, %add3A_19 : i32
    "tpu.region"() ({
      %run_scoped3A = tpu.sem_alloc : memref<!tpu.dma_semaphore, #tpu.memory_space<semaphore_mem>>
      %dma_start3A_75 = arith.constant 0 : i32
      %dma_start3A_76 = arith.constant 0 : i32
      %dma_start3A_77 = tpu.memref_slice %arg9[%dma_start3A_75, %dma_start3A_76] : memref<128x128xf32, #tpu.memory_space<vmem>> -> memref<120x128xf32, #tpu.memory_space<vmem>>
      %dma_start3A_78 = arith.constant 0 : i32
      %dma_start3A_79 = tpu.memref_slice %arg15[%add3A_20, %dma_start3A_78] : memref<10112x128xf32, #tpu.memory_space<vmem_shared>> -> memref<120x128xf32, #tpu.memory_space<vmem_shared>>
      %dma_start3A_80 = arith.constant 0 : i32
      %dma_start3A_81 = tpu.memref_slice %arg15[%add3A_20, %dma_start3A_80] : memref<10112x128xf32, #tpu.memory_space<vmem_shared>> -> memref<120x128xf32, #tpu.memory_space<vmem_shared>>
      %dma_start3A_82 = arith.constant 0 : i32
      %dma_start3A_83 = arith.constant 0 : i32
      %dma_start3A_84 = tpu.memref_slice %arg9[%dma_start3A_82, %dma_start3A_83] : memref<128x128xf32, #tpu.memory_space<vmem>> -> memref<120x128xf32, #tpu.memory_space<vmem>>
      tpu.enqueue_dma source(%dma_start3A_84 : memref<120x128xf32, #tpu.memory_space<vmem>>) target(%dma_start3A_81 : memref<120x128xf32, #tpu.memory_space<vmem_shared>>) target_semaphore(%run_scoped3A : memref<!tpu.dma_semaphore, #tpu.memory_space<semaphore_mem>>)
      %dma_wait3A_85 = arith.constant 0 : i32
      %dma_wait3A_86 = arith.constant 0 : i32
      %dma_wait3A_87 = tpu.memref_slice %arg9[%dma_wait3A_85, %dma_wait3A_86] : memref<128x128xf32, #tpu.memory_space<vmem>> -> memref<120x128xf32, #tpu.memory_space<vmem>>
      %dma_wait3A_88 = arith.constant 0 : i32
      %dma_wait3A_89 = tpu.memref_slice %arg15[%add3A_20, %dma_wait3A_88] : memref<10112x128xf32, #tpu.memory_space<vmem_shared>> -> memref<120x128xf32, #tpu.memory_space<vmem_shared>>
      %dma_wait3A_90 = arith.constant 0 : i32
      %dma_wait3A_91 = tpu.memref_slice %arg15[%add3A_20, %dma_wait3A_90] : memref<10112x128xf32, #tpu.memory_space<vmem_shared>> -> memref<120x128xf32, #tpu.memory_space<vmem_shared>>
      %dma_wait3A_92 = arith.constant 0 : i32
      %dma_wait3A_93 = arith.constant 0 : i32
      %dma_wait3A_94 = tpu.memref_slice %arg9[%dma_wait3A_92, %dma_wait3A_93] : memref<128x128xf32, #tpu.memory_space<vmem>> -> memref<120x128xf32, #tpu.memory_space<vmem>>
      tpu.wait_dma2 semaphore(%run_scoped3A : memref<!tpu.dma_semaphore, #tpu.memory_space<semaphore_mem>>) src(%dma_wait3A_94 : memref<120x128xf32, #tpu.memory_space<vmem>>) dst(%dma_wait3A_91 : memref<120x128xf32, #tpu.memory_space<vmem_shared>>)
      tpu.yield
    }) : () -> ()
    %barrier3A = arith.constant 0 : index
    tpu.barrier barrier_id(%barrier3A)
    %mul3A_21 = arith.constant 80 : i32
    %mul3A_22 = arith.muli %add3A, %mul3A_21 : i32
    %add3A_23 = arith.constant 0 : i32
    %add3A_24 = arith.addi %mul3A_22, %add3A_23 : i32
    "tpu.region"() ({
      %run_scoped3A = tpu.sem_alloc : memref<!tpu.dma_semaphore, #tpu.memory_space<semaphore_mem>>
      %dma_start3A_75 = arith.constant 0 : i32
      %dma_start3A_76 = tpu.memref_slice %arg3[%add3A_24, %dma_start3A_75] : memref<2560x128xi32, #tpu.memory_space<hbm>> -> memref<40x128xi32, #tpu.memory_space<hbm>>
      %dma_start3A_77 = arith.constant 0 : i32
      %dma_start3A_78 = tpu.memref_slice %arg3[%add3A_24, %dma_start3A_77] : memref<2560x128xi32, #tpu.memory_space<hbm>> -> memref<40x128xi32, #tpu.memory_space<hbm>>
      tpu.enqueue_dma source(%dma_start3A_78 : memref<40x128xi32, #tpu.memory_space<hbm>>) target(%arg7 : memref<40x128xi32, #tpu.memory_space<vmem>>) target_semaphore(%run_scoped3A : memref<!tpu.dma_semaphore, #tpu.memory_space<semaphore_mem>>)
      %dma_wait3A_79 = arith.constant 0 : i32
      %dma_wait3A_80 = tpu.memref_slice %arg3[%add3A_24, %dma_wait3A_79] : memref<2560x128xi32, #tpu.memory_space<hbm>> -> memref<40x128xi32, #tpu.memory_space<hbm>>
      %dma_wait3A_81 = arith.constant 0 : i32
      %dma_wait3A_82 = tpu.memref_slice %arg3[%add3A_24, %dma_wait3A_81] : memref<2560x128xi32, #tpu.memory_space<hbm>> -> memref<40x128xi32, #tpu.memory_space<hbm>>
      tpu.wait_dma2 semaphore(%run_scoped3A : memref<!tpu.dma_semaphore, #tpu.memory_space<semaphore_mem>>) src(%dma_wait3A_82 : memref<40x128xi32, #tpu.memory_space<hbm>>) dst(%arg7 : memref<40x128xi32, #tpu.memory_space<vmem>>)
      tpu.yield
    }) : () -> ()
    %add3A_25 = arith.constant 0 : i32
    %add3A_26 = arith.addi %mul3A_22, %add3A_25 : i32
    "tpu.region"() ({
      %run_scoped3A = tpu.sem_alloc : memref<!tpu.dma_semaphore, #tpu.memory_space<semaphore_mem>>
      %dma_start3A_75 = arith.constant 0 : i32
      %dma_start3A_76 = tpu.memref_slice %arg4[%add3A_26, %dma_start3A_75] : memref<2560x128xi32, #tpu.memory_space<hbm>> -> memref<40x128xi32, #tpu.memory_space<hbm>>
      %dma_start3A_77 = arith.constant 0 : i32
      %dma_start3A_78 = tpu.memref_slice %arg4[%add3A_26, %dma_start3A_77] : memref<2560x128xi32, #tpu.memory_space<hbm>> -> memref<40x128xi32, #tpu.memory_space<hbm>>
      tpu.enqueue_dma source(%dma_start3A_78 : memref<40x128xi32, #tpu.memory_space<hbm>>) target(%arg8 : memref<40x128xi32, #tpu.memory_space<vmem>>) target_semaphore(%run_scoped3A : memref<!tpu.dma_semaphore, #tpu.memory_space<semaphore_mem>>)
      %dma_wait3A_79 = arith.constant 0 : i32
      %dma_wait3A_80 = tpu.memref_slice %arg4[%add3A_26, %dma_wait3A_79] : memref<2560x128xi32, #tpu.memory_space<hbm>> -> memref<40x128xi32, #tpu.memory_space<hbm>>
      %dma_wait3A_81 = arith.constant 0 : i32
      %dma_wait3A_82 = tpu.memref_slice %arg4[%add3A_26, %dma_wait3A_81] : memref<2560x128xi32, #tpu.memory_space<hbm>> -> memref<40x128xi32, #tpu.memory_space<hbm>>
      tpu.wait_dma2 semaphore(%run_scoped3A : memref<!tpu.dma_semaphore, #tpu.memory_space<semaphore_mem>>) src(%dma_wait3A_82 : memref<40x128xi32, #tpu.memory_space<hbm>>) dst(%arg8 : memref<40x128xi32, #tpu.memory_space<vmem>>)
      tpu.yield
    }) : () -> ()
    %dma_start3A = arith.constant 0 : i32
    %dma_start3A_27 = arith.constant 0 : i32
    %dma_start3A_28 = tpu.memref_slice %arg7[%dma_start3A, %dma_start3A_27] : memref<40x128xi32, #tpu.memory_space<vmem>> -> memref<1x128xi32, #tpu.memory_space<vmem>>
    %dma_start3A_29 = tpu.memref_squeeze %dma_start3A_28 : memref<1x128xi32, #tpu.memory_space<vmem>> -> memref<128xi32, #tpu.memory_space<vmem>>
    %dma_start3A_30 = arith.constant 0 : i32
    %dma_start3A_31 = arith.constant 0 : i32
    %dma_start3A_32 = tpu.memref_slice %arg2[%dma_start3A_30, %dma_start3A_31] : memref<10000x128xf32, #tpu.memory_space<hbm>> -> memref<10000x128xf32, #tpu.memory_space<hbm>>
    tpu.enqueue_indirect_dma source(%dma_start3A_32 : memref<10000x128xf32, #tpu.memory_space<hbm>>) target(%arg9 : memref<128x128xf32, #tpu.memory_space<vmem>>) offsets(%dma_start3A_29 : memref<128xi32, #tpu.memory_space<vmem>>) semaphore(%arg11 : memref<!tpu.dma_semaphore, #tpu.memory_space<semaphore_mem>>)
    %scan3A = arith.constant 0 : i32
    %scan3A_33 = arith.constant 0 : i32
    %scan3A_34 = arith.constant 20 : i32
    %scan3A_35 = arith.addi %scan3A_33, %scan3A_34 : i32
    %scan3A_36 = arith.constant 1 : i32
    scf.for %scan3A_75 = %scan3A_33 to %scan3A_35 step %scan3A_36  : i32 {
      %gt3A = arith.constant 0 : i32
      %gt3A_76 = arith.cmpi sgt, %scan3A_75, %gt3A : i32
      %convert_element_type3A_77 = arith.extui %gt3A_76 : i1 to i32
      %cond3A_78 = arith.constant 0 : i32
      %cond3A_79 = arith.cmpi ne, %convert_element_type3A_77, %cond3A_78 : i32
      scf.if %cond3A_79 {
        %mul3A_139 = arith.constant 2 : i32
        %mul3A_140 = arith.muli %mul3A_139, %scan3A_75 : i32
        %sub3A = arith.constant 1 : i32
        %sub3A_141 = arith.subi %mul3A_140, %sub3A : i32
        %dma_wait3A_142 = arith.constant 0 : i32
        %dma_wait3A_143 = tpu.memref_slice %arg8[%sub3A_141, %dma_wait3A_142] : memref<40x128xi32, #tpu.memory_space<vmem>> -> memref<1x128xi32, #tpu.memory_space<vmem>>
        %dma_wait3A_144 = tpu.memref_squeeze %dma_wait3A_143 : memref<1x128xi32, #tpu.memory_space<vmem>> -> memref<128xi32, #tpu.memory_space<vmem>>
        %dma_wait3A_145 = arith.constant 0 : i32
        %dma_wait3A_146 = arith.constant 0 : i32
        %dma_wait3A_147 = tpu.memref_slice %arg15[%dma_wait3A_145, %dma_wait3A_146] : memref<10112x128xf32, #tpu.memory_space<vmem_shared>> -> memref<10112x128xf32, #tpu.memory_space<vmem_shared>>
        tpu.wait_indirect_dma semaphore(%arg14 : memref<!tpu.dma_semaphore, #tpu.memory_space<semaphore_mem>>) src(%arg10 : memref<128x128xf32, #tpu.memory_space<vmem>>) dst(%dma_wait3A_147 : memref<10112x128xf32, #tpu.memory_space<vmem_shared>>)
      } else {
      }
      %mul3A_80 = arith.constant 2 : i32
      %mul3A_81 = arith.muli %mul3A_80, %scan3A_75 : i32
      %add3A_82 = arith.constant 1 : i32
      %add3A_83 = arith.addi %mul3A_81, %add3A_82 : i32
      %dma_start3A_84 = arith.constant 0 : i32
      %dma_start3A_85 = tpu.memref_slice %arg7[%add3A_83, %dma_start3A_84] : memref<40x128xi32, #tpu.memory_space<vmem>> -> memref<1x128xi32, #tpu.memory_space<vmem>>
      %dma_start3A_86 = tpu.memref_squeeze %dma_start3A_85 : memref<1x128xi32, #tpu.memory_space<vmem>> -> memref<128xi32, #tpu.memory_space<vmem>>
      %dma_start3A_87 = arith.constant 0 : i32
      %dma_start3A_88 = arith.constant 0 : i32
      %dma_start3A_89 = tpu.memref_slice %arg2[%dma_start3A_87, %dma_start3A_88] : memref<10000x128xf32, #tpu.memory_space<hbm>> -> memref<10000x128xf32, #tpu.memory_space<hbm>>
      tpu.enqueue_indirect_dma source(%dma_start3A_89 : memref<10000x128xf32, #tpu.memory_space<hbm>>) target(%arg10 : memref<128x128xf32, #tpu.memory_space<vmem>>) offsets(%dma_start3A_86 : memref<128xi32, #tpu.memory_space<vmem>>) semaphore(%arg12 : memref<!tpu.dma_semaphore, #tpu.memory_space<semaphore_mem>>)
      %mul3A_90 = arith.constant 2 : i32
      %mul3A_91 = arith.muli %mul3A_90, %scan3A_75 : i32
      %dma_wait3A_92 = arith.constant 0 : i32
      %dma_wait3A_93 = tpu.memref_slice %arg7[%mul3A_91, %dma_wait3A_92] : memref<40x128xi32, #tpu.memory_space<vmem>> -> memref<1x128xi32, #tpu.memory_space<vmem>>
      %dma_wait3A_94 = tpu.memref_squeeze %dma_wait3A_93 : memref<1x128xi32, #tpu.memory_space<vmem>> -> memref<128xi32, #tpu.memory_space<vmem>>
      %dma_wait3A_95 = arith.constant 0 : i32
      %dma_wait3A_96 = arith.constant 0 : i32
      %dma_wait3A_97 = tpu.memref_slice %arg2[%dma_wait3A_95, %dma_wait3A_96] : memref<10000x128xf32, #tpu.memory_space<hbm>> -> memref<10000x128xf32, #tpu.memory_space<hbm>>
      tpu.wait_indirect_dma semaphore(%arg11 : memref<!tpu.dma_semaphore, #tpu.memory_space<semaphore_mem>>) src(%dma_wait3A_97 : memref<10000x128xf32, #tpu.memory_space<hbm>>) dst(%arg9 : memref<128x128xf32, #tpu.memory_space<vmem>>)
      %mul3A_98 = arith.constant 2 : i32
      %mul3A_99 = arith.muli %mul3A_98, %scan3A_75 : i32
      %dma_start3A_100 = arith.constant 0 : i32
      %dma_start3A_101 = tpu.memref_slice %arg8[%mul3A_99, %dma_start3A_100] : memref<40x128xi32, #tpu.memory_space<vmem>> -> memref<1x128xi32, #tpu.memory_space<vmem>>
      %dma_start3A_102 = tpu.memref_squeeze %dma_start3A_101 : memref<1x128xi32, #tpu.memory_space<vmem>> -> memref<128xi32, #tpu.memory_space<vmem>>
      %dma_start3A_103 = arith.constant 0 : i32
      %dma_start3A_104 = arith.constant 0 : i32
      %dma_start3A_105 = tpu.memref_slice %arg15[%dma_start3A_103, %dma_start3A_104] : memref<10112x128xf32, #tpu.memory_space<vmem_shared>> -> memref<10112x128xf32, #tpu.memory_space<vmem_shared>>
      tpu.enqueue_indirect_dma source(%arg9 : memref<128x128xf32, #tpu.memory_space<vmem>>) target(%dma_start3A_105 : memref<10112x128xf32, #tpu.memory_space<vmem_shared>>) offsets(%dma_start3A_102 : memref<128xi32, #tpu.memory_space<vmem>>) semaphore(%arg13 : memref<!tpu.dma_semaphore, #tpu.memory_space<semaphore_mem>>) {add = true}
      %mul3A_106 = arith.constant 2 : i32
      %mul3A_107 = arith.muli %mul3A_106, %scan3A_75 : i32
      %dma_wait3A_108 = arith.constant 0 : i32
      %dma_wait3A_109 = tpu.memref_slice %arg8[%mul3A_107, %dma_wait3A_108] : memref<40x128xi32, #tpu.memory_space<vmem>> -> memref<1x128xi32, #tpu.memory_space<vmem>>
      %dma_wait3A_110 = tpu.memref_squeeze %dma_wait3A_109 : memref<1x128xi32, #tpu.memory_space<vmem>> -> memref<128xi32, #tpu.memory_space<vmem>>
      %dma_wait3A_111 = arith.constant 0 : i32
      %dma_wait3A_112 = arith.constant 0 : i32
      %dma_wait3A_113 = tpu.memref_slice %arg15[%dma_wait3A_111, %dma_wait3A_112] : memref<10112x128xf32, #tpu.memory_space<vmem_shared>> -> memref<10112x128xf32, #tpu.memory_space<vmem_shared>>
      tpu.wait_indirect_dma semaphore(%arg13 : memref<!tpu.dma_semaphore, #tpu.memory_space<semaphore_mem>>) src(%arg9 : memref<128x128xf32, #tpu.memory_space<vmem>>) dst(%dma_wait3A_113 : memref<10112x128xf32, #tpu.memory_space<vmem_shared>>)
      %lt3A_114 = arith.constant 19 : i32
      %lt3A_115 = arith.cmpi slt, %scan3A_75, %lt3A_114 : i32
      %convert_element_type3A_116 = arith.extui %lt3A_115 : i1 to i32
      %cond3A_117 = arith.constant 0 : i32
      %cond3A_118 = arith.cmpi ne, %convert_element_type3A_116, %cond3A_117 : i32
      scf.if %cond3A_118 {
        %mul3A_139 = arith.constant 2 : i32
        %mul3A_140 = arith.muli %mul3A_139, %scan3A_75 : i32
        %add3A_141 = arith.constant 2 : i32
        %add3A_142 = arith.addi %mul3A_140, %add3A_141 : i32
        %dma_start3A_143 = arith.constant 0 : i32
        %dma_start3A_144 = tpu.memref_slice %arg7[%add3A_142, %dma_start3A_143] : memref<40x128xi32, #tpu.memory_space<vmem>> -> memref<1x128xi32, #tpu.memory_space<vmem>>
        %dma_start3A_145 = tpu.memref_squeeze %dma_start3A_144 : memref<1x128xi32, #tpu.memory_space<vmem>> -> memref<128xi32, #tpu.memory_space<vmem>>
        %dma_start3A_146 = arith.constant 0 : i32
        %dma_start3A_147 = arith.constant 0 : i32
        %dma_start3A_148 = tpu.memref_slice %arg2[%dma_start3A_146, %dma_start3A_147] : memref<10000x128xf32, #tpu.memory_space<hbm>> -> memref<10000x128xf32, #tpu.memory_space<hbm>>
        tpu.enqueue_indirect_dma source(%dma_start3A_148 : memref<10000x128xf32, #tpu.memory_space<hbm>>) target(%arg9 : memref<128x128xf32, #tpu.memory_space<vmem>>) offsets(%dma_start3A_145 : memref<128xi32, #tpu.memory_space<vmem>>) semaphore(%arg11 : memref<!tpu.dma_semaphore, #tpu.memory_space<semaphore_mem>>)
      } else {
      }
      %mul3A_119 = arith.constant 2 : i32
      %mul3A_120 = arith.muli %mul3A_119, %scan3A_75 : i32
      %add3A_121 = arith.constant 1 : i32
      %add3A_122 = arith.addi %mul3A_120, %add3A_121 : i32
      %dma_wait3A_123 = arith.constant 0 : i32
      %dma_wait3A_124 = tpu.memref_slice %arg7[%add3A_122, %dma_wait3A_123] : memref<40x128xi32, #tpu.memory_space<vmem>> -> memref<1x128xi32, #tpu.memory_space<vmem>>
      %dma_wait3A_125 = tpu.memref_squeeze %dma_wait3A_124 : memref<1x128xi32, #tpu.memory_space<vmem>> -> memref<128xi32, #tpu.memory_space<vmem>>
      %dma_wait3A_126 = arith.constant 0 : i32
      %dma_wait3A_127 = arith.constant 0 : i32
      %dma_wait3A_128 = tpu.memref_slice %arg2[%dma_wait3A_126, %dma_wait3A_127] : memref<10000x128xf32, #tpu.memory_space<hbm>> -> memref<10000x128xf32, #tpu.memory_space<hbm>>
      tpu.wait_indirect_dma semaphore(%arg12 : memref<!tpu.dma_semaphore, #tpu.memory_space<semaphore_mem>>) src(%dma_wait3A_128 : memref<10000x128xf32, #tpu.memory_space<hbm>>) dst(%arg10 : memref<128x128xf32, #tpu.memory_space<vmem>>)
      %mul3A_129 = arith.constant 2 : i32
      %mul3A_130 = arith.muli %mul3A_129, %scan3A_75 : i32
      %add3A_131 = arith.constant 1 : i32
      %add3A_132 = arith.addi %mul3A_130, %add3A_131 : i32
      %dma_start3A_133 = arith.constant 0 : i32
      %dma_start3A_134 = tpu.memref_slice %arg8[%add3A_132, %dma_start3A_133] : memref<40x128xi32, #tpu.memory_space<vmem>> -> memref<1x128xi32, #tpu.memory_space<vmem>>
      %dma_start3A_135 = tpu.memref_squeeze %dma_start3A_134 : memref<1x128xi32, #tpu.memory_space<vmem>> -> memref<128xi32, #tpu.memory_space<vmem>>
      %dma_start3A_136 = arith.constant 0 : i32
      %dma_start3A_137 = arith.constant 0 : i32
      %dma_start3A_138 = tpu.memref_slice %arg15[%dma_start3A_136, %dma_start3A_137] : memref<10112x128xf32, #tpu.memory_space<vmem_shared>> -> memref<10112x128xf32, #tpu.memory_space<vmem_shared>>
      tpu.enqueue_indirect_dma source(%arg10 : memref<128x128xf32, #tpu.memory_space<vmem>>) target(%dma_start3A_138 : memref<10112x128xf32, #tpu.memory_space<vmem_shared>>) offsets(%dma_start3A_135 : memref<128xi32, #tpu.memory_space<vmem>>) semaphore(%arg14 : memref<!tpu.dma_semaphore, #tpu.memory_space<semaphore_mem>>) {add = true}
    }
    %scan3A_37 = arith.constant 20 : i32
    %dma_wait3A = arith.constant 39 : i32
    %dma_wait3A_38 = arith.constant 0 : i32
    %dma_wait3A_39 = tpu.memref_slice %arg8[%dma_wait3A, %dma_wait3A_38] : memref<40x128xi32, #tpu.memory_space<vmem>> -> memref<1x128xi32, #tpu.memory_space<vmem>>
    %dma_wait3A_40 = tpu.memref_squeeze %dma_wait3A_39 : memref<1x128xi32, #tpu.memory_space<vmem>> -> memref<128xi32, #tpu.memory_space<vmem>>
    %dma_wait3A_41 = arith.constant 0 : i32
    %dma_wait3A_42 = arith.constant 0 : i32
    %dma_wait3A_43 = tpu.memref_slice %arg15[%dma_wait3A_41, %dma_wait3A_42] : memref<10112x128xf32, #tpu.memory_space<vmem_shared>> -> memref<10112x128xf32, #tpu.memory_space<vmem_shared>>
    tpu.wait_indirect_dma semaphore(%arg14 : memref<!tpu.dma_semaphore, #tpu.memory_space<semaphore_mem>>) src(%arg10 : memref<128x128xf32, #tpu.memory_space<vmem>>) dst(%dma_wait3A_43 : memref<10112x128xf32, #tpu.memory_space<vmem_shared>>)
    %add3A_44 = arith.constant 40 : i32
    %add3A_45 = arith.addi %mul3A_22, %add3A_44 : i32
    "tpu.region"() ({
      %run_scoped3A = tpu.sem_alloc : memref<!tpu.dma_semaphore, #tpu.memory_space<semaphore_mem>>
      %dma_start3A_75 = arith.constant 0 : i32
      %dma_start3A_76 = tpu.memref_slice %arg3[%add3A_45, %dma_start3A_75] : memref<2560x128xi32, #tpu.memory_space<hbm>> -> memref<40x128xi32, #tpu.memory_space<hbm>>
      %dma_start3A_77 = arith.constant 0 : i32
      %dma_start3A_78 = tpu.memref_slice %arg3[%add3A_45, %dma_start3A_77] : memref<2560x128xi32, #tpu.memory_space<hbm>> -> memref<40x128xi32, #tpu.memory_space<hbm>>
      tpu.enqueue_dma source(%dma_start3A_78 : memref<40x128xi32, #tpu.memory_space<hbm>>) target(%arg7 : memref<40x128xi32, #tpu.memory_space<vmem>>) target_semaphore(%run_scoped3A : memref<!tpu.dma_semaphore, #tpu.memory_space<semaphore_mem>>)
      %dma_wait3A_79 = arith.constant 0 : i32
      %dma_wait3A_80 = tpu.memref_slice %arg3[%add3A_45, %dma_wait3A_79] : memref<2560x128xi32, #tpu.memory_space<hbm>> -> memref<40x128xi32, #tpu.memory_space<hbm>>
      %dma_wait3A_81 = arith.constant 0 : i32
      %dma_wait3A_82 = tpu.memref_slice %arg3[%add3A_45, %dma_wait3A_81] : memref<2560x128xi32, #tpu.memory_space<hbm>> -> memref<40x128xi32, #tpu.memory_space<hbm>>
      tpu.wait_dma2 semaphore(%run_scoped3A : memref<!tpu.dma_semaphore, #tpu.memory_space<semaphore_mem>>) src(%dma_wait3A_82 : memref<40x128xi32, #tpu.memory_space<hbm>>) dst(%arg7 : memref<40x128xi32, #tpu.memory_space<vmem>>)
      tpu.yield
    }) : () -> ()
    %add3A_46 = arith.constant 40 : i32
    %add3A_47 = arith.addi %mul3A_22, %add3A_46 : i32
    "tpu.region"() ({
      %run_scoped3A = tpu.sem_alloc : memref<!tpu.dma_semaphore, #tpu.memory_space<semaphore_mem>>
      %dma_start3A_75 = arith.constant 0 : i32
      %dma_start3A_76 = tpu.memref_slice %arg4[%add3A_47, %dma_start3A_75] : memref<2560x128xi32, #tpu.memory_space<hbm>> -> memref<40x128xi32, #tpu.memory_space<hbm>>
      %dma_start3A_77 = arith.constant 0 : i32
      %dma_start3A_78 = tpu.memref_slice %arg4[%add3A_47, %dma_start3A_77] : memref<2560x128xi32, #tpu.memory_space<hbm>> -> memref<40x128xi32, #tpu.memory_space<hbm>>
      tpu.enqueue_dma source(%dma_start3A_78 : memref<40x128xi32, #tpu.memory_space<hbm>>) target(%arg8 : memref<40x128xi32, #tpu.memory_space<vmem>>) target_semaphore(%run_scoped3A : memref<!tpu.dma_semaphore, #tpu.memory_space<semaphore_mem>>)
      %dma_wait3A_79 = arith.constant 0 : i32
      %dma_wait3A_80 = tpu.memref_slice %arg4[%add3A_47, %dma_wait3A_79] : memref<2560x128xi32, #tpu.memory_space<hbm>> -> memref<40x128xi32, #tpu.memory_space<hbm>>
      %dma_wait3A_81 = arith.constant 0 : i32
      %dma_wait3A_82 = tpu.memref_slice %arg4[%add3A_47, %dma_wait3A_81] : memref<2560x128xi32, #tpu.memory_space<hbm>> -> memref<40x128xi32, #tpu.memory_space<hbm>>
      tpu.wait_dma2 semaphore(%run_scoped3A : memref<!tpu.dma_semaphore, #tpu.memory_space<semaphore_mem>>) src(%dma_wait3A_82 : memref<40x128xi32, #tpu.memory_space<hbm>>) dst(%arg8 : memref<40x128xi32, #tpu.memory_space<vmem>>)
      tpu.yield
    }) : () -> ()
    %dma_start3A_48 = arith.constant 0 : i32
    %dma_start3A_49 = arith.constant 0 : i32
    %dma_start3A_50 = tpu.memref_slice %arg7[%dma_start3A_48, %dma_start3A_49] : memref<40x128xi32, #tpu.memory_space<vmem>> -> memref<1x128xi32, #tpu.memory_space<vmem>>
    %dma_start3A_51 = tpu.memref_squeeze %dma_start3A_50 : memref<1x128xi32, #tpu.memory_space<vmem>> -> memref<128xi32, #tpu.memory_space<vmem>>
    %dma_start3A_52 = arith.constant 0 : i32
    %dma_start3A_53 = arith.constant 0 : i32
    %dma_start3A_54 = tpu.memref_slice %arg2[%dma_start3A_52, %dma_start3A_53] : memref<10000x128xf32, #tpu.memory_space<hbm>> -> memref<10000x128xf32, #tpu.memory_space<hbm>>
    tpu.enqueue_indirect_dma source(%dma_start3A_54 : memref<10000x128xf32, #tpu.memory_space<hbm>>) target(%arg9 : memref<128x128xf32, #tpu.memory_space<vmem>>) offsets(%dma_start3A_51 : memref<128xi32, #tpu.memory_space<vmem>>) semaphore(%arg11 : memref<!tpu.dma_semaphore, #tpu.memory_space<semaphore_mem>>)
    %scan3A_55 = arith.constant 0 : i32
    %scan3A_56 = arith.constant 0 : i32
    %scan3A_57 = arith.constant 20 : i32
    %scan3A_58 = arith.addi %scan3A_56, %scan3A_57 : i32
    %scan3A_59 = arith.constant 1 : i32
    scf.for %scan3A_75 = %scan3A_56 to %scan3A_58 step %scan3A_59  : i32 {
      %gt3A = arith.constant 0 : i32
      %gt3A_76 = arith.cmpi sgt, %scan3A_75, %gt3A : i32
      %convert_element_type3A_77 = arith.extui %gt3A_76 : i1 to i32
      %cond3A_78 = arith.constant 0 : i32
      %cond3A_79 = arith.cmpi ne, %convert_element_type3A_77, %cond3A_78 : i32
      scf.if %cond3A_79 {
        %mul3A_139 = arith.constant 2 : i32
        %mul3A_140 = arith.muli %mul3A_139, %scan3A_75 : i32
        %sub3A = arith.constant 1 : i32
        %sub3A_141 = arith.subi %mul3A_140, %sub3A : i32
        %dma_wait3A_142 = arith.constant 0 : i32
        %dma_wait3A_143 = tpu.memref_slice %arg8[%sub3A_141, %dma_wait3A_142] : memref<40x128xi32, #tpu.memory_space<vmem>> -> memref<1x128xi32, #tpu.memory_space<vmem>>
        %dma_wait3A_144 = tpu.memref_squeeze %dma_wait3A_143 : memref<1x128xi32, #tpu.memory_space<vmem>> -> memref<128xi32, #tpu.memory_space<vmem>>
        %dma_wait3A_145 = arith.constant 0 : i32
        %dma_wait3A_146 = arith.constant 0 : i32
        %dma_wait3A_147 = tpu.memref_slice %arg15[%dma_wait3A_145, %dma_wait3A_146] : memref<10112x128xf32, #tpu.memory_space<vmem_shared>> -> memref<10112x128xf32, #tpu.memory_space<vmem_shared>>
        tpu.wait_indirect_dma semaphore(%arg14 : memref<!tpu.dma_semaphore, #tpu.memory_space<semaphore_mem>>) src(%arg10 : memref<128x128xf32, #tpu.memory_space<vmem>>) dst(%dma_wait3A_147 : memref<10112x128xf32, #tpu.memory_space<vmem_shared>>)
      } else {
      }
      %mul3A_80 = arith.constant 2 : i32
      %mul3A_81 = arith.muli %mul3A_80, %scan3A_75 : i32
      %add3A_82 = arith.constant 1 : i32
      %add3A_83 = arith.addi %mul3A_81, %add3A_82 : i32
      %dma_start3A_84 = arith.constant 0 : i32
      %dma_start3A_85 = tpu.memref_slice %arg7[%add3A_83, %dma_start3A_84] : memref<40x128xi32, #tpu.memory_space<vmem>> -> memref<1x128xi32, #tpu.memory_space<vmem>>
      %dma_start3A_86 = tpu.memref_squeeze %dma_start3A_85 : memref<1x128xi32, #tpu.memory_space<vmem>> -> memref<128xi32, #tpu.memory_space<vmem>>
      %dma_start3A_87 = arith.constant 0 : i32
      %dma_start3A_88 = arith.constant 0 : i32
      %dma_start3A_89 = tpu.memref_slice %arg2[%dma_start3A_87, %dma_start3A_88] : memref<10000x128xf32, #tpu.memory_space<hbm>> -> memref<10000x128xf32, #tpu.memory_space<hbm>>
      tpu.enqueue_indirect_dma source(%dma_start3A_89 : memref<10000x128xf32, #tpu.memory_space<hbm>>) target(%arg10 : memref<128x128xf32, #tpu.memory_space<vmem>>) offsets(%dma_start3A_86 : memref<128xi32, #tpu.memory_space<vmem>>) semaphore(%arg12 : memref<!tpu.dma_semaphore, #tpu.memory_space<semaphore_mem>>)
      %mul3A_90 = arith.constant 2 : i32
      %mul3A_91 = arith.muli %mul3A_90, %scan3A_75 : i32
      %dma_wait3A_92 = arith.constant 0 : i32
      %dma_wait3A_93 = tpu.memref_slice %arg7[%mul3A_91, %dma_wait3A_92] : memref<40x128xi32, #tpu.memory_space<vmem>> -> memref<1x128xi32, #tpu.memory_space<vmem>>
      %dma_wait3A_94 = tpu.memref_squeeze %dma_wait3A_93 : memref<1x128xi32, #tpu.memory_space<vmem>> -> memref<128xi32, #tpu.memory_space<vmem>>
      %dma_wait3A_95 = arith.constant 0 : i32
      %dma_wait3A_96 = arith.constant 0 : i32
      %dma_wait3A_97 = tpu.memref_slice %arg2[%dma_wait3A_95, %dma_wait3A_96] : memref<10000x128xf32, #tpu.memory_space<hbm>> -> memref<10000x128xf32, #tpu.memory_space<hbm>>
      tpu.wait_indirect_dma semaphore(%arg11 : memref<!tpu.dma_semaphore, #tpu.memory_space<semaphore_mem>>) src(%dma_wait3A_97 : memref<10000x128xf32, #tpu.memory_space<hbm>>) dst(%arg9 : memref<128x128xf32, #tpu.memory_space<vmem>>)
      %mul3A_98 = arith.constant 2 : i32
      %mul3A_99 = arith.muli %mul3A_98, %scan3A_75 : i32
      %dma_start3A_100 = arith.constant 0 : i32
      %dma_start3A_101 = tpu.memref_slice %arg8[%mul3A_99, %dma_start3A_100] : memref<40x128xi32, #tpu.memory_space<vmem>> -> memref<1x128xi32, #tpu.memory_space<vmem>>
      %dma_start3A_102 = tpu.memref_squeeze %dma_start3A_101 : memref<1x128xi32, #tpu.memory_space<vmem>> -> memref<128xi32, #tpu.memory_space<vmem>>
      %dma_start3A_103 = arith.constant 0 : i32
      %dma_start3A_104 = arith.constant 0 : i32
      %dma_start3A_105 = tpu.memref_slice %arg15[%dma_start3A_103, %dma_start3A_104] : memref<10112x128xf32, #tpu.memory_space<vmem_shared>> -> memref<10112x128xf32, #tpu.memory_space<vmem_shared>>
      tpu.enqueue_indirect_dma source(%arg9 : memref<128x128xf32, #tpu.memory_space<vmem>>) target(%dma_start3A_105 : memref<10112x128xf32, #tpu.memory_space<vmem_shared>>) offsets(%dma_start3A_102 : memref<128xi32, #tpu.memory_space<vmem>>) semaphore(%arg13 : memref<!tpu.dma_semaphore, #tpu.memory_space<semaphore_mem>>) {add = true}
      %mul3A_106 = arith.constant 2 : i32
      %mul3A_107 = arith.muli %mul3A_106, %scan3A_75 : i32
      %dma_wait3A_108 = arith.constant 0 : i32
      %dma_wait3A_109 = tpu.memref_slice %arg8[%mul3A_107, %dma_wait3A_108] : memref<40x128xi32, #tpu.memory_space<vmem>> -> memref<1x128xi32, #tpu.memory_space<vmem>>
      %dma_wait3A_110 = tpu.memref_squeeze %dma_wait3A_109 : memref<1x128xi32, #tpu.memory_space<vmem>> -> memref<128xi32, #tpu.memory_space<vmem>>
      %dma_wait3A_111 = arith.constant 0 : i32
      %dma_wait3A_112 = arith.constant 0 : i32
      %dma_wait3A_113 = tpu.memref_slice %arg15[%dma_wait3A_111, %dma_wait3A_112] : memref<10112x128xf32, #tpu.memory_space<vmem_shared>> -> memref<10112x128xf32, #tpu.memory_space<vmem_shared>>
      tpu.wait_indirect_dma semaphore(%arg13 : memref<!tpu.dma_semaphore, #tpu.memory_space<semaphore_mem>>) src(%arg9 : memref<128x128xf32, #tpu.memory_space<vmem>>) dst(%dma_wait3A_113 : memref<10112x128xf32, #tpu.memory_space<vmem_shared>>)
      %lt3A_114 = arith.constant 19 : i32
      %lt3A_115 = arith.cmpi slt, %scan3A_75, %lt3A_114 : i32
      %convert_element_type3A_116 = arith.extui %lt3A_115 : i1 to i32
      %cond3A_117 = arith.constant 0 : i32
      %cond3A_118 = arith.cmpi ne, %convert_element_type3A_116, %cond3A_117 : i32
      scf.if %cond3A_118 {
        %mul3A_139 = arith.constant 2 : i32
        %mul3A_140 = arith.muli %mul3A_139, %scan3A_75 : i32
        %add3A_141 = arith.constant 2 : i32
        %add3A_142 = arith.addi %mul3A_140, %add3A_141 : i32
        %dma_start3A_143 = arith.constant 0 : i32
        %dma_start3A_144 = tpu.memref_slice %arg7[%add3A_142, %dma_start3A_143] : memref<40x128xi32, #tpu.memory_space<vmem>> -> memref<1x128xi32, #tpu.memory_space<vmem>>
        %dma_start3A_145 = tpu.memref_squeeze %dma_start3A_144 : memref<1x128xi32, #tpu.memory_space<vmem>> -> memref<128xi32, #tpu.memory_space<vmem>>
        %dma_start3A_146 = arith.constant 0 : i32
        %dma_start3A_147 = arith.constant 0 : i32
        %dma_start3A_148 = tpu.memref_slice %arg2[%dma_start3A_146, %dma_start3A_147] : memref<10000x128xf32, #tpu.memory_space<hbm>> -> memref<10000x128xf32, #tpu.memory_space<hbm>>
        tpu.enqueue_indirect_dma source(%dma_start3A_148 : memref<10000x128xf32, #tpu.memory_space<hbm>>) target(%arg9 : memref<128x128xf32, #tpu.memory_space<vmem>>) offsets(%dma_start3A_145 : memref<128xi32, #tpu.memory_space<vmem>>) semaphore(%arg11 : memref<!tpu.dma_semaphore, #tpu.memory_space<semaphore_mem>>)
      } else {
      }
      %mul3A_119 = arith.constant 2 : i32
      %mul3A_120 = arith.muli %mul3A_119, %scan3A_75 : i32
      %add3A_121 = arith.constant 1 : i32
      %add3A_122 = arith.addi %mul3A_120, %add3A_121 : i32
      %dma_wait3A_123 = arith.constant 0 : i32
      %dma_wait3A_124 = tpu.memref_slice %arg7[%add3A_122, %dma_wait3A_123] : memref<40x128xi32, #tpu.memory_space<vmem>> -> memref<1x128xi32, #tpu.memory_space<vmem>>
      %dma_wait3A_125 = tpu.memref_squeeze %dma_wait3A_124 : memref<1x128xi32, #tpu.memory_space<vmem>> -> memref<128xi32, #tpu.memory_space<vmem>>
      %dma_wait3A_126 = arith.constant 0 : i32
      %dma_wait3A_127 = arith.constant 0 : i32
      %dma_wait3A_128 = tpu.memref_slice %arg2[%dma_wait3A_126, %dma_wait3A_127] : memref<10000x128xf32, #tpu.memory_space<hbm>> -> memref<10000x128xf32, #tpu.memory_space<hbm>>
      tpu.wait_indirect_dma semaphore(%arg12 : memref<!tpu.dma_semaphore, #tpu.memory_space<semaphore_mem>>) src(%dma_wait3A_128 : memref<10000x128xf32, #tpu.memory_space<hbm>>) dst(%arg10 : memref<128x128xf32, #tpu.memory_space<vmem>>)
      %mul3A_129 = arith.constant 2 : i32
      %mul3A_130 = arith.muli %mul3A_129, %scan3A_75 : i32
      %add3A_131 = arith.constant 1 : i32
      %add3A_132 = arith.addi %mul3A_130, %add3A_131 : i32
      %dma_start3A_133 = arith.constant 0 : i32
      %dma_start3A_134 = tpu.memref_slice %arg8[%add3A_132, %dma_start3A_133] : memref<40x128xi32, #tpu.memory_space<vmem>> -> memref<1x128xi32, #tpu.memory_space<vmem>>
      %dma_start3A_135 = tpu.memref_squeeze %dma_start3A_134 : memref<1x128xi32, #tpu.memory_space<vmem>> -> memref<128xi32, #tpu.memory_space<vmem>>
      %dma_start3A_136 = arith.constant 0 : i32
      %dma_start3A_137 = arith.constant 0 : i32
      %dma_start3A_138 = tpu.memref_slice %arg15[%dma_start3A_136, %dma_start3A_137] : memref<10112x128xf32, #tpu.memory_space<vmem_shared>> -> memref<10112x128xf32, #tpu.memory_space<vmem_shared>>
      tpu.enqueue_indirect_dma source(%arg10 : memref<128x128xf32, #tpu.memory_space<vmem>>) target(%dma_start3A_138 : memref<10112x128xf32, #tpu.memory_space<vmem_shared>>) offsets(%dma_start3A_135 : memref<128xi32, #tpu.memory_space<vmem>>) semaphore(%arg14 : memref<!tpu.dma_semaphore, #tpu.memory_space<semaphore_mem>>) {add = true}
    }
    %scan3A_60 = arith.constant 20 : i32
    %dma_wait3A_61 = arith.constant 39 : i32
    %dma_wait3A_62 = arith.constant 0 : i32
    %dma_wait3A_63 = tpu.memref_slice %arg8[%dma_wait3A_61, %dma_wait3A_62] : memref<40x128xi32, #tpu.memory_space<vmem>> -> memref<1x128xi32, #tpu.memory_space<vmem>>
    %dma_wait3A_64 = tpu.memref_squeeze %dma_wait3A_63 : memref<1x128xi32, #tpu.memory_space<vmem>> -> memref<128xi32, #tpu.memory_space<vmem>>
    %dma_wait3A_65 = arith.constant 0 : i32
    %dma_wait3A_66 = arith.constant 0 : i32
    %dma_wait3A_67 = tpu.memref_slice %arg15[%dma_wait3A_65, %dma_wait3A_66] : memref<10112x128xf32, #tpu.memory_space<vmem_shared>> -> memref<10112x128xf32, #tpu.memory_space<vmem_shared>>
    tpu.wait_indirect_dma semaphore(%arg14 : memref<!tpu.dma_semaphore, #tpu.memory_space<semaphore_mem>>) src(%arg10 : memref<128x128xf32, #tpu.memory_space<vmem>>) dst(%dma_wait3A_67 : memref<10112x128xf32, #tpu.memory_space<vmem_shared>>)
    %barrier3A_68 = arith.constant 0 : index
    tpu.barrier barrier_id(%barrier3A_68)
    %lt3A = arith.constant 15 : i32
    %lt3A_69 = arith.cmpi slt, %arg1, %lt3A : i32
    %convert_element_type3A = arith.extui %lt3A_69 : i1 to i32
    %cond3A = arith.constant 0 : i32
    %cond3A_70 = arith.cmpi ne, %convert_element_type3A, %cond3A : i32
    scf.if %cond3A_70 {
      %mul3A_75 = arith.constant 632 : i32
      %mul3A_76 = arith.muli %arg1, %mul3A_75 : i32
      %add3A_77 = arith.constant 0 : i32
      %add3A_78 = arith.addi %mul3A_76, %add3A_77 : i32
      "tpu.region"() ({
        %run_scoped3A = tpu.sem_alloc : memref<!tpu.dma_semaphore, #tpu.memory_space<semaphore_mem>>
        %dma_start3A_115 = arith.constant 0 : i32
        %dma_start3A_116 = arith.constant 0 : i32
        %dma_start3A_117 = tpu.memref_slice %arg9[%dma_start3A_115, %dma_start3A_116] : memref<128x128xf32, #tpu.memory_space<vmem>> -> memref<128x128xf32, #tpu.memory_space<vmem>>
        %dma_start3A_118 = arith.constant 0 : i32
        %dma_start3A_119 = tpu.memref_slice %arg15[%add3A_78, %dma_start3A_118] : memref<10112x128xf32, #tpu.memory_space<vmem_shared>> -> memref<128x128xf32, #tpu.memory_space<vmem_shared>>
        %dma_start3A_120 = arith.constant 0 : i32
        %dma_start3A_121 = arith.constant 0 : i32
        %dma_start3A_122 = tpu.memref_slice %arg9[%dma_start3A_120, %dma_start3A_121] : memref<128x128xf32, #tpu.memory_space<vmem>> -> memref<128x128xf32, #tpu.memory_space<vmem>>
        %dma_start3A_123 = arith.constant 0 : i32
        %dma_start3A_124 = tpu.memref_slice %arg15[%add3A_78, %dma_start3A_123] : memref<10112x128xf32, #tpu.memory_space<vmem_shared>> -> memref<128x128xf32, #tpu.memory_space<vmem_shared>>
        tpu.enqueue_dma source(%dma_start3A_124 : memref<128x128xf32, #tpu.memory_space<vmem_shared>>) target(%dma_start3A_122 : memref<128x128xf32, #tpu.memory_space<vmem>>) target_semaphore(%run_scoped3A : memref<!tpu.dma_semaphore, #tpu.memory_space<semaphore_mem>>)
        %dma_wait3A_125 = arith.constant 0 : i32
        %dma_wait3A_126 = arith.constant 0 : i32
        %dma_wait3A_127 = tpu.memref_slice %arg9[%dma_wait3A_125, %dma_wait3A_126] : memref<128x128xf32, #tpu.memory_space<vmem>> -> memref<128x128xf32, #tpu.memory_space<vmem>>
        %dma_wait3A_128 = arith.constant 0 : i32
        %dma_wait3A_129 = tpu.memref_slice %arg15[%add3A_78, %dma_wait3A_128] : memref<10112x128xf32, #tpu.memory_space<vmem_shared>> -> memref<128x128xf32, #tpu.memory_space<vmem_shared>>
        %dma_wait3A_130 = arith.constant 0 : i32
        %dma_wait3A_131 = arith.constant 0 : i32
        %dma_wait3A_132 = tpu.memref_slice %arg9[%dma_wait3A_130, %dma_wait3A_131] : memref<128x128xf32, #tpu.memory_space<vmem>> -> memref<128x128xf32, #tpu.memory_space<vmem>>
        %dma_wait3A_133 = arith.constant 0 : i32
        %dma_wait3A_134 = tpu.memref_slice %arg15[%add3A_78, %dma_wait3A_133] : memref<10112x128xf32, #tpu.memory_space<vmem_shared>> -> memref<128x128xf32, #tpu.memory_space<vmem_shared>>
        tpu.wait_dma2 semaphore(%run_scoped3A : memref<!tpu.dma_semaphore, #tpu.memory_space<semaphore_mem>>) src(%dma_wait3A_134 : memref<128x128xf32, #tpu.memory_space<vmem_shared>>) dst(%dma_wait3A_132 : memref<128x128xf32, #tpu.memory_space<vmem>>)
        tpu.yield
      }) : () -> ()
      %mul3A_79 = arith.constant 632 : i32
      %mul3A_80 = arith.muli %arg1, %mul3A_79 : i32
      %add3A_81 = arith.constant 0 : i32
      %add3A_82 = arith.addi %mul3A_80, %add3A_81 : i32
      "tpu.region"() ({
        %run_scoped3A = tpu.sem_alloc : memref<!tpu.dma_semaphore, #tpu.memory_space<semaphore_mem>>
        %dma_start3A_115 = arith.constant 0 : i32
        %dma_start3A_116 = arith.constant 0 : i32
        %dma_start3A_117 = tpu.memref_slice %arg9[%dma_start3A_115, %dma_start3A_116] : memref<128x128xf32, #tpu.memory_space<vmem>> -> memref<128x128xf32, #tpu.memory_space<vmem>>
        %dma_start3A_118 = arith.constant 0 : i32
        %dma_start3A_119 = tpu.memref_slice %arg6[%arg0, %add3A_82, %dma_start3A_118] : memref<2x10000x128xf32, #tpu.memory_space<hbm>> -> memref<1x128x128xf32, #tpu.memory_space<hbm>>
        %dma_start3A_120 = tpu.memref_squeeze %dma_start3A_119 : memref<1x128x128xf32, #tpu.memory_space<hbm>> -> memref<128x128xf32, #tpu.memory_space<hbm>>
        %dma_start3A_121 = arith.constant 0 : i32
        %dma_start3A_122 = tpu.memref_slice %arg6[%arg0, %add3A_82, %dma_start3A_121] : memref<2x10000x128xf32, #tpu.memory_space<hbm>> -> memref<1x128x128xf32, #tpu.memory_space<hbm>>
        %dma_start3A_123 = tpu.memref_squeeze %dma_start3A_122 : memref<1x128x128xf32, #tpu.memory_space<hbm>> -> memref<128x128xf32, #tpu.memory_space<hbm>>
        %dma_start3A_124 = arith.constant 0 : i32
        %dma_start3A_125 = arith.constant 0 : i32
        %dma_start3A_126 = tpu.memref_slice %arg9[%dma_start3A_124, %dma_start3A_125] : memref<128x128xf32, #tpu.memory_space<vmem>> -> memref<128x128xf32, #tpu.memory_space<vmem>>
        tpu.enqueue_dma source(%dma_start3A_126 : memref<128x128xf32, #tpu.memory_space<vmem>>) target(%dma_start3A_123 : memref<128x128xf32, #tpu.memory_space<hbm>>) target_semaphore(%run_scoped3A : memref<!tpu.dma_semaphore, #tpu.memory_space<semaphore_mem>>)
        %dma_wait3A_127 = arith.constant 0 : i32
        %dma_wait3A_128 = arith.constant 0 : i32
        %dma_wait3A_129 = tpu.memref_slice %arg9[%dma_wait3A_127, %dma_wait3A_128] : memref<128x128xf32, #tpu.memory_space<vmem>> -> memref<128x128xf32, #tpu.memory_space<vmem>>
        %dma_wait3A_130 = arith.constant 0 : i32
        %dma_wait3A_131 = tpu.memref_slice %arg6[%arg0, %add3A_82, %dma_wait3A_130] : memref<2x10000x128xf32, #tpu.memory_space<hbm>> -> memref<1x128x128xf32, #tpu.memory_space<hbm>>
        %dma_wait3A_132 = tpu.memref_squeeze %dma_wait3A_131 : memref<1x128x128xf32, #tpu.memory_space<hbm>> -> memref<128x128xf32, #tpu.memory_space<hbm>>
        %dma_wait3A_133 = arith.constant 0 : i32
        %dma_wait3A_134 = tpu.memref_slice %arg6[%arg0, %add3A_82, %dma_wait3A_133] : memref<2x10000x128xf32, #tpu.memory_space<hbm>> -> memref<1x128x128xf32, #tpu.memory_space<hbm>>
        %dma_wait3A_135 = tpu.memref_squeeze %dma_wait3A_134 : memref<1x128x128xf32, #tpu.memory_space<hbm>> -> memref<128x128xf32, #tpu.memory_space<hbm>>
        %dma_wait3A_136 = arith.constant 0 : i32
        %dma_wait3A_137 = arith.constant 0 : i32
        %dma_wait3A_138 = tpu.memref_slice %arg9[%dma_wait3A_136, %dma_wait3A_137] : memref<128x128xf32, #tpu.memory_space<vmem>> -> memref<128x128xf32, #tpu.memory_space<vmem>>
        tpu.wait_dma2 semaphore(%run_scoped3A : memref<!tpu.dma_semaphore, #tpu.memory_space<semaphore_mem>>) src(%dma_wait3A_138 : memref<128x128xf32, #tpu.memory_space<vmem>>) dst(%dma_wait3A_135 : memref<128x128xf32, #tpu.memory_space<hbm>>)
        tpu.yield
      }) : () -> ()
      %mul3A_83 = arith.constant 632 : i32
      %mul3A_84 = arith.muli %arg1, %mul3A_83 : i32
      %add3A_85 = arith.constant 128 : i32
      %add3A_86 = arith.addi %mul3A_84, %add3A_85 : i32
      "tpu.region"() ({
        %run_scoped3A = tpu.sem_alloc : memref<!tpu.dma_semaphore, #tpu.memory_space<semaphore_mem>>
        %dma_start3A_115 = arith.constant 0 : i32
        %dma_start3A_116 = arith.constant 0 : i32
        %dma_start3A_117 = tpu.memref_slice %arg9[%dma_start3A_115, %dma_start3A_116] : memref<128x128xf32, #tpu.memory_space<vmem>> -> memref<128x128xf32, #tpu.memory_space<vmem>>
        %dma_start3A_118 = arith.constant 0 : i32
        %dma_start3A_119 = tpu.memref_slice %arg15[%add3A_86, %dma_start3A_118] : memref<10112x128xf32, #tpu.memory_space<vmem_shared>> -> memref<128x128xf32, #tpu.memory_space<vmem_shared>>
        %dma_start3A_120 = arith.constant 0 : i32
        %dma_start3A_121 = arith.constant 0 : i32
        %dma_start3A_122 = tpu.memref_slice %arg9[%dma_start3A_120, %dma_start3A_121] : memref<128x128xf32, #tpu.memory_space<vmem>> -> memref<128x128xf32, #tpu.memory_space<vmem>>
        %dma_start3A_123 = arith.constant 0 : i32
        %dma_start3A_124 = tpu.memref_slice %arg15[%add3A_86, %dma_start3A_123] : memref<10112x128xf32, #tpu.memory_space<vmem_shared>> -> memref<128x128xf32, #tpu.memory_space<vmem_shared>>
        tpu.enqueue_dma source(%dma_start3A_124 : memref<128x128xf32, #tpu.memory_space<vmem_shared>>) target(%dma_start3A_122 : memref<128x128xf32, #tpu.memory_space<vmem>>) target_semaphore(%run_scoped3A : memref<!tpu.dma_semaphore, #tpu.memory_space<semaphore_mem>>)
        %dma_wait3A_125 = arith.constant 0 : i32
        %dma_wait3A_126 = arith.constant 0 : i32
        %dma_wait3A_127 = tpu.memref_slice %arg9[%dma_wait3A_125, %dma_wait3A_126] : memref<128x128xf32, #tpu.memory_space<vmem>> -> memref<128x128xf32, #tpu.memory_space<vmem>>
        %dma_wait3A_128 = arith.constant 0 : i32
        %dma_wait3A_129 = tpu.memref_slice %arg15[%add3A_86, %dma_wait3A_128] : memref<10112x128xf32, #tpu.memory_space<vmem_shared>> -> memref<128x128xf32, #tpu.memory_space<vmem_shared>>
        %dma_wait3A_130 = arith.constant 0 : i32
        %dma_wait3A_131 = arith.constant 0 : i32
        %dma_wait3A_132 = tpu.memref_slice %arg9[%dma_wait3A_130, %dma_wait3A_131] : memref<128x128xf32, #tpu.memory_space<vmem>> -> memref<128x128xf32, #tpu.memory_space<vmem>>
        %dma_wait3A_133 = arith.constant 0 : i32
        %dma_wait3A_134 = tpu.memref_slice %arg15[%add3A_86, %dma_wait3A_133] : memref<10112x128xf32, #tpu.memory_space<vmem_shared>> -> memref<128x128xf32, #tpu.memory_space<vmem_shared>>
        tpu.wait_dma2 semaphore(%run_scoped3A : memref<!tpu.dma_semaphore, #tpu.memory_space<semaphore_mem>>) src(%dma_wait3A_134 : memref<128x128xf32, #tpu.memory_space<vmem_shared>>) dst(%dma_wait3A_132 : memref<128x128xf32, #tpu.memory_space<vmem>>)
        tpu.yield
      }) : () -> ()
      %mul3A_87 = arith.constant 632 : i32
      %mul3A_88 = arith.muli %arg1, %mul3A_87 : i32
      %add3A_89 = arith.constant 128 : i32
      %add3A_90 = arith.addi %mul3A_88, %add3A_89 : i32
      "tpu.region"() ({
        %run_scoped3A = tpu.sem_alloc : memref<!tpu.dma_semaphore, #tpu.memory_space<semaphore_mem>>
        %dma_start3A_115 = arith.constant 0 : i32
        %dma_start3A_116 = arith.constant 0 : i32
        %dma_start3A_117 = tpu.memref_slice %arg9[%dma_start3A_115, %dma_start3A_116] : memref<128x128xf32, #tpu.memory_space<vmem>> -> memref<128x128xf32, #tpu.memory_space<vmem>>
        %dma_start3A_118 = arith.constant 0 : i32
        %dma_start3A_119 = tpu.memref_slice %arg6[%arg0, %add3A_90, %dma_start3A_118] : memref<2x10000x128xf32, #tpu.memory_space<hbm>> -> memref<1x128x128xf32, #tpu.memory_space<hbm>>
        %dma_start3A_120 = tpu.memref_squeeze %dma_start3A_119 : memref<1x128x128xf32, #tpu.memory_space<hbm>> -> memref<128x128xf32, #tpu.memory_space<hbm>>
        %dma_start3A_121 = arith.constant 0 : i32
        %dma_start3A_122 = tpu.memref_slice %arg6[%arg0, %add3A_90, %dma_start3A_121] : memref<2x10000x128xf32, #tpu.memory_space<hbm>> -> memref<1x128x128xf32, #tpu.memory_space<hbm>>
        %dma_start3A_123 = tpu.memref_squeeze %dma_start3A_122 : memref<1x128x128xf32, #tpu.memory_space<hbm>> -> memref<128x128xf32, #tpu.memory_space<hbm>>
        %dma_start3A_124 = arith.constant 0 : i32
        %dma_start3A_125 = arith.constant 0 : i32
        %dma_start3A_126 = tpu.memref_slice %arg9[%dma_start3A_124, %dma_start3A_125] : memref<128x128xf32, #tpu.memory_space<vmem>> -> memref<128x128xf32, #tpu.memory_space<vmem>>
        tpu.enqueue_dma source(%dma_start3A_126 : memref<128x128xf32, #tpu.memory_space<vmem>>) target(%dma_start3A_123 : memref<128x128xf32, #tpu.memory_space<hbm>>) target_semaphore(%run_scoped3A : memref<!tpu.dma_semaphore, #tpu.memory_space<semaphore_mem>>)
        %dma_wait3A_127 = arith.constant 0 : i32
        %dma_wait3A_128 = arith.constant 0 : i32
        %dma_wait3A_129 = tpu.memref_slice %arg9[%dma_wait3A_127, %dma_wait3A_128] : memref<128x128xf32, #tpu.memory_space<vmem>> -> memref<128x128xf32, #tpu.memory_space<vmem>>
        %dma_wait3A_130 = arith.constant 0 : i32
        %dma_wait3A_131 = tpu.memref_slice %arg6[%arg0, %add3A_90, %dma_wait3A_130] : memref<2x10000x128xf32, #tpu.memory_space<hbm>> -> memref<1x128x128xf32, #tpu.memory_space<hbm>>
        %dma_wait3A_132 = tpu.memref_squeeze %dma_wait3A_131 : memref<1x128x128xf32, #tpu.memory_space<hbm>> -> memref<128x128xf32, #tpu.memory_space<hbm>>
        %dma_wait3A_133 = arith.constant 0 : i32
        %dma_wait3A_134 = tpu.memref_slice %arg6[%arg0, %add3A_90, %dma_wait3A_133] : memref<2x10000x128xf32, #tpu.memory_space<hbm>> -> memref<1x128x128xf32, #tpu.memory_space<hbm>>
        %dma_wait3A_135 = tpu.memref_squeeze %dma_wait3A_134 : memref<1x128x128xf32, #tpu.memory_space<hbm>> -> memref<128x128xf32, #tpu.memory_space<hbm>>
        %dma_wait3A_136 = arith.constant 0 : i32
        %dma_wait3A_137 = arith.constant 0 : i32
        %dma_wait3A_138 = tpu.memref_slice %arg9[%dma_wait3A_136, %dma_wait3A_137] : memref<128x128xf32, #tpu.memory_space<vmem>> -> memref<128x128xf32, #tpu.memory_space<vmem>>
        tpu.wait_dma2 semaphore(%run_scoped3A : memref<!tpu.dma_semaphore, #tpu.memory_space<semaphore_mem>>) src(%dma_wait3A_138 : memref<128x128xf32, #tpu.memory_space<vmem>>) dst(%dma_wait3A_135 : memref<128x128xf32, #tpu.memory_space<hbm>>)
        tpu.yield
      }) : () -> ()
      %mul3A_91 = arith.constant 632 : i32
      %mul3A_92 = arith.muli %arg1, %mul3A_91 : i32
      %add3A_93 = arith.constant 256 : i32
      %add3A_94 = arith.addi %mul3A_92, %add3A_93 : i32
      "tpu.region"() ({
        %run_scoped3A = tpu.sem_alloc : memref<!tpu.dma_semaphore, #tpu.memory_space<semaphore_mem>>
        %dma_start3A_115 = arith.constant 0 : i32
        %dma_start3A_116 = arith.constant 0 : i32
        %dma_start3A_117 = tpu.memref_slice %arg9[%dma_start3A_115, %dma_start3A_116] : memref<128x128xf32, #tpu.memory_space<vmem>> -> memref<128x128xf32, #tpu.memory_space<vmem>>
        %dma_start3A_118 = arith.constant 0 : i32
        %dma_start3A_119 = tpu.memref_slice %arg15[%add3A_94, %dma_start3A_118] : memref<10112x128xf32, #tpu.memory_space<vmem_shared>> -> memref<128x128xf32, #tpu.memory_space<vmem_shared>>
        %dma_start3A_120 = arith.constant 0 : i32
        %dma_start3A_121 = arith.constant 0 : i32
        %dma_start3A_122 = tpu.memref_slice %arg9[%dma_start3A_120, %dma_start3A_121] : memref<128x128xf32, #tpu.memory_space<vmem>> -> memref<128x128xf32, #tpu.memory_space<vmem>>
        %dma_start3A_123 = arith.constant 0 : i32
        %dma_start3A_124 = tpu.memref_slice %arg15[%add3A_94, %dma_start3A_123] : memref<10112x128xf32, #tpu.memory_space<vmem_shared>> -> memref<128x128xf32, #tpu.memory_space<vmem_shared>>
        tpu.enqueue_dma source(%dma_start3A_124 : memref<128x128xf32, #tpu.memory_space<vmem_shared>>) target(%dma_start3A_122 : memref<128x128xf32, #tpu.memory_space<vmem>>) target_semaphore(%run_scoped3A : memref<!tpu.dma_semaphore, #tpu.memory_space<semaphore_mem>>)
        %dma_wait3A_125 = arith.constant 0 : i32
        %dma_wait3A_126 = arith.constant 0 : i32
        %dma_wait3A_127 = tpu.memref_slice %arg9[%dma_wait3A_125, %dma_wait3A_126] : memref<128x128xf32, #tpu.memory_space<vmem>> -> memref<128x128xf32, #tpu.memory_space<vmem>>
        %dma_wait3A_128 = arith.constant 0 : i32
        %dma_wait3A_129 = tpu.memref_slice %arg15[%add3A_94, %dma_wait3A_128] : memref<10112x128xf32, #tpu.memory_space<vmem_shared>> -> memref<128x128xf32, #tpu.memory_space<vmem_shared>>
        %dma_wait3A_130 = arith.constant 0 : i32
        %dma_wait3A_131 = arith.constant 0 : i32
        %dma_wait3A_132 = tpu.memref_slice %arg9[%dma_wait3A_130, %dma_wait3A_131] : memref<128x128xf32, #tpu.memory_space<vmem>> -> memref<128x128xf32, #tpu.memory_space<vmem>>
        %dma_wait3A_133 = arith.constant 0 : i32
        %dma_wait3A_134 = tpu.memref_slice %arg15[%add3A_94, %dma_wait3A_133] : memref<10112x128xf32, #tpu.memory_space<vmem_shared>> -> memref<128x128xf32, #tpu.memory_space<vmem_shared>>
        tpu.wait_dma2 semaphore(%run_scoped3A : memref<!tpu.dma_semaphore, #tpu.memory_space<semaphore_mem>>) src(%dma_wait3A_134 : memref<128x128xf32, #tpu.memory_space<vmem_shared>>) dst(%dma_wait3A_132 : memref<128x128xf32, #tpu.memory_space<vmem>>)
        tpu.yield
      }) : () -> ()
      %mul3A_95 = arith.constant 632 : i32
      %mul3A_96 = arith.muli %arg1, %mul3A_95 : i32
      %add3A_97 = arith.constant 256 : i32
      %add3A_98 = arith.addi %mul3A_96, %add3A_97 : i32
      "tpu.region"() ({
        %run_scoped3A = tpu.sem_alloc : memref<!tpu.dma_semaphore, #tpu.memory_space<semaphore_mem>>
        %dma_start3A_115 = arith.constant 0 : i32
        %dma_start3A_116 = arith.constant 0 : i32
        %dma_start3A_117 = tpu.memref_slice %arg9[%dma_start3A_115, %dma_start3A_116] : memref<128x128xf32, #tpu.memory_space<vmem>> -> memref<128x128xf32, #tpu.memory_space<vmem>>
        %dma_start3A_118 = arith.constant 0 : i32
        %dma_start3A_119 = tpu.memref_slice %arg6[%arg0, %add3A_98, %dma_start3A_118] : memref<2x10000x128xf32, #tpu.memory_space<hbm>> -> memref<1x128x128xf32, #tpu.memory_space<hbm>>
        %dma_start3A_120 = tpu.memref_squeeze %dma_start3A_119 : memref<1x128x128xf32, #tpu.memory_space<hbm>> -> memref<128x128xf32, #tpu.memory_space<hbm>>
        %dma_start3A_121 = arith.constant 0 : i32
        %dma_start3A_122 = tpu.memref_slice %arg6[%arg0, %add3A_98, %dma_start3A_121] : memref<2x10000x128xf32, #tpu.memory_space<hbm>> -> memref<1x128x128xf32, #tpu.memory_space<hbm>>
        %dma_start3A_123 = tpu.memref_squeeze %dma_start3A_122 : memref<1x128x128xf32, #tpu.memory_space<hbm>> -> memref<128x128xf32, #tpu.memory_space<hbm>>
        %dma_start3A_124 = arith.constant 0 : i32
        %dma_start3A_125 = arith.constant 0 : i32
        %dma_start3A_126 = tpu.memref_slice %arg9[%dma_start3A_124, %dma_start3A_125] : memref<128x128xf32, #tpu.memory_space<vmem>> -> memref<128x128xf32, #tpu.memory_space<vmem>>
        tpu.enqueue_dma source(%dma_start3A_126 : memref<128x128xf32, #tpu.memory_space<vmem>>) target(%dma_start3A_123 : memref<128x128xf32, #tpu.memory_space<hbm>>) target_semaphore(%run_scoped3A : memref<!tpu.dma_semaphore, #tpu.memory_space<semaphore_mem>>)
        %dma_wait3A_127 = arith.constant 0 : i32
        %dma_wait3A_128 = arith.constant 0 : i32
        %dma_wait3A_129 = tpu.memref_slice %arg9[%dma_wait3A_127, %dma_wait3A_128] : memref<128x128xf32, #tpu.memory_space<vmem>> -> memref<128x128xf32, #tpu.memory_space<vmem>>
        %dma_wait3A_130 = arith.constant 0 : i32
        %dma_wait3A_131 = tpu.memref_slice %arg6[%arg0, %add3A_98, %dma_wait3A_130] : memref<2x10000x128xf32, #tpu.memory_space<hbm>> -> memref<1x128x128xf32, #tpu.memory_space<hbm>>
        %dma_wait3A_132 = tpu.memref_squeeze %dma_wait3A_131 : memref<1x128x128xf32, #tpu.memory_space<hbm>> -> memref<128x128xf32, #tpu.memory_space<hbm>>
        %dma_wait3A_133 = arith.constant 0 : i32
        %dma_wait3A_134 = tpu.memref_slice %arg6[%arg0, %add3A_98, %dma_wait3A_133] : memref<2x10000x128xf32, #tpu.memory_space<hbm>> -> memref<1x128x128xf32, #tpu.memory_space<hbm>>
        %dma_wait3A_135 = tpu.memref_squeeze %dma_wait3A_134 : memref<1x128x128xf32, #tpu.memory_space<hbm>> -> memref<128x128xf32, #tpu.memory_space<hbm>>
        %dma_wait3A_136 = arith.constant 0 : i32
        %dma_wait3A_137 = arith.constant 0 : i32
        %dma_wait3A_138 = tpu.memref_slice %arg9[%dma_wait3A_136, %dma_wait3A_137] : memref<128x128xf32, #tpu.memory_space<vmem>> -> memref<128x128xf32, #tpu.memory_space<vmem>>
        tpu.wait_dma2 semaphore(%run_scoped3A : memref<!tpu.dma_semaphore, #tpu.memory_space<semaphore_mem>>) src(%dma_wait3A_138 : memref<128x128xf32, #tpu.memory_space<vmem>>) dst(%dma_wait3A_135 : memref<128x128xf32, #tpu.memory_space<hbm>>)
        tpu.yield
      }) : () -> ()
      %mul3A_99 = arith.constant 632 : i32
      %mul3A_100 = arith.muli %arg1, %mul3A_99 : i32
      %add3A_101 = arith.constant 384 : i32
      %add3A_102 = arith.addi %mul3A_100, %add3A_101 : i32
      "tpu.region"() ({
        %run_scoped3A = tpu.sem_alloc : memref<!tpu.dma_semaphore, #tpu.memory_space<semaphore_mem>>
        %dma_start3A_115 = arith.constant 0 : i32
        %dma_start3A_116 = arith.constant 0 : i32
        %dma_start3A_117 = tpu.memref_slice %arg9[%dma_start3A_115, %dma_start3A_116] : memref<128x128xf32, #tpu.memory_space<vmem>> -> memref<128x128xf32, #tpu.memory_space<vmem>>
        %dma_start3A_118 = arith.constant 0 : i32
        %dma_start3A_119 = tpu.memref_slice %arg15[%add3A_102, %dma_start3A_118] : memref<10112x128xf32, #tpu.memory_space<vmem_shared>> -> memref<128x128xf32, #tpu.memory_space<vmem_shared>>
        %dma_start3A_120 = arith.constant 0 : i32
        %dma_start3A_121 = arith.constant 0 : i32
        %dma_start3A_122 = tpu.memref_slice %arg9[%dma_start3A_120, %dma_start3A_121] : memref<128x128xf32, #tpu.memory_space<vmem>> -> memref<128x128xf32, #tpu.memory_space<vmem>>
        %dma_start3A_123 = arith.constant 0 : i32
        %dma_start3A_124 = tpu.memref_slice %arg15[%add3A_102, %dma_start3A_123] : memref<10112x128xf32, #tpu.memory_space<vmem_shared>> -> memref<128x128xf32, #tpu.memory_space<vmem_shared>>
        tpu.enqueue_dma source(%dma_start3A_124 : memref<128x128xf32, #tpu.memory_space<vmem_shared>>) target(%dma_start3A_122 : memref<128x128xf32, #tpu.memory_space<vmem>>) target_semaphore(%run_scoped3A : memref<!tpu.dma_semaphore, #tpu.memory_space<semaphore_mem>>)
        %dma_wait3A_125 = arith.constant 0 : i32
        %dma_wait3A_126 = arith.constant 0 : i32
        %dma_wait3A_127 = tpu.memref_slice %arg9[%dma_wait3A_125, %dma_wait3A_126] : memref<128x128xf32, #tpu.memory_space<vmem>> -> memref<128x128xf32, #tpu.memory_space<vmem>>
        %dma_wait3A_128 = arith.constant 0 : i32
        %dma_wait3A_129 = tpu.memref_slice %arg15[%add3A_102, %dma_wait3A_128] : memref<10112x128xf32, #tpu.memory_space<vmem_shared>> -> memref<128x128xf32, #tpu.memory_space<vmem_shared>>
        %dma_wait3A_130 = arith.constant 0 : i32
        %dma_wait3A_131 = arith.constant 0 : i32
        %dma_wait3A_132 = tpu.memref_slice %arg9[%dma_wait3A_130, %dma_wait3A_131] : memref<128x128xf32, #tpu.memory_space<vmem>> -> memref<128x128xf32, #tpu.memory_space<vmem>>
        %dma_wait3A_133 = arith.constant 0 : i32
        %dma_wait3A_134 = tpu.memref_slice %arg15[%add3A_102, %dma_wait3A_133] : memref<10112x128xf32, #tpu.memory_space<vmem_shared>> -> memref<128x128xf32, #tpu.memory_space<vmem_shared>>
        tpu.wait_dma2 semaphore(%run_scoped3A : memref<!tpu.dma_semaphore, #tpu.memory_space<semaphore_mem>>) src(%dma_wait3A_134 : memref<128x128xf32, #tpu.memory_space<vmem_shared>>) dst(%dma_wait3A_132 : memref<128x128xf32, #tpu.memory_space<vmem>>)
        tpu.yield
      }) : () -> ()
      %mul3A_103 = arith.constant 632 : i32
      %mul3A_104 = arith.muli %arg1, %mul3A_103 : i32
      %add3A_105 = arith.constant 384 : i32
      %add3A_106 = arith.addi %mul3A_104, %add3A_105 : i32
      "tpu.region"() ({
        %run_scoped3A = tpu.sem_alloc : memref<!tpu.dma_semaphore, #tpu.memory_space<semaphore_mem>>
        %dma_start3A_115 = arith.constant 0 : i32
        %dma_start3A_116 = arith.constant 0 : i32
        %dma_start3A_117 = tpu.memref_slice %arg9[%dma_start3A_115, %dma_start3A_116] : memref<128x128xf32, #tpu.memory_space<vmem>> -> memref<128x128xf32, #tpu.memory_space<vmem>>
        %dma_start3A_118 = arith.constant 0 : i32
        %dma_start3A_119 = tpu.memref_slice %arg6[%arg0, %add3A_106, %dma_start3A_118] : memref<2x10000x128xf32, #tpu.memory_space<hbm>> -> memref<1x128x128xf32, #tpu.memory_space<hbm>>
        %dma_start3A_120 = tpu.memref_squeeze %dma_start3A_119 : memref<1x128x128xf32, #tpu.memory_space<hbm>> -> memref<128x128xf32, #tpu.memory_space<hbm>>
        %dma_start3A_121 = arith.constant 0 : i32
        %dma_start3A_122 = tpu.memref_slice %arg6[%arg0, %add3A_106, %dma_start3A_121] : memref<2x10000x128xf32, #tpu.memory_space<hbm>> -> memref<1x128x128xf32, #tpu.memory_space<hbm>>
        %dma_start3A_123 = tpu.memref_squeeze %dma_start3A_122 : memref<1x128x128xf32, #tpu.memory_space<hbm>> -> memref<128x128xf32, #tpu.memory_space<hbm>>
        %dma_start3A_124 = arith.constant 0 : i32
        %dma_start3A_125 = arith.constant 0 : i32
        %dma_start3A_126 = tpu.memref_slice %arg9[%dma_start3A_124, %dma_start3A_125] : memref<128x128xf32, #tpu.memory_space<vmem>> -> memref<128x128xf32, #tpu.memory_space<vmem>>
        tpu.enqueue_dma source(%dma_start3A_126 : memref<128x128xf32, #tpu.memory_space<vmem>>) target(%dma_start3A_123 : memref<128x128xf32, #tpu.memory_space<hbm>>) target_semaphore(%run_scoped3A : memref<!tpu.dma_semaphore, #tpu.memory_space<semaphore_mem>>)
        %dma_wait3A_127 = arith.constant 0 : i32
        %dma_wait3A_128 = arith.constant 0 : i32
        %dma_wait3A_129 = tpu.memref_slice %arg9[%dma_wait3A_127, %dma_wait3A_128] : memref<128x128xf32, #tpu.memory_space<vmem>> -> memref<128x128xf32, #tpu.memory_space<vmem>>
        %dma_wait3A_130 = arith.constant 0 : i32
        %dma_wait3A_131 = tpu.memref_slice %arg6[%arg0, %add3A_106, %dma_wait3A_130] : memref<2x10000x128xf32, #tpu.memory_space<hbm>> -> memref<1x128x128xf32, #tpu.memory_space<hbm>>
        %dma_wait3A_132 = tpu.memref_squeeze %dma_wait3A_131 : memref<1x128x128xf32, #tpu.memory_space<hbm>> -> memref<128x128xf32, #tpu.memory_space<hbm>>
        %dma_wait3A_133 = arith.constant 0 : i32
        %dma_wait3A_134 = tpu.memref_slice %arg6[%arg0, %add3A_106, %dma_wait3A_133] : memref<2x10000x128xf32, #tpu.memory_space<hbm>> -> memref<1x128x128xf32, #tpu.memory_space<hbm>>
        %dma_wait3A_135 = tpu.memref_squeeze %dma_wait3A_134 : memref<1x128x128xf32, #tpu.memory_space<hbm>> -> memref<128x128xf32, #tpu.memory_space<hbm>>
        %dma_wait3A_136 = arith.constant 0 : i32
        %dma_wait3A_137 = arith.constant 0 : i32
        %dma_wait3A_138 = tpu.memref_slice %arg9[%dma_wait3A_136, %dma_wait3A_137] : memref<128x128xf32, #tpu.memory_space<vmem>> -> memref<128x128xf32, #tpu.memory_space<vmem>>
        tpu.wait_dma2 semaphore(%run_scoped3A : memref<!tpu.dma_semaphore, #tpu.memory_space<semaphore_mem>>) src(%dma_wait3A_138 : memref<128x128xf32, #tpu.memory_space<vmem>>) dst(%dma_wait3A_135 : memref<128x128xf32, #tpu.memory_space<hbm>>)
        tpu.yield
      }) : () -> ()
      %mul3A_107 = arith.constant 632 : i32
      %mul3A_108 = arith.muli %arg1, %mul3A_107 : i32
      %add3A_109 = arith.constant 512 : i32
      %add3A_110 = arith.addi %mul3A_108, %add3A_109 : i32
      "tpu.region"() ({
        %run_scoped3A = tpu.sem_alloc : memref<!tpu.dma_semaphore, #tpu.memory_space<semaphore_mem>>
        %dma_start3A_115 = arith.constant 0 : i32
        %dma_start3A_116 = arith.constant 0 : i32
        %dma_start3A_117 = tpu.memref_slice %arg9[%dma_start3A_115, %dma_start3A_116] : memref<128x128xf32, #tpu.memory_space<vmem>> -> memref<120x128xf32, #tpu.memory_space<vmem>>
        %dma_start3A_118 = arith.constant 0 : i32
        %dma_start3A_119 = tpu.memref_slice %arg15[%add3A_110, %dma_start3A_118] : memref<10112x128xf32, #tpu.memory_space<vmem_shared>> -> memref<120x128xf32, #tpu.memory_space<vmem_shared>>
        %dma_start3A_120 = arith.constant 0 : i32
        %dma_start3A_121 = arith.constant 0 : i32
        %dma_start3A_122 = tpu.memref_slice %arg9[%dma_start3A_120, %dma_start3A_121] : memref<128x128xf32, #tpu.memory_space<vmem>> -> memref<120x128xf32, #tpu.memory_space<vmem>>
        %dma_start3A_123 = arith.constant 0 : i32
        %dma_start3A_124 = tpu.memref_slice %arg15[%add3A_110, %dma_start3A_123] : memref<10112x128xf32, #tpu.memory_space<vmem_shared>> -> memref<120x128xf32, #tpu.memory_space<vmem_shared>>
        tpu.enqueue_dma source(%dma_start3A_124 : memref<120x128xf32, #tpu.memory_space<vmem_shared>>) target(%dma_start3A_122 : memref<120x128xf32, #tpu.memory_space<vmem>>) target_semaphore(%run_scoped3A : memref<!tpu.dma_semaphore, #tpu.memory_space<semaphore_mem>>)
        %dma_wait3A_125 = arith.constant 0 : i32
        %dma_wait3A_126 = arith.constant 0 : i32
        %dma_wait3A_127 = tpu.memref_slice %arg9[%dma_wait3A_125, %dma_wait3A_126] : memref<128x128xf32, #tpu.memory_space<vmem>> -> memref<120x128xf32, #tpu.memory_space<vmem>>
        %dma_wait3A_128 = arith.constant 0 : i32
        %dma_wait3A_129 = tpu.memref_slice %arg15[%add3A_110, %dma_wait3A_128] : memref<10112x128xf32, #tpu.memory_space<vmem_shared>> -> memref<120x128xf32, #tpu.memory_space<vmem_shared>>
        %dma_wait3A_130 = arith.constant 0 : i32
        %dma_wait3A_131 = arith.constant 0 : i32
        %dma_wait3A_132 = tpu.memref_slice %arg9[%dma_wait3A_130, %dma_wait3A_131] : memref<128x128xf32, #tpu.memory_space<vmem>> -> memref<120x128xf32, #tpu.memory_space<vmem>>
        %dma_wait3A_133 = arith.constant 0 : i32
        %dma_wait3A_134 = tpu.memref_slice %arg15[%add3A_110, %dma_wait3A_133] : memref<10112x128xf32, #tpu.memory_space<vmem_shared>> -> memref<120x128xf32, #tpu.memory_space<vmem_shared>>
        tpu.wait_dma2 semaphore(%run_scoped3A : memref<!tpu.dma_semaphore, #tpu.memory_space<semaphore_mem>>) src(%dma_wait3A_134 : memref<120x128xf32, #tpu.memory_space<vmem_shared>>) dst(%dma_wait3A_132 : memref<120x128xf32, #tpu.memory_space<vmem>>)
        tpu.yield
      }) : () -> ()
      %mul3A_111 = arith.constant 632 : i32
      %mul3A_112 = arith.muli %arg1, %mul3A_111 : i32
      %add3A_113 = arith.constant 512 : i32
      %add3A_114 = arith.addi %mul3A_112, %add3A_113 : i32
      "tpu.region"() ({
        %run_scoped3A = tpu.sem_alloc : memref<!tpu.dma_semaphore, #tpu.memory_space<semaphore_mem>>
        %dma_start3A_115 = arith.constant 0 : i32
        %dma_start3A_116 = arith.constant 0 : i32
        %dma_start3A_117 = tpu.memref_slice %arg9[%dma_start3A_115, %dma_start3A_116] : memref<128x128xf32, #tpu.memory_space<vmem>> -> memref<120x128xf32, #tpu.memory_space<vmem>>
        %dma_start3A_118 = arith.constant 0 : i32
        %dma_start3A_119 = tpu.memref_slice %arg6[%arg0, %add3A_114, %dma_start3A_118] : memref<2x10000x128xf32, #tpu.memory_space<hbm>> -> memref<1x120x128xf32, #tpu.memory_space<hbm>>
        %dma_start3A_120 = tpu.memref_squeeze %dma_start3A_119 : memref<1x120x128xf32, #tpu.memory_space<hbm>> -> memref<120x128xf32, #tpu.memory_space<hbm>>
        %dma_start3A_121 = arith.constant 0 : i32
        %dma_start3A_122 = tpu.memref_slice %arg6[%arg0, %add3A_114, %dma_start3A_121] : memref<2x10000x128xf32, #tpu.memory_space<hbm>> -> memref<1x120x128xf32, #tpu.memory_space<hbm>>
        %dma_start3A_123 = tpu.memref_squeeze %dma_start3A_122 : memref<1x120x128xf32, #tpu.memory_space<hbm>> -> memref<120x128xf32, #tpu.memory_space<hbm>>
        %dma_start3A_124 = arith.constant 0 : i32
        %dma_start3A_125 = arith.constant 0 : i32
        %dma_start3A_126 = tpu.memref_slice %arg9[%dma_start3A_124, %dma_start3A_125] : memref<128x128xf32, #tpu.memory_space<vmem>> -> memref<120x128xf32, #tpu.memory_space<vmem>>
        tpu.enqueue_dma source(%dma_start3A_126 : memref<120x128xf32, #tpu.memory_space<vmem>>) target(%dma_start3A_123 : memref<120x128xf32, #tpu.memory_space<hbm>>) target_semaphore(%run_scoped3A : memref<!tpu.dma_semaphore, #tpu.memory_space<semaphore_mem>>)
        %dma_wait3A_127 = arith.constant 0 : i32
        %dma_wait3A_128 = arith.constant 0 : i32
        %dma_wait3A_129 = tpu.memref_slice %arg9[%dma_wait3A_127, %dma_wait3A_128] : memref<128x128xf32, #tpu.memory_space<vmem>> -> memref<120x128xf32, #tpu.memory_space<vmem>>
        %dma_wait3A_130 = arith.constant 0 : i32
        %dma_wait3A_131 = tpu.memref_slice %arg6[%arg0, %add3A_114, %dma_wait3A_130] : memref<2x10000x128xf32, #tpu.memory_space<hbm>> -> memref<1x120x128xf32, #tpu.memory_space<hbm>>
        %dma_wait3A_132 = tpu.memref_squeeze %dma_wait3A_131 : memref<1x120x128xf32, #tpu.memory_space<hbm>> -> memref<120x128xf32, #tpu.memory_space<hbm>>
        %dma_wait3A_133 = arith.constant 0 : i32
        %dma_wait3A_134 = tpu.memref_slice %arg6[%arg0, %add3A_114, %dma_wait3A_133] : memref<2x10000x128xf32, #tpu.memory_space<hbm>> -> memref<1x120x128xf32, #tpu.memory_space<hbm>>
        %dma_wait3A_135 = tpu.memref_squeeze %dma_wait3A_134 : memref<1x120x128xf32, #tpu.memory_space<hbm>> -> memref<120x128xf32, #tpu.memory_space<hbm>>
        %dma_wait3A_136 = arith.constant 0 : i32
        %dma_wait3A_137 = arith.constant 0 : i32
        %dma_wait3A_138 = tpu.memref_slice %arg9[%dma_wait3A_136, %dma_wait3A_137] : memref<128x128xf32, #tpu.memory_space<vmem>> -> memref<120x128xf32, #tpu.memory_space<vmem>>
        tpu.wait_dma2 semaphore(%run_scoped3A : memref<!tpu.dma_semaphore, #tpu.memory_space<semaphore_mem>>) src(%dma_wait3A_138 : memref<120x128xf32, #tpu.memory_space<vmem>>) dst(%dma_wait3A_135 : memref<120x128xf32, #tpu.memory_space<hbm>>)
        tpu.yield
      }) : () -> ()
    } else {
    }
    %eq3A = arith.constant 15 : i32
    %eq3A_71 = arith.cmpi eq, %arg1, %eq3A : i32
    %convert_element_type3A_72 = arith.extui %eq3A_71 : i1 to i32
    %cond3A_73 = arith.constant 0 : i32
    %cond3A_74 = arith.cmpi ne, %convert_element_type3A_72, %cond3A_73 : i32
    scf.if %cond3A_74 {
      %mul3A_75 = arith.constant 632 : i32
      %mul3A_76 = arith.muli %arg1, %mul3A_75 : i32
      %add3A_77 = arith.constant 0 : i32
      %add3A_78 = arith.addi %mul3A_76, %add3A_77 : i32
      "tpu.region"() ({
        %run_scoped3A = tpu.sem_alloc : memref<!tpu.dma_semaphore, #tpu.memory_space<semaphore_mem>>
        %dma_start3A_115 = arith.constant 0 : i32
        %dma_start3A_116 = arith.constant 0 : i32
        %dma_start3A_117 = tpu.memref_slice %arg9[%dma_start3A_115, %dma_start3A_116] : memref<128x128xf32, #tpu.memory_space<vmem>> -> memref<128x128xf32, #tpu.memory_space<vmem>>
        %dma_start3A_118 = arith.constant 0 : i32
        %dma_start3A_119 = tpu.memref_slice %arg15[%add3A_78, %dma_start3A_118] : memref<10112x128xf32, #tpu.memory_space<vmem_shared>> -> memref<128x128xf32, #tpu.memory_space<vmem_shared>>
        %dma_start3A_120 = arith.constant 0 : i32
        %dma_start3A_121 = arith.constant 0 : i32
        %dma_start3A_122 = tpu.memref_slice %arg9[%dma_start3A_120, %dma_start3A_121] : memref<128x128xf32, #tpu.memory_space<vmem>> -> memref<128x128xf32, #tpu.memory_space<vmem>>
        %dma_start3A_123 = arith.constant 0 : i32
        %dma_start3A_124 = tpu.memref_slice %arg15[%add3A_78, %dma_start3A_123] : memref<10112x128xf32, #tpu.memory_space<vmem_shared>> -> memref<128x128xf32, #tpu.memory_space<vmem_shared>>
        tpu.enqueue_dma source(%dma_start3A_124 : memref<128x128xf32, #tpu.memory_space<vmem_shared>>) target(%dma_start3A_122 : memref<128x128xf32, #tpu.memory_space<vmem>>) target_semaphore(%run_scoped3A : memref<!tpu.dma_semaphore, #tpu.memory_space<semaphore_mem>>)
        %dma_wait3A_125 = arith.constant 0 : i32
        %dma_wait3A_126 = arith.constant 0 : i32
        %dma_wait3A_127 = tpu.memref_slice %arg9[%dma_wait3A_125, %dma_wait3A_126] : memref<128x128xf32, #tpu.memory_space<vmem>> -> memref<128x128xf32, #tpu.memory_space<vmem>>
        %dma_wait3A_128 = arith.constant 0 : i32
        %dma_wait3A_129 = tpu.memref_slice %arg15[%add3A_78, %dma_wait3A_128] : memref<10112x128xf32, #tpu.memory_space<vmem_shared>> -> memref<128x128xf32, #tpu.memory_space<vmem_shared>>
        %dma_wait3A_130 = arith.constant 0 : i32
        %dma_wait3A_131 = arith.constant 0 : i32
        %dma_wait3A_132 = tpu.memref_slice %arg9[%dma_wait3A_130, %dma_wait3A_131] : memref<128x128xf32, #tpu.memory_space<vmem>> -> memref<128x128xf32, #tpu.memory_space<vmem>>
        %dma_wait3A_133 = arith.constant 0 : i32
        %dma_wait3A_134 = tpu.memref_slice %arg15[%add3A_78, %dma_wait3A_133] : memref<10112x128xf32, #tpu.memory_space<vmem_shared>> -> memref<128x128xf32, #tpu.memory_space<vmem_shared>>
        tpu.wait_dma2 semaphore(%run_scoped3A : memref<!tpu.dma_semaphore, #tpu.memory_space<semaphore_mem>>) src(%dma_wait3A_134 : memref<128x128xf32, #tpu.memory_space<vmem_shared>>) dst(%dma_wait3A_132 : memref<128x128xf32, #tpu.memory_space<vmem>>)
        tpu.yield
      }) : () -> ()
      %mul3A_79 = arith.constant 632 : i32
      %mul3A_80 = arith.muli %arg1, %mul3A_79 : i32
      %add3A_81 = arith.constant 0 : i32
      %add3A_82 = arith.addi %mul3A_80, %add3A_81 : i32
      "tpu.region"() ({
        %run_scoped3A = tpu.sem_alloc : memref<!tpu.dma_semaphore, #tpu.memory_space<semaphore_mem>>
        %dma_start3A_115 = arith.constant 0 : i32
        %dma_start3A_116 = arith.constant 0 : i32
        %dma_start3A_117 = tpu.memref_slice %arg9[%dma_start3A_115, %dma_start3A_116] : memref<128x128xf32, #tpu.memory_space<vmem>> -> memref<128x128xf32, #tpu.memory_space<vmem>>
        %dma_start3A_118 = arith.constant 0 : i32
        %dma_start3A_119 = tpu.memref_slice %arg6[%arg0, %add3A_82, %dma_start3A_118] : memref<2x10000x128xf32, #tpu.memory_space<hbm>> -> memref<1x128x128xf32, #tpu.memory_space<hbm>>
        %dma_start3A_120 = tpu.memref_squeeze %dma_start3A_119 : memref<1x128x128xf32, #tpu.memory_space<hbm>> -> memref<128x128xf32, #tpu.memory_space<hbm>>
        %dma_start3A_121 = arith.constant 0 : i32
        %dma_start3A_122 = tpu.memref_slice %arg6[%arg0, %add3A_82, %dma_start3A_121] : memref<2x10000x128xf32, #tpu.memory_space<hbm>> -> memref<1x128x128xf32, #tpu.memory_space<hbm>>
        %dma_start3A_123 = tpu.memref_squeeze %dma_start3A_122 : memref<1x128x128xf32, #tpu.memory_space<hbm>> -> memref<128x128xf32, #tpu.memory_space<hbm>>
        %dma_start3A_124 = arith.constant 0 : i32
        %dma_start3A_125 = arith.constant 0 : i32
        %dma_start3A_126 = tpu.memref_slice %arg9[%dma_start3A_124, %dma_start3A_125] : memref<128x128xf32, #tpu.memory_space<vmem>> -> memref<128x128xf32, #tpu.memory_space<vmem>>
        tpu.enqueue_dma source(%dma_start3A_126 : memref<128x128xf32, #tpu.memory_space<vmem>>) target(%dma_start3A_123 : memref<128x128xf32, #tpu.memory_space<hbm>>) target_semaphore(%run_scoped3A : memref<!tpu.dma_semaphore, #tpu.memory_space<semaphore_mem>>)
        %dma_wait3A_127 = arith.constant 0 : i32
        %dma_wait3A_128 = arith.constant 0 : i32
        %dma_wait3A_129 = tpu.memref_slice %arg9[%dma_wait3A_127, %dma_wait3A_128] : memref<128x128xf32, #tpu.memory_space<vmem>> -> memref<128x128xf32, #tpu.memory_space<vmem>>
        %dma_wait3A_130 = arith.constant 0 : i32
        %dma_wait3A_131 = tpu.memref_slice %arg6[%arg0, %add3A_82, %dma_wait3A_130] : memref<2x10000x128xf32, #tpu.memory_space<hbm>> -> memref<1x128x128xf32, #tpu.memory_space<hbm>>
        %dma_wait3A_132 = tpu.memref_squeeze %dma_wait3A_131 : memref<1x128x128xf32, #tpu.memory_space<hbm>> -> memref<128x128xf32, #tpu.memory_space<hbm>>
        %dma_wait3A_133 = arith.constant 0 : i32
        %dma_wait3A_134 = tpu.memref_slice %arg6[%arg0, %add3A_82, %dma_wait3A_133] : memref<2x10000x128xf32, #tpu.memory_space<hbm>> -> memref<1x128x128xf32, #tpu.memory_space<hbm>>
        %dma_wait3A_135 = tpu.memref_squeeze %dma_wait3A_134 : memref<1x128x128xf32, #tpu.memory_space<hbm>> -> memref<128x128xf32, #tpu.memory_space<hbm>>
        %dma_wait3A_136 = arith.constant 0 : i32
        %dma_wait3A_137 = arith.constant 0 : i32
        %dma_wait3A_138 = tpu.memref_slice %arg9[%dma_wait3A_136, %dma_wait3A_137] : memref<128x128xf32, #tpu.memory_space<vmem>> -> memref<128x128xf32, #tpu.memory_space<vmem>>
        tpu.wait_dma2 semaphore(%run_scoped3A : memref<!tpu.dma_semaphore, #tpu.memory_space<semaphore_mem>>) src(%dma_wait3A_138 : memref<128x128xf32, #tpu.memory_space<vmem>>) dst(%dma_wait3A_135 : memref<128x128xf32, #tpu.memory_space<hbm>>)
        tpu.yield
      }) : () -> ()
      %mul3A_83 = arith.constant 632 : i32
      %mul3A_84 = arith.muli %arg1, %mul3A_83 : i32
      %add3A_85 = arith.constant 128 : i32
      %add3A_86 = arith.addi %mul3A_84, %add3A_85 : i32
      "tpu.region"() ({
        %run_scoped3A = tpu.sem_alloc : memref<!tpu.dma_semaphore, #tpu.memory_space<semaphore_mem>>
        %dma_start3A_115 = arith.constant 0 : i32
        %dma_start3A_116 = arith.constant 0 : i32
        %dma_start3A_117 = tpu.memref_slice %arg9[%dma_start3A_115, %dma_start3A_116] : memref<128x128xf32, #tpu.memory_space<vmem>> -> memref<128x128xf32, #tpu.memory_space<vmem>>
        %dma_start3A_118 = arith.constant 0 : i32
        %dma_start3A_119 = tpu.memref_slice %arg15[%add3A_86, %dma_start3A_118] : memref<10112x128xf32, #tpu.memory_space<vmem_shared>> -> memref<128x128xf32, #tpu.memory_space<vmem_shared>>
        %dma_start3A_120 = arith.constant 0 : i32
        %dma_start3A_121 = arith.constant 0 : i32
        %dma_start3A_122 = tpu.memref_slice %arg9[%dma_start3A_120, %dma_start3A_121] : memref<128x128xf32, #tpu.memory_space<vmem>> -> memref<128x128xf32, #tpu.memory_space<vmem>>
        %dma_start3A_123 = arith.constant 0 : i32
        %dma_start3A_124 = tpu.memref_slice %arg15[%add3A_86, %dma_start3A_123] : memref<10112x128xf32, #tpu.memory_space<vmem_shared>> -> memref<128x128xf32, #tpu.memory_space<vmem_shared>>
        tpu.enqueue_dma source(%dma_start3A_124 : memref<128x128xf32, #tpu.memory_space<vmem_shared>>) target(%dma_start3A_122 : memref<128x128xf32, #tpu.memory_space<vmem>>) target_semaphore(%run_scoped3A : memref<!tpu.dma_semaphore, #tpu.memory_space<semaphore_mem>>)
        %dma_wait3A_125 = arith.constant 0 : i32
        %dma_wait3A_126 = arith.constant 0 : i32
        %dma_wait3A_127 = tpu.memref_slice %arg9[%dma_wait3A_125, %dma_wait3A_126] : memref<128x128xf32, #tpu.memory_space<vmem>> -> memref<128x128xf32, #tpu.memory_space<vmem>>
        %dma_wait3A_128 = arith.constant 0 : i32
        %dma_wait3A_129 = tpu.memref_slice %arg15[%add3A_86, %dma_wait3A_128] : memref<10112x128xf32, #tpu.memory_space<vmem_shared>> -> memref<128x128xf32, #tpu.memory_space<vmem_shared>>
        %dma_wait3A_130 = arith.constant 0 : i32
        %dma_wait3A_131 = arith.constant 0 : i32
        %dma_wait3A_132 = tpu.memref_slice %arg9[%dma_wait3A_130, %dma_wait3A_131] : memref<128x128xf32, #tpu.memory_space<vmem>> -> memref<128x128xf32, #tpu.memory_space<vmem>>
        %dma_wait3A_133 = arith.constant 0 : i32
        %dma_wait3A_134 = tpu.memref_slice %arg15[%add3A_86, %dma_wait3A_133] : memref<10112x128xf32, #tpu.memory_space<vmem_shared>> -> memref<128x128xf32, #tpu.memory_space<vmem_shared>>
        tpu.wait_dma2 semaphore(%run_scoped3A : memref<!tpu.dma_semaphore, #tpu.memory_space<semaphore_mem>>) src(%dma_wait3A_134 : memref<128x128xf32, #tpu.memory_space<vmem_shared>>) dst(%dma_wait3A_132 : memref<128x128xf32, #tpu.memory_space<vmem>>)
        tpu.yield
      }) : () -> ()
      %mul3A_87 = arith.constant 632 : i32
      %mul3A_88 = arith.muli %arg1, %mul3A_87 : i32
      %add3A_89 = arith.constant 128 : i32
      %add3A_90 = arith.addi %mul3A_88, %add3A_89 : i32
      "tpu.region"() ({
        %run_scoped3A = tpu.sem_alloc : memref<!tpu.dma_semaphore, #tpu.memory_space<semaphore_mem>>
        %dma_start3A_115 = arith.constant 0 : i32
        %dma_start3A_116 = arith.constant 0 : i32
        %dma_start3A_117 = tpu.memref_slice %arg9[%dma_start3A_115, %dma_start3A_116] : memref<128x128xf32, #tpu.memory_space<vmem>> -> memref<128x128xf32, #tpu.memory_space<vmem>>
        %dma_start3A_118 = arith.constant 0 : i32
        %dma_start3A_119 = tpu.memref_slice %arg6[%arg0, %add3A_90, %dma_start3A_118] : memref<2x10000x128xf32, #tpu.memory_space<hbm>> -> memref<1x128x128xf32, #tpu.memory_space<hbm>>
        %dma_start3A_120 = tpu.memref_squeeze %dma_start3A_119 : memref<1x128x128xf32, #tpu.memory_space<hbm>> -> memref<128x128xf32, #tpu.memory_space<hbm>>
        %dma_start3A_121 = arith.constant 0 : i32
        %dma_start3A_122 = tpu.memref_slice %arg6[%arg0, %add3A_90, %dma_start3A_121] : memref<2x10000x128xf32, #tpu.memory_space<hbm>> -> memref<1x128x128xf32, #tpu.memory_space<hbm>>
        %dma_start3A_123 = tpu.memref_squeeze %dma_start3A_122 : memref<1x128x128xf32, #tpu.memory_space<hbm>> -> memref<128x128xf32, #tpu.memory_space<hbm>>
        %dma_start3A_124 = arith.constant 0 : i32
        %dma_start3A_125 = arith.constant 0 : i32
        %dma_start3A_126 = tpu.memref_slice %arg9[%dma_start3A_124, %dma_start3A_125] : memref<128x128xf32, #tpu.memory_space<vmem>> -> memref<128x128xf32, #tpu.memory_space<vmem>>
        tpu.enqueue_dma source(%dma_start3A_126 : memref<128x128xf32, #tpu.memory_space<vmem>>) target(%dma_start3A_123 : memref<128x128xf32, #tpu.memory_space<hbm>>) target_semaphore(%run_scoped3A : memref<!tpu.dma_semaphore, #tpu.memory_space<semaphore_mem>>)
        %dma_wait3A_127 = arith.constant 0 : i32
        %dma_wait3A_128 = arith.constant 0 : i32
        %dma_wait3A_129 = tpu.memref_slice %arg9[%dma_wait3A_127, %dma_wait3A_128] : memref<128x128xf32, #tpu.memory_space<vmem>> -> memref<128x128xf32, #tpu.memory_space<vmem>>
        %dma_wait3A_130 = arith.constant 0 : i32
        %dma_wait3A_131 = tpu.memref_slice %arg6[%arg0, %add3A_90, %dma_wait3A_130] : memref<2x10000x128xf32, #tpu.memory_space<hbm>> -> memref<1x128x128xf32, #tpu.memory_space<hbm>>
        %dma_wait3A_132 = tpu.memref_squeeze %dma_wait3A_131 : memref<1x128x128xf32, #tpu.memory_space<hbm>> -> memref<128x128xf32, #tpu.memory_space<hbm>>
        %dma_wait3A_133 = arith.constant 0 : i32
        %dma_wait3A_134 = tpu.memref_slice %arg6[%arg0, %add3A_90, %dma_wait3A_133] : memref<2x10000x128xf32, #tpu.memory_space<hbm>> -> memref<1x128x128xf32, #tpu.memory_space<hbm>>
        %dma_wait3A_135 = tpu.memref_squeeze %dma_wait3A_134 : memref<1x128x128xf32, #tpu.memory_space<hbm>> -> memref<128x128xf32, #tpu.memory_space<hbm>>
        %dma_wait3A_136 = arith.constant 0 : i32
        %dma_wait3A_137 = arith.constant 0 : i32
        %dma_wait3A_138 = tpu.memref_slice %arg9[%dma_wait3A_136, %dma_wait3A_137] : memref<128x128xf32, #tpu.memory_space<vmem>> -> memref<128x128xf32, #tpu.memory_space<vmem>>
        tpu.wait_dma2 semaphore(%run_scoped3A : memref<!tpu.dma_semaphore, #tpu.memory_space<semaphore_mem>>) src(%dma_wait3A_138 : memref<128x128xf32, #tpu.memory_space<vmem>>) dst(%dma_wait3A_135 : memref<128x128xf32, #tpu.memory_space<hbm>>)
        tpu.yield
      }) : () -> ()
      %mul3A_91 = arith.constant 632 : i32
      %mul3A_92 = arith.muli %arg1, %mul3A_91 : i32
      %add3A_93 = arith.constant 256 : i32
      %add3A_94 = arith.addi %mul3A_92, %add3A_93 : i32
      "tpu.region"() ({
        %run_scoped3A = tpu.sem_alloc : memref<!tpu.dma_semaphore, #tpu.memory_space<semaphore_mem>>
        %dma_start3A_115 = arith.constant 0 : i32
        %dma_start3A_116 = arith.constant 0 : i32
        %dma_start3A_117 = tpu.memref_slice %arg9[%dma_start3A_115, %dma_start3A_116] : memref<128x128xf32, #tpu.memory_space<vmem>> -> memref<128x128xf32, #tpu.memory_space<vmem>>
        %dma_start3A_118 = arith.constant 0 : i32
        %dma_start3A_119 = tpu.memref_slice %arg15[%add3A_94, %dma_start3A_118] : memref<10112x128xf32, #tpu.memory_space<vmem_shared>> -> memref<128x128xf32, #tpu.memory_space<vmem_shared>>
        %dma_start3A_120 = arith.constant 0 : i32
        %dma_start3A_121 = arith.constant 0 : i32
        %dma_start3A_122 = tpu.memref_slice %arg9[%dma_start3A_120, %dma_start3A_121] : memref<128x128xf32, #tpu.memory_space<vmem>> -> memref<128x128xf32, #tpu.memory_space<vmem>>
        %dma_start3A_123 = arith.constant 0 : i32
        %dma_start3A_124 = tpu.memref_slice %arg15[%add3A_94, %dma_start3A_123] : memref<10112x128xf32, #tpu.memory_space<vmem_shared>> -> memref<128x128xf32, #tpu.memory_space<vmem_shared>>
        tpu.enqueue_dma source(%dma_start3A_124 : memref<128x128xf32, #tpu.memory_space<vmem_shared>>) target(%dma_start3A_122 : memref<128x128xf32, #tpu.memory_space<vmem>>) target_semaphore(%run_scoped3A : memref<!tpu.dma_semaphore, #tpu.memory_space<semaphore_mem>>)
        %dma_wait3A_125 = arith.constant 0 : i32
        %dma_wait3A_126 = arith.constant 0 : i32
        %dma_wait3A_127 = tpu.memref_slice %arg9[%dma_wait3A_125, %dma_wait3A_126] : memref<128x128xf32, #tpu.memory_space<vmem>> -> memref<128x128xf32, #tpu.memory_space<vmem>>
        %dma_wait3A_128 = arith.constant 0 : i32
        %dma_wait3A_129 = tpu.memref_slice %arg15[%add3A_94, %dma_wait3A_128] : memref<10112x128xf32, #tpu.memory_space<vmem_shared>> -> memref<128x128xf32, #tpu.memory_space<vmem_shared>>
        %dma_wait3A_130 = arith.constant 0 : i32
        %dma_wait3A_131 = arith.constant 0 : i32
        %dma_wait3A_132 = tpu.memref_slice %arg9[%dma_wait3A_130, %dma_wait3A_131] : memref<128x128xf32, #tpu.memory_space<vmem>> -> memref<128x128xf32, #tpu.memory_space<vmem>>
        %dma_wait3A_133 = arith.constant 0 : i32
        %dma_wait3A_134 = tpu.memref_slice %arg15[%add3A_94, %dma_wait3A_133] : memref<10112x128xf32, #tpu.memory_space<vmem_shared>> -> memref<128x128xf32, #tpu.memory_space<vmem_shared>>
        tpu.wait_dma2 semaphore(%run_scoped3A : memref<!tpu.dma_semaphore, #tpu.memory_space<semaphore_mem>>) src(%dma_wait3A_134 : memref<128x128xf32, #tpu.memory_space<vmem_shared>>) dst(%dma_wait3A_132 : memref<128x128xf32, #tpu.memory_space<vmem>>)
        tpu.yield
      }) : () -> ()
      %mul3A_95 = arith.constant 632 : i32
      %mul3A_96 = arith.muli %arg1, %mul3A_95 : i32
      %add3A_97 = arith.constant 256 : i32
      %add3A_98 = arith.addi %mul3A_96, %add3A_97 : i32
      "tpu.region"() ({
        %run_scoped3A = tpu.sem_alloc : memref<!tpu.dma_semaphore, #tpu.memory_space<semaphore_mem>>
        %dma_start3A_115 = arith.constant 0 : i32
        %dma_start3A_116 = arith.constant 0 : i32
        %dma_start3A_117 = tpu.memref_slice %arg9[%dma_start3A_115, %dma_start3A_116] : memref<128x128xf32, #tpu.memory_space<vmem>> -> memref<128x128xf32, #tpu.memory_space<vmem>>
        %dma_start3A_118 = arith.constant 0 : i32
        %dma_start3A_119 = tpu.memref_slice %arg6[%arg0, %add3A_98, %dma_start3A_118] : memref<2x10000x128xf32, #tpu.memory_space<hbm>> -> memref<1x128x128xf32, #tpu.memory_space<hbm>>
        %dma_start3A_120 = tpu.memref_squeeze %dma_start3A_119 : memref<1x128x128xf32, #tpu.memory_space<hbm>> -> memref<128x128xf32, #tpu.memory_space<hbm>>
        %dma_start3A_121 = arith.constant 0 : i32
        %dma_start3A_122 = tpu.memref_slice %arg6[%arg0, %add3A_98, %dma_start3A_121] : memref<2x10000x128xf32, #tpu.memory_space<hbm>> -> memref<1x128x128xf32, #tpu.memory_space<hbm>>
        %dma_start3A_123 = tpu.memref_squeeze %dma_start3A_122 : memref<1x128x128xf32, #tpu.memory_space<hbm>> -> memref<128x128xf32, #tpu.memory_space<hbm>>
        %dma_start3A_124 = arith.constant 0 : i32
        %dma_start3A_125 = arith.constant 0 : i32
        %dma_start3A_126 = tpu.memref_slice %arg9[%dma_start3A_124, %dma_start3A_125] : memref<128x128xf32, #tpu.memory_space<vmem>> -> memref<128x128xf32, #tpu.memory_space<vmem>>
        tpu.enqueue_dma source(%dma_start3A_126 : memref<128x128xf32, #tpu.memory_space<vmem>>) target(%dma_start3A_123 : memref<128x128xf32, #tpu.memory_space<hbm>>) target_semaphore(%run_scoped3A : memref<!tpu.dma_semaphore, #tpu.memory_space<semaphore_mem>>)
        %dma_wait3A_127 = arith.constant 0 : i32
        %dma_wait3A_128 = arith.constant 0 : i32
        %dma_wait3A_129 = tpu.memref_slice %arg9[%dma_wait3A_127, %dma_wait3A_128] : memref<128x128xf32, #tpu.memory_space<vmem>> -> memref<128x128xf32, #tpu.memory_space<vmem>>
        %dma_wait3A_130 = arith.constant 0 : i32
        %dma_wait3A_131 = tpu.memref_slice %arg6[%arg0, %add3A_98, %dma_wait3A_130] : memref<2x10000x128xf32, #tpu.memory_space<hbm>> -> memref<1x128x128xf32, #tpu.memory_space<hbm>>
        %dma_wait3A_132 = tpu.memref_squeeze %dma_wait3A_131 : memref<1x128x128xf32, #tpu.memory_space<hbm>> -> memref<128x128xf32, #tpu.memory_space<hbm>>
        %dma_wait3A_133 = arith.constant 0 : i32
        %dma_wait3A_134 = tpu.memref_slice %arg6[%arg0, %add3A_98, %dma_wait3A_133] : memref<2x10000x128xf32, #tpu.memory_space<hbm>> -> memref<1x128x128xf32, #tpu.memory_space<hbm>>
        %dma_wait3A_135 = tpu.memref_squeeze %dma_wait3A_134 : memref<1x128x128xf32, #tpu.memory_space<hbm>> -> memref<128x128xf32, #tpu.memory_space<hbm>>
        %dma_wait3A_136 = arith.constant 0 : i32
        %dma_wait3A_137 = arith.constant 0 : i32
        %dma_wait3A_138 = tpu.memref_slice %arg9[%dma_wait3A_136, %dma_wait3A_137] : memref<128x128xf32, #tpu.memory_space<vmem>> -> memref<128x128xf32, #tpu.memory_space<vmem>>
        tpu.wait_dma2 semaphore(%run_scoped3A : memref<!tpu.dma_semaphore, #tpu.memory_space<semaphore_mem>>) src(%dma_wait3A_138 : memref<128x128xf32, #tpu.memory_space<vmem>>) dst(%dma_wait3A_135 : memref<128x128xf32, #tpu.memory_space<hbm>>)
        tpu.yield
      }) : () -> ()
      %mul3A_99 = arith.constant 632 : i32
      %mul3A_100 = arith.muli %arg1, %mul3A_99 : i32
      %add3A_101 = arith.constant 384 : i32
      %add3A_102 = arith.addi %mul3A_100, %add3A_101 : i32
      "tpu.region"() ({
        %run_scoped3A = tpu.sem_alloc : memref<!tpu.dma_semaphore, #tpu.memory_space<semaphore_mem>>
        %dma_start3A_115 = arith.constant 0 : i32
        %dma_start3A_116 = arith.constant 0 : i32
        %dma_start3A_117 = tpu.memref_slice %arg9[%dma_start3A_115, %dma_start3A_116] : memref<128x128xf32, #tpu.memory_space<vmem>> -> memref<128x128xf32, #tpu.memory_space<vmem>>
        %dma_start3A_118 = arith.constant 0 : i32
        %dma_start3A_119 = tpu.memref_slice %arg15[%add3A_102, %dma_start3A_118] : memref<10112x128xf32, #tpu.memory_space<vmem_shared>> -> memref<128x128xf32, #tpu.memory_space<vmem_shared>>
        %dma_start3A_120 = arith.constant 0 : i32
        %dma_start3A_121 = arith.constant 0 : i32
        %dma_start3A_122 = tpu.memref_slice %arg9[%dma_start3A_120, %dma_start3A_121] : memref<128x128xf32, #tpu.memory_space<vmem>> -> memref<128x128xf32, #tpu.memory_space<vmem>>
        %dma_start3A_123 = arith.constant 0 : i32
        %dma_start3A_124 = tpu.memref_slice %arg15[%add3A_102, %dma_start3A_123] : memref<10112x128xf32, #tpu.memory_space<vmem_shared>> -> memref<128x128xf32, #tpu.memory_space<vmem_shared>>
        tpu.enqueue_dma source(%dma_start3A_124 : memref<128x128xf32, #tpu.memory_space<vmem_shared>>) target(%dma_start3A_122 : memref<128x128xf32, #tpu.memory_space<vmem>>) target_semaphore(%run_scoped3A : memref<!tpu.dma_semaphore, #tpu.memory_space<semaphore_mem>>)
        %dma_wait3A_125 = arith.constant 0 : i32
        %dma_wait3A_126 = arith.constant 0 : i32
        %dma_wait3A_127 = tpu.memref_slice %arg9[%dma_wait3A_125, %dma_wait3A_126] : memref<128x128xf32, #tpu.memory_space<vmem>> -> memref<128x128xf32, #tpu.memory_space<vmem>>
        %dma_wait3A_128 = arith.constant 0 : i32
        %dma_wait3A_129 = tpu.memref_slice %arg15[%add3A_102, %dma_wait3A_128] : memref<10112x128xf32, #tpu.memory_space<vmem_shared>> -> memref<128x128xf32, #tpu.memory_space<vmem_shared>>
        %dma_wait3A_130 = arith.constant 0 : i32
        %dma_wait3A_131 = arith.constant 0 : i32
        %dma_wait3A_132 = tpu.memref_slice %arg9[%dma_wait3A_130, %dma_wait3A_131] : memref<128x128xf32, #tpu.memory_space<vmem>> -> memref<128x128xf32, #tpu.memory_space<vmem>>
        %dma_wait3A_133 = arith.constant 0 : i32
        %dma_wait3A_134 = tpu.memref_slice %arg15[%add3A_102, %dma_wait3A_133] : memref<10112x128xf32, #tpu.memory_space<vmem_shared>> -> memref<128x128xf32, #tpu.memory_space<vmem_shared>>
        tpu.wait_dma2 semaphore(%run_scoped3A : memref<!tpu.dma_semaphore, #tpu.memory_space<semaphore_mem>>) src(%dma_wait3A_134 : memref<128x128xf32, #tpu.memory_space<vmem_shared>>) dst(%dma_wait3A_132 : memref<128x128xf32, #tpu.memory_space<vmem>>)
        tpu.yield
      }) : () -> ()
      %mul3A_103 = arith.constant 632 : i32
      %mul3A_104 = arith.muli %arg1, %mul3A_103 : i32
      %add3A_105 = arith.constant 384 : i32
      %add3A_106 = arith.addi %mul3A_104, %add3A_105 : i32
      "tpu.region"() ({
        %run_scoped3A = tpu.sem_alloc : memref<!tpu.dma_semaphore, #tpu.memory_space<semaphore_mem>>
        %dma_start3A_115 = arith.constant 0 : i32
        %dma_start3A_116 = arith.constant 0 : i32
        %dma_start3A_117 = tpu.memref_slice %arg9[%dma_start3A_115, %dma_start3A_116] : memref<128x128xf32, #tpu.memory_space<vmem>> -> memref<128x128xf32, #tpu.memory_space<vmem>>
        %dma_start3A_118 = arith.constant 0 : i32
        %dma_start3A_119 = tpu.memref_slice %arg6[%arg0, %add3A_106, %dma_start3A_118] : memref<2x10000x128xf32, #tpu.memory_space<hbm>> -> memref<1x128x128xf32, #tpu.memory_space<hbm>>
        %dma_start3A_120 = tpu.memref_squeeze %dma_start3A_119 : memref<1x128x128xf32, #tpu.memory_space<hbm>> -> memref<128x128xf32, #tpu.memory_space<hbm>>
        %dma_start3A_121 = arith.constant 0 : i32
        %dma_start3A_122 = tpu.memref_slice %arg6[%arg0, %add3A_106, %dma_start3A_121] : memref<2x10000x128xf32, #tpu.memory_space<hbm>> -> memref<1x128x128xf32, #tpu.memory_space<hbm>>
        %dma_start3A_123 = tpu.memref_squeeze %dma_start3A_122 : memref<1x128x128xf32, #tpu.memory_space<hbm>> -> memref<128x128xf32, #tpu.memory_space<hbm>>
        %dma_start3A_124 = arith.constant 0 : i32
        %dma_start3A_125 = arith.constant 0 : i32
        %dma_start3A_126 = tpu.memref_slice %arg9[%dma_start3A_124, %dma_start3A_125] : memref<128x128xf32, #tpu.memory_space<vmem>> -> memref<128x128xf32, #tpu.memory_space<vmem>>
        tpu.enqueue_dma source(%dma_start3A_126 : memref<128x128xf32, #tpu.memory_space<vmem>>) target(%dma_start3A_123 : memref<128x128xf32, #tpu.memory_space<hbm>>) target_semaphore(%run_scoped3A : memref<!tpu.dma_semaphore, #tpu.memory_space<semaphore_mem>>)
        %dma_wait3A_127 = arith.constant 0 : i32
        %dma_wait3A_128 = arith.constant 0 : i32
        %dma_wait3A_129 = tpu.memref_slice %arg9[%dma_wait3A_127, %dma_wait3A_128] : memref<128x128xf32, #tpu.memory_space<vmem>> -> memref<128x128xf32, #tpu.memory_space<vmem>>
        %dma_wait3A_130 = arith.constant 0 : i32
        %dma_wait3A_131 = tpu.memref_slice %arg6[%arg0, %add3A_106, %dma_wait3A_130] : memref<2x10000x128xf32, #tpu.memory_space<hbm>> -> memref<1x128x128xf32, #tpu.memory_space<hbm>>
        %dma_wait3A_132 = tpu.memref_squeeze %dma_wait3A_131 : memref<1x128x128xf32, #tpu.memory_space<hbm>> -> memref<128x128xf32, #tpu.memory_space<hbm>>
        %dma_wait3A_133 = arith.constant 0 : i32
        %dma_wait3A_134 = tpu.memref_slice %arg6[%arg0, %add3A_106, %dma_wait3A_133] : memref<2x10000x128xf32, #tpu.memory_space<hbm>> -> memref<1x128x128xf32, #tpu.memory_space<hbm>>
        %dma_wait3A_135 = tpu.memref_squeeze %dma_wait3A_134 : memref<1x128x128xf32, #tpu.memory_space<hbm>> -> memref<128x128xf32, #tpu.memory_space<hbm>>
        %dma_wait3A_136 = arith.constant 0 : i32
        %dma_wait3A_137 = arith.constant 0 : i32
        %dma_wait3A_138 = tpu.memref_slice %arg9[%dma_wait3A_136, %dma_wait3A_137] : memref<128x128xf32, #tpu.memory_space<vmem>> -> memref<128x128xf32, #tpu.memory_space<vmem>>
        tpu.wait_dma2 semaphore(%run_scoped3A : memref<!tpu.dma_semaphore, #tpu.memory_space<semaphore_mem>>) src(%dma_wait3A_138 : memref<128x128xf32, #tpu.memory_space<vmem>>) dst(%dma_wait3A_135 : memref<128x128xf32, #tpu.memory_space<hbm>>)
        tpu.yield
      }) : () -> ()
      %mul3A_107 = arith.constant 632 : i32
      %mul3A_108 = arith.muli %arg1, %mul3A_107 : i32
      %add3A_109 = arith.constant 512 : i32
      %add3A_110 = arith.addi %mul3A_108, %add3A_109 : i32
      "tpu.region"() ({
        %run_scoped3A = tpu.sem_alloc : memref<!tpu.dma_semaphore, #tpu.memory_space<semaphore_mem>>
        %dma_start3A_115 = arith.constant 0 : i32
        %dma_start3A_116 = arith.constant 0 : i32
        %dma_start3A_117 = tpu.memref_slice %arg9[%dma_start3A_115, %dma_start3A_116] : memref<128x128xf32, #tpu.memory_space<vmem>> -> memref<8x128xf32, #tpu.memory_space<vmem>>
        %dma_start3A_118 = arith.constant 0 : i32
        %dma_start3A_119 = tpu.memref_slice %arg15[%add3A_110, %dma_start3A_118] : memref<10112x128xf32, #tpu.memory_space<vmem_shared>> -> memref<8x128xf32, #tpu.memory_space<vmem_shared>>
        %dma_start3A_120 = arith.constant 0 : i32
        %dma_start3A_121 = arith.constant 0 : i32
        %dma_start3A_122 = tpu.memref_slice %arg9[%dma_start3A_120, %dma_start3A_121] : memref<128x128xf32, #tpu.memory_space<vmem>> -> memref<8x128xf32, #tpu.memory_space<vmem>>
        %dma_start3A_123 = arith.constant 0 : i32
        %dma_start3A_124 = tpu.memref_slice %arg15[%add3A_110, %dma_start3A_123] : memref<10112x128xf32, #tpu.memory_space<vmem_shared>> -> memref<8x128xf32, #tpu.memory_space<vmem_shared>>
        tpu.enqueue_dma source(%dma_start3A_124 : memref<8x128xf32, #tpu.memory_space<vmem_shared>>) target(%dma_start3A_122 : memref<8x128xf32, #tpu.memory_space<vmem>>) target_semaphore(%run_scoped3A : memref<!tpu.dma_semaphore, #tpu.memory_space<semaphore_mem>>)
        %dma_wait3A_125 = arith.constant 0 : i32
        %dma_wait3A_126 = arith.constant 0 : i32
        %dma_wait3A_127 = tpu.memref_slice %arg9[%dma_wait3A_125, %dma_wait3A_126] : memref<128x128xf32, #tpu.memory_space<vmem>> -> memref<8x128xf32, #tpu.memory_space<vmem>>
        %dma_wait3A_128 = arith.constant 0 : i32
        %dma_wait3A_129 = tpu.memref_slice %arg15[%add3A_110, %dma_wait3A_128] : memref<10112x128xf32, #tpu.memory_space<vmem_shared>> -> memref<8x128xf32, #tpu.memory_space<vmem_shared>>
        %dma_wait3A_130 = arith.constant 0 : i32
        %dma_wait3A_131 = arith.constant 0 : i32
        %dma_wait3A_132 = tpu.memref_slice %arg9[%dma_wait3A_130, %dma_wait3A_131] : memref<128x128xf32, #tpu.memory_space<vmem>> -> memref<8x128xf32, #tpu.memory_space<vmem>>
        %dma_wait3A_133 = arith.constant 0 : i32
        %dma_wait3A_134 = tpu.memref_slice %arg15[%add3A_110, %dma_wait3A_133] : memref<10112x128xf32, #tpu.memory_space<vmem_shared>> -> memref<8x128xf32, #tpu.memory_space<vmem_shared>>
        tpu.wait_dma2 semaphore(%run_scoped3A : memref<!tpu.dma_semaphore, #tpu.memory_space<semaphore_mem>>) src(%dma_wait3A_134 : memref<8x128xf32, #tpu.memory_space<vmem_shared>>) dst(%dma_wait3A_132 : memref<8x128xf32, #tpu.memory_space<vmem>>)
        tpu.yield
      }) : () -> ()
      %mul3A_111 = arith.constant 632 : i32
      %mul3A_112 = arith.muli %arg1, %mul3A_111 : i32
      %add3A_113 = arith.constant 512 : i32
      %add3A_114 = arith.addi %mul3A_112, %add3A_113 : i32
      "tpu.region"() ({
        %run_scoped3A = tpu.sem_alloc : memref<!tpu.dma_semaphore, #tpu.memory_space<semaphore_mem>>
        %dma_start3A_115 = arith.constant 0 : i32
        %dma_start3A_116 = arith.constant 0 : i32
        %dma_start3A_117 = tpu.memref_slice %arg9[%dma_start3A_115, %dma_start3A_116] : memref<128x128xf32, #tpu.memory_space<vmem>> -> memref<8x128xf32, #tpu.memory_space<vmem>>
        %dma_start3A_118 = arith.constant 0 : i32
        %dma_start3A_119 = tpu.memref_slice %arg6[%arg0, %add3A_114, %dma_start3A_118] : memref<2x10000x128xf32, #tpu.memory_space<hbm>> -> memref<1x8x128xf32, #tpu.memory_space<hbm>>
        %dma_start3A_120 = tpu.memref_squeeze %dma_start3A_119 : memref<1x8x128xf32, #tpu.memory_space<hbm>> -> memref<8x128xf32, #tpu.memory_space<hbm>>
        %dma_start3A_121 = arith.constant 0 : i32
        %dma_start3A_122 = tpu.memref_slice %arg6[%arg0, %add3A_114, %dma_start3A_121] : memref<2x10000x128xf32, #tpu.memory_space<hbm>> -> memref<1x8x128xf32, #tpu.memory_space<hbm>>
        %dma_start3A_123 = tpu.memref_squeeze %dma_start3A_122 : memref<1x8x128xf32, #tpu.memory_space<hbm>> -> memref<8x128xf32, #tpu.memory_space<hbm>>
        %dma_start3A_124 = arith.constant 0 : i32
        %dma_start3A_125 = arith.constant 0 : i32
        %dma_start3A_126 = tpu.memref_slice %arg9[%dma_start3A_124, %dma_start3A_125] : memref<128x128xf32, #tpu.memory_space<vmem>> -> memref<8x128xf32, #tpu.memory_space<vmem>>
        tpu.enqueue_dma source(%dma_start3A_126 : memref<8x128xf32, #tpu.memory_space<vmem>>) target(%dma_start3A_123 : memref<8x128xf32, #tpu.memory_space<hbm>>) target_semaphore(%run_scoped3A : memref<!tpu.dma_semaphore, #tpu.memory_space<semaphore_mem>>)
        %dma_wait3A_127 = arith.constant 0 : i32
        %dma_wait3A_128 = arith.constant 0 : i32
        %dma_wait3A_129 = tpu.memref_slice %arg9[%dma_wait3A_127, %dma_wait3A_128] : memref<128x128xf32, #tpu.memory_space<vmem>> -> memref<8x128xf32, #tpu.memory_space<vmem>>
        %dma_wait3A_130 = arith.constant 0 : i32
        %dma_wait3A_131 = tpu.memref_slice %arg6[%arg0, %add3A_114, %dma_wait3A_130] : memref<2x10000x128xf32, #tpu.memory_space<hbm>> -> memref<1x8x128xf32, #tpu.memory_space<hbm>>
        %dma_wait3A_132 = tpu.memref_squeeze %dma_wait3A_131 : memref<1x8x128xf32, #tpu.memory_space<hbm>> -> memref<8x128xf32, #tpu.memory_space<hbm>>
        %dma_wait3A_133 = arith.constant 0 : i32
        %dma_wait3A_134 = tpu.memref_slice %arg6[%arg0, %add3A_114, %dma_wait3A_133] : memref<2x10000x128xf32, #tpu.memory_space<hbm>> -> memref<1x8x128xf32, #tpu.memory_space<hbm>>
        %dma_wait3A_135 = tpu.memref_squeeze %dma_wait3A_134 : memref<1x8x128xf32, #tpu.memory_space<hbm>> -> memref<8x128xf32, #tpu.memory_space<hbm>>
        %dma_wait3A_136 = arith.constant 0 : i32
        %dma_wait3A_137 = arith.constant 0 : i32
        %dma_wait3A_138 = tpu.memref_slice %arg9[%dma_wait3A_136, %dma_wait3A_137] : memref<128x128xf32, #tpu.memory_space<vmem>> -> memref<8x128xf32, #tpu.memory_space<vmem>>
        tpu.wait_dma2 semaphore(%run_scoped3A : memref<!tpu.dma_semaphore, #tpu.memory_space<semaphore_mem>>) src(%dma_wait3A_138 : memref<8x128xf32, #tpu.memory_space<vmem>>) dst(%dma_wait3A_135 : memref<8x128xf32, #tpu.memory_space<hbm>>)
        tpu.yield
      }) : () -> ()
    } else {
    }
    return
  }
}

module attributes {stable_mosaic.version = 14 : i64} {
  func.func @_mm1_body(%arg0: i32, %arg1: memref<1000x128xf32, #tpu.memory_space<vmem>>, %arg2: memref<1000x1xf32, #tpu.memory_space<vmem>>, %arg3: memref<128x128xf32, #tpu.memory_space<vmem>>, %arg4: memref<1000x128xf32, #tpu.memory_space<vmem>>) attributes {dimension_semantics = [#tpu.dimension_semantics<arbitrary>], iteration_bounds = array<i64: 10>, scalar_prefetch = 0 : i64, scratch_operands = 0 : i64, tpu.core_type = #tpu.core_type<tc>, window_params = [{transform_indices = @transform_0, window_bounds = array<i64: 1000, 128>}, {transform_indices = @transform_1, window_bounds = array<i64: 1000, 1>}, {pipeline_mode = #tpu.pipeline_mode<synchronous>, transform_indices = @transform_2, window_bounds = array<i64: 128, 128>}, {transform_indices = @transform_3, window_bounds = array<i64: 1000, 128>}]} {
    %get3A = arith.constant 0 : index
    %get3A_0 = arith.constant 0 : index
    %get3A_1 = vector.load %arg2[%get3A, %get3A_0] : memref<1000x1xf32, #tpu.memory_space<vmem>>, vector<1000x1xf32>
    %max3A = arith.constant 1.000000e+00 : f32
    %max3A_2 = vector.broadcast %max3A : f32 to vector<1000x1xf32>
    %max3A_3 = arith.maximumf %get3A_1, %max3A_2 : vector<1000x1xf32>
    %rsqrt3A = math.rsqrt %max3A_3 : vector<1000x1xf32>
    %get3A_4 = arith.constant 0 : index
    %get3A_5 = arith.constant 0 : index
    %get3A_6 = vector.load %arg1[%get3A_4, %get3A_5] : memref<1000x128xf32, #tpu.memory_space<vmem>>, vector<1000x128xf32>
    %mul3A = vector.broadcast %rsqrt3A : vector<1000x1xf32> to vector<1000x128xf32>
    %mul3A_7 = arith.mulf %get3A_6, %mul3A : vector<1000x128xf32>
    %get3A_8 = arith.constant 0 : index
    %get3A_9 = arith.constant 0 : index
    %get3A_10 = vector.load %arg3[%get3A_8, %get3A_9] : memref<128x128xf32, #tpu.memory_space<vmem>>, vector<128x128xf32>
    %dot_general3A = arith.constant dense<0.000000e+00> : vector<1000x128xf32>
    %dot_general3A_11 = tpu.matmul %mul3A_7, %get3A_10, %dot_general3A {dimension_numbers = #tpu.dot_dimension_numbers<[1], [0], [0], [1], [0, 0, 1, 1], [], []>, transpose_lhs_hint = false} : vector<1000x128xf32>, vector<128x128xf32>, vector<1000x128xf32> -> vector<1000x128xf32>
    %swap3A = arith.constant 0 : index
    %swap3A_12 = arith.constant 0 : index
    %swap3A_13 = vector.load %arg4[%swap3A, %swap3A_12] : memref<1000x128xf32, #tpu.memory_space<vmem>>, vector<1000x128xf32>
    tpu.vector_store %arg4[%swap3A, %swap3A_12], %dot_general3A_11 {strides = array<i32>} : memref<1000x128xf32, #tpu.memory_space<vmem>>, vector<1000x128xf32>,
    return
  }
  func.func @transform_0(%arg0: i32) -> (i32, i32) {
    %c0_i32 = arith.constant 0 : i32
    %c0_i32_0 = arith.constant 0 : i32
    return %arg0, %c0_i32 : i32, i32
  }
  func.func @transform_1(%arg0: i32) -> (i32, i32) {
    %c0_i32 = arith.constant 0 : i32
    %c0_i32_0 = arith.constant 0 : i32
    return %arg0, %c0_i32 : i32, i32
  }
  func.func @transform_2(%arg0: i32) -> (i32, i32) {
    %c0_i32 = arith.constant 0 : i32
    %c0_i32_0 = arith.constant 0 : i32
    %c0_i32_1 = arith.constant 0 : i32
    return %c0_i32, %c0_i32_0 : i32, i32
  }
  func.func @transform_3(%arg0: i32) -> (i32, i32) {
    %c0_i32 = arith.constant 0 : i32
    %c0_i32_0 = arith.constant 0 : i32
    return %arg0, %c0_i32 : i32, i32
  }
}

module attributes {stable_mosaic.version = 14 : i64} {
  func.func @_mm2_body(%arg0: i32, %arg1: memref<1000x128xf32, #tpu.memory_space<vmem>>, %arg2: memref<1000x128xf32, #tpu.memory_space<vmem>>, %arg3: memref<1000x1xf32, #tpu.memory_space<vmem>>, %arg4: memref<1000x1xf32, #tpu.memory_space<vmem>>, %arg5: memref<1x128xf32, #tpu.memory_space<vmem>>, %arg6: memref<128x64xf32, #tpu.memory_space<vmem>>, %arg7: memref<1000x64xf32, #tpu.memory_space<vmem>>) attributes {dimension_semantics = [#tpu.dimension_semantics<arbitrary>], iteration_bounds = array<i64: 10>, scalar_prefetch = 0 : i64, scratch_operands = 0 : i64, tpu.core_type = #tpu.core_type<tc>, window_params = [{transform_indices = @transform_0, window_bounds = array<i64: 1000, 128>}, {transform_indices = @transform_1, window_bounds = array<i64: 1000, 128>}, {transform_indices = @transform_2, window_bounds = array<i64: 1000, 1>}, {transform_indices = @transform_3, window_bounds = array<i64: 1000, 1>}, {pipeline_mode = #tpu.pipeline_mode<synchronous>, transform_indices = @transform_4, window_bounds = array<i64: 1, 128>}, {pipeline_mode = #tpu.pipeline_mode<synchronous>, transform_indices = @transform_5, window_bounds = array<i64: 128, 64>}, {transform_indices = @transform_6, window_bounds = array<i64: 1000, 64>}]} {
    %get3A = arith.constant 0 : index
    %get3A_0 = arith.constant 0 : index
    %get3A_1 = vector.load %arg3[%get3A, %get3A_0] : memref<1000x1xf32, #tpu.memory_space<vmem>>, vector<1000x1xf32>
    %max3A = arith.constant 1.000000e+00 : f32
    %max3A_2 = vector.broadcast %max3A : f32 to vector<1000x1xf32>
    %max3A_3 = arith.maximumf %get3A_1, %max3A_2 : vector<1000x1xf32>
    %rsqrt3A = math.rsqrt %max3A_3 : vector<1000x1xf32>
    %get3A_4 = arith.constant 0 : index
    %get3A_5 = arith.constant 0 : index
    %get3A_6 = vector.load %arg4[%get3A_4, %get3A_5] : memref<1000x1xf32, #tpu.memory_space<vmem>>, vector<1000x1xf32>
    %max3A_7 = arith.constant 1.000000e+00 : f32
    %max3A_8 = vector.broadcast %max3A_7 : f32 to vector<1000x1xf32>
    %max3A_9 = arith.maximumf %get3A_6, %max3A_8 : vector<1000x1xf32>
    %rsqrt3A_10 = math.rsqrt %max3A_9 : vector<1000x1xf32>
    %get3A_11 = arith.constant 0 : index
    %get3A_12 = arith.constant 0 : index
    %get3A_13 = vector.load %arg1[%get3A_11, %get3A_12] : memref<1000x128xf32, #tpu.memory_space<vmem>>, vector<1000x128xf32>
    %get3A_14 = arith.constant 0 : index
    %get3A_15 = arith.constant 0 : index
    %get3A_16 = vector.load %arg2[%get3A_14, %get3A_15] : memref<1000x128xf32, #tpu.memory_space<vmem>>, vector<1000x128xf32>
    %add3A = arith.addf %get3A_13, %get3A_16 : vector<1000x128xf32>
    %mul3A = vector.broadcast %rsqrt3A : vector<1000x1xf32> to vector<1000x128xf32>
    %mul3A_17 = arith.mulf %add3A, %mul3A : vector<1000x128xf32>
    %get3A_18 = arith.constant 0 : index
    %get3A_19 = arith.constant 0 : index
    %get3A_20 = vector.load %arg5[%get3A_18, %get3A_19] : memref<1x128xf32, #tpu.memory_space<vmem>>, vector<1x128xf32>
    %add3A_21 = vector.broadcast %get3A_20 : vector<1x128xf32> to vector<1000x128xf32>
    %add3A_22 = arith.addf %mul3A_17, %add3A_21 : vector<1000x128xf32>
    %max3A_23 = arith.constant 0.000000e+00 : f32
    %max3A_24 = vector.broadcast %max3A_23 : f32 to vector<1000x128xf32>
    %max3A_25 = arith.maximumf %add3A_22, %max3A_24 : vector<1000x128xf32>
    %mul3A_26 = vector.broadcast %rsqrt3A_10 : vector<1000x1xf32> to vector<1000x128xf32>
    %mul3A_27 = arith.mulf %max3A_25, %mul3A_26 : vector<1000x128xf32>
    %get3A_28 = arith.constant 0 : index
    %get3A_29 = arith.constant 0 : index
    %get3A_30 = vector.load %arg6[%get3A_28, %get3A_29] : memref<128x64xf32, #tpu.memory_space<vmem>>, vector<128x64xf32>
    %dot_general3A = arith.constant dense<0.000000e+00> : vector<1000x64xf32>
    %dot_general3A_31 = tpu.matmul %mul3A_27, %get3A_30, %dot_general3A {dimension_numbers = #tpu.dot_dimension_numbers<[1], [0], [0], [1], [0, 0, 1, 1], [], []>, transpose_lhs_hint = false} : vector<1000x128xf32>, vector<128x64xf32>, vector<1000x64xf32> -> vector<1000x64xf32>
    %swap3A = arith.constant 0 : index
    %swap3A_32 = arith.constant 0 : index
    %swap3A_33 = vector.load %arg7[%swap3A, %swap3A_32] : memref<1000x64xf32, #tpu.memory_space<vmem>>, vector<1000x64xf32>
    tpu.vector_store %arg7[%swap3A, %swap3A_32], %dot_general3A_31 {strides = array<i32>} : memref<1000x64xf32, #tpu.memory_space<vmem>>, vector<1000x64xf32>,
    return
  }
  func.func @transform_0(%arg0: i32) -> (i32, i32) {
    %c0_i32 = arith.constant 0 : i32
    %c0_i32_0 = arith.constant 0 : i32
    return %arg0, %c0_i32 : i32, i32
  }
  func.func @transform_1(%arg0: i32) -> (i32, i32) {
    %c0_i32 = arith.constant 0 : i32
    %c0_i32_0 = arith.constant 0 : i32
    return %arg0, %c0_i32 : i32, i32
  }
  func.func @transform_2(%arg0: i32) -> (i32, i32) {
    %c0_i32 = arith.constant 0 : i32
    %c0_i32_0 = arith.constant 0 : i32
    return %arg0, %c0_i32 : i32, i32
  }
  func.func @transform_3(%arg0: i32) -> (i32, i32) {
    %c0_i32 = arith.constant 0 : i32
    %c0_i32_0 = arith.constant 0 : i32
    return %arg0, %c0_i32 : i32, i32
  }
  func.func @transform_4(%arg0: i32) -> (i32, i32) {
    %c0_i32 = arith.constant 0 : i32
    %c0_i32_0 = arith.constant 0 : i32
    %c0_i32_1 = arith.constant 0 : i32
    return %c0_i32, %c0_i32_0 : i32, i32
  }
  func.func @transform_5(%arg0: i32) -> (i32, i32) {
    %c0_i32 = arith.constant 0 : i32
    %c0_i32_0 = arith.constant 0 : i32
    %c0_i32_1 = arith.constant 0 : i32
    return %c0_i32, %c0_i32_0 : i32, i32
  }
  func.func @transform_6(%arg0: i32) -> (i32, i32) {
    %c0_i32 = arith.constant 0 : i32
    %c0_i32_0 = arith.constant 0 : i32
    return %arg0, %c0_i32 : i32, i32
  }
}

module attributes {stable_mosaic.version = 14 : i64} {
  func.func @_fin_body(%arg0: i32, %arg1: memref<1000x64xf32, #tpu.memory_space<vmem>>, %arg2: memref<1000x64xf32, #tpu.memory_space<vmem>>, %arg3: memref<1000x1xf32, #tpu.memory_space<vmem>>, %arg4: memref<1x64xf32, #tpu.memory_space<vmem>>, %arg5: memref<1000x64xf32, #tpu.memory_space<vmem>>) attributes {dimension_semantics = [#tpu.dimension_semantics<arbitrary>], iteration_bounds = array<i64: 10>, scalar_prefetch = 0 : i64, scratch_operands = 0 : i64, tpu.core_type = #tpu.core_type<tc>, window_params = [{transform_indices = @transform_0, window_bounds = array<i64: 1000, 64>}, {transform_indices = @transform_1, window_bounds = array<i64: 1000, 64>}, {transform_indices = @transform_2, window_bounds = array<i64: 1000, 1>}, {pipeline_mode = #tpu.pipeline_mode<synchronous>, transform_indices = @transform_3, window_bounds = array<i64: 1, 64>}, {transform_indices = @transform_4, window_bounds = array<i64: 1000, 64>}]} {
    %get3A = arith.constant 0 : index
    %get3A_0 = arith.constant 0 : index
    %get3A_1 = vector.load %arg3[%get3A, %get3A_0] : memref<1000x1xf32, #tpu.memory_space<vmem>>, vector<1000x1xf32>
    %max3A = arith.constant 1.000000e+00 : f32
    %max3A_2 = vector.broadcast %max3A : f32 to vector<1000x1xf32>
    %max3A_3 = arith.maximumf %get3A_1, %max3A_2 : vector<1000x1xf32>
    %rsqrt3A = math.rsqrt %max3A_3 : vector<1000x1xf32>
    %get3A_4 = arith.constant 0 : index
    %get3A_5 = arith.constant 0 : index
    %get3A_6 = vector.load %arg1[%get3A_4, %get3A_5] : memref<1000x64xf32, #tpu.memory_space<vmem>>, vector<1000x64xf32>
    %get3A_7 = arith.constant 0 : index
    %get3A_8 = arith.constant 0 : index
    %get3A_9 = vector.load %arg2[%get3A_7, %get3A_8] : memref<1000x64xf32, #tpu.memory_space<vmem>>, vector<1000x64xf32>
    %add3A = arith.addf %get3A_6, %get3A_9 : vector<1000x64xf32>
    %mul3A = vector.broadcast %rsqrt3A : vector<1000x1xf32> to vector<1000x64xf32>
    %mul3A_10 = arith.mulf %add3A, %mul3A : vector<1000x64xf32>
    %get3A_11 = arith.constant 0 : index
    %get3A_12 = arith.constant 0 : index
    %get3A_13 = vector.load %arg4[%get3A_11, %get3A_12] : memref<1x64xf32, #tpu.memory_space<vmem>>, vector<1x64xf32>
    %add3A_14 = vector.broadcast %get3A_13 : vector<1x64xf32> to vector<1000x64xf32>
    %add3A_15 = arith.addf %mul3A_10, %add3A_14 : vector<1000x64xf32>
    %swap3A = arith.constant 0 : index
    %swap3A_16 = arith.constant 0 : index
    %swap3A_17 = vector.load %arg5[%swap3A, %swap3A_16] : memref<1000x64xf32, #tpu.memory_space<vmem>>, vector<1000x64xf32>
    tpu.vector_store %arg5[%swap3A, %swap3A_16], %add3A_15 {strides = array<i32>} : memref<1000x64xf32, #tpu.memory_space<vmem>>, vector<1000x64xf32>,
    return
  }
  func.func @transform_0(%arg0: i32) -> (i32, i32) {
    %c0_i32 = arith.constant 0 : i32
    %c0_i32_0 = arith.constant 0 : i32
    return %arg0, %c0_i32 : i32, i32
  }
  func.func @transform_1(%arg0: i32) -> (i32, i32) {
    %c0_i32 = arith.constant 0 : i32
    %c0_i32_0 = arith.constant 0 : i32
    return %arg0, %c0_i32 : i32, i32
  }
  func.func @transform_2(%arg0: i32) -> (i32, i32) {
    %c0_i32 = arith.constant 0 : i32
    %c0_i32_0 = arith.constant 0 : i32
    return %arg0, %c0_i32 : i32, i32
  }
  func.func @transform_3(%arg0: i32) -> (i32, i32) {
    %c0_i32 = arith.constant 0 : i32
    %c0_i32_0 = arith.constant 0 : i32
    %c0_i32_1 = arith.constant 0 : i32
    return %c0_i32, %c0_i32_0 : i32, i32
  }
  func.func @transform_4(%arg0: i32) -> (i32, i32) {
    %c0_i32 = arith.constant 0 : i32
    %c0_i32_0 = arith.constant 0 : i32
    return %arg0, %c0_i32 : i32, i32
  }
}

</mosaic_0001>

<sc_bundles>
// kernel: kernel.11.cloned.1.call-start
scs
__scs_entry_jumppad:
0x0: {  	(pc) =	sbr.rel $0x88, $3  }
0x1: {  	(tag) =	ssettag $0x0;
	lr =	simm.s32 $0x1  }
0x2: {  	[smem:$0x3F9B] =	sst lr;
	_ =	strace $0xD0000000  }
0x3: {  	_ = 	snop  }
0x4: {  	_ = 	snop  }
0x5: {  	_ = 	snop  }
0x6: {  	_ = 	snop  }
0x7: {  	_ = 	snop  }
__scs_overlays_trampoline_lowered:
0x8: {  	[smem:$0x3FAA] =	sst s0  }
0x9: {  	[smem:$0x3FAB] =	sst s1  }
0xa: {  	[smem:$0x3FAC] =	sst s2  }
0xb: {  	[smem:$0x3FAD] =	sst s3  }
0xc: {  	[smem:$0x3FAE] =	sst s4  }
0xd: {  	[smem:$0x3FAF] =	sst s5  }
0xe: {  	[smem:$0x3FB0] =	sst s6  }
0xf: {  	[smem:$0x3FB1] =	sst s7  }
0x10: {  	[smem:$0x3FB2] =	sst s8  }
0x11: {  	[smem:$0x3FB3] =	sst s9;
	s0 =	simm.s32 @!p0 $0x0  }
0x12: {  	s1 =	sld [smem:$0x3F99];
	s0 =	simm.s32 @p0 $0x1  }
0x13: {  	[smem:$0x3FB4] =	sst s0;
	s0 =	simm.s32 @!p1 $0x0  }
0x14: {  	s2 =	sld [smem:$0x3F98];
	s0 =	simm.s32 @p1 $0x1  }
0x15: {  	[smem:$0x3FB5] =	sst s0;
	s0 =	simm.s32 @!p2 $0x0  }
0x16: {  	s3 =	sld [smem:$0x3FDB];
	s0 =	simm.s32 @p2 $0x1  }
0x17: {  	s4 =	simm.s32 $0x1BF5;
	[smem:$0x3FB7] =	sst s0  }
0x18: {  	s0 =	sld [smem:$0x3F9A];
	_ =	swait.ge [sflag:s4], $0x0  }
0x19: {  	s7 =	sld [smem:$0x3F9B]  }
0x1a: {  	s8 =	sadd.s32 $0xFFFFE003, lr  }
0x1b: {  	s9 =	sadd.s32 $0xFFFFFEF7, lr;
	s5 =	simm.s32 $0xFFFFFFFF;
	p2 =	slt.u32 s8, $0xFFFFF086  }
0x1c: {  	p1 =	slt.u32 s9, $0xF7A;
	s5 =	simm.s32 @!p2 $0x0  }
0x1d: {  	s5 =	simm.s32 @p1 $0x1;
	p0 =	seq.s32 s7, s2  }
0x1e: {  	s7 =	smul.u32 @!p0 $0xF7A, s2;
	p2 =	seq.s32 @!p0 s5, $0x0  }
0x1f: {  	s9 =	smul.u32 $0xF7A, s1;
	s8 =	simm.s32 @!p0 $0x1BF5;
	p2 =	por !p2, p0  }
0x20: {  	[sflag:s8] =	ssyncset.s32 @!p0 $0xFFFFF086;
	s6 =	sadd.s32 @!p0 s3, s7;
	s7 =	simm.s32 @!p0 $0x108  }
0x21: {  	s3 =	sadd.s32 s3, s9;
	s6 =	sadd.s32 @!p0 $0x88, s6;
	s7 =	simm.s32 @p2 $0x1082  }
0x22: {  	[simem:s7], [sflag:s8] =	dma.local @!p0 [hbm:s6], $0xF7A  }
0x23: {  	s9 =	sor.u32 $0xD0000000, s2;
	s6 =	simm.s32 $0x108;
	_ =	swait.ge @!p0 [sflag:s8], $0x0  }
0x24: {  	s3 =	sadd.s32 $0x88, s3;
	s6 =	simm.s32 @!p1 $0x1082;
	[sflag:s4] =	ssyncset.s32 $0xFFFFF086  }
0x25: {  	[simem:s6], [sflag:s4] =	dma.local [hbm:s3], $0xF7A  }
0x26: {  	[smem:$0x3F9B] =	sst s1;
	(tag) =	ssettag s2;
	_ =	strace s9  }
0x27: {  	s1 =	sld [smem:$0x3FAB]  }
0x28: {  	s2 =	sld [smem:$0x3FAC]  }
0x29: {  	s4 =	sld [smem:$0x3FAE]  }
0x2a: {  	p0 =	seq.s32 s5, $0x0;
	s5 =	sld [smem:$0x3FAF]  }
0x2b: {  	s6 =	sld [smem:$0x3FB0]  }
0x2c: {  	s7 =	sld [smem:$0x3FB1]  }
0x2d: {  	s3 =	simm.s32 $0x108;
	s8 =	sld [smem:$0x3FB2]  }
0x2e: {  	s3 =	simm.s32 @!p0 $0x1082;
	s9 =	sld [smem:$0x3FB3]  }
0x2f: {  	lr =	sadd.s32 s0, s3;
	s0 =	sld [smem:$0x3FAA]  }
0x30: {  	s3 =	sld [smem:$0x3FAD]  }
0x31: {  	[smem:$0x3FB6] =	sst s10  }
0x32: {  	s10 =	sld [smem:$0x3FB4];
	_ =	sdelay $0x3  }
0x33: {  	p0 =	seq.s32 s10, $0x1;
	s10 =	sld [smem:$0x3FB6];
	_ =	sdelay $0x3  }
0x34: {  	[smem:$0x3FB6] =	sst s10  }
0x35: {  	s10 =	sld [smem:$0x3FB5];
	_ =	sdelay $0x3  }
0x36: {  	p1 =	seq.s32 s10, $0x1;
	s10 =	sld [smem:$0x3FB6];
	_ =	sdelay $0x3  }
0x37: {  	[smem:$0x3FB6] =	sst s10  }
0x38: {  	s10 =	sld [smem:$0x3FB7]  }
0x39: {  	_ = 	snop;
	(pc) =	sbr.ind lr, $3  }
0x3a: {  	_ = 	snop  }
0x3b: {  	_ = 	snop  }
0x3c: {  	p2 =	seq.s32 s10, $0x1;
	s10 =	sld [smem:$0x3FB6]  }
0x3d: {  	_ =	shalt  }
0x3e: {  	_ =	shalt  }
0x3f: {  	_ =	shalt  }
0x40: {  	_ =	shalt  }
0x41: {  	_ =	shalt  }
0x42: {  	_ =	shalt  }
0x43: {  	_ =	shalt  }
0x44: {  	_ =	shalt  }
0x45: {  	_ =	shalt  }
0x46: {  	_ =	shalt  }
0x47: {  	_ =	shalt  }
0x48: {  	_ =	shalt  }
0x49: {  	_ =	shalt  }
0x4a: {  	_ =	shalt  }
0x4b: {  	_ =	shalt  }
0x4c: {  	_ =	shalt  }
0x4d: {  	_ =	shalt  }
0x4e: {  	_ =	shalt  }
0x4f: {  	_ =	shalt  }
0x50: {  	_ =	shalt  }
0x51: {  	_ =	shalt  }
0x52: {  	_ =	shalt  }
0x53: {  	_ =	shalt  }
0x54: {  	_ =	shalt  }
0x55: {  	_ =	shalt  }
0x56: {  	_ =	shalt  }
0x57: {  	_ =	shalt  }
0x58: {  	_ =	shalt  }
0x59: {  	_ =	shalt  }
0x5a: {  	_ =	shalt  }
0x5b: {  	_ =	shalt  }
0x5c: {  	_ =	shalt  }
0x5d: {  	_ =	shalt  }
0x5e: {  	_ =	shalt  }
0x5f: {  	_ =	shalt  }
0x60: {  	_ =	shalt  }
0x61: {  	_ =	shalt  }
0x62: {  	_ =	shalt  }
0x63: {  	_ =	shalt  }
0x64: {  	_ =	shalt  }
0x65: {  	_ =	shalt  }
0x66: {  	_ =	shalt  }
0x67: {  	_ =	shalt  }
0x68: {  	_ =	shalt  }
0x69: {  	_ =	shalt  }
0x6a: {  	_ =	shalt  }
0x6b: {  	_ =	shalt  }
0x6c: {  	_ =	shalt  }
0x6d: {  	_ =	shalt  }
0x6e: {  	_ =	shalt  }
0x6f: {  	_ =	shalt  }
0x70: {  	_ =	shalt  }
0x71: {  	_ =	shalt  }
0x72: {  	_ =	shalt  }
0x73: {  	_ =	shalt  }
0x74: {  	_ =	shalt  }
0x75: {  	_ =	shalt  }
0x76: {  	_ =	shalt  }
0x77: {  	_ =	shalt  }
0x78: {  	_ =	shalt  }
0x79: {  	_ =	shalt  }
0x7a: {  	_ =	shalt  }
0x7b: {  	_ =	shalt  }
0x7c: {  	_ =	shalt  }
0x7d: {  	_ =	shalt  }
0x7e: {  	_ =	shalt  }
0x7f: {  	_ =	shalt  }
0x80: {  	_ =	shalt  }
0x81: {  	_ =	shalt  }
0x82: {  	_ =	shalt  }
0x83: {  	_ =	shalt  }
0x84: {  	_ =	shalt  }
0x85: {  	_ =	shalt  }
0x86: {  	_ =	shalt  }
0x87: {  	_ =	shalt  }
.Lfunc_end0:
.L_simem_size_0:
called_computation.1_lowered:
.L_overlay_start_0:
0x88: {  	s2 =	sld [smem:$0x3FD9]  }
0x89: {  	s3 =	sld [smem:$0x3FFE];
	_ =	sdelay $0x1  }
0x8a: {  	s1 =	srdreg.scid  }
0x8b: {  	s0 =	sand.u32 $0x1, s1  }
0x8c: {  	s17 =	sshll.u32 s0, $0xA;
	s2 =	sadd.s32 s3, s2  }
0x8d: {  	s2 =	sadd.s32 s2, s17  }
0x8e: {  	[smem:$0x3FC2] =	sst s2  }
0x8f: {  	_ = 	snop  }
0x90: {  	s2 =	sld [smem:$0x3FD0];
	(tm) =	ssettm $0x1  }
0x91: {  	s18 =	sld [smem:$0x3FFB];
	_ =	sdelay $0x3  }
0x92: {  	_ =	strace s18  }
0x93: {  	s3 =	sld [smem:$0x3FFC];
	_ =	sdelay $0x3  }
0x94: {  	_ =	strace s3  }
0x95: {  	s3 =	sld [smem:$0x3FFD];
	_ =	sdelay $0x3  }
0x96: {  	_ =	strace s3  }
0x97: {  	_ =	strace $0x8FFFFFFF  }
0x98: {  	s19 =	sld [smem:$0x3FDB];
	_ =	sdelay $0x1  }
0x99: {  	s4 =	simm.s32 $_scs_section_size  }
0x9a: {  	s5 =	simm.s32 $_size__tile_overlayer_lowered;
	s6 =	simm.s32 $_tile_overlayer_lowered  }
0x9b: {  	s22 =	simm.s32 $0x1BFF;
	s21 =	sshll.u32 s6, $0x1;
	s3 =	sadd.s32 s4, s19  }
0x9c: {  	s7 =	simm.s32 $0x0;
	s20 =	sshll.u32 s5, $0x1;
	s5 =	sadd.s32 s21, s3  }
0x9d: {  	[timem:s7], [sflag:s22] =	dma.local [hbm:s5], s20  }
0x9e: {  	_ =	swait.ge [sflag:s22], s20  }
0x9f: {  	s4 =	ssub.s32 $0x0, s20;
	[sflag:s22] =	ssyncset.done $0x0  }
0xa0: {  	[sflag:s22] =	ssyncadd.s32 s4;
	_ =	sdelay $0x1  }
0xa1: {  	s23 =	simm.s32 $0x1B8B  }
0xa2: {  	_ =	swait.ge [sflag:s23], $0x1  }
0xa3: {  	[sflag:s23] =	ssyncset.done $0x0  }
0xa4: {  	s25 =	simm.s32 $0x1B8E;
	s24 =	sld [smem:$0x3FFE];
	[sflag:s23] =	ssyncadd.s32 $0xFFFFFFFF  }
0xa5: {  	s26 =	simm.s32 $execute0_lowered;
	[smem:$0x3FD2] =	sst s25  }
0xa6: {  	s5 =	sshll.u32 s26, $0x1;
	_ =	strace $0x80000049;
	[dreg:$0x1] =	wrdreg $0xFFFFFFFF  }
0xa7: {  	s28 =	simm.s32 $_size_execute0_lowered;
	s3 =	sadd.s32 s3, s5;
	[dreg:$0x0] =	wrdreg $0x0  }
0xa8: {  	s5 =	sshll.u32 s28, $0x1;
	[dreg:$0x2] =	wrdreg s3  }
0xa9: {  	[dreg:$0x3] =	wrdreg s5  }
0xaa: {  	[dreg:$0x4] =	wrdreg $0xC0  }
0xab: {  	_ =	task [dreg:s7], $0x5FFFF  }
0xac: {  	[dreg:$0x1] =	wrdreg $0xFFFFFFFF  }
0xad: {  	[dreg:$0x0] =	wrdreg $0x60  }
0xae: {  	[dreg:$0x2] =	wrdreg s24  }
0xaf: {  	[dreg:$0x3] =	wrdreg s2  }
0xb0: {  	[dreg:$0x4] =	wrdreg $0xA8000  }
0xb1: {  	[dreg:$0x5] =	wrdreg $0x9  }
0xb2: {  	_ =	task.clear_ibuf [dreg:s7], $0x6FFFF;
	_ =	strace $0x90000049  }
0xb3: {  	s29 =	simm.s32 $0x9;
	_ =	strace $0x8000004B  }
0xb4: {  	_ =	swait.ge [sflag:s29], $0x1  }
0xb5: {  	[sflag:s29] =	ssyncadd.s32 $0xFFFFFFFF  }
0xb6: {  	_ =	strace $0x9000004B  }
0xb7: {  	_ =	sfence  }
0xb8: {  	s30 =	sld [smem:$0x0];
	_ =	sdelay $0x2  }
0xb9: {  	s31 =	sshll.u32 s1, $0xD;
	s1 =	sshrl.u32 s1, $0x2  }
0xba: {  	s3 =	sand.u32 $0x4000, s31;
	s1 =	sadd.s32 s1, s30  }
0xbb: {  	s0 =	sor.u32 s3, s0;
	s1 =	sshll.u32 s1, $0x11  }
0xbc: {  	s0 =	sor.u32 s1, s0  }
0xbd: {  	s0 =	sadd.s32 $0x8F2B, s0  }
0xbe: {  	[sflag:s0] =	ssyncadd.remote.s32 $0x1  }
0xbf: {  	_ =	sfence.sel $0xFFFF  }
0xc0: {  	[dreg:$0x0] =	wrdreg $0xFFFFFFFF;
	(pc) =	sbr.abs _section_cstart, $3  }
0xc1: {  	[dreg:$0x1] =	wrdreg $0xFFFFFFFF  }
0xc2: {  	_ =	task.clear_ibuf [dreg:s7], $0x2FFFF;
	_ =	strace $0x9FFFFFFF  }
0xc3: {  	(tm) =	ssettm $0x7FFFFFFF  }
tec
execute0_lowered:
.L_overlay_start_1:
0x0: {  	(tag) =	ssettag $0x1  }
0x1: {  	s0 =	rddreg [dreg:$0x0]  }
0x2: {  	s2 =	rddreg [dreg:$0x2]  }
0x3: {  	s3 =	simm.s32 $0x0;
	s1 =	srdreg.scid;
	s20 =	stileid.u32  }
0x4: {  	s28 =	simm.s32 $0x1;
	s29 =	simm.s32 $0x3;
	s30 =	simm.s32 $0x100  }
0x5: {  	s31 =	simm.s32 $0x2;
	[smem:$0x7FF] =	sst s3;
	s5 =	sadd.s32 $0x47200, s0  }
0x6: {  	s1 =	sand.u32 $0x1, s1;
	s4 =	sadd.s32 $0xC000, s0;
	s11 =	sadd.s32 $0x16000, s0  }
0x7: {  	s12 =	smul.u32 $0x13C00, s20;
	s0 =	sadd.s32 $0x6E400, s0;
	p0 =	seq.s32 s20, $0xF  }
0x8: {  	_ =	strace $0x8000004A;
	s6 =	ssub.s32 $0x2, s1;
	s16 =	sshll.u32 s1, $0x4  }
0x9: {  	s1 =	smul.u32 $0x138800, s1;
	s7 =	sshrl.u32 s6, $0x1;
	s10 =	sor.u32 s20, s16  }
0xa: {  	s14 =	sadd.s32 $0x4000, s12;
	s15 =	sadd.s32 $0x8000, s12;
	s18 =	sadd.s32 $0xC000, s12  }
0xb: {  	s19 =	sadd.s32 $0x10000, s12;
	s13 =	ssub.s32 s6, s7;
	s6 =	sadd.s32 s12, s2  }
0xc: {  	s16 =	smul.u32 $0x2800, s10;
	s7 =	sadd.s32 s14, s2;
	s8 =	sadd.s32 s15, s2  }
0xd: {  	s9 =	sadd.s32 s18, s2;
	s17 =	smul.u32 $0x500, s10;
	s10 =	sadd.s32 s19, s2  }
0xe: {  	s22 =	sadd.s32 s1, s14;
	s23 =	sadd.s32 s1, s15;
	s25 =	sadd.s32 s1, s18  }
0xf: {  	s26 =	sadd.s32 s1, s19;
	s24 =	sshrl.u32 s23, $0x3;
	s21 =	sadd.s32 s4, s17  }
0x10: {  	s16 =	sshrl.u32 s16, $0x3;
	s17 =	sadd.s32 s11, s17;
	[dreg:$0x4] =	wrdreg s21  }
0x11: {  	s23 =	simm.s32 $0x5;
	s16 =	sadd.s32 $0x280, s16;
	[dreg:$0x5] =	wrdreg s17  }
0x12: {  	s21 =	sadd.s32 s12, s1;
	s1 =	sshrl.u32 s1, $0x3;
	s4 =	sadd.s32 s4, s16  }
0x13: {  	s12 =	simm.s32 $0x2780;
	s17 =	sadd.s32 s11, s16;
	[dreg:$0x6] =	wrdreg s4  }
0x14: {  	s11 =	sshrl.u32 s22, $0x3;
	s22 =	simm.s32 $0x2800;
	[dreg:$0x7] =	wrdreg s17  }
0x15: {  	s4 =	sshrl.u32 s21, $0x3;
	s16 =	sadd.s32 s0, s11;
	s17 =	sadd.s32 s0, s24  }
0x16: {  	s11 =	sshrl.u32 s26, $0x3;
	s21 =	smax.u32 s13, $0x1;
	s24 =	simm.s32 $0x1400  }
0x17: {  	s26 =	simm.s32 $0x6800;
	s13 =	simm.s32 $0x0;
	s4 =	sadd.s32 s0, s4  }
0x18: {  	s19 =	sadd.s32 s0, s11;
	[dreg:$0x8] =	wrdreg s4;
	s4 =	sshrl.u32 s25, $0x3  }
0x19: {  	s11 =	simm.s32 $0x2700;
	s18 =	sadd.s32 s0, s4;
	s0 =	sadd.s32 s0, s1  }
0x1a: {  	s25 =	simm.s32 $0x80;
	s4 =	simm.s32 $0x4;
	s0 =	sadd.s32 $0x25080, s0  }
0x1b: {  	s1 =	simm.s32 $0x1380;
	[dreg:$0x9] =	wrdreg s0;
	s0 =	simm.s32 $0x1480  }
.LBB2_1:
0x1c: {  	s14 =	rddreg [dreg:$0x1]  }
0x1d: {  	[tilespmem:s22], [sflag:$0x5] =	stream.linear.gather [hbm4b:s14+s3], $0x4000, $0x38;
	[tilespmem:$0x1E400] =	vst v63  }
0x1e: {  	_ =	swait.ge [sflag:s23], $0x4000  }
0x1f: {  	[sflag:s23] =	ssyncset.done $0x0  }
0x20: {  	[sflag:s23] =	ssyncadd.s32 $0xFFFFC000  }
0x21: {  	[spmem:s6] =	stream.linear.scatter [tilespmem:s22], [sflag:$0x5], $0x4000, $0x38;
	[tilespmem:$0x1E400] =	vst v63  }
0x22: {  	_ =	swait.ge [sflag:s23], $0x4000  }
0x23: {  	[sflag:s23] =	ssyncset.done $0x0  }
0x24: {  	[sflag:s23] =	ssyncadd.s32 $0xFFFFC000  }
0x25: {  	[spmem:s7] =	stream.linear.scatter [tilespmem:s22], [sflag:$0x5], $0x4000, $0x38;
	[tilespmem:$0x1E400] =	vst v63  }
0x26: {  	_ =	swait.ge [sflag:s23], $0x4000  }
0x27: {  	[sflag:s23] =	ssyncset.done $0x0  }
0x28: {  	[sflag:s23] =	ssyncadd.s32 $0xFFFFC000  }
0x29: {  	[spmem:s8] =	stream.linear.scatter [tilespmem:s22], [sflag:$0x5], $0x4000, $0x38;
	[tilespmem:$0x1E400] =	vst v63  }
0x2a: {  	_ =	swait.ge [sflag:s23], $0x4000  }
0x2b: {  	[sflag:s23] =	ssyncset.done $0x0  }
0x2c: {  	[sflag:s23] =	ssyncadd.s32 $0xFFFFC000  }
0x2d: {  	[spmem:s9] =	stream.linear.scatter [tilespmem:s22], [sflag:$0x5], $0x4000, $0x38;
	[tilespmem:$0x1E400] =	vst v63  }
0x2e: {  	_ =	swait.ge [sflag:s23], $0x4000  }
0x2f: {  	[sflag:s23] =	ssyncset.done $0x0  }
0x30: {  	[sflag:s23] =	ssyncadd.s32 $0xFFFFC000  }
0x31: {  	[spmem:s10] =	stream.linear.scatter [tilespmem:s22], [sflag:$0x5], $0x3C00, $0x38;
	[tilespmem:$0x1E400] =	vst v63  }
0x32: {  	_ =	swait.ge [sflag:s23], $0x3C00  }
0x33: {  	[sflag:s23] =	ssyncset.done $0x0  }
0x34: {  	[sflag:s23] =	ssyncadd.s32 $0xFFFFC400  }
0x35: {  	[bflag:$0x0] =	sbarrier.arrive $0xFFFF  }
0x36: {  	s20 =	rddreg [dreg:$0x4]  }
0x37: {  	[tilespmem:s3], [sflag:$0x5] =	stream.linear.gather [hbm4b:s20+s3], $0x1400, $0x38;
	[tilespmem:$0x1E400] =	vst v63  }
0x38: {  	_ =	swait.ge [sflag:s23], $0x1400  }
0x39: {  	[sflag:s23] =	ssyncset.done $0x0  }
0x3a: {  	s15 =	rddreg [dreg:$0x5];
	[sflag:s23] =	ssyncadd.s32 $0xFFFFEC00  }
0x3b: {  	[tilespmem:s24], [sflag:$0x5] =	stream.linear.gather [hbm4b:s15+s3], $0x1400, $0x38;
	[tilespmem:$0x1E400] =	vst v63  }
0x3c: {  	_ =	swait.ge [sflag:s23], $0x1400  }
0x3d: {  	[sflag:s23] =	ssyncset.done $0x0  }
0x3e: {  	[sflag:s23] =	ssyncadd.s32 $0xFFFFEC00  }
0x3f: {  	[tilespmem:s22], [sflag:$0x1] =	stream.indirect.gather [hbm4b:s5+s25], $0x80, s3, s25, $0xb8;
	[tilespmem:$0x1E400] =	vst v63  }
0x40: {  	_ = 	snop  }
0x41: {  	[tilespmem:s26], [sflag:$0x2] =	stream.indirect.gather [hbm4b:s5+s25], $0x80, s25, s25, $0xb8;
	[tilespmem:$0x1E400] =	vst v63  }
0x42: {  	_ =	swait.ge [sflag:s28], $0x4000  }
0x43: {  	[sflag:s28] =	ssyncset.done $0x0  }
0x44: {  	[sflag:s28] =	ssyncadd.s32 $0xFFFFC000  }
0x45: {  	[spmem:s2] =	stream.indirect.scatter.add.f32 [tilespmem:s22], [sflag:$0x3], $0x80, s24, s25, $0xb8;
	[tilespmem:$0x1E400] =	vst v63  }
0x46: {  	_ =	swait.ge [sflag:s29], $0x4000  }
0x47: {  	[sflag:s29] =	ssyncset.done $0x0  }
0x48: {  	[sflag:s29] =	ssyncadd.s32 $0xFFFFC000  }
0x49: {  	[tilespmem:s22], [sflag:$0x1] =	stream.indirect.gather [hbm4b:s5+s25], $0x80, s30, s25, $0xb8;
	[tilespmem:$0x1E400] =	vst v63  }
0x4a: {  	_ =	swait.ge [sflag:s31], $0x4000  }
0x4b: {  	[sflag:s31] =	ssyncset.done $0x0  }
0x4c: {  	[sflag:s31] =	ssyncadd.s32 $0xFFFFC000  }
0x4d: {  	[spmem:s2] =	stream.indirect.scatter.add.f32 [tilespmem:s26], [sflag:$0x4], $0x80, s0, s25, $0xb8;
	[tilespmem:$0x1E400] =	vst v63  }
0x4e: {  	_ =	swait.ge [sflag:s4], $0x4000  }
0x4f: {  	[sflag:s4] =	ssyncset.done $0x0  }
0x50: {  	s20 =	simm.s32 $0x180;
	[sflag:s4] =	ssyncadd.s32 $0xFFFFC000  }
0x51: {  	[tilespmem:s26], [sflag:$0x2] =	stream.indirect.gather [hbm4b:s5+s25], $0x80, s20, s25, $0xb8;
	[tilespmem:$0x1E400] =	vst v63  }
0x52: {  	_ =	swait.ge [sflag:s28], $0x4000  }
0x53: {  	[sflag:s28] =	ssyncset.done $0x0  }
0x54: {  	s15 =	simm.s32 $0x1500;
	[sflag:s28] =	ssyncadd.s32 $0xFFFFC000  }
0x55: {  	[spmem:s2] =	stream.indirect.scatter.add.f32 [tilespmem:s22], [sflag:$0x3], $0x80, s15, s25, $0xb8;
	[tilespmem:$0x1E400] =	vst v63  }
0x56: {  	_ =	swait.ge [sflag:s29], $0x4000  }
0x57: {  	[sflag:s29] =	ssyncset.done $0x0  }
0x58: {  	s20 =	simm.s32 $0x200;
	[sflag:s29] =	ssyncadd.s32 $0xFFFFC000  }
0x59: {  	[tilespmem:s22], [sflag:$0x1] =	stream.indirect.gather [hbm4b:s5+s25], $0x80, s20, s25, $0xb8;
	[tilespmem:$0x1E400] =	vst v63  }
0x5a: {  	_ =	swait.ge [sflag:s31], $0x4000  }
0x5b: {  	[sflag:s31] =	ssyncset.done $0x0  }
0x5c: {  	s14 =	simm.s32 $0xFFFFBC00;
	s15 =	simm.s32 $0x1580;
	[sflag:s31] =	ssyncadd.s32 $0xFFFFC000  }
.LBB2_2:
0x5d: {  	[spmem:s2] =	stream.indirect.scatter.add.f32 [tilespmem:s26], [sflag:$0x4], $0x80, s15, s25, $0xb8;
	[tilespmem:$0x1E400] =	vst v63  }
0x5e: {  	s15 =	smov.u32 s14  }
0x5f: {  	p1 =	sne.s32 s14, $0xFFFFFC00;
	s14 =	sadd.s32 $0x400, s14;
	_ =	swait.ge [sflag:s4], $0x4000  }
0x60: {  	s15 =	sshra.s32 s15, $0x2;
	[sflag:s4] =	ssyncset.done $0x0  }
0x61: {  	s20 =	sadd.s32 $0x1380, s15;
	[sflag:s4] =	ssyncadd.s32 $0xFFFFC000  }
0x62: {  	[tilespmem:s26], [sflag:$0x2] =	stream.indirect.gather [hbm4b:s5+s25], $0x80, s20, s25, $0xb8;
	[tilespmem:$0x1E400] =	vst v63  }
0x63: {  	_ =	swait.ge [sflag:s28], $0x4000  }
0x64: {  	[sflag:s28] =	ssyncset.done $0x0  }
0x65: {  	s20 =	sadd.s32 $0x2700, s15;
	[sflag:s28] =	ssyncadd.s32 $0xFFFFC000  }
0x66: {  	[spmem:s2] =	stream.indirect.scatter.add.f32 [tilespmem:s22], [sflag:$0x3], $0x80, s20, s25, $0xb8;
	[tilespmem:$0x1E400] =	vst v63  }
0x67: {  	_ =	swait.ge [sflag:s29], $0x4000  }
0x68: {  	[sflag:s29] =	ssyncset.done $0x0  }
.Ltmp0:
0x69: {  	s20 =	sadd.s32 $0x1400, s15;
	[sflag:s29] =	ssyncadd.s32 $0xFFFFC000;
	(pc) =	sbr.rel @p1 .LBB2_2-.Ltmp0, $4  }
0x6a: {  	[tilespmem:s22], [sflag:$0x1] =	stream.indirect.gather [hbm4b:s5+s25], $0x80, s20, s25, $0xb8;
	[tilespmem:$0x1E400] =	vst v63  }
0x6b: {  	_ =	swait.ge [sflag:s31], $0x4000  }
0x6c: {  	[sflag:s31] =	ssyncset.done $0x0  }
0x6d: {  	s15 =	sadd.s32 $0x2780, s15;
	[sflag:s31] =	ssyncadd.s32 $0xFFFFC000  }
0x6e: {  	[spmem:s2] =	stream.indirect.scatter.add.f32 [tilespmem:s26], [sflag:$0x4], $0x80, s15, s25, $0xb8;
	[tilespmem:$0x1E400] =	vst v63  }
0x6f: {  	_ =	swait.ge [sflag:s4], $0x4000  }
0x70: {  	[sflag:s4] =	ssyncset.done $0x0  }
0x71: {  	[sflag:s4] =	ssyncadd.s32 $0xFFFFC000  }
0x72: {  	[tilespmem:s26], [sflag:$0x2] =	stream.indirect.gather [hbm4b:s5+s25], $0x80, s1, s25, $0xb8;
	[tilespmem:$0x1E400] =	vst v63  }
0x73: {  	_ =	swait.ge [sflag:s28], $0x4000  }
0x74: {  	[sflag:s28] =	ssyncset.done $0x0  }
0x75: {  	[sflag:s28] =	ssyncadd.s32 $0xFFFFC000  }
0x76: {  	[spmem:s2] =	stream.indirect.scatter.add.f32 [tilespmem:s22], [sflag:$0x3], $0x80, s11, s25, $0xb8;
	[tilespmem:$0x1E400] =	vst v63  }
0x77: {  	_ =	swait.ge [sflag:s29], $0x4000  }
0x78: {  	[sflag:s29] =	ssyncset.done $0x0  }
0x79: {  	[sflag:s29] =	ssyncadd.s32 $0xFFFFC000  }
0x7a: {  	_ =	swait.ge [sflag:s31], $0x4000  }
0x7b: {  	[sflag:s31] =	ssyncset.done $0x0  }
0x7c: {  	[sflag:s31] =	ssyncadd.s32 $0xFFFFC000  }
0x7d: {  	[spmem:s2] =	stream.indirect.scatter.add.f32 [tilespmem:s26], [sflag:$0x4], $0x80, s12, s25, $0xb8;
	[tilespmem:$0x1E400] =	vst v63  }
0x7e: {  	_ =	swait.ge [sflag:s4], $0x4000  }
0x7f: {  	[sflag:s4] =	ssyncset.done $0x0  }
0x80: {  	s14 =	rddreg [dreg:$0x6];
	[sflag:s4] =	ssyncadd.s32 $0xFFFFC000  }
0x81: {  	[tilespmem:s3], [sflag:$0x5] =	stream.linear.gather [hbm4b:s14+s3], $0x1400, $0x38;
	[tilespmem:$0x1E400] =	vst v63  }
0x82: {  	_ =	swait.ge [sflag:s23], $0x1400  }
0x83: {  	[sflag:s23] =	ssyncset.done $0x0  }
0x84: {  	s15 =	rddreg [dreg:$0x7];
	[sflag:s23] =	ssyncadd.s32 $0xFFFFEC00  }
0x85: {  	[tilespmem:s24], [sflag:$0x5] =	stream.linear.gather [hbm4b:s15+s3], $0x1400, $0x38;
	[tilespmem:$0x1E400] =	vst v63  }
0x86: {  	_ =	swait.ge [sflag:s23], $0x1400  }
0x87: {  	[sflag:s23] =	ssyncset.done $0x0  }
0x88: {  	[sflag:s23] =	ssyncadd.s32 $0xFFFFEC00  }
0x89: {  	[tilespmem:s22], [sflag:$0x1] =	stream.indirect.gather [hbm4b:s5+s25], $0x80, s3, s25, $0xb8;
	[tilespmem:$0x1E400] =	vst v63  }
0x8a: {  	_ = 	snop  }
0x8b: {  	[tilespmem:s26], [sflag:$0x2] =	stream.indirect.gather [hbm4b:s5+s25], $0x80, s25, s25, $0xb8;
	[tilespmem:$0x1E400] =	vst v63  }
0x8c: {  	_ =	swait.ge [sflag:s28], $0x4000  }
0x8d: {  	[sflag:s28] =	ssyncset.done $0x0  }
0x8e: {  	[sflag:s28] =	ssyncadd.s32 $0xFFFFC000  }
0x8f: {  	[spmem:s2] =	stream.indirect.scatter.add.f32 [tilespmem:s22], [sflag:$0x3], $0x80, s24, s25, $0xb8;
	[tilespmem:$0x1E400] =	vst v63  }
0x90: {  	_ =	swait.ge [sflag:s29], $0x4000  }
0x91: {  	[sflag:s29] =	ssyncset.done $0x0  }
0x92: {  	[sflag:s29] =	ssyncadd.s32 $0xFFFFC000  }
0x93: {  	[tilespmem:s22], [sflag:$0x1] =	stream.indirect.gather [hbm4b:s5+s25], $0x80, s30, s25, $0xb8;
	[tilespmem:$0x1E400] =	vst v63  }
0x94: {  	_ =	swait.ge [sflag:s31], $0x4000  }
0x95: {  	[sflag:s31] =	ssyncset.done $0x0  }
0x96: {  	[sflag:s31] =	ssyncadd.s32 $0xFFFFC000  }
0x97: {  	[spmem:s2] =	stream.indirect.scatter.add.f32 [tilespmem:s26], [sflag:$0x4], $0x80, s0, s25, $0xb8;
	[tilespmem:$0x1E400] =	vst v63  }
0x98: {  	_ =	swait.ge [sflag:s4], $0x4000  }
0x99: {  	[sflag:s4] =	ssyncset.done $0x0  }
0x9a: {  	s20 =	simm.s32 $0x180;
	[sflag:s4] =	ssyncadd.s32 $0xFFFFC000  }
0x9b: {  	[tilespmem:s26], [sflag:$0x2] =	stream.indirect.gather [hbm4b:s5+s25], $0x80, s20, s25, $0xb8;
	[tilespmem:$0x1E400] =	vst v63  }
0x9c: {  	_ =	swait.ge [sflag:s28], $0x4000  }
0x9d: {  	[sflag:s28] =	ssyncset.done $0x0  }
0x9e: {  	s15 =	simm.s32 $0x1500;
	[sflag:s28] =	ssyncadd.s32 $0xFFFFC000  }
0x9f: {  	[spmem:s2] =	stream.indirect.scatter.add.f32 [tilespmem:s22], [sflag:$0x3], $0x80, s15, s25, $0xb8;
	[tilespmem:$0x1E400] =	vst v63  }
0xa0: {  	_ =	swait.ge [sflag:s29], $0x4000  }
0xa1: {  	[sflag:s29] =	ssyncset.done $0x0  }
0xa2: {  	s20 =	simm.s32 $0x200;
	[sflag:s29] =	ssyncadd.s32 $0xFFFFC000  }
0xa3: {  	[tilespmem:s22], [sflag:$0x1] =	stream.indirect.gather [hbm4b:s5+s25], $0x80, s20, s25, $0xb8;
	[tilespmem:$0x1E400] =	vst v63  }
0xa4: {  	_ =	swait.ge [sflag:s31], $0x4000  }
0xa5: {  	[sflag:s31] =	ssyncset.done $0x0  }
0xa6: {  	s14 =	simm.s32 $0xFFFFBC00;
	s15 =	simm.s32 $0x1580;
	[sflag:s31] =	ssyncadd.s32 $0xFFFFC000  }
.LBB2_4:
0xa7: {  	[spmem:s2] =	stream.indirect.scatter.add.f32 [tilespmem:s26], [sflag:$0x4], $0x80, s15, s25, $0xb8;
	[tilespmem:$0x1E400] =	vst v63  }
0xa8: {  	s15 =	smov.u32 s14  }
0xa9: {  	p1 =	sne.s32 s14, $0xFFFFFC00;
	s14 =	sadd.s32 $0x400, s14;
	_ =	swait.ge [sflag:s4], $0x4000  }
0xaa: {  	s15 =	sshra.s32 s15, $0x2;
	[sflag:s4] =	ssyncset.done $0x0  }
0xab: {  	s20 =	sadd.s32 $0x1380, s15;
	[sflag:s4] =	ssyncadd.s32 $0xFFFFC000  }
0xac: {  	[tilespmem:s26], [sflag:$0x2] =	stream.indirect.gather [hbm4b:s5+s25], $0x80, s20, s25, $0xb8;
	[tilespmem:$0x1E400] =	vst v63  }
0xad: {  	_ =	swait.ge [sflag:s28], $0x4000  }
0xae: {  	[sflag:s28] =	ssyncset.done $0x0  }
0xaf: {  	s20 =	sadd.s32 $0x2700, s15;
	[sflag:s28] =	ssyncadd.s32 $0xFFFFC000  }
0xb0: {  	[spmem:s2] =	stream.indirect.scatter.add.f32 [tilespmem:s22], [sflag:$0x3], $0x80, s20, s25, $0xb8;
	[tilespmem:$0x1E400] =	vst v63  }
0xb1: {  	_ =	swait.ge [sflag:s29], $0x4000  }
0xb2: {  	[sflag:s29] =	ssyncset.done $0x0  }
.Ltmp1:
0xb3: {  	s20 =	sadd.s32 $0x1400, s15;
	[sflag:s29] =	ssyncadd.s32 $0xFFFFC000;
	(pc) =	sbr.rel @p1 .LBB2_4-.Ltmp1, $4  }
0xb4: {  	[tilespmem:s22], [sflag:$0x1] =	stream.indirect.gather [hbm4b:s5+s25], $0x80, s20, s25, $0xb8;
	[tilespmem:$0x1E400] =	vst v63  }
0xb5: {  	_ =	swait.ge [sflag:s31], $0x4000  }
0xb6: {  	[sflag:s31] =	ssyncset.done $0x0  }
0xb7: {  	s15 =	sadd.s32 $0x2780, s15;
	[sflag:s31] =	ssyncadd.s32 $0xFFFFC000  }
0xb8: {  	[spmem:s2] =	stream.indirect.scatter.add.f32 [tilespmem:s26], [sflag:$0x4], $0x80, s15, s25, $0xb8;
	[tilespmem:$0x1E400] =	vst v63  }
0xb9: {  	_ =	swait.ge [sflag:s4], $0x4000  }
0xba: {  	[sflag:s4] =	ssyncset.done $0x0  }
0xbb: {  	[sflag:s4] =	ssyncadd.s32 $0xFFFFC000  }
0xbc: {  	[tilespmem:s26], [sflag:$0x2] =	stream.indirect.gather [hbm4b:s5+s25], $0x80, s1, s25, $0xb8;
	[tilespmem:$0x1E400] =	vst v63  }
0xbd: {  	_ =	swait.ge [sflag:s28], $0x4000  }
0xbe: {  	[sflag:s28] =	ssyncset.done $0x0  }
0xbf: {  	[sflag:s28] =	ssyncadd.s32 $0xFFFFC000  }
0xc0: {  	[spmem:s2] =	stream.indirect.scatter.add.f32 [tilespmem:s22], [sflag:$0x3], $0x80, s11, s25, $0xb8;
	[tilespmem:$0x1E400] =	vst v63  }
0xc1: {  	_ =	swait.ge [sflag:s29], $0x4000  }
0xc2: {  	[sflag:s29] =	ssyncset.done $0x0  }
0xc3: {  	[sflag:s29] =	ssyncadd.s32 $0xFFFFC000  }
0xc4: {  	_ =	swait.ge [sflag:s31], $0x4000  }
0xc5: {  	[sflag:s31] =	ssyncset.done $0x0  }
0xc6: {  	[sflag:s31] =	ssyncadd.s32 $0xFFFFC000  }
0xc7: {  	[spmem:s2] =	stream.indirect.scatter.add.f32 [tilespmem:s26], [sflag:$0x4], $0x80, s12, s25, $0xb8;
	[tilespmem:$0x1E400] =	vst v63  }
0xc8: {  	_ =	swait.ge [sflag:s4], $0x4000  }
0xc9: {  	[sflag:s4] =	ssyncset.done $0x0  }
0xca: {  	[sflag:s4] =	ssyncadd.s32 $0xFFFFC000  }
0xcb: {  	[bflag:$0x0] =	sbarrier.arrive $0xFFFF  }
0xcc: {  	[tilespmem:s22], [sflag:$0x5] =	stream.linear.gather [spmem:s6], $0x4000, $0x38;
	[tilespmem:$0x1E400] =	vst v63  }
0xcd: {  	_ =	swait.ge [sflag:s23], $0x4000  }
0xce: {  	s14 =	simm.s32 @p0 $0x0;
	[sflag:s23] =	ssyncset.done $0x0  }
0xcf: {  	s15 =	simm.s32 @p0 $0x2800;
	s20 =	rddreg [dreg:$0x9];
	[sflag:s23] =	ssyncadd.s32 $0xFFFFC000  }
0xd0: {  	[hbm4b:s20+s14] =	stream.linear.scatter @p0 [tilespmem:s15], [sflag:$0x5], $0x4000, $0x38;
	[tilespmem:$0x1E400] =	vst v63  }
0xd1: {  	s20 =	simm.s32 @p0 $0x5  }
0xd2: {  	_ =	swait.ge @p0 [sflag:s20], $0x4000  }
0xd3: {  	[sflag:s20] =	ssyncset.done @p0 $0x0  }
0xd4: {  	[sflag:s20] =	ssyncadd.s32 @p0 $0xFFFFC000  }
0xd5: {  	[tilespmem:s15], [sflag:$0x5] =	stream.linear.gather @p0 [spmem:s7], $0x4000, $0x38;
	[tilespmem:$0x1E400] =	vst v63  }
0xd6: {  	_ =	swait.ge @p0 [sflag:s20], $0x4000  }
0xd7: {  	[sflag:s20] =	ssyncset.done @p0 $0x0  }
0xd8: {  	[sflag:s20] =	ssyncadd.s32 @p0 $0xFFFFC000  }
0xd9: {  	[hbm4b:s16+s14] =	stream.linear.scatter @p0 [tilespmem:s15], [sflag:$0x5], $0x4000, $0x38;
	[tilespmem:$0x1E400] =	vst v63  }
0xda: {  	_ =	swait.ge @p0 [sflag:s20], $0x4000  }
0xdb: {  	[sflag:s20] =	ssyncset.done @p0 $0x0  }
0xdc: {  	[sflag:s20] =	ssyncadd.s32 @p0 $0xFFFFC000  }
0xdd: {  	[tilespmem:s15], [sflag:$0x5] =	stream.linear.gather @p0 [spmem:s8], $0x4000, $0x38;
	[tilespmem:$0x1E400] =	vst v63  }
0xde: {  	_ =	swait.ge @p0 [sflag:s20], $0x4000  }
0xdf: {  	[sflag:s20] =	ssyncset.done @p0 $0x0  }
0xe0: {  	[sflag:s20] =	ssyncadd.s32 @p0 $0xFFFFC000  }
0xe1: {  	[hbm4b:s17+s14] =	stream.linear.scatter @p0 [tilespmem:s15], [sflag:$0x5], $0x4000, $0x38;
	[tilespmem:$0x1E400] =	vst v63  }
0xe2: {  	_ =	swait.ge @p0 [sflag:s20], $0x4000  }
0xe3: {  	[sflag:s20] =	ssyncset.done @p0 $0x0  }
0xe4: {  	[sflag:s20] =	ssyncadd.s32 @p0 $0xFFFFC000  }
0xe5: {  	[tilespmem:s15], [sflag:$0x5] =	stream.linear.gather @p0 [spmem:s9], $0x4000, $0x38;
	[tilespmem:$0x1E400] =	vst v63  }
0xe6: {  	_ =	swait.ge @p0 [sflag:s20], $0x4000  }
0xe7: {  	[sflag:s20] =	ssyncset.done @p0 $0x0  }
0xe8: {  	[sflag:s20] =	ssyncadd.s32 @p0 $0xFFFFC000  }
0xe9: {  	[hbm4b:s18+s14] =	stream.linear.scatter @p0 [tilespmem:s15], [sflag:$0x5], $0x4000, $0x38;
	[tilespmem:$0x1E400] =	vst v63  }
0xea: {  	_ =	swait.ge @p0 [sflag:s20], $0x4000  }
0xeb: {  	[sflag:s20] =	ssyncset.done @p0 $0x0  }
0xec: {  	[sflag:s20] =	ssyncadd.s32 @p0 $0xFFFFC000  }
0xed: {  	[tilespmem:s15], [sflag:$0x5] =	stream.linear.gather @p0 [spmem:s10], $0x400, $0x38;
	[tilespmem:$0x1E400] =	vst v63  }
0xee: {  	_ =	swait.ge @p0 [sflag:s20], $0x400  }
0xef: {  	[sflag:s20] =	ssyncset.done @p0 $0x0  }
0xf0: {  	[sflag:s20] =	ssyncadd.s32 @p0 $0xFFFFFC00  }
0xf1: {  	[hbm4b:s19+s14] =	stream.linear.scatter @p0 [tilespmem:s15], [sflag:$0x5], $0x400, $0x38;
	[tilespmem:$0x1E400] =	vst v63  }
0xf2: {  	_ =	swait.ge @p0 [sflag:s20], $0x400  }
0xf3: {  	s14 =	simm.s32 @!p0 $0x0;
	[sflag:s20] =	ssyncset.done @p0 $0x0  }
0xf4: {  	s15 =	simm.s32 @!p0 $0x2800;
	[sflag:s20] =	ssyncadd.s32 @p0 $0xFFFFFC00;
	s20 =	rddreg [dreg:$0x8]  }
0xf5: {  	[hbm4b:s20+s14] =	stream.linear.scatter @!p0 [tilespmem:s15], [sflag:$0x5], $0x4000, $0x38;
	[tilespmem:$0x1E400] =	vst v63  }
0xf6: {  	s20 =	simm.s32 @!p0 $0x5  }
0xf7: {  	_ =	swait.ge @!p0 [sflag:s20], $0x4000  }
0xf8: {  	[sflag:s20] =	ssyncset.done @!p0 $0x0  }
0xf9: {  	[sflag:s20] =	ssyncadd.s32 @!p0 $0xFFFFC000  }
0xfa: {  	[tilespmem:s15], [sflag:$0x5] =	stream.linear.gather @!p0 [spmem:s7], $0x4000, $0x38;
	[tilespmem:$0x1E400] =	vst v63  }
0xfb: {  	_ =	swait.ge @!p0 [sflag:s20], $0x4000  }
0xfc: {  	[sflag:s20] =	ssyncset.done @!p0 $0x0  }
0xfd: {  	[sflag:s20] =	ssyncadd.s32 @!p0 $0xFFFFC000  }
0xfe: {  	[hbm4b:s16+s14] =	stream.linear.scatter @!p0 [tilespmem:s15], [sflag:$0x5], $0x4000, $0x38;
	[tilespmem:$0x1E400] =	vst v63  }
0xff: {  	_ =	swait.ge @!p0 [sflag:s20], $0x4000  }
0x100: {  	[sflag:s20] =	ssyncset.done @!p0 $0x0  }
0x101: {  	[sflag:s20] =	ssyncadd.s32 @!p0 $0xFFFFC000  }
0x102: {  	[tilespmem:s15], [sflag:$0x5] =	stream.linear.gather @!p0 [spmem:s8], $0x4000, $0x38;
	[tilespmem:$0x1E400] =	vst v63  }
0x103: {  	_ =	swait.ge @!p0 [sflag:s20], $0x4000  }
0x104: {  	[sflag:s20] =	ssyncset.done @!p0 $0x0  }
0x105: {  	[sflag:s20] =	ssyncadd.s32 @!p0 $0xFFFFC000  }
0x106: {  	[hbm4b:s17+s14] =	stream.linear.scatter @!p0 [tilespmem:s15], [sflag:$0x5], $0x4000, $0x38;
	[tilespmem:$0x1E400] =	vst v63  }
0x107: {  	_ =	swait.ge @!p0 [sflag:s20], $0x4000  }
0x108: {  	[sflag:s20] =	ssyncset.done @!p0 $0x0  }
0x109: {  	[sflag:s20] =	ssyncadd.s32 @!p0 $0xFFFFC000  }
0x10a: {  	[tilespmem:s15], [sflag:$0x5] =	stream.linear.gather @!p0 [spmem:s9], $0x4000, $0x38;
	[tilespmem:$0x1E400] =	vst v63  }
0x10b: {  	_ =	swait.ge @!p0 [sflag:s20], $0x4000  }
0x10c: {  	[sflag:s20] =	ssyncset.done @!p0 $0x0  }
0x10d: {  	[sflag:s20] =	ssyncadd.s32 @!p0 $0xFFFFC000  }
0x10e: {  	[hbm4b:s18+s14] =	stream.linear.scatter @!p0 [tilespmem:s15], [sflag:$0x5], $0x4000, $0x38;
	[tilespmem:$0x1E400] =	vst v63  }
0x10f: {  	_ =	swait.ge @!p0 [sflag:s20], $0x4000  }
0x110: {  	[sflag:s20] =	ssyncset.done @!p0 $0x0  }
0x111: {  	[sflag:s20] =	ssyncadd.s32 @!p0 $0xFFFFC000  }
0x112: {  	[tilespmem:s15], [sflag:$0x5] =	stream.linear.gather @!p0 [spmem:s10], $0x3C00, $0x38;
	[tilespmem:$0x1E400] =	vst v63  }
0x113: {  	s13 =	sadd.s32 $0x1, s13;
	_ =	swait.ge @!p0 [sflag:s20], $0x3C00  }
0x114: {  	p1 =	sne.s32 s13, s21;
	[sflag:s20] =	ssyncset.done @!p0 $0x0  }
.Ltmp2:
0x115: {  	[sflag:s20] =	ssyncadd.s32 @!p0 $0xFFFFC400;
	(pc) =	sbr.rel @p1 .LBB2_1-.Ltmp2, $4  }
0x116: {  	[hbm4b:s19+s14] =	stream.linear.scatter @!p0 [tilespmem:s15], [sflag:$0x5], $0x3C00, $0x38;
	[tilespmem:$0x1E400] =	vst v63  }
0x117: {  	_ =	swait.ge @!p0 [sflag:s20], $0x3C00  }
0x118: {  	[sflag:s20] =	ssyncset.done @!p0 $0x0  }
0x119: {  	[sflag:s20] =	ssyncadd.s32 @!p0 $0xFFFFC400  }
0x11a: {  	_ =	sfence.sel $0x180000  }
0x11b: {  	[bflag:$0x0] =	sbarrier.arrive $0xFFFF  }
0x11c: {  	_ =	strace $0x9000004A  }
0x11d: {  	s0 =	stileid.u32;
	[bflag:$0x2] =	sbarrier.arrive $0xFFFF  }
0x11e: {  	p0 =	sne.s32 s0, $0x0;
	s0 =	rddreg [dreg:$0x3]  }
0x11f: {  	s0 =	sadd.s32 @!p0 $0x100000, s0  }
0x120: {  	[sflag:s0] =	ssyncadd.tile.s32 @!p0 $0x1;
	_ =	shalt  }
.Lfunc_end2:
_tile_overlayer_lowered:
.L_overlay_start_2:
0x121: {  	(tag) =	ssettag $0x2  }
0x122: {  	s0 =	rddreg [dreg:$0x0];
	s2 =	stileid.u32  }
0x123: {  	s1 =	rddreg [dreg:$0x1];
	p0 =	sne.s32 s2, $0x0  }
0x124: {  	s3 =	rddreg [dreg:$0x2];
	[bflag:$0x3] =	sbarrier.arrive $0xFFFF;
	s2 =	simm.s32 @!p0 $0x1C05  }
0x125: {  	[timem:s3], [sflag:s2] =	dma.local @!p0 [hbm:s0], s1  }
0x126: {  	s0 =	simm.s32 @!p0 $0x5  }
0x127: {  	_ =	swait.ge @!p0 [sflag:s0], s1  }
0x128: {  	s1 =	ssub.s32 @!p0 $0x0, s1;
	[sflag:s0] =	ssyncset.done @!p0 $0x0  }
0x129: {  	[sflag:s0] =	ssyncadd.s32 @!p0 s1  }
0x12a: {  	[bflag:$0x3] =	sbarrier.arrive $0xFFFF  }
0x12b: {  	_ =	shalt  }

// kernel: kernel.14.cloned.1.call-start
scs
__scs_entry_jumppad:
0x0: {  	(pc) =	sbr.rel $0x88, $3  }
0x1: {  	(tag) =	ssettag $0x0;
	lr =	simm.s32 $0x1  }
0x2: {  	[smem:$0x3F9B] =	sst lr;
	_ =	strace $0xD0000000  }
0x3: {  	_ = 	snop  }
0x4: {  	_ = 	snop  }
0x5: {  	_ = 	snop  }
0x6: {  	_ = 	snop  }
0x7: {  	_ = 	snop  }
__scs_overlays_trampoline_lowered:
0x8: {  	[smem:$0x3FAA] =	sst s0  }
0x9: {  	[smem:$0x3FAB] =	sst s1  }
0xa: {  	[smem:$0x3FAC] =	sst s2  }
0xb: {  	[smem:$0x3FAD] =	sst s3  }
0xc: {  	[smem:$0x3FAE] =	sst s4  }
0xd: {  	[smem:$0x3FAF] =	sst s5  }
0xe: {  	[smem:$0x3FB0] =	sst s6  }
0xf: {  	[smem:$0x3FB1] =	sst s7  }
0x10: {  	[smem:$0x3FB2] =	sst s8  }
0x11: {  	[smem:$0x3FB3] =	sst s9;
	s0 =	simm.s32 @!p0 $0x0  }
0x12: {  	s1 =	sld [smem:$0x3F99];
	s0 =	simm.s32 @p0 $0x1  }
0x13: {  	[smem:$0x3FB4] =	sst s0;
	s0 =	simm.s32 @!p1 $0x0  }
0x14: {  	s2 =	sld [smem:$0x3F98];
	s0 =	simm.s32 @p1 $0x1  }
0x15: {  	[smem:$0x3FB5] =	sst s0;
	s0 =	simm.s32 @!p2 $0x0  }
0x16: {  	s3 =	sld [smem:$0x3FDB];
	s0 =	simm.s32 @p2 $0x1  }
0x17: {  	s4 =	simm.s32 $0x1BF5;
	[smem:$0x3FB7] =	sst s0  }
0x18: {  	s0 =	sld [smem:$0x3F9A];
	_ =	swait.ge [sflag:s4], $0x0  }
0x19: {  	s7 =	sld [smem:$0x3F9B]  }
0x1a: {  	s8 =	sadd.s32 $0xFFFFE003, lr  }
0x1b: {  	s9 =	sadd.s32 $0xFFFFFEF7, lr;
	s5 =	simm.s32 $0xFFFFFFFF;
	p2 =	slt.u32 s8, $0xFFFFF086  }
0x1c: {  	p1 =	slt.u32 s9, $0xF7A;
	s5 =	simm.s32 @!p2 $0x0  }
0x1d: {  	s5 =	simm.s32 @p1 $0x1;
	p0 =	seq.s32 s7, s2  }
0x1e: {  	s7 =	smul.u32 @!p0 $0xF7A, s2;
	p2 =	seq.s32 @!p0 s5, $0x0  }
0x1f: {  	s9 =	smul.u32 $0xF7A, s1;
	s8 =	simm.s32 @!p0 $0x1BF5;
	p2 =	por !p2, p0  }
0x20: {  	[sflag:s8] =	ssyncset.s32 @!p0 $0xFFFFF086;
	s6 =	sadd.s32 @!p0 s3, s7;
	s7 =	simm.s32 @!p0 $0x108  }
0x21: {  	s3 =	sadd.s32 s3, s9;
	s6 =	sadd.s32 @!p0 $0x88, s6;
	s7 =	simm.s32 @p2 $0x1082  }
0x22: {  	[simem:s7], [sflag:s8] =	dma.local @!p0 [hbm:s6], $0xF7A  }
0x23: {  	s9 =	sor.u32 $0xD0000000, s2;
	s6 =	simm.s32 $0x108;
	_ =	swait.ge @!p0 [sflag:s8], $0x0  }
0x24: {  	s3 =	sadd.s32 $0x88, s3;
	s6 =	simm.s32 @!p1 $0x1082;
	[sflag:s4] =	ssyncset.s32 $0xFFFFF086  }
0x25: {  	[simem:s6], [sflag:s4] =	dma.local [hbm:s3], $0xF7A  }
0x26: {  	[smem:$0x3F9B] =	sst s1;
	(tag) =	ssettag s2;
	_ =	strace s9  }
0x27: {  	s1 =	sld [smem:$0x3FAB]  }
0x28: {  	s2 =	sld [smem:$0x3FAC]  }
0x29: {  	s4 =	sld [smem:$0x3FAE]  }
0x2a: {  	p0 =	seq.s32 s5, $0x0;
	s5 =	sld [smem:$0x3FAF]  }
0x2b: {  	s6 =	sld [smem:$0x3FB0]  }
0x2c: {  	s7 =	sld [smem:$0x3FB1]  }
0x2d: {  	s3 =	simm.s32 $0x108;
	s8 =	sld [smem:$0x3FB2]  }
0x2e: {  	s3 =	simm.s32 @!p0 $0x1082;
	s9 =	sld [smem:$0x3FB3]  }
0x2f: {  	lr =	sadd.s32 s0, s3;
	s0 =	sld [smem:$0x3FAA]  }
0x30: {  	s3 =	sld [smem:$0x3FAD]  }
0x31: {  	[smem:$0x3FB6] =	sst s10  }
0x32: {  	s10 =	sld [smem:$0x3FB4];
	_ =	sdelay $0x3  }
0x33: {  	p0 =	seq.s32 s10, $0x1;
	s10 =	sld [smem:$0x3FB6];
	_ =	sdelay $0x3  }
0x34: {  	[smem:$0x3FB6] =	sst s10  }
0x35: {  	s10 =	sld [smem:$0x3FB5];
	_ =	sdelay $0x3  }
0x36: {  	p1 =	seq.s32 s10, $0x1;
	s10 =	sld [smem:$0x3FB6];
	_ =	sdelay $0x3  }
0x37: {  	[smem:$0x3FB6] =	sst s10  }
0x38: {  	s10 =	sld [smem:$0x3FB7]  }
0x39: {  	_ = 	snop;
	(pc) =	sbr.ind lr, $3  }
0x3a: {  	_ = 	snop  }
0x3b: {  	_ = 	snop  }
0x3c: {  	p2 =	seq.s32 s10, $0x1;
	s10 =	sld [smem:$0x3FB6]  }
0x3d: {  	_ =	shalt  }
0x3e: {  	_ =	shalt  }
0x3f: {  	_ =	shalt  }
0x40: {  	_ =	shalt  }
0x41: {  	_ =	shalt  }
0x42: {  	_ =	shalt  }
0x43: {  	_ =	shalt  }
0x44: {  	_ =	shalt  }
0x45: {  	_ =	shalt  }
0x46: {  	_ =	shalt  }
0x47: {  	_ =	shalt  }
0x48: {  	_ =	shalt  }
0x49: {  	_ =	shalt  }
0x4a: {  	_ =	shalt  }
0x4b: {  	_ =	shalt  }
0x4c: {  	_ =	shalt  }
0x4d: {  	_ =	shalt  }
0x4e: {  	_ =	shalt  }
0x4f: {  	_ =	shalt  }
0x50: {  	_ =	shalt  }
0x51: {  	_ =	shalt  }
0x52: {  	_ =	shalt  }
0x53: {  	_ =	shalt  }
0x54: {  	_ =	shalt  }
0x55: {  	_ =	shalt  }
0x56: {  	_ =	shalt  }
0x57: {  	_ =	shalt  }
0x58: {  	_ =	shalt  }
0x59: {  	_ =	shalt  }
0x5a: {  	_ =	shalt  }
0x5b: {  	_ =	shalt  }
0x5c: {  	_ =	shalt  }
0x5d: {  	_ =	shalt  }
0x5e: {  	_ =	shalt  }
0x5f: {  	_ =	shalt  }
0x60: {  	_ =	shalt  }
0x61: {  	_ =	shalt  }
0x62: {  	_ =	shalt  }
0x63: {  	_ =	shalt  }
0x64: {  	_ =	shalt  }
0x65: {  	_ =	shalt  }
0x66: {  	_ =	shalt  }
0x67: {  	_ =	shalt  }
0x68: {  	_ =	shalt  }
0x69: {  	_ =	shalt  }
0x6a: {  	_ =	shalt  }
0x6b: {  	_ =	shalt  }
0x6c: {  	_ =	shalt  }
0x6d: {  	_ =	shalt  }
0x6e: {  	_ =	shalt  }
0x6f: {  	_ =	shalt  }
0x70: {  	_ =	shalt  }
0x71: {  	_ =	shalt  }
0x72: {  	_ =	shalt  }
0x73: {  	_ =	shalt  }
0x74: {  	_ =	shalt  }
0x75: {  	_ =	shalt  }
0x76: {  	_ =	shalt  }
0x77: {  	_ =	shalt  }
0x78: {  	_ =	shalt  }
0x79: {  	_ =	shalt  }
0x7a: {  	_ =	shalt  }
0x7b: {  	_ =	shalt  }
0x7c: {  	_ =	shalt  }
0x7d: {  	_ =	shalt  }
0x7e: {  	_ =	shalt  }
0x7f: {  	_ =	shalt  }
0x80: {  	_ =	shalt  }
0x81: {  	_ =	shalt  }
0x82: {  	_ =	shalt  }
0x83: {  	_ =	shalt  }
0x84: {  	_ =	shalt  }
0x85: {  	_ =	shalt  }
0x86: {  	_ =	shalt  }
0x87: {  	_ =	shalt  }
.Lfunc_end0:
.L_simem_size_0:
called_computation.2_lowered:
.L_overlay_start_0:
0x88: {  	s2 =	sld [smem:$0x3FD9]  }
0x89: {  	s3 =	sld [smem:$0x3FFE];
	_ =	sdelay $0x1  }
0x8a: {  	s1 =	srdreg.scid  }
0x8b: {  	s0 =	sand.u32 $0x1, s1  }
0x8c: {  	s17 =	sshll.u32 s0, $0xA;
	s2 =	sadd.s32 s3, s2  }
0x8d: {  	s2 =	sadd.s32 s2, s17  }
0x8e: {  	[smem:$0x3FC2] =	sst s2  }
0x8f: {  	_ = 	snop  }
0x90: {  	s2 =	sld [smem:$0x3FD0];
	(tm) =	ssettm $0x1  }
0x91: {  	s18 =	sld [smem:$0x3FFB];
	_ =	sdelay $0x3  }
0x92: {  	_ =	strace s18  }
0x93: {  	s3 =	sld [smem:$0x3FFC];
	_ =	sdelay $0x3  }
0x94: {  	_ =	strace s3  }
0x95: {  	s3 =	sld [smem:$0x3FFD];
	_ =	sdelay $0x3  }
0x96: {  	_ =	strace s3  }
0x97: {  	_ =	strace $0x8FFFFFFF  }
0x98: {  	s19 =	sld [smem:$0x3FDB];
	_ =	sdelay $0x1  }
0x99: {  	s4 =	simm.s32 $_scs_section_size  }
0x9a: {  	s5 =	simm.s32 $_size__tile_overlayer_lowered;
	s6 =	simm.s32 $_tile_overlayer_lowered  }
0x9b: {  	s22 =	simm.s32 $0x1BFF;
	s21 =	sshll.u32 s6, $0x1;
	s3 =	sadd.s32 s4, s19  }
0x9c: {  	s7 =	simm.s32 $0x0;
	s20 =	sshll.u32 s5, $0x1;
	s5 =	sadd.s32 s21, s3  }
0x9d: {  	[timem:s7], [sflag:s22] =	dma.local [hbm:s5], s20  }
0x9e: {  	_ =	swait.ge [sflag:s22], s20  }
0x9f: {  	s4 =	ssub.s32 $0x0, s20;
	[sflag:s22] =	ssyncset.done $0x0  }
0xa0: {  	[sflag:s22] =	ssyncadd.s32 s4;
	_ =	sdelay $0x1  }
0xa1: {  	s23 =	simm.s32 $0x1B8B  }
0xa2: {  	_ =	swait.ge [sflag:s23], $0x1  }
0xa3: {  	[sflag:s23] =	ssyncset.done $0x0  }
0xa4: {  	s25 =	simm.s32 $0x1B8E;
	s24 =	sld [smem:$0x3FFE];
	[sflag:s23] =	ssyncadd.s32 $0xFFFFFFFF  }
0xa5: {  	s26 =	simm.s32 $execute0_lowered;
	[smem:$0x3FD2] =	sst s25  }
0xa6: {  	s5 =	sshll.u32 s26, $0x1;
	_ =	strace $0x8000004C;
	[dreg:$0x1] =	wrdreg $0xFFFFFFFF  }
0xa7: {  	s28 =	simm.s32 $_size_execute0_lowered;
	s3 =	sadd.s32 s3, s5;
	[dreg:$0x0] =	wrdreg $0x0  }
0xa8: {  	s5 =	sshll.u32 s28, $0x1;
	[dreg:$0x2] =	wrdreg s3  }
0xa9: {  	[dreg:$0x3] =	wrdreg s5  }
0xaa: {  	[dreg:$0x4] =	wrdreg $0xC0  }
0xab: {  	_ =	task [dreg:s7], $0x5FFFF  }
0xac: {  	[dreg:$0x1] =	wrdreg $0xFFFFFFFF  }
0xad: {  	[dreg:$0x0] =	wrdreg $0x60  }
0xae: {  	[dreg:$0x2] =	wrdreg s2  }
0xaf: {  	[dreg:$0x3] =	wrdreg s24  }
0xb0: {  	[dreg:$0x4] =	wrdreg $0x68000  }
0xb1: {  	[dreg:$0x5] =	wrdreg $0x9  }
0xb2: {  	_ =	task.clear_ibuf [dreg:s7], $0x6FFFF;
	_ =	strace $0x9000004C  }
0xb3: {  	s29 =	simm.s32 $0x9;
	_ =	strace $0x8000004E  }
0xb4: {  	_ =	swait.ge [sflag:s29], $0x1  }
0xb5: {  	[sflag:s29] =	ssyncadd.s32 $0xFFFFFFFF  }
0xb6: {  	_ =	strace $0x9000004E  }
0xb7: {  	_ =	sfence  }
0xb8: {  	s30 =	sld [smem:$0x0];
	_ =	sdelay $0x2  }
0xb9: {  	s31 =	sshll.u32 s1, $0xD;
	s1 =	sshrl.u32 s1, $0x2  }
0xba: {  	s3 =	sand.u32 $0x4000, s31;
	s1 =	sadd.s32 s1, s30  }
0xbb: {  	s0 =	sor.u32 s3, s0;
	s1 =	sshll.u32 s1, $0x11  }
0xbc: {  	s0 =	sor.u32 s1, s0  }
0xbd: {  	s0 =	sadd.s32 $0x8F2B, s0  }
0xbe: {  	[sflag:s0] =	ssyncadd.remote.s32 $0x1  }
0xbf: {  	_ =	sfence.sel $0xFFFF  }
0xc0: {  	[dreg:$0x0] =	wrdreg $0xFFFFFFFF;
	(pc) =	sbr.abs _section_cstart, $3  }
0xc1: {  	[dreg:$0x1] =	wrdreg $0xFFFFFFFF  }
0xc2: {  	_ =	task.clear_ibuf [dreg:s7], $0x2FFFF;
	_ =	strace $0x9FFFFFFF  }
0xc3: {  	(tm) =	ssettm $0x7FFFFFFF  }
tec
execute0_lowered:
.L_overlay_start_1:
0x0: {  	(tag) =	ssettag $0x1  }
0x1: {  	s1 =	rddreg [dreg:$0x0]  }
0x2: {  	s0 =	rddreg [dreg:$0x1]  }
0x3: {  	s2 =	rddreg [dreg:$0x2];
	s3 =	simm.s32 $0x0  }
0x4: {  	s4 =	srdreg.scid;
	s20 =	stileid.u32;
	s28 =	simm.s32 $0x1  }
0x5: {  	s29 =	simm.s32 $0x3;
	s30 =	simm.s32 $0x100;
	s31 =	simm.s32 $0x2  }
0x6: {  	[smem:$0x7FF] =	sst s3;
	s5 =	sadd.s32 $0xC000, s0;
	s4 =	sand.u32 $0x1, s4  }
0x7: {  	s11 =	sadd.s32 $0x16000, s0;
	s7 =	sadd.s32 $0x2000, s0;
	s12 =	smul.u32 $0x9E00, s20  }
0x8: {  	s0 =	sadd.s32 $0x20000, s0;
	p0 =	seq.s32 s20, $0xF;
	_ =	strace $0x8000004D  }
0x9: {  	s6 =	ssub.s32 $0x2, s4;
	[dreg:$0x4] =	wrdreg s7;
	s16 =	sshll.u32 s4, $0x4  }
0xa: {  	s4 =	smul.u32 $0x9C400, s4;
	s15 =	sshrl.u32 s6, $0x1;
	s10 =	sor.u32 s20, s16  }
0xb: {  	s14 =	sadd.s32 $0x2000, s12;
	s18 =	sadd.s32 $0x6000, s12;
	s19 =	sadd.s32 $0x8000, s12  }
0xc: {  	s13 =	ssub.s32 s6, s15;
	s6 =	sadd.s32 s12, s2;
	s15 =	sadd.s32 $0x4000, s12  }
0xd: {  	s16 =	smul.u32 $0x2800, s10;
	s7 =	sadd.s32 s14, s2;
	s9 =	sadd.s32 s18, s2  }
0xe: {  	s17 =	smul.u32 $0x500, s10;
	s10 =	sadd.s32 s19, s2;
	s22 =	sadd.s32 s4, s14  }
0xf: {  	s25 =	sadd.s32 s4, s18;
	s26 =	sadd.s32 s4, s19;
	s8 =	sadd.s32 s15, s2  }
0x10: {  	s23 =	sadd.s32 s4, s15;
	s16 =	sshrl.u32 s16, $0x3;
	s21 =	sadd.s32 s5, s17  }
0x11: {  	s17 =	sadd.s32 s11, s17;
	s24 =	sshrl.u32 s23, $0x3;
	[dreg:$0x5] =	wrdreg s21  }
0x12: {  	s23 =	simm.s32 $0x5;
	s16 =	sadd.s32 $0x280, s16;
	[dreg:$0x6] =	wrdreg s17  }
0x13: {  	s21 =	sadd.s32 s12, s4;
	s4 =	sshrl.u32 s4, $0x3;
	s5 =	sadd.s32 s5, s16  }
0x14: {  	s12 =	simm.s32 $0x2780;
	s17 =	sadd.s32 s11, s16;
	[dreg:$0x7] =	wrdreg s5  }
0x15: {  	s11 =	sshrl.u32 s22, $0x3;
	s22 =	simm.s32 $0x2800;
	[dreg:$0x8] =	wrdreg s17  }
0x16: {  	s5 =	sshrl.u32 s21, $0x3;
	s16 =	sadd.s32 s0, s11;
	s17 =	sadd.s32 s0, s24  }
0x17: {  	s11 =	sshrl.u32 s26, $0x3;
	s21 =	smax.u32 s13, $0x1;
	s24 =	simm.s32 $0x1400  }
0x18: {  	s26 =	simm.s32 $0x4800;
	s13 =	simm.s32 $0x0;
	s5 =	sadd.s32 s0, s5  }
0x19: {  	s19 =	sadd.s32 s0, s11;
	[dreg:$0x9] =	wrdreg s5;
	s5 =	sshrl.u32 s25, $0x3  }
0x1a: {  	s11 =	simm.s32 $0x2700;
	s18 =	sadd.s32 s0, s5;
	s0 =	sadd.s32 s0, s4  }
0x1b: {  	s25 =	simm.s32 $0x80;
	s4 =	simm.s32 $0x4;
	s0 =	sadd.s32 $0x12840, s0  }
0x1c: {  	s5 =	simm.s32 $0x1380;
	[dreg:$0xa] =	wrdreg s0;
	s0 =	simm.s32 $0x1480  }
.LBB2_1:
0x1d: {  	s14 =	rddreg [dreg:$0x4]  }
0x1e: {  	[tilespmem:s22], [sflag:$0x5] =	stream.linear.gather [hbm4b:s14+s3], $0x2000, $0x38;
	[tilespmem:$0x10600] =	vst v63  }
0x1f: {  	_ =	swait.ge [sflag:s23], $0x2000  }
0x20: {  	[sflag:s23] =	ssyncset.done $0x0  }
0x21: {  	[sflag:s23] =	ssyncadd.s32 $0xFFFFE000  }
0x22: {  	[spmem:s6] =	stream.linear.scatter [tilespmem:s22], [sflag:$0x5], $0x2000, $0x38;
	[tilespmem:$0x10600] =	vst v63  }
0x23: {  	_ =	swait.ge [sflag:s23], $0x2000  }
0x24: {  	[sflag:s23] =	ssyncset.done $0x0  }
0x25: {  	[sflag:s23] =	ssyncadd.s32 $0xFFFFE000  }
0x26: {  	[spmem:s7] =	stream.linear.scatter [tilespmem:s22], [sflag:$0x5], $0x2000, $0x38;
	[tilespmem:$0x10600] =	vst v63  }
0x27: {  	_ =	swait.ge [sflag:s23], $0x2000  }
0x28: {  	[sflag:s23] =	ssyncset.done $0x0  }
0x29: {  	[sflag:s23] =	ssyncadd.s32 $0xFFFFE000  }
0x2a: {  	[spmem:s8] =	stream.linear.scatter [tilespmem:s22], [sflag:$0x5], $0x2000, $0x38;
	[tilespmem:$0x10600] =	vst v63  }
0x2b: {  	_ =	swait.ge [sflag:s23], $0x2000  }
0x2c: {  	[sflag:s23] =	ssyncset.done $0x0  }
0x2d: {  	[sflag:s23] =	ssyncadd.s32 $0xFFFFE000  }
0x2e: {  	[spmem:s9] =	stream.linear.scatter [tilespmem:s22], [sflag:$0x5], $0x2000, $0x38;
	[tilespmem:$0x10600] =	vst v63  }
0x2f: {  	_ =	swait.ge [sflag:s23], $0x2000  }
0x30: {  	[sflag:s23] =	ssyncset.done $0x0  }
0x31: {  	[sflag:s23] =	ssyncadd.s32 $0xFFFFE000  }
0x32: {  	[spmem:s10] =	stream.linear.scatter [tilespmem:s22], [sflag:$0x5], $0x1E00, $0x38;
	[tilespmem:$0x10600] =	vst v63  }
0x33: {  	_ =	swait.ge [sflag:s23], $0x1E00  }
0x34: {  	[sflag:s23] =	ssyncset.done $0x0  }
0x35: {  	[sflag:s23] =	ssyncadd.s32 $0xFFFFE200  }
0x36: {  	[bflag:$0x0] =	sbarrier.arrive $0xFFFF  }
0x37: {  	s20 =	rddreg [dreg:$0x5]  }
0x38: {  	[tilespmem:s3], [sflag:$0x5] =	stream.linear.gather [hbm4b:s20+s3], $0x1400, $0x38;
	[tilespmem:$0x10600] =	vst v63  }
0x39: {  	_ =	swait.ge [sflag:s23], $0x1400  }
0x3a: {  	[sflag:s23] =	ssyncset.done $0x0  }
0x3b: {  	s15 =	rddreg [dreg:$0x6];
	[sflag:s23] =	ssyncadd.s32 $0xFFFFEC00  }
0x3c: {  	[tilespmem:s24], [sflag:$0x5] =	stream.linear.gather [hbm4b:s15+s3], $0x1400, $0x38;
	[tilespmem:$0x10600] =	vst v63  }
0x3d: {  	_ =	swait.ge [sflag:s23], $0x1400  }
0x3e: {  	[sflag:s23] =	ssyncset.done $0x0  }
0x3f: {  	[sflag:s23] =	ssyncadd.s32 $0xFFFFEC00  }
0x40: {  	[tilespmem:s22], [sflag:$0x1] =	stream.indirect.gather [hbm4b:s1+s25], $0x40, s3, s25, $0xb8;
	[tilespmem:$0x10600] =	vst v63  }
0x41: {  	_ = 	snop  }
0x42: {  	[tilespmem:s26], [sflag:$0x2] =	stream.indirect.gather [hbm4b:s1+s25], $0x40, s25, s25, $0xb8;
	[tilespmem:$0x10600] =	vst v63  }
0x43: {  	_ =	swait.ge [sflag:s28], $0x2000  }
0x44: {  	[sflag:s28] =	ssyncset.done $0x0  }
0x45: {  	[sflag:s28] =	ssyncadd.s32 $0xFFFFE000  }
0x46: {  	[spmem:s2] =	stream.indirect.scatter.add.f32 [tilespmem:s22], [sflag:$0x3], $0x40, s24, s25, $0xb8;
	[tilespmem:$0x10600] =	vst v63  }
0x47: {  	_ =	swait.ge [sflag:s29], $0x2000  }
0x48: {  	[sflag:s29] =	ssyncset.done $0x0  }
0x49: {  	[sflag:s29] =	ssyncadd.s32 $0xFFFFE000  }
0x4a: {  	[tilespmem:s22], [sflag:$0x1] =	stream.indirect.gather [hbm4b:s1+s25], $0x40, s30, s25, $0xb8;
	[tilespmem:$0x10600] =	vst v63  }
0x4b: {  	_ =	swait.ge [sflag:s31], $0x2000  }
0x4c: {  	[sflag:s31] =	ssyncset.done $0x0  }
0x4d: {  	[sflag:s31] =	ssyncadd.s32 $0xFFFFE000  }
0x4e: {  	[spmem:s2] =	stream.indirect.scatter.add.f32 [tilespmem:s26], [sflag:$0x4], $0x40, s0, s25, $0xb8;
	[tilespmem:$0x10600] =	vst v63  }
0x4f: {  	_ =	swait.ge [sflag:s4], $0x2000  }
0x50: {  	[sflag:s4] =	ssyncset.done $0x0  }
0x51: {  	s20 =	simm.s32 $0x180;
	[sflag:s4] =	ssyncadd.s32 $0xFFFFE000  }
0x52: {  	[tilespmem:s26], [sflag:$0x2] =	stream.indirect.gather [hbm4b:s1+s25], $0x40, s20, s25, $0xb8;
	[tilespmem:$0x10600] =	vst v63  }
0x53: {  	_ =	swait.ge [sflag:s28], $0x2000  }
0x54: {  	[sflag:s28] =	ssyncset.done $0x0  }
0x55: {  	s15 =	simm.s32 $0x1500;
	[sflag:s28] =	ssyncadd.s32 $0xFFFFE000  }
0x56: {  	[spmem:s2] =	stream.indirect.scatter.add.f32 [tilespmem:s22], [sflag:$0x3], $0x40, s15, s25, $0xb8;
	[tilespmem:$0x10600] =	vst v63  }
0x57: {  	_ =	swait.ge [sflag:s29], $0x2000  }
0x58: {  	[sflag:s29] =	ssyncset.done $0x0  }
0x59: {  	s20 =	simm.s32 $0x200;
	[sflag:s29] =	ssyncadd.s32 $0xFFFFE000  }
0x5a: {  	[tilespmem:s22], [sflag:$0x1] =	stream.indirect.gather [hbm4b:s1+s25], $0x40, s20, s25, $0xb8;
	[tilespmem:$0x10600] =	vst v63  }
0x5b: {  	_ =	swait.ge [sflag:s31], $0x2000  }
0x5c: {  	[sflag:s31] =	ssyncset.done $0x0  }
0x5d: {  	s14 =	simm.s32 $0xFFFFBC00;
	s15 =	simm.s32 $0x1580;
	[sflag:s31] =	ssyncadd.s32 $0xFFFFE000  }
.LBB2_2:
0x5e: {  	[spmem:s2] =	stream.indirect.scatter.add.f32 [tilespmem:s26], [sflag:$0x4], $0x40, s15, s25, $0xb8;
	[tilespmem:$0x10600] =	vst v63  }
0x5f: {  	s15 =	smov.u32 s14  }
0x60: {  	p1 =	sne.s32 s14, $0xFFFFFC00;
	s14 =	sadd.s32 $0x400, s14;
	_ =	swait.ge [sflag:s4], $0x2000  }
0x61: {  	s15 =	sshra.s32 s15, $0x2;
	[sflag:s4] =	ssyncset.done $0x0  }
0x62: {  	s20 =	sadd.s32 $0x1380, s15;
	[sflag:s4] =	ssyncadd.s32 $0xFFFFE000  }
0x63: {  	[tilespmem:s26], [sflag:$0x2] =	stream.indirect.gather [hbm4b:s1+s25], $0x40, s20, s25, $0xb8;
	[tilespmem:$0x10600] =	vst v63  }
0x64: {  	_ =	swait.ge [sflag:s28], $0x2000  }
0x65: {  	[sflag:s28] =	ssyncset.done $0x0  }
0x66: {  	s20 =	sadd.s32 $0x2700, s15;
	[sflag:s28] =	ssyncadd.s32 $0xFFFFE000  }
0x67: {  	[spmem:s2] =	stream.indirect.scatter.add.f32 [tilespmem:s22], [sflag:$0x3], $0x40, s20, s25, $0xb8;
	[tilespmem:$0x10600] =	vst v63  }
0x68: {  	_ =	swait.ge [sflag:s29], $0x2000  }
0x69: {  	[sflag:s29] =	ssyncset.done $0x0  }
.Ltmp0:
0x6a: {  	s20 =	sadd.s32 $0x1400, s15;
	[sflag:s29] =	ssyncadd.s32 $0xFFFFE000;
	(pc) =	sbr.rel @p1 .LBB2_2-.Ltmp0, $4  }
0x6b: {  	[tilespmem:s22], [sflag:$0x1] =	stream.indirect.gather [hbm4b:s1+s25], $0x40, s20, s25, $0xb8;
	[tilespmem:$0x10600] =	vst v63  }
0x6c: {  	_ =	swait.ge [sflag:s31], $0x2000  }
0x6d: {  	[sflag:s31] =	ssyncset.done $0x0  }
0x6e: {  	s15 =	sadd.s32 $0x2780, s15;
	[sflag:s31] =	ssyncadd.s32 $0xFFFFE000  }
0x6f: {  	[spmem:s2] =	stream.indirect.scatter.add.f32 [tilespmem:s26], [sflag:$0x4], $0x40, s15, s25, $0xb8;
	[tilespmem:$0x10600] =	vst v63  }
0x70: {  	_ =	swait.ge [sflag:s4], $0x2000  }
0x71: {  	[sflag:s4] =	ssyncset.done $0x0  }
0x72: {  	[sflag:s4] =	ssyncadd.s32 $0xFFFFE000  }
0x73: {  	[tilespmem:s26], [sflag:$0x2] =	stream.indirect.gather [hbm4b:s1+s25], $0x40, s5, s25, $0xb8;
	[tilespmem:$0x10600] =	vst v63  }
0x74: {  	_ =	swait.ge [sflag:s28], $0x2000  }
0x75: {  	[sflag:s28] =	ssyncset.done $0x0  }
0x76: {  	[sflag:s28] =	ssyncadd.s32 $0xFFFFE000  }
0x77: {  	[spmem:s2] =	stream.indirect.scatter.add.f32 [tilespmem:s22], [sflag:$0x3], $0x40, s11, s25, $0xb8;
	[tilespmem:$0x10600] =	vst v63  }
0x78: {  	_ =	swait.ge [sflag:s29], $0x2000  }
0x79: {  	[sflag:s29] =	ssyncset.done $0x0  }
0x7a: {  	[sflag:s29] =	ssyncadd.s32 $0xFFFFE000  }
0x7b: {  	_ =	swait.ge [sflag:s31], $0x2000  }
0x7c: {  	[sflag:s31] =	ssyncset.done $0x0  }
0x7d: {  	[sflag:s31] =	ssyncadd.s32 $0xFFFFE000  }
0x7e: {  	[spmem:s2] =	stream.indirect.scatter.add.f32 [tilespmem:s26], [sflag:$0x4], $0x40, s12, s25, $0xb8;
	[tilespmem:$0x10600] =	vst v63  }
0x7f: {  	_ =	swait.ge [sflag:s4], $0x2000  }
0x80: {  	[sflag:s4] =	ssyncset.done $0x0  }
0x81: {  	s14 =	rddreg [dreg:$0x7];
	[sflag:s4] =	ssyncadd.s32 $0xFFFFE000  }
0x82: {  	[tilespmem:s3], [sflag:$0x5] =	stream.linear.gather [hbm4b:s14+s3], $0x1400, $0x38;
	[tilespmem:$0x10600] =	vst v63  }
0x83: {  	_ =	swait.ge [sflag:s23], $0x1400  }
0x84: {  	[sflag:s23] =	ssyncset.done $0x0  }
0x85: {  	s15 =	rddreg [dreg:$0x8];
	[sflag:s23] =	ssyncadd.s32 $0xFFFFEC00  }
0x86: {  	[tilespmem:s24], [sflag:$0x5] =	stream.linear.gather [hbm4b:s15+s3], $0x1400, $0x38;
	[tilespmem:$0x10600] =	vst v63  }
0x87: {  	_ =	swait.ge [sflag:s23], $0x1400  }
0x88: {  	[sflag:s23] =	ssyncset.done $0x0  }
0x89: {  	[sflag:s23] =	ssyncadd.s32 $0xFFFFEC00  }
0x8a: {  	[tilespmem:s22], [sflag:$0x1] =	stream.indirect.gather [hbm4b:s1+s25], $0x40, s3, s25, $0xb8;
	[tilespmem:$0x10600] =	vst v63  }
0x8b: {  	_ = 	snop  }
0x8c: {  	[tilespmem:s26], [sflag:$0x2] =	stream.indirect.gather [hbm4b:s1+s25], $0x40, s25, s25, $0xb8;
	[tilespmem:$0x10600] =	vst v63  }
0x8d: {  	_ =	swait.ge [sflag:s28], $0x2000  }
0x8e: {  	[sflag:s28] =	ssyncset.done $0x0  }
0x8f: {  	[sflag:s28] =	ssyncadd.s32 $0xFFFFE000  }
0x90: {  	[spmem:s2] =	stream.indirect.scatter.add.f32 [tilespmem:s22], [sflag:$0x3], $0x40, s24, s25, $0xb8;
	[tilespmem:$0x10600] =	vst v63  }
0x91: {  	_ =	swait.ge [sflag:s29], $0x2000  }
0x92: {  	[sflag:s29] =	ssyncset.done $0x0  }
0x93: {  	[sflag:s29] =	ssyncadd.s32 $0xFFFFE000  }
0x94: {  	[tilespmem:s22], [sflag:$0x1] =	stream.indirect.gather [hbm4b:s1+s25], $0x40, s30, s25, $0xb8;
	[tilespmem:$0x10600] =	vst v63  }
0x95: {  	_ =	swait.ge [sflag:s31], $0x2000  }
0x96: {  	[sflag:s31] =	ssyncset.done $0x0  }
0x97: {  	[sflag:s31] =	ssyncadd.s32 $0xFFFFE000  }
0x98: {  	[spmem:s2] =	stream.indirect.scatter.add.f32 [tilespmem:s26], [sflag:$0x4], $0x40, s0, s25, $0xb8;
	[tilespmem:$0x10600] =	vst v63  }
0x99: {  	_ =	swait.ge [sflag:s4], $0x2000  }
0x9a: {  	[sflag:s4] =	ssyncset.done $0x0  }
0x9b: {  	s20 =	simm.s32 $0x180;
	[sflag:s4] =	ssyncadd.s32 $0xFFFFE000  }
0x9c: {  	[tilespmem:s26], [sflag:$0x2] =	stream.indirect.gather [hbm4b:s1+s25], $0x40, s20, s25, $0xb8;
	[tilespmem:$0x10600] =	vst v63  }
0x9d: {  	_ =	swait.ge [sflag:s28], $0x2000  }
0x9e: {  	[sflag:s28] =	ssyncset.done $0x0  }
0x9f: {  	s15 =	simm.s32 $0x1500;
	[sflag:s28] =	ssyncadd.s32 $0xFFFFE000  }
0xa0: {  	[spmem:s2] =	stream.indirect.scatter.add.f32 [tilespmem:s22], [sflag:$0x3], $0x40, s15, s25, $0xb8;
	[tilespmem:$0x10600] =	vst v63  }
0xa1: {  	_ =	swait.ge [sflag:s29], $0x2000  }
0xa2: {  	[sflag:s29] =	ssyncset.done $0x0  }
0xa3: {  	s20 =	simm.s32 $0x200;
	[sflag:s29] =	ssyncadd.s32 $0xFFFFE000  }
0xa4: {  	[tilespmem:s22], [sflag:$0x1] =	stream.indirect.gather [hbm4b:s1+s25], $0x40, s20, s25, $0xb8;
	[tilespmem:$0x10600] =	vst v63  }
0xa5: {  	_ =	swait.ge [sflag:s31], $0x2000  }
0xa6: {  	[sflag:s31] =	ssyncset.done $0x0  }
0xa7: {  	s14 =	simm.s32 $0xFFFFBC00;
	s15 =	simm.s32 $0x1580;
	[sflag:s31] =	ssyncadd.s32 $0xFFFFE000  }
.LBB2_4:
0xa8: {  	[spmem:s2] =	stream.indirect.scatter.add.f32 [tilespmem:s26], [sflag:$0x4], $0x40, s15, s25, $0xb8;
	[tilespmem:$0x10600] =	vst v63  }
0xa9: {  	s15 =	smov.u32 s14  }
0xaa: {  	p1 =	sne.s32 s14, $0xFFFFFC00;
	s14 =	sadd.s32 $0x400, s14;
	_ =	swait.ge [sflag:s4], $0x2000  }
0xab: {  	s15 =	sshra.s32 s15, $0x2;
	[sflag:s4] =	ssyncset.done $0x0  }
0xac: {  	s20 =	sadd.s32 $0x1380, s15;
	[sflag:s4] =	ssyncadd.s32 $0xFFFFE000  }
0xad: {  	[tilespmem:s26], [sflag:$0x2] =	stream.indirect.gather [hbm4b:s1+s25], $0x40, s20, s25, $0xb8;
	[tilespmem:$0x10600] =	vst v63  }
0xae: {  	_ =	swait.ge [sflag:s28], $0x2000  }
0xaf: {  	[sflag:s28] =	ssyncset.done $0x0  }
0xb0: {  	s20 =	sadd.s32 $0x2700, s15;
	[sflag:s28] =	ssyncadd.s32 $0xFFFFE000  }
0xb1: {  	[spmem:s2] =	stream.indirect.scatter.add.f32 [tilespmem:s22], [sflag:$0x3], $0x40, s20, s25, $0xb8;
	[tilespmem:$0x10600] =	vst v63  }
0xb2: {  	_ =	swait.ge [sflag:s29], $0x2000  }
0xb3: {  	[sflag:s29] =	ssyncset.done $0x0  }
.Ltmp1:
0xb4: {  	s20 =	sadd.s32 $0x1400, s15;
	[sflag:s29] =	ssyncadd.s32 $0xFFFFE000;
	(pc) =	sbr.rel @p1 .LBB2_4-.Ltmp1, $4  }
0xb5: {  	[tilespmem:s22], [sflag:$0x1] =	stream.indirect.gather [hbm4b:s1+s25], $0x40, s20, s25, $0xb8;
	[tilespmem:$0x10600] =	vst v63  }
0xb6: {  	_ =	swait.ge [sflag:s31], $0x2000  }
0xb7: {  	[sflag:s31] =	ssyncset.done $0x0  }
0xb8: {  	s15 =	sadd.s32 $0x2780, s15;
	[sflag:s31] =	ssyncadd.s32 $0xFFFFE000  }
0xb9: {  	[spmem:s2] =	stream.indirect.scatter.add.f32 [tilespmem:s26], [sflag:$0x4], $0x40, s15, s25, $0xb8;
	[tilespmem:$0x10600] =	vst v63  }
0xba: {  	_ =	swait.ge [sflag:s4], $0x2000  }
0xbb: {  	[sflag:s4] =	ssyncset.done $0x0  }
0xbc: {  	[sflag:s4] =	ssyncadd.s32 $0xFFFFE000  }
0xbd: {  	[tilespmem:s26], [sflag:$0x2] =	stream.indirect.gather [hbm4b:s1+s25], $0x40, s5, s25, $0xb8;
	[tilespmem:$0x10600] =	vst v63  }
0xbe: {  	_ =	swait.ge [sflag:s28], $0x2000  }
0xbf: {  	[sflag:s28] =	ssyncset.done $0x0  }
0xc0: {  	[sflag:s28] =	ssyncadd.s32 $0xFFFFE000  }
0xc1: {  	[spmem:s2] =	stream.indirect.scatter.add.f32 [tilespmem:s22], [sflag:$0x3], $0x40, s11, s25, $0xb8;
	[tilespmem:$0x10600] =	vst v63  }
0xc2: {  	_ =	swait.ge [sflag:s29], $0x2000  }
0xc3: {  	[sflag:s29] =	ssyncset.done $0x0  }
0xc4: {  	[sflag:s29] =	ssyncadd.s32 $0xFFFFE000  }
0xc5: {  	_ =	swait.ge [sflag:s31], $0x2000  }
0xc6: {  	[sflag:s31] =	ssyncset.done $0x0  }
0xc7: {  	[sflag:s31] =	ssyncadd.s32 $0xFFFFE000  }
0xc8: {  	[spmem:s2] =	stream.indirect.scatter.add.f32 [tilespmem:s26], [sflag:$0x4], $0x40, s12, s25, $0xb8;
	[tilespmem:$0x10600] =	vst v63  }
0xc9: {  	_ =	swait.ge [sflag:s4], $0x2000  }
0xca: {  	[sflag:s4] =	ssyncset.done $0x0  }
0xcb: {  	[sflag:s4] =	ssyncadd.s32 $0xFFFFE000  }
0xcc: {  	[bflag:$0x0] =	sbarrier.arrive $0xFFFF  }
0xcd: {  	[tilespmem:s22], [sflag:$0x5] =	stream.linear.gather [spmem:s6], $0x2000, $0x38;
	[tilespmem:$0x10600] =	vst v63  }
0xce: {  	_ =	swait.ge [sflag:s23], $0x2000  }
0xcf: {  	s14 =	simm.s32 @p0 $0x0;
	[sflag:s23] =	ssyncset.done $0x0  }
0xd0: {  	s15 =	simm.s32 @p0 $0x2800;
	s20 =	rddreg [dreg:$0xa];
	[sflag:s23] =	ssyncadd.s32 $0xFFFFE000  }
0xd1: {  	[hbm4b:s20+s14] =	stream.linear.scatter @p0 [tilespmem:s15], [sflag:$0x5], $0x2000, $0x38;
	[tilespmem:$0x10600] =	vst v63  }
0xd2: {  	s20 =	simm.s32 @p0 $0x5  }
0xd3: {  	_ =	swait.ge @p0 [sflag:s20], $0x2000  }
0xd4: {  	[sflag:s20] =	ssyncset.done @p0 $0x0  }
0xd5: {  	[sflag:s20] =	ssyncadd.s32 @p0 $0xFFFFE000  }
0xd6: {  	[tilespmem:s15], [sflag:$0x5] =	stream.linear.gather @p0 [spmem:s7], $0x2000, $0x38;
	[tilespmem:$0x10600] =	vst v63  }
0xd7: {  	_ =	swait.ge @p0 [sflag:s20], $0x2000  }
0xd8: {  	[sflag:s20] =	ssyncset.done @p0 $0x0  }
0xd9: {  	[sflag:s20] =	ssyncadd.s32 @p0 $0xFFFFE000  }
0xda: {  	[hbm4b:s16+s14] =	stream.linear.scatter @p0 [tilespmem:s15], [sflag:$0x5], $0x2000, $0x38;
	[tilespmem:$0x10600] =	vst v63  }
0xdb: {  	_ =	swait.ge @p0 [sflag:s20], $0x2000  }
0xdc: {  	[sflag:s20] =	ssyncset.done @p0 $0x0  }
0xdd: {  	[sflag:s20] =	ssyncadd.s32 @p0 $0xFFFFE000  }
0xde: {  	[tilespmem:s15], [sflag:$0x5] =	stream.linear.gather @p0 [spmem:s8], $0x2000, $0x38;
	[tilespmem:$0x10600] =	vst v63  }
0xdf: {  	_ =	swait.ge @p0 [sflag:s20], $0x2000  }
0xe0: {  	[sflag:s20] =	ssyncset.done @p0 $0x0  }
0xe1: {  	[sflag:s20] =	ssyncadd.s32 @p0 $0xFFFFE000  }
0xe2: {  	[hbm4b:s17+s14] =	stream.linear.scatter @p0 [tilespmem:s15], [sflag:$0x5], $0x2000, $0x38;
	[tilespmem:$0x10600] =	vst v63  }
0xe3: {  	_ =	swait.ge @p0 [sflag:s20], $0x2000  }
0xe4: {  	[sflag:s20] =	ssyncset.done @p0 $0x0  }
0xe5: {  	[sflag:s20] =	ssyncadd.s32 @p0 $0xFFFFE000  }
0xe6: {  	[tilespmem:s15], [sflag:$0x5] =	stream.linear.gather @p0 [spmem:s9], $0x2000, $0x38;
	[tilespmem:$0x10600] =	vst v63  }
0xe7: {  	_ =	swait.ge @p0 [sflag:s20], $0x2000  }
0xe8: {  	[sflag:s20] =	ssyncset.done @p0 $0x0  }
0xe9: {  	[sflag:s20] =	ssyncadd.s32 @p0 $0xFFFFE000  }
0xea: {  	[hbm4b:s18+s14] =	stream.linear.scatter @p0 [tilespmem:s15], [sflag:$0x5], $0x2000, $0x38;
	[tilespmem:$0x10600] =	vst v63  }
0xeb: {  	_ =	swait.ge @p0 [sflag:s20], $0x2000  }
0xec: {  	[sflag:s20] =	ssyncset.done @p0 $0x0  }
0xed: {  	[sflag:s20] =	ssyncadd.s32 @p0 $0xFFFFE000  }
0xee: {  	[tilespmem:s15], [sflag:$0x5] =	stream.linear.gather @p0 [spmem:s10], $0x200, $0x38;
	[tilespmem:$0x10600] =	vst v63  }
0xef: {  	_ =	swait.ge @p0 [sflag:s20], $0x200  }
0xf0: {  	[sflag:s20] =	ssyncset.done @p0 $0x0  }
0xf1: {  	[sflag:s20] =	ssyncadd.s32 @p0 $0xFFFFFE00  }
0xf2: {  	[hbm4b:s19+s14] =	stream.linear.scatter @p0 [tilespmem:s15], [sflag:$0x5], $0x200, $0x38;
	[tilespmem:$0x10600] =	vst v63  }
0xf3: {  	_ =	swait.ge @p0 [sflag:s20], $0x200  }
0xf4: {  	s14 =	simm.s32 @!p0 $0x0;
	[sflag:s20] =	ssyncset.done @p0 $0x0  }
0xf5: {  	s15 =	simm.s32 @!p0 $0x2800;
	[sflag:s20] =	ssyncadd.s32 @p0 $0xFFFFFE00;
	s20 =	rddreg [dreg:$0x9]  }
0xf6: {  	[hbm4b:s20+s14] =	stream.linear.scatter @!p0 [tilespmem:s15], [sflag:$0x5], $0x2000, $0x38;
	[tilespmem:$0x10600] =	vst v63  }
0xf7: {  	s20 =	simm.s32 @!p0 $0x5  }
0xf8: {  	_ =	swait.ge @!p0 [sflag:s20], $0x2000  }
0xf9: {  	[sflag:s20] =	ssyncset.done @!p0 $0x0  }
0xfa: {  	[sflag:s20] =	ssyncadd.s32 @!p0 $0xFFFFE000  }
0xfb: {  	[tilespmem:s15], [sflag:$0x5] =	stream.linear.gather @!p0 [spmem:s7], $0x2000, $0x38;
	[tilespmem:$0x10600] =	vst v63  }
0xfc: {  	_ =	swait.ge @!p0 [sflag:s20], $0x2000  }
0xfd: {  	[sflag:s20] =	ssyncset.done @!p0 $0x0  }
0xfe: {  	[sflag:s20] =	ssyncadd.s32 @!p0 $0xFFFFE000  }
0xff: {  	[hbm4b:s16+s14] =	stream.linear.scatter @!p0 [tilespmem:s15], [sflag:$0x5], $0x2000, $0x38;
	[tilespmem:$0x10600] =	vst v63  }
0x100: {  	_ =	swait.ge @!p0 [sflag:s20], $0x2000  }
0x101: {  	[sflag:s20] =	ssyncset.done @!p0 $0x0  }
0x102: {  	[sflag:s20] =	ssyncadd.s32 @!p0 $0xFFFFE000  }
0x103: {  	[tilespmem:s15], [sflag:$0x5] =	stream.linear.gather @!p0 [spmem:s8], $0x2000, $0x38;
	[tilespmem:$0x10600] =	vst v63  }
0x104: {  	_ =	swait.ge @!p0 [sflag:s20], $0x2000  }
0x105: {  	[sflag:s20] =	ssyncset.done @!p0 $0x0  }
0x106: {  	[sflag:s20] =	ssyncadd.s32 @!p0 $0xFFFFE000  }
0x107: {  	[hbm4b:s17+s14] =	stream.linear.scatter @!p0 [tilespmem:s15], [sflag:$0x5], $0x2000, $0x38;
	[tilespmem:$0x10600] =	vst v63  }
0x108: {  	_ =	swait.ge @!p0 [sflag:s20], $0x2000  }
0x109: {  	[sflag:s20] =	ssyncset.done @!p0 $0x0  }
0x10a: {  	[sflag:s20] =	ssyncadd.s32 @!p0 $0xFFFFE000  }
0x10b: {  	[tilespmem:s15], [sflag:$0x5] =	stream.linear.gather @!p0 [spmem:s9], $0x2000, $0x38;
	[tilespmem:$0x10600] =	vst v63  }
0x10c: {  	_ =	swait.ge @!p0 [sflag:s20], $0x2000  }
0x10d: {  	[sflag:s20] =	ssyncset.done @!p0 $0x0  }
0x10e: {  	[sflag:s20] =	ssyncadd.s32 @!p0 $0xFFFFE000  }
0x10f: {  	[hbm4b:s18+s14] =	stream.linear.scatter @!p0 [tilespmem:s15], [sflag:$0x5], $0x2000, $0x38;
	[tilespmem:$0x10600] =	vst v63  }
0x110: {  	_ =	swait.ge @!p0 [sflag:s20], $0x2000  }
0x111: {  	[sflag:s20] =	ssyncset.done @!p0 $0x0  }
0x112: {  	[sflag:s20] =	ssyncadd.s32 @!p0 $0xFFFFE000  }
0x113: {  	[tilespmem:s15], [sflag:$0x5] =	stream.linear.gather @!p0 [spmem:s10], $0x1E00, $0x38;
	[tilespmem:$0x10600] =	vst v63  }
0x114: {  	s13 =	sadd.s32 $0x1, s13;
	_ =	swait.ge @!p0 [sflag:s20], $0x1E00  }
0x115: {  	p1 =	sne.s32 s13, s21;
	[sflag:s20] =	ssyncset.done @!p0 $0x0  }
.Ltmp2:
0x116: {  	[sflag:s20] =	ssyncadd.s32 @!p0 $0xFFFFE200;
	(pc) =	sbr.rel @p1 .LBB2_1-.Ltmp2, $4  }
0x117: {  	[hbm4b:s19+s14] =	stream.linear.scatter @!p0 [tilespmem:s15], [sflag:$0x5], $0x1E00, $0x38;
	[tilespmem:$0x10600] =	vst v63  }
0x118: {  	_ =	swait.ge @!p0 [sflag:s20], $0x1E00  }
0x119: {  	[sflag:s20] =	ssyncset.done @!p0 $0x0  }
0x11a: {  	[sflag:s20] =	ssyncadd.s32 @!p0 $0xFFFFE200  }
0x11b: {  	_ =	sfence.sel $0x180000  }
0x11c: {  	[bflag:$0x0] =	sbarrier.arrive $0xFFFF  }
0x11d: {  	_ =	strace $0x9000004D  }
0x11e: {  	s0 =	stileid.u32;
	[bflag:$0x2] =	sbarrier.arrive $0xFFFF  }
0x11f: {  	p0 =	sne.s32 s0, $0x0;
	s0 =	rddreg [dreg:$0x3]  }
0x120: {  	s0 =	sadd.s32 @!p0 $0x100000, s0  }
0x121: {  	[sflag:s0] =	ssyncadd.tile.s32 @!p0 $0x1;
	_ =	shalt  }
.Lfunc_end2:
_tile_overlayer_lowered:
.L_overlay_start_2:
0x122: {  	(tag) =	ssettag $0x2  }
0x123: {  	s0 =	rddreg [dreg:$0x0];
	s2 =	stileid.u32  }
0x124: {  	s1 =	rddreg [dreg:$0x1];
	p0 =	sne.s32 s2, $0x0  }
0x125: {  	s3 =	rddreg [dreg:$0x2];
	[bflag:$0x3] =	sbarrier.arrive $0xFFFF;
	s2 =	simm.s32 @!p0 $0x1C05  }
0x126: {  	[timem:s3], [sflag:s2] =	dma.local @!p0 [hbm:s0], s1  }
0x127: {  	s0 =	simm.s32 @!p0 $0x5  }
0x128: {  	_ =	swait.ge @!p0 [sflag:s0], s1  }
0x129: {  	s1 =	ssub.s32 @!p0 $0x0, s1;
	[sflag:s0] =	ssyncset.done @!p0 $0x0  }
0x12a: {  	[sflag:s0] =	ssyncadd.s32 @!p0 s1  }
0x12b: {  	[bflag:$0x3] =	sbarrier.arrive $0xFFFF  }
0x12c: {  	_ =	shalt  }

// kernel: kernel.8.cloned.1.call-start
scs
__scs_entry_jumppad:
0x0: {  	(pc) =	sbr.rel $0x88, $3  }
0x1: {  	(tag) =	ssettag $0x0;
	lr =	simm.s32 $0x1  }
0x2: {  	[smem:$0x3F9B] =	sst lr;
	_ =	strace $0xD0000000  }
0x3: {  	_ = 	snop  }
0x4: {  	_ = 	snop  }
0x5: {  	_ = 	snop  }
0x6: {  	_ = 	snop  }
0x7: {  	_ = 	snop  }
__scs_overlays_trampoline_lowered:
0x8: {  	[smem:$0x3FAA] =	sst s0  }
0x9: {  	[smem:$0x3FAB] =	sst s1  }
0xa: {  	[smem:$0x3FAC] =	sst s2  }
0xb: {  	[smem:$0x3FAD] =	sst s3  }
0xc: {  	[smem:$0x3FAE] =	sst s4  }
0xd: {  	[smem:$0x3FAF] =	sst s5  }
0xe: {  	[smem:$0x3FB0] =	sst s6  }
0xf: {  	[smem:$0x3FB1] =	sst s7  }
0x10: {  	[smem:$0x3FB2] =	sst s8  }
0x11: {  	[smem:$0x3FB3] =	sst s9;
	s0 =	simm.s32 @!p0 $0x0  }
0x12: {  	s1 =	sld [smem:$0x3F99];
	s0 =	simm.s32 @p0 $0x1  }
0x13: {  	[smem:$0x3FB4] =	sst s0;
	s0 =	simm.s32 @!p1 $0x0  }
0x14: {  	s2 =	sld [smem:$0x3F98];
	s0 =	simm.s32 @p1 $0x1  }
0x15: {  	[smem:$0x3FB5] =	sst s0;
	s0 =	simm.s32 @!p2 $0x0  }
0x16: {  	s3 =	sld [smem:$0x3FDB];
	s0 =	simm.s32 @p2 $0x1  }
0x17: {  	s4 =	simm.s32 $0x1BF5;
	[smem:$0x3FB7] =	sst s0  }
0x18: {  	s0 =	sld [smem:$0x3F9A];
	_ =	swait.ge [sflag:s4], $0x0  }
0x19: {  	s7 =	sld [smem:$0x3F9B]  }
0x1a: {  	s8 =	sadd.s32 $0xFFFFE003, lr  }
0x1b: {  	s9 =	sadd.s32 $0xFFFFFEF7, lr;
	s5 =	simm.s32 $0xFFFFFFFF;
	p2 =	slt.u32 s8, $0xFFFFF086  }
0x1c: {  	p1 =	slt.u32 s9, $0xF7A;
	s5 =	simm.s32 @!p2 $0x0  }
0x1d: {  	s5 =	simm.s32 @p1 $0x1;
	p0 =	seq.s32 s7, s2  }
0x1e: {  	s7 =	smul.u32 @!p0 $0xF7A, s2;
	p2 =	seq.s32 @!p0 s5, $0x0  }
0x1f: {  	s9 =	smul.u32 $0xF7A, s1;
	s8 =	simm.s32 @!p0 $0x1BF5;
	p2 =	por !p2, p0  }
0x20: {  	[sflag:s8] =	ssyncset.s32 @!p0 $0xFFFFF086;
	s6 =	sadd.s32 @!p0 s3, s7;
	s7 =	simm.s32 @!p0 $0x108  }
0x21: {  	s3 =	sadd.s32 s3, s9;
	s6 =	sadd.s32 @!p0 $0x88, s6;
	s7 =	simm.s32 @p2 $0x1082  }
0x22: {  	[simem:s7], [sflag:s8] =	dma.local @!p0 [hbm:s6], $0xF7A  }
0x23: {  	s9 =	sor.u32 $0xD0000000, s2;
	s6 =	simm.s32 $0x108;
	_ =	swait.ge @!p0 [sflag:s8], $0x0  }
0x24: {  	s3 =	sadd.s32 $0x88, s3;
	s6 =	simm.s32 @!p1 $0x1082;
	[sflag:s4] =	ssyncset.s32 $0xFFFFF086  }
0x25: {  	[simem:s6], [sflag:s4] =	dma.local [hbm:s3], $0xF7A  }
0x26: {  	[smem:$0x3F9B] =	sst s1;
	(tag) =	ssettag s2;
	_ =	strace s9  }
0x27: {  	s1 =	sld [smem:$0x3FAB]  }
0x28: {  	s2 =	sld [smem:$0x3FAC]  }
0x29: {  	s4 =	sld [smem:$0x3FAE]  }
0x2a: {  	p0 =	seq.s32 s5, $0x0;
	s5 =	sld [smem:$0x3FAF]  }
0x2b: {  	s6 =	sld [smem:$0x3FB0]  }
0x2c: {  	s7 =	sld [smem:$0x3FB1]  }
0x2d: {  	s3 =	simm.s32 $0x108;
	s8 =	sld [smem:$0x3FB2]  }
0x2e: {  	s3 =	simm.s32 @!p0 $0x1082;
	s9 =	sld [smem:$0x3FB3]  }
0x2f: {  	lr =	sadd.s32 s0, s3;
	s0 =	sld [smem:$0x3FAA]  }
0x30: {  	s3 =	sld [smem:$0x3FAD]  }
0x31: {  	[smem:$0x3FB6] =	sst s10  }
0x32: {  	s10 =	sld [smem:$0x3FB4];
	_ =	sdelay $0x3  }
0x33: {  	p0 =	seq.s32 s10, $0x1;
	s10 =	sld [smem:$0x3FB6];
	_ =	sdelay $0x3  }
0x34: {  	[smem:$0x3FB6] =	sst s10  }
0x35: {  	s10 =	sld [smem:$0x3FB5];
	_ =	sdelay $0x3  }
0x36: {  	p1 =	seq.s32 s10, $0x1;
	s10 =	sld [smem:$0x3FB6];
	_ =	sdelay $0x3  }
0x37: {  	[smem:$0x3FB6] =	sst s10  }
0x38: {  	s10 =	sld [smem:$0x3FB7]  }
0x39: {  	_ = 	snop;
	(pc) =	sbr.ind lr, $3  }
0x3a: {  	_ = 	snop  }
0x3b: {  	_ = 	snop  }
0x3c: {  	p2 =	seq.s32 s10, $0x1;
	s10 =	sld [smem:$0x3FB6]  }
0x3d: {  	_ =	shalt  }
0x3e: {  	_ =	shalt  }
0x3f: {  	_ =	shalt  }
0x40: {  	_ =	shalt  }
0x41: {  	_ =	shalt  }
0x42: {  	_ =	shalt  }
0x43: {  	_ =	shalt  }
0x44: {  	_ =	shalt  }
0x45: {  	_ =	shalt  }
0x46: {  	_ =	shalt  }
0x47: {  	_ =	shalt  }
0x48: {  	_ =	shalt  }
0x49: {  	_ =	shalt  }
0x4a: {  	_ =	shalt  }
0x4b: {  	_ =	shalt  }
0x4c: {  	_ =	shalt  }
0x4d: {  	_ =	shalt  }
0x4e: {  	_ =	shalt  }
0x4f: {  	_ =	shalt  }
0x50: {  	_ =	shalt  }
0x51: {  	_ =	shalt  }
0x52: {  	_ =	shalt  }
0x53: {  	_ =	shalt  }
0x54: {  	_ =	shalt  }
0x55: {  	_ =	shalt  }
0x56: {  	_ =	shalt  }
0x57: {  	_ =	shalt  }
0x58: {  	_ =	shalt  }
0x59: {  	_ =	shalt  }
0x5a: {  	_ =	shalt  }
0x5b: {  	_ =	shalt  }
0x5c: {  	_ =	shalt  }
0x5d: {  	_ =	shalt  }
0x5e: {  	_ =	shalt  }
0x5f: {  	_ =	shalt  }
0x60: {  	_ =	shalt  }
0x61: {  	_ =	shalt  }
0x62: {  	_ =	shalt  }
0x63: {  	_ =	shalt  }
0x64: {  	_ =	shalt  }
0x65: {  	_ =	shalt  }
0x66: {  	_ =	shalt  }
0x67: {  	_ =	shalt  }
0x68: {  	_ =	shalt  }
0x69: {  	_ =	shalt  }
0x6a: {  	_ =	shalt  }
0x6b: {  	_ =	shalt  }
0x6c: {  	_ =	shalt  }
0x6d: {  	_ =	shalt  }
0x6e: {  	_ =	shalt  }
0x6f: {  	_ =	shalt  }
0x70: {  	_ =	shalt  }
0x71: {  	_ =	shalt  }
0x72: {  	_ =	shalt  }
0x73: {  	_ =	shalt  }
0x74: {  	_ =	shalt  }
0x75: {  	_ =	shalt  }
0x76: {  	_ =	shalt  }
0x77: {  	_ =	shalt  }
0x78: {  	_ =	shalt  }
0x79: {  	_ =	shalt  }
0x7a: {  	_ =	shalt  }
0x7b: {  	_ =	shalt  }
0x7c: {  	_ =	shalt  }
0x7d: {  	_ =	shalt  }
0x7e: {  	_ =	shalt  }
0x7f: {  	_ =	shalt  }
0x80: {  	_ =	shalt  }
0x81: {  	_ =	shalt  }
0x82: {  	_ =	shalt  }
0x83: {  	_ =	shalt  }
0x84: {  	_ =	shalt  }
0x85: {  	_ =	shalt  }
0x86: {  	_ =	shalt  }
0x87: {  	_ =	shalt  }
.Lfunc_end0:
.L_simem_size_0:
called_computation_lowered:
.L_overlay_start_0:
0x88: {  	s2 =	sld [smem:$0x3FD9]  }
0x89: {  	s3 =	sld [smem:$0x3FFE];
	_ =	sdelay $0x1  }
0x8a: {  	s1 =	srdreg.scid  }
0x8b: {  	s0 =	sand.u32 $0x1, s1  }
0x8c: {  	s17 =	sshll.u32 s0, $0xA;
	s2 =	sadd.s32 s3, s2  }
0x8d: {  	s2 =	sadd.s32 s2, s17  }
0x8e: {  	[smem:$0x3FC2] =	sst s2  }
0x8f: {  	_ = 	snop  }
0x90: {  	s2 =	sld [smem:$0x3FD0];
	(tm) =	ssettm $0x1  }
0x91: {  	s18 =	sld [smem:$0x3FFB];
	_ =	sdelay $0x3  }
0x92: {  	_ =	strace s18  }
0x93: {  	s3 =	sld [smem:$0x3FFC];
	_ =	sdelay $0x3  }
0x94: {  	_ =	strace s3  }
0x95: {  	s3 =	sld [smem:$0x3FFD];
	_ =	sdelay $0x3  }
0x96: {  	_ =	strace s3  }
0x97: {  	_ =	strace $0x8FFFFFFF  }
0x98: {  	s19 =	sld [smem:$0x3FDB];
	_ =	sdelay $0x1  }
0x99: {  	s4 =	simm.s32 $_scs_section_size  }
0x9a: {  	s5 =	simm.s32 $_size__tile_overlayer_lowered;
	s6 =	simm.s32 $_tile_overlayer_lowered  }
0x9b: {  	s22 =	simm.s32 $0x1BFF;
	s21 =	sshll.u32 s6, $0x1;
	s3 =	sadd.s32 s4, s19  }
0x9c: {  	s7 =	simm.s32 $0x0;
	s20 =	sshll.u32 s5, $0x1;
	s5 =	sadd.s32 s21, s3  }
0x9d: {  	[timem:s7], [sflag:s22] =	dma.local [hbm:s5], s20  }
0x9e: {  	_ =	swait.ge [sflag:s22], s20  }
0x9f: {  	s4 =	ssub.s32 $0x0, s20;
	[sflag:s22] =	ssyncset.done $0x0  }
0xa0: {  	[sflag:s22] =	ssyncadd.s32 s4;
	_ =	sdelay $0x1  }
0xa1: {  	s23 =	simm.s32 $0x1B8B  }
0xa2: {  	_ =	swait.ge [sflag:s23], $0x1  }
0xa3: {  	[sflag:s23] =	ssyncset.done $0x0  }
0xa4: {  	s25 =	simm.s32 $0x1B8E;
	s24 =	sld [smem:$0x3FFE];
	[sflag:s23] =	ssyncadd.s32 $0xFFFFFFFF  }
0xa5: {  	s26 =	simm.s32 $execute0_lowered;
	[smem:$0x3FD2] =	sst s25  }
0xa6: {  	s5 =	sshll.u32 s26, $0x1;
	_ =	strace $0x80000046;
	[dreg:$0x1] =	wrdreg $0xFFFFFFFF  }
0xa7: {  	s28 =	simm.s32 $_size_execute0_lowered;
	s3 =	sadd.s32 s3, s5;
	[dreg:$0x0] =	wrdreg $0x0  }
0xa8: {  	s5 =	sshll.u32 s28, $0x1;
	[dreg:$0x2] =	wrdreg s3  }
0xa9: {  	[dreg:$0x3] =	wrdreg s5  }
0xaa: {  	[dreg:$0x4] =	wrdreg $0xC0  }
0xab: {  	_ =	task [dreg:s7], $0x5FFFF  }
0xac: {  	[dreg:$0x1] =	wrdreg $0xFFFFFFFF  }
0xad: {  	[dreg:$0x0] =	wrdreg $0x60  }
0xae: {  	[dreg:$0x2] =	wrdreg s2  }
0xaf: {  	[dreg:$0x3] =	wrdreg s24  }
0xb0: {  	[dreg:$0x4] =	wrdreg $0xA2800  }
0xb1: {  	[dreg:$0x5] =	wrdreg $0x9  }
0xb2: {  	_ =	task.clear_ibuf [dreg:s7], $0x6FFFF;
	_ =	strace $0x90000046  }
0xb3: {  	s29 =	simm.s32 $0x9;
	_ =	strace $0x80000048  }
0xb4: {  	_ =	swait.ge [sflag:s29], $0x1  }
0xb5: {  	[sflag:s29] =	ssyncadd.s32 $0xFFFFFFFF  }
0xb6: {  	_ =	strace $0x90000048  }
0xb7: {  	_ =	sfence  }
0xb8: {  	s30 =	sld [smem:$0x0];
	_ =	sdelay $0x2  }
0xb9: {  	s31 =	sshll.u32 s1, $0xD;
	s1 =	sshrl.u32 s1, $0x2  }
0xba: {  	s3 =	sand.u32 $0x4000, s31;
	s1 =	sadd.s32 s1, s30  }
0xbb: {  	s0 =	sor.u32 s3, s0;
	s1 =	sshll.u32 s1, $0x11  }
0xbc: {  	s0 =	sor.u32 s1, s0  }
0xbd: {  	s0 =	sadd.s32 $0x8F2B, s0  }
0xbe: {  	[sflag:s0] =	ssyncadd.remote.s32 $0x1  }
0xbf: {  	_ =	sfence.sel $0xFFFF  }
0xc0: {  	[dreg:$0x0] =	wrdreg $0xFFFFFFFF;
	(pc) =	sbr.abs _section_cstart, $3  }
0xc1: {  	[dreg:$0x1] =	wrdreg $0xFFFFFFFF  }
0xc2: {  	_ =	task.clear_ibuf [dreg:s7], $0x2FFFF;
	_ =	strace $0x9FFFFFFF  }
0xc3: {  	(tm) =	ssettm $0x7FFFFFFF  }
tec
execute0_lowered:
.L_overlay_start_1:
0x0: {  	(tag) =	ssettag $0x1  }
0x1: {  	s10 =	rddreg [dreg:$0x0]  }
0x2: {  	s5 =	rddreg [dreg:$0x1]  }
0x3: {  	s2 =	rddreg [dreg:$0x2]  }
0x4: {  	s0 =	rddreg [dreg:$0x3];
	s3 =	simm.s32 $0x0;
	s1 =	stileid.u32  }
0x5: {  	s4 =	srdreg.scid;
	[smem:$0x7FF] =	sst s3  }
0x6: {  	s11 =	smul.u32 $0xA00, s1;
	s6 =	sand.u32 $0x1, s4;
	s8 =	sadd.s32 $0x16000, s5  }
0x7: {  	s9 =	smul.u32 $0x278, s1;
	s4 =	sadd.s32 $0x20000, s5;
	s15 =	sadd.s32 $0x20200, s5  }
0x8: {  	_ =	strace $0x80000047;
	s7 =	ssub.s32 $0x2, s6;
	s14 =	smul.u32 $0x2710, s6  }
0x9: {  	p0 =	seq.s32 s6, $0x1;
	s12 =	sadd.s32 s11, s5;
	s13 =	sshrl.u32 s7, $0x1  }
0xa: {  	s5 =	sadd.s32 s9, s2;
	s10 =	smov.u32 @p0 s8;
	p0 =	seq.s32 s1, $0xF  }
0xb: {  	s13 =	ssub.s32 s7, s13;
	s30 =	sadd.s32 s9, s14;
	s6 =	sadd.s32 $0x2000, s12  }
0xc: {  	s31 =	sadd.s32 $0x2508, s14;
	s10 =	sadd.s32 s10, s11;
	s11 =	simm.s32 $0xA000  }
0xd: {  	s12 =	simm.s32 $0x1;
	s7 =	sshrl.u32 s30, $0x3;
	s9 =	sshrl.u32 s31, $0x3  }
0xe: {  	s14 =	simm.s32 $0x80;
	s7 =	sadd.s32 s15, s7;
	s8 =	sadd.s32 s15, s9  }
0xf: {  	s9 =	smax.u32 s13, $0x1;
	s13 =	simm.s32 $0x5000;
	s15 =	simm.s32 $0x0  }
.LBB2_1:
0x10: {  	[tilespmem:s11], [sflag:$0x1] =	stream.linear.gather [hbm4b:s4+s3], $0x280, $0x38;
	[tilespmem:$0xA4F8] =	vst v63  }
0x11: {  	_ =	swait.ge [sflag:s12], $0x280  }
0x12: {  	[sflag:s12] =	ssyncset.done $0x0  }
0x13: {  	[sflag:s12] =	ssyncadd.s32 $0xFFFFFD80  }
0x14: {  	[spmem:s5] =	stream.linear.scatter [tilespmem:s11], [sflag:$0x1], $0x278, $0x38;
	[tilespmem:$0xA4F8] =	vst v63  }
0x15: {  	_ =	swait.ge [sflag:s12], $0x278  }
0x16: {  	[sflag:s12] =	ssyncset.done $0x0  }
0x17: {  	[sflag:s12] =	ssyncadd.s32 $0xFFFFFD88  }
0x18: {  	[tilespmem:s3], [sflag:$0x1] =	stream.linear.gather [hbm4b:s10+s3], $0x5000, $0x38;
	[tilespmem:$0xA4F8] =	vst v63  }
0x19: {  	_ =	swait.ge [sflag:s12], $0x5000  }
0x1a: {  	[sflag:s12] =	ssyncset.done $0x0  }
0x1b: {  	[sflag:s12] =	ssyncadd.s32 $0xFFFFB000  }
0x1c: {  	[tilespmem:s13], [sflag:$0x1] =	stream.linear.gather [hbm4b:s6+s3], $0x5000, $0x38;
	[tilespmem:$0xA4F8] =	vst v63  }
0x1d: {  	_ =	swait.ge [sflag:s12], $0x5000  }
0x1e: {  	[sflag:s12] =	ssyncset.done $0x0  }
0x1f: {  	[sflag:s12] =	ssyncadd.s32 $0xFFFFB000  }
0x20: {  	s16 =	simm.s32 $0x0;
	s17 =	simm.s32 $0x5000;
	[bflag:$0x0] =	sbarrier.arrive $0xFFFF  }
0x21: {  	[spmem:s2] =	stream.indirect.scatter.add.f32 [tilespmem:s17], [sflag:$0x1], $0x1, s16, s14, $0xb8;
	[tilespmem:$0xA4F8] =	vst v63  }
0x22: {  	s16 =	simm.s32 $0x200;
	_ =	swait.ge [sflag:s12], $0x80  }
.LBB2_2:
0x23: {  	s17 =	sshra.s32 s16, $0x2;
	[sflag:s12] =	ssyncset.done $0x0;
	p1 =	sne.s32 s16, $0x13E00  }
.Ltmp0:
0x24: {  	s18 =	sadd.s32 $0x5000, s17;
	[sflag:s12] =	ssyncadd.s32 $0xFFFFFF80;
	(pc) =	sbr.rel @p1 .LBB2_2-.Ltmp0, $3  }
0x25: {  	[spmem:s2] =	stream.indirect.scatter.add.f32 [tilespmem:s18], [sflag:$0x1], $0x1, s17, s14, $0xb8;
	[tilespmem:$0xA4F8] =	vst v63  }
0x26: {  	s16 =	sadd.s32 $0x200, s16;
	_ =	sdelay $0x1  }
0x27: {  	_ =	swait.ge [sflag:s12], $0x80  }
0x28: {  	[sflag:s12] =	ssyncset.done $0x0  }
0x29: {  	[sflag:s12] =	ssyncadd.s32 $0xFFFFFF80  }
0x2a: {  	s16 =	simm.s32 @p0 $0xA000;
	s17 =	simm.s32 @p0 $0x1;
	[bflag:$0x0] =	sbarrier.arrive $0xFFFF  }
0x2b: {  	[tilespmem:s16], [sflag:$0x1] =	stream.linear.gather @p0 [spmem:s5], $0x208, $0x38;
	[tilespmem:$0xA4F8] =	vst v63  }
0x2c: {  	_ =	swait.ge @p0 [sflag:s17], $0x208  }
0x2d: {  	[sflag:s17] =	ssyncset.done @p0 $0x0  }
0x2e: {  	s18 =	simm.s32 @p0 $0x0;
	[sflag:s17] =	ssyncadd.s32 @p0 $0xFFFFFDF8  }
0x2f: {  	[hbm4b:s8+s18] =	stream.linear.scatter @p0 [tilespmem:s16], [sflag:$0x1], $0x208, $0x38;
	[tilespmem:$0xA4F8] =	vst v63  }
0x30: {  	_ =	swait.ge @p0 [sflag:s17], $0x208  }
0x31: {  	[sflag:s17] =	ssyncset.done @p0 $0x0  }
0x32: {  	s16 =	simm.s32 @!p0 $0xA000;
	[sflag:s17] =	ssyncadd.s32 @p0 $0xFFFFFDF8;
	s17 =	simm.s32 @!p0 $0x1  }
0x33: {  	[tilespmem:s16], [sflag:$0x1] =	stream.linear.gather @!p0 [spmem:s5], $0x278, $0x38;
	[tilespmem:$0xA4F8] =	vst v63  }
0x34: {  	s15 =	sadd.s32 $0x1, s15;
	_ =	swait.ge @!p0 [sflag:s17], $0x278  }
0x35: {  	p1 =	sne.s32 s15, s9;
	[sflag:s17] =	ssyncset.done @!p0 $0x0  }
.Ltmp1:
0x36: {  	s18 =	simm.s32 @!p0 $0x0;
	[sflag:s17] =	ssyncadd.s32 @!p0 $0xFFFFFD88;
	(pc) =	sbr.rel @p1 .LBB2_1-.Ltmp1, $4  }
0x37: {  	[hbm4b:s7+s18] =	stream.linear.scatter @!p0 [tilespmem:s16], [sflag:$0x1], $0x278, $0x38;
	[tilespmem:$0xA4F8] =	vst v63  }
0x38: {  	_ =	swait.ge @!p0 [sflag:s17], $0x278  }
0x39: {  	[sflag:s17] =	ssyncset.done @!p0 $0x0  }
0x3a: {  	[sflag:s17] =	ssyncadd.s32 @!p0 $0xFFFFFD88  }
0x3b: {  	_ =	sfence.sel $0x180000  }
0x3c: {  	[bflag:$0x0] =	sbarrier.arrive $0xFFFF  }
0x3d: {  	p0 =	sne.s32 s1, $0x0;
	_ =	strace $0x90000047  }
0x3e: {  	s0 =	sadd.s32 @!p0 $0x100000, s0;
	[bflag:$0x2] =	sbarrier.arrive $0xFFFF  }
0x3f: {  	[sflag:s0] =	ssyncadd.tile.s32 @!p0 $0x1;
	_ =	shalt  }
.Lfunc_end2:
_tile_overlayer_lowered:
.L_overlay_start_2:
0x40: {  	(tag) =	ssettag $0x2  }
0x41: {  	s0 =	rddreg [dreg:$0x0];
	s2 =	stileid.u32  }
0x42: {  	s1 =	rddreg [dreg:$0x1];
	p0 =	sne.s32 s2, $0x0  }
0x43: {  	s3 =	rddreg [dreg:$0x2];
	[bflag:$0x3] =	sbarrier.arrive $0xFFFF;
	s2 =	simm.s32 @!p0 $0x1C01  }
0x44: {  	[timem:s3], [sflag:s2] =	dma.local @!p0 [hbm:s0], s1  }
0x45: {  	s0 =	simm.s32 @!p0 $0x1  }
0x46: {  	_ =	swait.ge @!p0 [sflag:s0], s1  }
0x47: {  	s1 =	ssub.s32 @!p0 $0x0, s1;
	[sflag:s0] =	ssyncset.done @!p0 $0x0  }
0x48: {  	[sflag:s0] =	ssyncadd.s32 @!p0 s1  }
0x49: {  	[bflag:$0x3] =	sbarrier.arrive $0xFFFF  }
0x4a: {  	_ =	shalt  }

</sc_bundles>
